<compile_context>
chip_gen: v7x
topology: tpu7x:2x2x1
jax: 0.10.2.dev20260603
libtpu: 0.0.44.dev20260713+nightly
codegen_flags: <defaults>
</compile_context>

<pallas_src>
import jax
import jax.numpy as jnp
from jax import lax
from jax.experimental import pallas as pl
from jax.experimental.pallas import tpu as pltpu
from jax.experimental.pallas import tpu_sc as plsc

_N = 10000
_E = 160000
_D = 128
_R = 8
_NB = 4

_NP = 10240
_NBLK = 40
_BN = 256
_NC = 2
_NS = 16
_EPW = 5120
_CK = 80
_ECH = _EPW // _CK
_ECH_A = 104
_ECH_B = 24
_NW = _NC * _NS
_EP = _NW * _EPW
_PSB = _NP // _NS


def _a1_body(x_ref, wc_ref, xp_ref):
    xp_ref[...] = jnp.dot(x_ref[...], wc_ref[...],
                          preferred_element_type=jnp.float32)[None]


def _run_a1(xpad, wc):
    return pl.pallas_call(
        _a1_body,
        grid=(_R,),
        in_specs=[
            pl.BlockSpec((_NP, _D), lambda r: (0, 0)),
            pl.BlockSpec((_D, _D), lambda r: (0, r)),
        ],
        out_specs=pl.BlockSpec((1, _NP, _D), lambda r: (r, 0, 0)),
        out_shape=jax.ShapeDtypeStruct((_R, _NP, _D), jnp.float32),
    )(xpad, wc)


def _a2_body(x_ref, ws_ref, aa_ref, xr_ref, s_ref, a_ref, ma_ref, ms_ref):
    i = pl.program_id(0)
    res = jnp.dot(x_ref[...], ws_ref[...], preferred_element_type=jnp.float32)
    xr = res[:, :_D]
    s = res[:, _D:_D + _R]
    a = jnp.dot(xr, aa_ref[...], preferred_element_type=jnp.float32)
    xr_ref[...] = xr
    s_ref[...] = s
    a_ref[...] = a
    bma = jnp.max(a)
    bms = jnp.max(s)

    @pl.when(i == 0)
    def _():
        ma_ref[0, 0] = bma
        ms_ref[0, 0] = bms

    @pl.when(i > 0)
    def _():
        ma_ref[0, 0] = jnp.maximum(ma_ref[0, 0], bma)
        ms_ref[0, 0] = jnp.maximum(ms_ref[0, 0], bms)


def _run_a2(xpad, ws, aa):
    return pl.pallas_call(
        _a2_body,
        grid=(_NBLK,),
        in_specs=[
            pl.BlockSpec((_BN, _D), lambda i: (i, 0)),
            pl.BlockSpec((_D, 2 * _D), lambda i: (0, 0)),
            pl.BlockSpec((_D, 1), lambda i: (0, 0)),
        ],
        out_specs=[
            pl.BlockSpec((_BN, _D), lambda i: (i, 0)),
            pl.BlockSpec((_BN, _R), lambda i: (i, 0)),
            pl.BlockSpec((_BN, 1), lambda i: (i, 0)),
            pl.BlockSpec(memory_space=pltpu.SMEM),
            pl.BlockSpec(memory_space=pltpu.SMEM),
        ],
        out_shape=[
            jax.ShapeDtypeStruct((_NP, _D), jnp.float32),
            jax.ShapeDtypeStruct((_NP, _R), jnp.float32),
            jax.ShapeDtypeStruct((_NP, 1), jnp.float32),
            jax.ShapeDtypeStruct((1, 1), jnp.float32),
            jax.ShapeDtypeStruct((1, 1), jnp.float32),
        ],
    )(xpad, ws, aa)


def _sc_body(xp_hbm, ai_hbm, s_hbm, cidx_hbm, c_hbm,
             aggr_out, den_out,
             ci0, ci1, a_row0, a_row1, s_row0, s_row1, e_row0, e_row1,
             rows_v0, rows_v1, c_v, den_v, aggr_sp,
             sem_a0, sem_a1, sem_s0, sem_s1, sem_r0, sem_r1,
             sem_w0, sem_w1):
    cid = lax.axis_index("c")
    sid = lax.axis_index("s")
    wid = sid * _NC + cid
    ech = jnp.where(cid == 0, _ECH_A, _ECH_B)
    cbase = jnp.where(cid == 0, 0, _ECH_A * _NS) + sid * ech

    cis = (ci0, ci1)
    a_rows = (a_row0, a_row1)
    s_rows = (s_row0, s_row1)
    e_rows = (e_row0, e_row1)
    rows_vs = (rows_v0, rows_v1)
    sems_a = (sem_a0, sem_a1)
    sems_s = (sem_s0, sem_s1)
    sems_r = (sem_r0, sem_r1)
    sems_w = (sem_w0, sem_w1)

    def zrow(i, c0):
        for f in range(8):
            rows_v0[i, pl.ds(f * 16, 16)] = jnp.zeros((16,), jnp.float32)
        return c0

    lax.fori_loop(0, _CK, zrow, 0)

    def zcopy(i, c0):
        pltpu.sync_copy(rows_v0,
                        aggr_sp.at[pl.ds(sid * _PSB + i * _CK, _CK)])
        return c0

    lax.fori_loop(0, _PSB // _CK, zcopy, 0)

    def zden(i, c0):
        den_v[pl.ds(i * 16, 16)] = jnp.zeros((16,), jnp.float32)
        return c0

    lax.fori_loop(0, _NP // 16, zden, 0)

    pltpu.sync_copy(c_hbm, c_v)
    cvec = c_v[...]

    plsc.subcore_barrier()

    def issue(ch, b):
        pltpu.async_copy(ai_hbm.at[cis[b].at[0]], a_rows[b], sems_a[b])
        pltpu.async_copy(s_hbm.at[cis[b].at[1]], s_rows[b], sems_s[b])
        pltpu.async_copy(xp_hbm.at[cis[b].at[2]], rows_vs[b], sems_r[b])

    pltpu.sync_copy(cidx_hbm.at[cbase], ci0)
    issue(0, 0)

    def halfstep(half, carry):
        for b in (0, 1):
            ch = half * 2 + b
            nb = 1 - b

            @pl.when(ch + 1 < ech)
            def _():
                pltpu.sync_copy(cidx_hbm.at[cbase + ch + 1], cis[nb])

                @pl.when(ch >= 1)
                def _():
                    pltpu.make_async_copy(
                        rows_vs[nb], aggr_sp.at[cis[nb].at[0]],
                        sems_w[nb]).wait()

                issue(ch + 1, nb)

            pltpu.make_async_copy(
                ai_hbm.at[cis[b].at[0]], a_rows[b], sems_a[b]).wait()
            pltpu.make_async_copy(
                s_hbm.at[cis[b].at[1]], s_rows[b], sems_s[b]).wait()
            for k in range(_CK // 16):
                a16 = a_rows[b][pl.ds(k * 16, 16)]
                s16 = s_rows[b][pl.ds(k * 16, 16)]
                d16 = cis[b][0, pl.ds(k * 16, 16)]
                z = a16 + s16
                alpha = jnp.where(z >= 0.0, z, 0.2 * z) - cvec
                e16 = jnp.exp(alpha)
                e_rows[b][pl.ds(k * 16, 16)] = e16
                plsc.addupdate_scatter(den_v, [d16], e16)
            pltpu.make_async_copy(
                xp_hbm.at[cis[b].at[2]], rows_vs[b], sems_r[b]).wait()

            def scale_row(j, c2):
                b16 = plsc.load_gather(
                    e_rows[b], [jnp.full((16,), j, jnp.int32)])
                for f in range(8):
                    rows_vs[b][j, pl.ds(f * 16, 16)] = (
                        rows_vs[b][j, pl.ds(f * 16, 16)] * b16)
                return c2

            lax.fori_loop(0, _CK, scale_row, 0)

            pltpu.async_copy(rows_vs[b], aggr_sp.at[cis[b].at[0]],
                             sems_w[b], add=True)
        return carry

    lax.fori_loop(0, (ech + 1) // 2, halfstep, 0)

    pltpu.make_async_copy(rows_vs[0], aggr_sp.at[cis[0].at[0]],
                          sems_w[0]).wait()
    pltpu.make_async_copy(rows_vs[1], aggr_sp.at[cis[1].at[0]],
                          sems_w[1]).wait()

    plsc.subcore_barrier()

    pltpu.sync_copy(aggr_sp.at[pl.ds(sid * _PSB, _PSB)],
                    aggr_out.at[cid, pl.ds(sid * _PSB, _PSB)])
    pltpu.sync_copy(den_v, den_out.at[wid])


def _run_sc(xp, ai, sflat, cidx3d, cvec):
    mesh = plsc.VectorSubcoreMesh(core_axis_name="c", subcore_axis_name="s")
    f = pl.kernel(
        _sc_body,
        out_type=[
            jax.ShapeDtypeStruct((_NC, _NP, _D), jnp.float32),
            jax.ShapeDtypeStruct((_NW, _NP), jnp.float32),
        ],
        mesh=mesh,
        compiler_params=pltpu.CompilerParams(needs_layout_passes=False),
        scratch_types=[
            pltpu.VMEM((3, _CK), jnp.int32),
            pltpu.VMEM((3, _CK), jnp.int32),
            pltpu.VMEM((_CK,), jnp.float32),
            pltpu.VMEM((_CK,), jnp.float32),
            pltpu.VMEM((_CK,), jnp.float32),
            pltpu.VMEM((_CK,), jnp.float32),
            pltpu.VMEM((_CK,), jnp.float32),
            pltpu.VMEM((_CK,), jnp.float32),
            pltpu.VMEM((_CK, _D), jnp.float32),
            pltpu.VMEM((_CK, _D), jnp.float32),
            pltpu.VMEM((16,), jnp.float32),
            pltpu.VMEM((_NP,), jnp.float32),
            pltpu.VMEM_SHARED((_NP, _D), jnp.float32),
            pltpu.SemaphoreType.DMA,
            pltpu.SemaphoreType.DMA,
            pltpu.SemaphoreType.DMA,
            pltpu.SemaphoreType.DMA,
            pltpu.SemaphoreType.DMA,
            pltpu.SemaphoreType.DMA,
            pltpu.SemaphoreType.DMA,
            pltpu.SemaphoreType.DMA,
        ],
    )
    return f(xp, ai, sflat, cidx3d, cvec)


def _c_body(p_ref, dn_ref, xr_ref, b_ref, lw_ref, lb_ref, h_ref):
    denom = jnp.sum(dn_ref[...], axis=0)[:, None] + 1e-16
    agg = (p_ref[0] + p_ref[1]) / denom + xr_ref[...] + b_ref[...]
    mu = jnp.mean(agg, axis=-1, keepdims=True)
    var = jnp.mean(jnp.square(agg - mu), axis=-1, keepdims=True)
    hn = (agg - mu) * lax.rsqrt(var + 1e-5) * lw_ref[...] + lb_ref[...]
    h_ref[...] = jnp.tanh(hn)


def _run_c(aggr_p, den_p, xr, bias, lnw, lnb):
    return pl.pallas_call(
        _c_body,
        grid=(_NBLK,),
        in_specs=[
            pl.BlockSpec((_NC, _BN, _D), lambda i: (0, i, 0)),
            pl.BlockSpec((_NW, _BN), lambda i: (0, i)),
            pl.BlockSpec((_BN, _D), lambda i: (i, 0)),
            pl.BlockSpec((1, _D), lambda i: (0, 0)),
            pl.BlockSpec((1, _D), lambda i: (0, 0)),
            pl.BlockSpec((1, _D), lambda i: (0, 0)),
        ],
        out_specs=pl.BlockSpec((_BN, _D), lambda i: (i, 0)),
        out_shape=jax.ShapeDtypeStruct((_NP, _D), jnp.float32),
    )(aggr_p, den_p, xr, bias, lnw, lnb)


def _layer(xpad, cidx3d,
           basis, att_r, att, root, bias, ln_w, ln_b):
    att_a = att[0, :_D]
    att_b = att[0, _D:]
    w = jnp.matmul(att_r, basis.reshape(_NB, -1)).reshape(_R, _D, _D)
    wc = w.transpose(1, 0, 2).reshape(_D, _R * _D)
    q = jnp.matmul(w, att_b).T
    ws = jnp.concatenate(
        [root, q, jnp.zeros((_D, _D - _R), jnp.float32)], axis=1)
    aa = att_a.reshape(_D, 1)

    xp = _run_a1(xpad, wc)
    xr, s, a, ma, ms = _run_a2(xpad, ws, aa)

    c = jnp.maximum(0.0, ma[0, 0] + ms[0, 0])
    cvec = jnp.full((16,), c, jnp.float32)

    aggr_p, den_p = _run_sc(
        xp.reshape(_R * _NP, _D), a.reshape(_NP), s.reshape(_NP * _R),
        cidx3d, cvec)

    return _run_c(aggr_p, den_p, xr, bias.reshape(1, _D),
                  ln_w.reshape(1, _D), ln_b.reshape(1, _D))


def kernel(x, edge_index, edge_type,
           basis0, att_r0, att0, root0, bias0, ln_w0, ln_b0,
           basis1, att_r1, att1, root1, bias1, ln_w1, ln_b1):
    xpad = jnp.pad(x, ((0, _NP - _N), (0, 0)))
    src = edge_index[0]
    dst = edge_index[1]
    dstp = jnp.pad(dst, (0, _EP - _E), constant_values=_N)
    srcp = jnp.pad(src, (0, _EP - _E))
    etp = jnp.pad(edge_type, (0, _EP - _E))
    cidx3d = jnp.stack(
        [dstp.reshape(_EP // _CK, _CK),
         (srcp * _R + etp).reshape(_EP // _CK, _CK),
         (etp * _NP + srcp).reshape(_EP // _CK, _CK)], axis=1)

    h1p = _layer(xpad, cidx3d,
                 basis0, att_r0, att0, root0, bias0, ln_w0, ln_b0)
    h2p = _layer(h1p, cidx3d,
                 basis1, att_r1, att1, root1, bias1, ln_w1, ln_b1)

    h1 = h1p[:_N]
    h2 = h2p[:_N]
    return (h2, (h1, h2))

# --- scband reference (transcript-rebuilt; emitter-appended) ---
"""Pipeline reference for scband-long-term-gnn-1262720385615 (READ-ONLY COPY).

The authoritative reference and input builder live on the scoring server;
editing this copy changes nothing except your own understanding.
"""

import jax, jax.numpy as jnp
import numpy as np
import math

N = 10000
E = 160000
D = 128
R = 8
NB = 4

def _uniform(key, shape, bound):
    return jax.random.uniform(key, shape, minval=-bound, maxval=bound, dtype=jnp.float32)

def setup_inputs(seed: int = 0):
    key = jax.random.key(seed)
    ks = jax.random.split(key, 32)
    bound = 1.0 / math.sqrt(NB * D)
    inp = {
        "x": jax.random.normal(ks[0], (N, D), dtype=jnp.float32),
        "edge_index": jax.random.randint(ks[1], (2, E), 0, N, dtype=jnp.int32),
        "edge_type": jax.random.randint(ks[2], (E,), 0, R, dtype=jnp.int32),
    }
    i = 3
    for l in range(2):
        inp[f"basis{l}"] = _uniform(ks[i], (NB, D, D), bound); i += 1
        inp[f"att_r{l}"] = _uniform(ks[i], (R, NB), bound); i += 1
        inp[f"att{l}"] = _uniform(ks[i], (1, 2 * D), bound); i += 1
        inp[f"root{l}"] = _uniform(ks[i], (D, D), bound); i += 1
        inp[f"bias{l}"] = _uniform(ks[i], (D,), bound); i += 1
        inp[f"ln_w{l}"] = jnp.ones((D,), dtype=jnp.float32)
        inp[f"ln_b{l}"] = jnp.zeros((D,), dtype=jnp.float32)
    return inp

def _unit(x, edge_index, edge_type, basis, att_r, att, root, bias, ln_w, ln_b):
    # w = att_r @ basis  (relation weights as basis combinations)
    w = jnp.matmul(att_r, basis.reshape(NB, -1)).reshape(R, D, D)
    src = edge_index[0]
    dst = edge_index[1]
    # x_j @ w[edge_type] computed as per-node-per-relation projection then fancy gather
    # (mathematically identical to torch.bmm(x_j.unsqueeze(1), index_select(w, 0, edge_type)))
    x_proj = jnp.einsum('ni,rio->nro', x, w)
    x_j = x_proj[src, edge_type]
    x_i = jnp.matmul(x[dst], root)
    alpha = jnp.sum(jnp.concatenate([x_i, x_j], axis=-1) * att, axis=-1)
    alpha = jax.nn.leaky_relu(alpha, negative_slope=0.2)
    # segment softmax over destination nodes (PyG softmax)
    amax = jax.ops.segment_max(alpha, dst, num_segments=N)
    amax = jnp.where(jnp.isfinite(amax), amax, 0.0)
    ex = jnp.exp(alpha - amax[dst])
    denom = jax.ops.segment_sum(ex, dst, num_segments=N)
    a = ex / (denom[dst] + 1e-16)
    # dropout p=0.0 -> identity
    aggr = jax.ops.segment_sum(x_j * a[:, None], dst, num_segments=N)
    aggr = aggr + jnp.matmul(x, root) + bias
    mu = jnp.mean(aggr, axis=-1, keepdims=True)
    var = jnp.var(aggr, axis=-1, keepdims=True)
    return (aggr - mu) / jnp.sqrt(var + 1e-5) * ln_w + ln_b

def reference(x, edge_index, edge_type,
              basis0, att_r0, att0, root0, bias0, ln_w0, ln_b0,
              basis1, att_r1, att1, root1, bias1, ln_w1, ln_b1):
    h1 = jnp.tanh(_unit(x, edge_index, edge_type, basis0, att_r0, att0, root0, bias0, ln_w0, ln_b0))
    h2 = jnp.tanh(_unit(h1, edge_index, edge_type, basis1, att_r1, att1, root1, bias1, ln_w1, ln_b1))
    return (h2, (h1, h2))

if __name__ == "__main__":
    import jax
    _d = setup_inputs()
    print(jax.jit(kernel)(*tuple(_d.values())))

</pallas_src>

<mosaic_0001>
#map = affine_map<(d0, d1) -> (0, 0)>
#map1 = affine_map<(d0, d1) -> (0)>
#map2 = affine_map<(d0, d1) -> (0, 0, 0)>
module attributes {stable_mosaic.version = 14 : i64} {
  func.func @_sc_body(%arg0: i32, %arg1: i32, %arg2: memref<81920x128xf32, #tpu.memory_space<hbm>>, %arg3: memref<10240xf32, #tpu.memory_space<hbm>>, %arg4: memref<81920xf32, #tpu.memory_space<hbm>>, %arg5: memref<2048x3x80xi32, #tpu.memory_space<hbm>>, %arg6: memref<16xf32, #tpu.memory_space<hbm>>, %arg7: memref<2x10240x128xf32, #tpu.memory_space<hbm>>, %arg8: memref<32x10240xf32, #tpu.memory_space<hbm>>, %arg9: memref<3x80xi32, #tpu.memory_space<vmem>>, %arg10: memref<3x80xi32, #tpu.memory_space<vmem>>, %arg11: memref<80xf32, #tpu.memory_space<vmem>>, %arg12: memref<80xf32, #tpu.memory_space<vmem>>, %arg13: memref<80xf32, #tpu.memory_space<vmem>>, %arg14: memref<80xf32, #tpu.memory_space<vmem>>, %arg15: memref<80xf32, #tpu.memory_space<vmem>>, %arg16: memref<80xf32, #tpu.memory_space<vmem>>, %arg17: memref<80x128xf32, #tpu.memory_space<vmem>>, %arg18: memref<80x128xf32, #tpu.memory_space<vmem>>, %arg19: memref<16xf32, #tpu.memory_space<vmem>>, %arg20: memref<10240xf32, #tpu.memory_space<vmem>>, %arg21: memref<10240x128xf32, #tpu.memory_space<vmem_shared>>, %arg22: memref<!tpu.dma_semaphore, #tpu.memory_space<semaphore_mem>>, %arg23: memref<!tpu.dma_semaphore, #tpu.memory_space<semaphore_mem>>, %arg24: memref<!tpu.dma_semaphore, #tpu.memory_space<semaphore_mem>>, %arg25: memref<!tpu.dma_semaphore, #tpu.memory_space<semaphore_mem>>, %arg26: memref<!tpu.dma_semaphore, #tpu.memory_space<semaphore_mem>>, %arg27: memref<!tpu.dma_semaphore, #tpu.memory_space<semaphore_mem>>, %arg28: memref<!tpu.dma_semaphore, #tpu.memory_space<semaphore_mem>>, %arg29: memref<!tpu.dma_semaphore, #tpu.memory_space<semaphore_mem>>) attributes {dimension_semantics = [#tpu.dimension_semantics<core_parallel>, #tpu.dimension_semantics<subcore_parallel>], iteration_bounds = array<i64: 2, 16>, scalar_prefetch = 0 : i64, scratch_operands = 21 : i64, tpu.core_type = #tpu.core_type<sc_vector_subcore>, window_params = [{transform_indices = #map}, {transform_indices = #map1}, {transform_indices = #map1}, {transform_indices = #map2}, {transform_indices = #map1}, {transform_indices = #map2}, {transform_indices = #map}]} {
    %mul3A = arith.constant 2 : i32
    %mul3A_0 = arith.muli %arg1, %mul3A : i32
    %add3A = arith.addi %mul3A_0, %arg0 : i32
    %eq3A = arith.constant 0 : i32
    %eq3A_1 = arith.cmpi eq, %arg0, %eq3A : i32
    %jit3A = arith.constant 104 : i32
    %jit3A_2 = arith.constant 24 : i32
    %select_n3A = arith.select %eq3A_1, %jit3A, %jit3A_2 : i32
    %eq3A_3 = arith.constant 0 : i32
    %eq3A_4 = arith.cmpi eq, %arg0, %eq3A_3 : i32
    %jit3A_5 = arith.constant 0 : i32
    %jit3A_6 = arith.constant 1664 : i32
    %select_n3A_7 = arith.select %eq3A_4, %jit3A_5, %jit3A_6 : i32
    %mul3A_8 = arith.muli %arg1, %select_n3A : i32
    %add3A_9 = arith.addi %select_n3A_7, %mul3A_8 : i32
    %scan3A = arith.constant 0 : i32
    %scan3A_10 = arith.constant 0 : i32
    %scan3A_11 = arith.constant 80 : i32
    %scan3A_12 = arith.addi %scan3A_10, %scan3A_11 : i32
    %scan3A_13 = arith.constant 1 : i32
    scf.for %scan3A_93 = %scan3A_10 to %scan3A_12 step %scan3A_13  : i32 {
      %broadcast_in_dim3A = arith.constant 0.000000e+00 : f32
      %broadcast_in_dim3A_94 = vector.broadcast %broadcast_in_dim3A : f32 to vector<16xf32>
      %swap3A = arith.index_cast %scan3A_93 : i32 to index
      %swap3A_95 = arith.constant 0 : index
      %swap3A_96 = tpu.vector_load %arg17[%swap3A, %swap3A_95] {strides = array<i32>} : memref<80x128xf32, #tpu.memory_space<vmem>>, vector<16xf32>,
      tpu.vector_store %arg17[%swap3A, %swap3A_95], %broadcast_in_dim3A_94 {strides = array<i32>} : memref<80x128xf32, #tpu.memory_space<vmem>>, vector<16xf32>,
      %broadcast_in_dim3A_97 = arith.constant 0.000000e+00 : f32
      %broadcast_in_dim3A_98 = vector.broadcast %broadcast_in_dim3A_97 : f32 to vector<16xf32>
      %swap3A_99 = arith.index_cast %scan3A_93 : i32 to index
      %swap3A_100 = arith.constant 16 : index
      %swap3A_101 = tpu.vector_load %arg17[%swap3A_99, %swap3A_100] {strides = array<i32>} : memref<80x128xf32, #tpu.memory_space<vmem>>, vector<16xf32>,
      tpu.vector_store %arg17[%swap3A_99, %swap3A_100], %broadcast_in_dim3A_98 {strides = array<i32>} : memref<80x128xf32, #tpu.memory_space<vmem>>, vector<16xf32>,
      %broadcast_in_dim3A_102 = arith.constant 0.000000e+00 : f32
      %broadcast_in_dim3A_103 = vector.broadcast %broadcast_in_dim3A_102 : f32 to vector<16xf32>
      %swap3A_104 = arith.index_cast %scan3A_93 : i32 to index
      %swap3A_105 = arith.constant 32 : index
      %swap3A_106 = tpu.vector_load %arg17[%swap3A_104, %swap3A_105] {strides = array<i32>} : memref<80x128xf32, #tpu.memory_space<vmem>>, vector<16xf32>,
      tpu.vector_store %arg17[%swap3A_104, %swap3A_105], %broadcast_in_dim3A_103 {strides = array<i32>} : memref<80x128xf32, #tpu.memory_space<vmem>>, vector<16xf32>,
      %broadcast_in_dim3A_107 = arith.constant 0.000000e+00 : f32
      %broadcast_in_dim3A_108 = vector.broadcast %broadcast_in_dim3A_107 : f32 to vector<16xf32>
      %swap3A_109 = arith.index_cast %scan3A_93 : i32 to index
      %swap3A_110 = arith.constant 48 : index
      %swap3A_111 = tpu.vector_load %arg17[%swap3A_109, %swap3A_110] {strides = array<i32>} : memref<80x128xf32, #tpu.memory_space<vmem>>, vector<16xf32>,
      tpu.vector_store %arg17[%swap3A_109, %swap3A_110], %broadcast_in_dim3A_108 {strides = array<i32>} : memref<80x128xf32, #tpu.memory_space<vmem>>, vector<16xf32>,
      %broadcast_in_dim3A_112 = arith.constant 0.000000e+00 : f32
      %broadcast_in_dim3A_113 = vector.broadcast %broadcast_in_dim3A_112 : f32 to vector<16xf32>
      %swap3A_114 = arith.index_cast %scan3A_93 : i32 to index
      %swap3A_115 = arith.constant 64 : index
      %swap3A_116 = tpu.vector_load %arg17[%swap3A_114, %swap3A_115] {strides = array<i32>} : memref<80x128xf32, #tpu.memory_space<vmem>>, vector<16xf32>,
      tpu.vector_store %arg17[%swap3A_114, %swap3A_115], %broadcast_in_dim3A_113 {strides = array<i32>} : memref<80x128xf32, #tpu.memory_space<vmem>>, vector<16xf32>,
      %broadcast_in_dim3A_117 = arith.constant 0.000000e+00 : f32
      %broadcast_in_dim3A_118 = vector.broadcast %broadcast_in_dim3A_117 : f32 to vector<16xf32>
      %swap3A_119 = arith.index_cast %scan3A_93 : i32 to index
      %swap3A_120 = arith.constant 80 : index
      %swap3A_121 = tpu.vector_load %arg17[%swap3A_119, %swap3A_120] {strides = array<i32>} : memref<80x128xf32, #tpu.memory_space<vmem>>, vector<16xf32>,
      tpu.vector_store %arg17[%swap3A_119, %swap3A_120], %broadcast_in_dim3A_118 {strides = array<i32>} : memref<80x128xf32, #tpu.memory_space<vmem>>, vector<16xf32>,
      %broadcast_in_dim3A_122 = arith.constant 0.000000e+00 : f32
      %broadcast_in_dim3A_123 = vector.broadcast %broadcast_in_dim3A_122 : f32 to vector<16xf32>
      %swap3A_124 = arith.index_cast %scan3A_93 : i32 to index
      %swap3A_125 = arith.constant 96 : index
      %swap3A_126 = tpu.vector_load %arg17[%swap3A_124, %swap3A_125] {strides = array<i32>} : memref<80x128xf32, #tpu.memory_space<vmem>>, vector<16xf32>,
      tpu.vector_store %arg17[%swap3A_124, %swap3A_125], %broadcast_in_dim3A_123 {strides = array<i32>} : memref<80x128xf32, #tpu.memory_space<vmem>>, vector<16xf32>,
      %broadcast_in_dim3A_127 = arith.constant 0.000000e+00 : f32
      %broadcast_in_dim3A_128 = vector.broadcast %broadcast_in_dim3A_127 : f32 to vector<16xf32>
      %swap3A_129 = arith.index_cast %scan3A_93 : i32 to index
      %swap3A_130 = arith.constant 112 : index
      %swap3A_131 = tpu.vector_load %arg17[%swap3A_129, %swap3A_130] {strides = array<i32>} : memref<80x128xf32, #tpu.memory_space<vmem>>, vector<16xf32>,
      tpu.vector_store %arg17[%swap3A_129, %swap3A_130], %broadcast_in_dim3A_128 {strides = array<i32>} : memref<80x128xf32, #tpu.memory_space<vmem>>, vector<16xf32>,
    }
    %scan3A_14 = arith.constant 80 : i32
    %scan3A_15 = arith.constant 0 : i32
    %scan3A_16 = arith.constant 0 : i32
    %scan3A_17 = arith.constant 8 : i32
    %scan3A_18 = arith.addi %scan3A_16, %scan3A_17 : i32
    %scan3A_19 = arith.constant 1 : i32
    scf.for %scan3A_93 = %scan3A_16 to %scan3A_18 step %scan3A_19  : i32 {
      %mul3A_94 = arith.constant 640 : i32
      %mul3A_95 = arith.muli %arg1, %mul3A_94 : i32
      %mul3A_96 = arith.constant 80 : i32
      %mul3A_97 = arith.muli %scan3A_93, %mul3A_96 : i32
      %add3A_98 = arith.addi %mul3A_95, %mul3A_97 : i32
      "tpu.region"() ({
        %run_scoped3A = tpu.sem_alloc : memref<!tpu.dma_semaphore, #tpu.memory_space<semaphore_mem>>
        %dma_start3A_99 = arith.constant 0 : i32
        %dma_start3A_100 = tpu.memref_slice %arg21[%add3A_98, %dma_start3A_99] : memref<10240x128xf32, #tpu.memory_space<vmem_shared>> -> memref<80x128xf32, #tpu.memory_space<vmem_shared>>
        %dma_start3A_101 = arith.constant 0 : i32
        %dma_start3A_102 = tpu.memref_slice %arg21[%add3A_98, %dma_start3A_101] : memref<10240x128xf32, #tpu.memory_space<vmem_shared>> -> memref<80x128xf32, #tpu.memory_space<vmem_shared>>
        tpu.enqueue_dma source(%arg17 : memref<80x128xf32, #tpu.memory_space<vmem>>) target(%dma_start3A_102 : memref<80x128xf32, #tpu.memory_space<vmem_shared>>) target_semaphore(%run_scoped3A : memref<!tpu.dma_semaphore, #tpu.memory_space<semaphore_mem>>)
        %dma_wait3A_103 = arith.constant 0 : i32
        %dma_wait3A_104 = tpu.memref_slice %arg21[%add3A_98, %dma_wait3A_103] : memref<10240x128xf32, #tpu.memory_space<vmem_shared>> -> memref<80x128xf32, #tpu.memory_space<vmem_shared>>
        %dma_wait3A_105 = arith.constant 0 : i32
        %dma_wait3A_106 = tpu.memref_slice %arg21[%add3A_98, %dma_wait3A_105] : memref<10240x128xf32, #tpu.memory_space<vmem_shared>> -> memref<80x128xf32, #tpu.memory_space<vmem_shared>>
        tpu.wait_dma2 semaphore(%run_scoped3A : memref<!tpu.dma_semaphore, #tpu.memory_space<semaphore_mem>>) src(%arg17 : memref<80x128xf32, #tpu.memory_space<vmem>>) dst(%dma_wait3A_106 : memref<80x128xf32, #tpu.memory_space<vmem_shared>>)
        tpu.yield
      }) : () -> ()
    }
    %scan3A_20 = arith.constant 8 : i32
    %scan3A_21 = arith.constant 0 : i32
    %scan3A_22 = arith.constant 0 : i32
    %scan3A_23 = arith.constant 640 : i32
    %scan3A_24 = arith.addi %scan3A_22, %scan3A_23 : i32
    %scan3A_25 = arith.constant 1 : i32
    scf.for %scan3A_93 = %scan3A_22 to %scan3A_24 step %scan3A_25  : i32 {
      %broadcast_in_dim3A = arith.constant 0.000000e+00 : f32
      %broadcast_in_dim3A_94 = vector.broadcast %broadcast_in_dim3A : f32 to vector<16xf32>
      %mul3A_95 = arith.constant 16 : i32
      %mul3A_96 = arith.muli %scan3A_93, %mul3A_95 : i32
      %swap3A = arith.index_cast %mul3A_96 : i32 to index
      %swap3A_97 = tpu.vector_load %arg20[%swap3A] {strides = array<i32>} : memref<10240xf32, #tpu.memory_space<vmem>>, vector<16xf32>,
      tpu.vector_store %arg20[%swap3A], %broadcast_in_dim3A_94 {strides = array<i32>} : memref<10240xf32, #tpu.memory_space<vmem>>, vector<16xf32>,
    }
    %scan3A_26 = arith.constant 640 : i32
    "tpu.region"() ({
      %run_scoped3A = tpu.sem_alloc : memref<!tpu.dma_semaphore, #tpu.memory_space<semaphore_mem>>
      tpu.enqueue_dma source(%arg6 : memref<16xf32, #tpu.memory_space<hbm>>) target(%arg19 : memref<16xf32, #tpu.memory_space<vmem>>) target_semaphore(%run_scoped3A : memref<!tpu.dma_semaphore, #tpu.memory_space<semaphore_mem>>)
      tpu.wait_dma2 semaphore(%run_scoped3A : memref<!tpu.dma_semaphore, #tpu.memory_space<semaphore_mem>>) src(%arg6 : memref<16xf32, #tpu.memory_space<hbm>>) dst(%arg19 : memref<16xf32, #tpu.memory_space<vmem>>)
      tpu.yield
    }) : () -> ()
    %get3A = arith.constant 0 : index
    %get3A_27 = tpu.vector_load %arg19[%get3A] {strides = array<i32>} : memref<16xf32, #tpu.memory_space<vmem>>, vector<16xf32>,
    %barrier3A = arith.constant 0 : index
    tpu.barrier barrier_id(%barrier3A)
    "tpu.region"() ({
      %run_scoped3A = tpu.sem_alloc : memref<!tpu.dma_semaphore, #tpu.memory_space<semaphore_mem>>
      %dma_start3A_93 = arith.constant 0 : i32
      %dma_start3A_94 = arith.constant 0 : i32
      %dma_start3A_95 = tpu.memref_slice %arg5[%add3A_9, %dma_start3A_93, %dma_start3A_94] : memref<2048x3x80xi32, #tpu.memory_space<hbm>> -> memref<1x3x80xi32, #tpu.memory_space<hbm>>
      %dma_start3A_96 = tpu.memref_squeeze %dma_start3A_95 : memref<1x3x80xi32, #tpu.memory_space<hbm>> -> memref<3x80xi32, #tpu.memory_space<hbm>>
      %dma_start3A_97 = arith.constant 0 : i32
      %dma_start3A_98 = arith.constant 0 : i32
      %dma_start3A_99 = tpu.memref_slice %arg5[%add3A_9, %dma_start3A_97, %dma_start3A_98] : memref<2048x3x80xi32, #tpu.memory_space<hbm>> -> memref<1x3x80xi32, #tpu.memory_space<hbm>>
      %dma_start3A_100 = tpu.memref_squeeze %dma_start3A_99 : memref<1x3x80xi32, #tpu.memory_space<hbm>> -> memref<3x80xi32, #tpu.memory_space<hbm>>
      tpu.enqueue_dma source(%dma_start3A_100 : memref<3x80xi32, #tpu.memory_space<hbm>>) target(%arg9 : memref<3x80xi32, #tpu.memory_space<vmem>>) target_semaphore(%run_scoped3A : memref<!tpu.dma_semaphore, #tpu.memory_space<semaphore_mem>>)
      %dma_wait3A_101 = arith.constant 0 : i32
      %dma_wait3A_102 = arith.constant 0 : i32
      %dma_wait3A_103 = tpu.memref_slice %arg5[%add3A_9, %dma_wait3A_101, %dma_wait3A_102] : memref<2048x3x80xi32, #tpu.memory_space<hbm>> -> memref<1x3x80xi32, #tpu.memory_space<hbm>>
      %dma_wait3A_104 = tpu.memref_squeeze %dma_wait3A_103 : memref<1x3x80xi32, #tpu.memory_space<hbm>> -> memref<3x80xi32, #tpu.memory_space<hbm>>
      %dma_wait3A_105 = arith.constant 0 : i32
      %dma_wait3A_106 = arith.constant 0 : i32
      %dma_wait3A_107 = tpu.memref_slice %arg5[%add3A_9, %dma_wait3A_105, %dma_wait3A_106] : memref<2048x3x80xi32, #tpu.memory_space<hbm>> -> memref<1x3x80xi32, #tpu.memory_space<hbm>>
      %dma_wait3A_108 = tpu.memref_squeeze %dma_wait3A_107 : memref<1x3x80xi32, #tpu.memory_space<hbm>> -> memref<3x80xi32, #tpu.memory_space<hbm>>
      tpu.wait_dma2 semaphore(%run_scoped3A : memref<!tpu.dma_semaphore, #tpu.memory_space<semaphore_mem>>) src(%dma_wait3A_108 : memref<3x80xi32, #tpu.memory_space<hbm>>) dst(%arg9 : memref<3x80xi32, #tpu.memory_space<vmem>>)
      tpu.yield
    }) : () -> ()
    %dma_start3A = arith.constant 0 : i32
    %dma_start3A_28 = arith.constant 0 : i32
    %dma_start3A_29 = tpu.memref_slice %arg9[%dma_start3A, %dma_start3A_28] : memref<3x80xi32, #tpu.memory_space<vmem>> -> memref<1x80xi32, #tpu.memory_space<vmem>>
    %dma_start3A_30 = tpu.memref_squeeze %dma_start3A_29 : memref<1x80xi32, #tpu.memory_space<vmem>> -> memref<80xi32, #tpu.memory_space<vmem>>
    %dma_start3A_31 = arith.constant 0 : i32
    %dma_start3A_32 = tpu.memref_slice %arg3[%dma_start3A_31] : memref<10240xf32, #tpu.memory_space<hbm>> -> memref<10240xf32, #tpu.memory_space<hbm>>
    tpu.enqueue_indirect_dma source(%dma_start3A_32 : memref<10240xf32, #tpu.memory_space<hbm>>) target(%arg11 : memref<80xf32, #tpu.memory_space<vmem>>) offsets(%dma_start3A_30 : memref<80xi32, #tpu.memory_space<vmem>>) semaphore(%arg22 : memref<!tpu.dma_semaphore, #tpu.memory_space<semaphore_mem>>)
    %dma_start3A_33 = arith.constant 1 : i32
    %dma_start3A_34 = arith.constant 0 : i32
    %dma_start3A_35 = tpu.memref_slice %arg9[%dma_start3A_33, %dma_start3A_34] : memref<3x80xi32, #tpu.memory_space<vmem>> -> memref<1x80xi32, #tpu.memory_space<vmem>>
    %dma_start3A_36 = tpu.memref_squeeze %dma_start3A_35 : memref<1x80xi32, #tpu.memory_space<vmem>> -> memref<80xi32, #tpu.memory_space<vmem>>
    %dma_start3A_37 = arith.constant 0 : i32
    %dma_start3A_38 = tpu.memref_slice %arg4[%dma_start3A_37] : memref<81920xf32, #tpu.memory_space<hbm>> -> memref<81920xf32, #tpu.memory_space<hbm>>
    tpu.enqueue_indirect_dma source(%dma_start3A_38 : memref<81920xf32, #tpu.memory_space<hbm>>) target(%arg13 : memref<80xf32, #tpu.memory_space<vmem>>) offsets(%dma_start3A_36 : memref<80xi32, #tpu.memory_space<vmem>>) semaphore(%arg24 : memref<!tpu.dma_semaphore, #tpu.memory_space<semaphore_mem>>)
    %dma_start3A_39 = arith.constant 2 : i32
    %dma_start3A_40 = arith.constant 0 : i32
    %dma_start3A_41 = tpu.memref_slice %arg9[%dma_start3A_39, %dma_start3A_40] : memref<3x80xi32, #tpu.memory_space<vmem>> -> memref<1x80xi32, #tpu.memory_space<vmem>>
    %dma_start3A_42 = tpu.memref_squeeze %dma_start3A_41 : memref<1x80xi32, #tpu.memory_space<vmem>> -> memref<80xi32, #tpu.memory_space<vmem>>
    %dma_start3A_43 = arith.constant 0 : i32
    %dma_start3A_44 = arith.constant 0 : i32
    %dma_start3A_45 = tpu.memref_slice %arg2[%dma_start3A_43, %dma_start3A_44] : memref<81920x128xf32, #tpu.memory_space<hbm>> -> memref<81920x128xf32, #tpu.memory_space<hbm>>
    tpu.enqueue_indirect_dma source(%dma_start3A_45 : memref<81920x128xf32, #tpu.memory_space<hbm>>) target(%arg17 : memref<80x128xf32, #tpu.memory_space<vmem>>) offsets(%dma_start3A_42 : memref<80xi32, #tpu.memory_space<vmem>>) semaphore(%arg26 : memref<!tpu.dma_semaphore, #tpu.memory_space<semaphore_mem>>)
    %add3A_46 = arith.constant 1 : i32
    %add3A_47 = arith.addi %select_n3A, %add3A_46 : i32
    %jit3A_48 = arith.constant 2 : i32
    %div3A = arith.divsi %add3A_47, %jit3A_48 : i32
    %sign3A = arith.constant 0 : i32
    %sign3A_49 = arith.cmpi sgt, %add3A_47, %sign3A : i32
    %sign3A_50 = arith.extui %sign3A_49 : i1 to i32
    %sign3A_51 = arith.constant 0 : i32
    %sign3A_52 = arith.cmpi slt, %add3A_47, %sign3A_51 : i32
    %sign3A_53 = arith.extui %sign3A_52 : i1 to i32
    %sign3A_54 = arith.subi %sign3A_50, %sign3A_53 : i32
    %sign3A_55 = arith.constant 0 : i32
    %sign3A_56 = arith.cmpi sgt, %jit3A_48, %sign3A_55 : i32
    %sign3A_57 = arith.extui %sign3A_56 : i1 to i32
    %sign3A_58 = arith.constant 0 : i32
    %sign3A_59 = arith.cmpi slt, %jit3A_48, %sign3A_58 : i32
    %sign3A_60 = arith.extui %sign3A_59 : i1 to i32
    %sign3A_61 = arith.subi %sign3A_57, %sign3A_60 : i32
    %ne3A = arith.cmpi ne, %sign3A_54, %sign3A_61 : i32
    %rem3A = arith.remsi %add3A_47, %jit3A_48 : i32
    %ne3A_62 = arith.constant 0 : i32
    %ne3A_63 = arith.cmpi ne, %rem3A, %ne3A_62 : i32
    %and3A = arith.andi %ne3A, %ne3A_63 : i1
    %sub3A = arith.constant 1 : i32
    %sub3A_64 = arith.subi %div3A, %sub3A : i32
    %select_n3A_65 = arith.select %and3A, %sub3A_64, %div3A : i32
    %while3A = arith.constant 0 : i32
    %while3A_66 = arith.constant 0 : i32
    %while3A_67 = arith.subi %select_n3A_65, %while3A_66 : i32
    %while3A_68 = arith.addi %while3A_66, %while3A_67 : i32
    %while3A_69 = arith.constant 1 : i32
    %while3A_70 = arith.divsi %while3A_67, %while3A_69 : i32
    %while3A_71 = arith.muli %while3A_70, %while3A_69 : i32
    %while3A_72 = arith.addi %while3A_66, %while3A_71 : i32
    %while3A_73 = arith.constant 1 : i32
    scf.for %while3A_93 = %while3A_66 to %while3A_72 step %while3A_73  : i32 {
      %mul3A_94 = arith.constant 2 : i32
      %mul3A_95 = arith.muli %while3A_93, %mul3A_94 : i32
      %add3A_96 = arith.constant 0 : i32
      %add3A_97 = arith.addi %mul3A_95, %add3A_96 : i32
      %add3A_98 = arith.constant 1 : i32
      %add3A_99 = arith.addi %add3A_97, %add3A_98 : i32
      %lt3A = arith.cmpi slt, %add3A_99, %select_n3A : i32
      %convert_element_type3A = arith.extui %lt3A : i1 to i32
      %cond3A = arith.constant 0 : i32
      %cond3A_100 = arith.cmpi ne, %convert_element_type3A, %cond3A : i32
      scf.if %cond3A_100 {
        %add3A_372 = arith.addi %add3A_9, %add3A_97 : i32
        %add3A_373 = arith.constant 1 : i32
        %add3A_374 = arith.addi %add3A_372, %add3A_373 : i32
        "tpu.region"() ({
          %run_scoped3A = tpu.sem_alloc : memref<!tpu.dma_semaphore, #tpu.memory_space<semaphore_mem>>
          %dma_start3A_401 = arith.constant 0 : i32
          %dma_start3A_402 = arith.constant 0 : i32
          %dma_start3A_403 = tpu.memref_slice %arg5[%add3A_374, %dma_start3A_401, %dma_start3A_402] : memref<2048x3x80xi32, #tpu.memory_space<hbm>> -> memref<1x3x80xi32, #tpu.memory_space<hbm>>
          %dma_start3A_404 = tpu.memref_squeeze %dma_start3A_403 : memref<1x3x80xi32, #tpu.memory_space<hbm>> -> memref<3x80xi32, #tpu.memory_space<hbm>>
          %dma_start3A_405 = arith.constant 0 : i32
          %dma_start3A_406 = arith.constant 0 : i32
          %dma_start3A_407 = tpu.memref_slice %arg5[%add3A_374, %dma_start3A_405, %dma_start3A_406] : memref<2048x3x80xi32, #tpu.memory_space<hbm>> -> memref<1x3x80xi32, #tpu.memory_space<hbm>>
          %dma_start3A_408 = tpu.memref_squeeze %dma_start3A_407 : memref<1x3x80xi32, #tpu.memory_space<hbm>> -> memref<3x80xi32, #tpu.memory_space<hbm>>
          tpu.enqueue_dma source(%dma_start3A_408 : memref<3x80xi32, #tpu.memory_space<hbm>>) target(%arg10 : memref<3x80xi32, #tpu.memory_space<vmem>>) target_semaphore(%run_scoped3A : memref<!tpu.dma_semaphore, #tpu.memory_space<semaphore_mem>>)
          %dma_wait3A_409 = arith.constant 0 : i32
          %dma_wait3A_410 = arith.constant 0 : i32
          %dma_wait3A_411 = tpu.memref_slice %arg5[%add3A_374, %dma_wait3A_409, %dma_wait3A_410] : memref<2048x3x80xi32, #tpu.memory_space<hbm>> -> memref<1x3x80xi32, #tpu.memory_space<hbm>>
          %dma_wait3A_412 = tpu.memref_squeeze %dma_wait3A_411 : memref<1x3x80xi32, #tpu.memory_space<hbm>> -> memref<3x80xi32, #tpu.memory_space<hbm>>
          %dma_wait3A_413 = arith.constant 0 : i32
          %dma_wait3A_414 = arith.constant 0 : i32
          %dma_wait3A_415 = tpu.memref_slice %arg5[%add3A_374, %dma_wait3A_413, %dma_wait3A_414] : memref<2048x3x80xi32, #tpu.memory_space<hbm>> -> memref<1x3x80xi32, #tpu.memory_space<hbm>>
          %dma_wait3A_416 = tpu.memref_squeeze %dma_wait3A_415 : memref<1x3x80xi32, #tpu.memory_space<hbm>> -> memref<3x80xi32, #tpu.memory_space<hbm>>
          tpu.wait_dma2 semaphore(%run_scoped3A : memref<!tpu.dma_semaphore, #tpu.memory_space<semaphore_mem>>) src(%dma_wait3A_416 : memref<3x80xi32, #tpu.memory_space<hbm>>) dst(%arg10 : memref<3x80xi32, #tpu.memory_space<vmem>>)
          tpu.yield
        }) : () -> ()
        %ge3A_375 = arith.constant 1 : i32
        %ge3A_376 = arith.cmpi sge, %add3A_97, %ge3A_375 : i32
        %convert_element_type3A_377 = arith.extui %ge3A_376 : i1 to i32
        %cond3A_378 = arith.constant 0 : i32
        %cond3A_379 = arith.cmpi ne, %convert_element_type3A_377, %cond3A_378 : i32
        scf.if %cond3A_379 {
          %dma_wait3A_401 = arith.constant 0 : i32
          %dma_wait3A_402 = arith.constant 0 : i32
          %dma_wait3A_403 = tpu.memref_slice %arg10[%dma_wait3A_401, %dma_wait3A_402] : memref<3x80xi32, #tpu.memory_space<vmem>> -> memref<1x80xi32, #tpu.memory_space<vmem>>
          %dma_wait3A_404 = tpu.memref_squeeze %dma_wait3A_403 : memref<1x80xi32, #tpu.memory_space<vmem>> -> memref<80xi32, #tpu.memory_space<vmem>>
          %dma_wait3A_405 = arith.constant 0 : i32
          %dma_wait3A_406 = arith.constant 0 : i32
          %dma_wait3A_407 = tpu.memref_slice %arg21[%dma_wait3A_405, %dma_wait3A_406] : memref<10240x128xf32, #tpu.memory_space<vmem_shared>> -> memref<10240x128xf32, #tpu.memory_space<vmem_shared>>
          tpu.wait_indirect_dma semaphore(%arg29 : memref<!tpu.dma_semaphore, #tpu.memory_space<semaphore_mem>>) src(%arg18 : memref<80x128xf32, #tpu.memory_space<vmem>>) dst(%dma_wait3A_407 : memref<10240x128xf32, #tpu.memory_space<vmem_shared>>)
        } else {
        }
        %add3A_380 = arith.constant 1 : i32
        %add3A_381 = arith.addi %add3A_97, %add3A_380 : i32
        %dma_start3A_382 = arith.constant 0 : i32
        %dma_start3A_383 = arith.constant 0 : i32
        %dma_start3A_384 = tpu.memref_slice %arg10[%dma_start3A_382, %dma_start3A_383] : memref<3x80xi32, #tpu.memory_space<vmem>> -> memref<1x80xi32, #tpu.memory_space<vmem>>
        %dma_start3A_385 = tpu.memref_squeeze %dma_start3A_384 : memref<1x80xi32, #tpu.memory_space<vmem>> -> memref<80xi32, #tpu.memory_space<vmem>>
        %dma_start3A_386 = arith.constant 0 : i32
        %dma_start3A_387 = tpu.memref_slice %arg3[%dma_start3A_386] : memref<10240xf32, #tpu.memory_space<hbm>> -> memref<10240xf32, #tpu.memory_space<hbm>>
        tpu.enqueue_indirect_dma source(%dma_start3A_387 : memref<10240xf32, #tpu.memory_space<hbm>>) target(%arg12 : memref<80xf32, #tpu.memory_space<vmem>>) offsets(%dma_start3A_385 : memref<80xi32, #tpu.memory_space<vmem>>) semaphore(%arg23 : memref<!tpu.dma_semaphore, #tpu.memory_space<semaphore_mem>>)
        %dma_start3A_388 = arith.constant 1 : i32
        %dma_start3A_389 = arith.constant 0 : i32
        %dma_start3A_390 = tpu.memref_slice %arg10[%dma_start3A_388, %dma_start3A_389] : memref<3x80xi32, #tpu.memory_space<vmem>> -> memref<1x80xi32, #tpu.memory_space<vmem>>
        %dma_start3A_391 = tpu.memref_squeeze %dma_start3A_390 : memref<1x80xi32, #tpu.memory_space<vmem>> -> memref<80xi32, #tpu.memory_space<vmem>>
        %dma_start3A_392 = arith.constant 0 : i32
        %dma_start3A_393 = tpu.memref_slice %arg4[%dma_start3A_392] : memref<81920xf32, #tpu.memory_space<hbm>> -> memref<81920xf32, #tpu.memory_space<hbm>>
        tpu.enqueue_indirect_dma source(%dma_start3A_393 : memref<81920xf32, #tpu.memory_space<hbm>>) target(%arg14 : memref<80xf32, #tpu.memory_space<vmem>>) offsets(%dma_start3A_391 : memref<80xi32, #tpu.memory_space<vmem>>) semaphore(%arg25 : memref<!tpu.dma_semaphore, #tpu.memory_space<semaphore_mem>>)
        %dma_start3A_394 = arith.constant 2 : i32
        %dma_start3A_395 = arith.constant 0 : i32
        %dma_start3A_396 = tpu.memref_slice %arg10[%dma_start3A_394, %dma_start3A_395] : memref<3x80xi32, #tpu.memory_space<vmem>> -> memref<1x80xi32, #tpu.memory_space<vmem>>
        %dma_start3A_397 = tpu.memref_squeeze %dma_start3A_396 : memref<1x80xi32, #tpu.memory_space<vmem>> -> memref<80xi32, #tpu.memory_space<vmem>>
        %dma_start3A_398 = arith.constant 0 : i32
        %dma_start3A_399 = arith.constant 0 : i32
        %dma_start3A_400 = tpu.memref_slice %arg2[%dma_start3A_398, %dma_start3A_399] : memref<81920x128xf32, #tpu.memory_space<hbm>> -> memref<81920x128xf32, #tpu.memory_space<hbm>>
        tpu.enqueue_indirect_dma source(%dma_start3A_400 : memref<81920x128xf32, #tpu.memory_space<hbm>>) target(%arg18 : memref<80x128xf32, #tpu.memory_space<vmem>>) offsets(%dma_start3A_397 : memref<80xi32, #tpu.memory_space<vmem>>) semaphore(%arg27 : memref<!tpu.dma_semaphore, #tpu.memory_space<semaphore_mem>>)
      } else {
      }
      %dma_wait3A_101 = arith.constant 0 : i32
      %dma_wait3A_102 = arith.constant 0 : i32
      %dma_wait3A_103 = tpu.memref_slice %arg9[%dma_wait3A_101, %dma_wait3A_102] : memref<3x80xi32, #tpu.memory_space<vmem>> -> memref<1x80xi32, #tpu.memory_space<vmem>>
      %dma_wait3A_104 = tpu.memref_squeeze %dma_wait3A_103 : memref<1x80xi32, #tpu.memory_space<vmem>> -> memref<80xi32, #tpu.memory_space<vmem>>
      %dma_wait3A_105 = arith.constant 0 : i32
      %dma_wait3A_106 = tpu.memref_slice %arg3[%dma_wait3A_105] : memref<10240xf32, #tpu.memory_space<hbm>> -> memref<10240xf32, #tpu.memory_space<hbm>>
      tpu.wait_indirect_dma semaphore(%arg22 : memref<!tpu.dma_semaphore, #tpu.memory_space<semaphore_mem>>) src(%dma_wait3A_106 : memref<10240xf32, #tpu.memory_space<hbm>>) dst(%arg11 : memref<80xf32, #tpu.memory_space<vmem>>)
      %dma_wait3A_107 = arith.constant 1 : i32
      %dma_wait3A_108 = arith.constant 0 : i32
      %dma_wait3A_109 = tpu.memref_slice %arg9[%dma_wait3A_107, %dma_wait3A_108] : memref<3x80xi32, #tpu.memory_space<vmem>> -> memref<1x80xi32, #tpu.memory_space<vmem>>
      %dma_wait3A_110 = tpu.memref_squeeze %dma_wait3A_109 : memref<1x80xi32, #tpu.memory_space<vmem>> -> memref<80xi32, #tpu.memory_space<vmem>>
      %dma_wait3A_111 = arith.constant 0 : i32
      %dma_wait3A_112 = tpu.memref_slice %arg4[%dma_wait3A_111] : memref<81920xf32, #tpu.memory_space<hbm>> -> memref<81920xf32, #tpu.memory_space<hbm>>
      tpu.wait_indirect_dma semaphore(%arg24 : memref<!tpu.dma_semaphore, #tpu.memory_space<semaphore_mem>>) src(%dma_wait3A_112 : memref<81920xf32, #tpu.memory_space<hbm>>) dst(%arg13 : memref<80xf32, #tpu.memory_space<vmem>>)
      %get3A_113 = arith.constant 0 : index
      %get3A_114 = tpu.vector_load %arg11[%get3A_113] {strides = array<i32>} : memref<80xf32, #tpu.memory_space<vmem>>, vector<16xf32>,
      %get3A_115 = arith.constant 0 : index
      %get3A_116 = tpu.vector_load %arg13[%get3A_115] {strides = array<i32>} : memref<80xf32, #tpu.memory_space<vmem>>, vector<16xf32>,
      %get3A_117 = arith.constant 0 : i32
      %get3A_118 = arith.index_cast %get3A_117 : i32 to index
      %get3A_119 = arith.constant 0 : index
      %get3A_120 = tpu.vector_load %arg9[%get3A_118, %get3A_119] {strides = array<i32>} : memref<3x80xi32, #tpu.memory_space<vmem>>, vector<16xi32>,
      %add3A_121 = arith.addf %get3A_114, %get3A_116 : vector<16xf32>
      %ge3A = arith.constant 0.000000e+00 : f32
      %ge3A_122 = vector.broadcast %ge3A : f32 to vector<16xf32>
      %ge3A_123 = arith.cmpf oge, %add3A_121, %ge3A_122 : vector<16xf32>
      %mul3A_124 = arith.constant 2.000000e-01 : f32
      %mul3A_125 = vector.broadcast %mul3A_124 : f32 to vector<16xf32>
      %mul3A_126 = arith.mulf %mul3A_125, %add3A_121 : vector<16xf32>
      %select_n3A_127 = arith.select %ge3A_123, %add3A_121, %mul3A_126 : vector<16xi1>, vector<16xf32>
      %sub3A_128 = arith.subf %select_n3A_127, %get3A_27 : vector<16xf32>
      %exp3A = math.exp %sub3A_128 : vector<16xf32>
      %swap3A = arith.constant 0 : index
      %swap3A_129 = tpu.vector_load %arg15[%swap3A] {strides = array<i32>} : memref<80xf32, #tpu.memory_space<vmem>>, vector<16xf32>,
      tpu.vector_store %arg15[%swap3A], %exp3A {strides = array<i32>} : memref<80xf32, #tpu.memory_space<vmem>>, vector<16xf32>,
      tpu.vector_store_idx %arg20[%get3A_120], %exp3A {add = true} : memref<10240xf32, #tpu.memory_space<vmem>>[vector<16xi32>], vector<16xf32>,
      %get3A_130 = arith.constant 16 : index
      %get3A_131 = tpu.vector_load %arg11[%get3A_130] {strides = array<i32>} : memref<80xf32, #tpu.memory_space<vmem>>, vector<16xf32>,
      %get3A_132 = arith.constant 16 : index
      %get3A_133 = tpu.vector_load %arg13[%get3A_132] {strides = array<i32>} : memref<80xf32, #tpu.memory_space<vmem>>, vector<16xf32>,
      %get3A_134 = arith.constant 0 : i32
      %get3A_135 = arith.index_cast %get3A_134 : i32 to index
      %get3A_136 = arith.constant 16 : index
      %get3A_137 = tpu.vector_load %arg9[%get3A_135, %get3A_136] {strides = array<i32>} : memref<3x80xi32, #tpu.memory_space<vmem>>, vector<16xi32>,
      %add3A_138 = arith.addf %get3A_131, %get3A_133 : vector<16xf32>
      %ge3A_139 = arith.constant 0.000000e+00 : f32
      %ge3A_140 = vector.broadcast %ge3A_139 : f32 to vector<16xf32>
      %ge3A_141 = arith.cmpf oge, %add3A_138, %ge3A_140 : vector<16xf32>
      %mul3A_142 = arith.constant 2.000000e-01 : f32
      %mul3A_143 = vector.broadcast %mul3A_142 : f32 to vector<16xf32>
      %mul3A_144 = arith.mulf %mul3A_143, %add3A_138 : vector<16xf32>
      %select_n3A_145 = arith.select %ge3A_141, %add3A_138, %mul3A_144 : vector<16xi1>, vector<16xf32>
      %sub3A_146 = arith.subf %select_n3A_145, %get3A_27 : vector<16xf32>
      %exp3A_147 = math.exp %sub3A_146 : vector<16xf32>
      %swap3A_148 = arith.constant 16 : index
      %swap3A_149 = tpu.vector_load %arg15[%swap3A_148] {strides = array<i32>} : memref<80xf32, #tpu.memory_space<vmem>>, vector<16xf32>,
      tpu.vector_store %arg15[%swap3A_148], %exp3A_147 {strides = array<i32>} : memref<80xf32, #tpu.memory_space<vmem>>, vector<16xf32>,
      tpu.vector_store_idx %arg20[%get3A_137], %exp3A_147 {add = true} : memref<10240xf32, #tpu.memory_space<vmem>>[vector<16xi32>], vector<16xf32>,
      %get3A_150 = arith.constant 32 : index
      %get3A_151 = tpu.vector_load %arg11[%get3A_150] {strides = array<i32>} : memref<80xf32, #tpu.memory_space<vmem>>, vector<16xf32>,
      %get3A_152 = arith.constant 32 : index
      %get3A_153 = tpu.vector_load %arg13[%get3A_152] {strides = array<i32>} : memref<80xf32, #tpu.memory_space<vmem>>, vector<16xf32>,
      %get3A_154 = arith.constant 0 : i32
      %get3A_155 = arith.index_cast %get3A_154 : i32 to index
      %get3A_156 = arith.constant 32 : index
      %get3A_157 = tpu.vector_load %arg9[%get3A_155, %get3A_156] {strides = array<i32>} : memref<3x80xi32, #tpu.memory_space<vmem>>, vector<16xi32>,
      %add3A_158 = arith.addf %get3A_151, %get3A_153 : vector<16xf32>
      %ge3A_159 = arith.constant 0.000000e+00 : f32
      %ge3A_160 = vector.broadcast %ge3A_159 : f32 to vector<16xf32>
      %ge3A_161 = arith.cmpf oge, %add3A_158, %ge3A_160 : vector<16xf32>
      %mul3A_162 = arith.constant 2.000000e-01 : f32
      %mul3A_163 = vector.broadcast %mul3A_162 : f32 to vector<16xf32>
      %mul3A_164 = arith.mulf %mul3A_163, %add3A_158 : vector<16xf32>
      %select_n3A_165 = arith.select %ge3A_161, %add3A_158, %mul3A_164 : vector<16xi1>, vector<16xf32>
      %sub3A_166 = arith.subf %select_n3A_165, %get3A_27 : vector<16xf32>
      %exp3A_167 = math.exp %sub3A_166 : vector<16xf32>
      %swap3A_168 = arith.constant 32 : index
      %swap3A_169 = tpu.vector_load %arg15[%swap3A_168] {strides = array<i32>} : memref<80xf32, #tpu.memory_space<vmem>>, vector<16xf32>,
      tpu.vector_store %arg15[%swap3A_168], %exp3A_167 {strides = array<i32>} : memref<80xf32, #tpu.memory_space<vmem>>, vector<16xf32>,
      tpu.vector_store_idx %arg20[%get3A_157], %exp3A_167 {add = true} : memref<10240xf32, #tpu.memory_space<vmem>>[vector<16xi32>], vector<16xf32>,
      %get3A_170 = arith.constant 48 : index
      %get3A_171 = tpu.vector_load %arg11[%get3A_170] {strides = array<i32>} : memref<80xf32, #tpu.memory_space<vmem>>, vector<16xf32>,
      %get3A_172 = arith.constant 48 : index
      %get3A_173 = tpu.vector_load %arg13[%get3A_172] {strides = array<i32>} : memref<80xf32, #tpu.memory_space<vmem>>, vector<16xf32>,
      %get3A_174 = arith.constant 0 : i32
      %get3A_175 = arith.index_cast %get3A_174 : i32 to index
      %get3A_176 = arith.constant 48 : index
      %get3A_177 = tpu.vector_load %arg9[%get3A_175, %get3A_176] {strides = array<i32>} : memref<3x80xi32, #tpu.memory_space<vmem>>, vector<16xi32>,
      %add3A_178 = arith.addf %get3A_171, %get3A_173 : vector<16xf32>
      %ge3A_179 = arith.constant 0.000000e+00 : f32
      %ge3A_180 = vector.broadcast %ge3A_179 : f32 to vector<16xf32>
      %ge3A_181 = arith.cmpf oge, %add3A_178, %ge3A_180 : vector<16xf32>
      %mul3A_182 = arith.constant 2.000000e-01 : f32
      %mul3A_183 = vector.broadcast %mul3A_182 : f32 to vector<16xf32>
      %mul3A_184 = arith.mulf %mul3A_183, %add3A_178 : vector<16xf32>
      %select_n3A_185 = arith.select %ge3A_181, %add3A_178, %mul3A_184 : vector<16xi1>, vector<16xf32>
      %sub3A_186 = arith.subf %select_n3A_185, %get3A_27 : vector<16xf32>
      %exp3A_187 = math.exp %sub3A_186 : vector<16xf32>
      %swap3A_188 = arith.constant 48 : index
      %swap3A_189 = tpu.vector_load %arg15[%swap3A_188] {strides = array<i32>} : memref<80xf32, #tpu.memory_space<vmem>>, vector<16xf32>,
      tpu.vector_store %arg15[%swap3A_188], %exp3A_187 {strides = array<i32>} : memref<80xf32, #tpu.memory_space<vmem>>, vector<16xf32>,
      tpu.vector_store_idx %arg20[%get3A_177], %exp3A_187 {add = true} : memref<10240xf32, #tpu.memory_space<vmem>>[vector<16xi32>], vector<16xf32>,
      %get3A_190 = arith.constant 64 : index
      %get3A_191 = tpu.vector_load %arg11[%get3A_190] {strides = array<i32>} : memref<80xf32, #tpu.memory_space<vmem>>, vector<16xf32>,
      %get3A_192 = arith.constant 64 : index
      %get3A_193 = tpu.vector_load %arg13[%get3A_192] {strides = array<i32>} : memref<80xf32, #tpu.memory_space<vmem>>, vector<16xf32>,
      %get3A_194 = arith.constant 0 : i32
      %get3A_195 = arith.index_cast %get3A_194 : i32 to index
      %get3A_196 = arith.constant 64 : index
      %get3A_197 = tpu.vector_load %arg9[%get3A_195, %get3A_196] {strides = array<i32>} : memref<3x80xi32, #tpu.memory_space<vmem>>, vector<16xi32>,
      %add3A_198 = arith.addf %get3A_191, %get3A_193 : vector<16xf32>
      %ge3A_199 = arith.constant 0.000000e+00 : f32
      %ge3A_200 = vector.broadcast %ge3A_199 : f32 to vector<16xf32>
      %ge3A_201 = arith.cmpf oge, %add3A_198, %ge3A_200 : vector<16xf32>
      %mul3A_202 = arith.constant 2.000000e-01 : f32
      %mul3A_203 = vector.broadcast %mul3A_202 : f32 to vector<16xf32>
      %mul3A_204 = arith.mulf %mul3A_203, %add3A_198 : vector<16xf32>
      %select_n3A_205 = arith.select %ge3A_201, %add3A_198, %mul3A_204 : vector<16xi1>, vector<16xf32>
      %sub3A_206 = arith.subf %select_n3A_205, %get3A_27 : vector<16xf32>
      %exp3A_207 = math.exp %sub3A_206 : vector<16xf32>
      %swap3A_208 = arith.constant 64 : index
      %swap3A_209 = tpu.vector_load %arg15[%swap3A_208] {strides = array<i32>} : memref<80xf32, #tpu.memory_space<vmem>>, vector<16xf32>,
      tpu.vector_store %arg15[%swap3A_208], %exp3A_207 {strides = array<i32>} : memref<80xf32, #tpu.memory_space<vmem>>, vector<16xf32>,
      tpu.vector_store_idx %arg20[%get3A_197], %exp3A_207 {add = true} : memref<10240xf32, #tpu.memory_space<vmem>>[vector<16xi32>], vector<16xf32>,
      %dma_wait3A_210 = arith.constant 2 : i32
      %dma_wait3A_211 = arith.constant 0 : i32
      %dma_wait3A_212 = tpu.memref_slice %arg9[%dma_wait3A_210, %dma_wait3A_211] : memref<3x80xi32, #tpu.memory_space<vmem>> -> memref<1x80xi32, #tpu.memory_space<vmem>>
      %dma_wait3A_213 = tpu.memref_squeeze %dma_wait3A_212 : memref<1x80xi32, #tpu.memory_space<vmem>> -> memref<80xi32, #tpu.memory_space<vmem>>
      %dma_wait3A_214 = arith.constant 0 : i32
      %dma_wait3A_215 = arith.constant 0 : i32
      %dma_wait3A_216 = tpu.memref_slice %arg2[%dma_wait3A_214, %dma_wait3A_215] : memref<81920x128xf32, #tpu.memory_space<hbm>> -> memref<81920x128xf32, #tpu.memory_space<hbm>>
      tpu.wait_indirect_dma semaphore(%arg26 : memref<!tpu.dma_semaphore, #tpu.memory_space<semaphore_mem>>) src(%dma_wait3A_216 : memref<81920x128xf32, #tpu.memory_space<hbm>>) dst(%arg17 : memref<80x128xf32, #tpu.memory_space<vmem>>)
      %scan3A_217 = arith.constant 0 : i32
      %scan3A_218 = arith.constant 0 : i32
      %scan3A_219 = arith.constant 80 : i32
      %scan3A_220 = arith.addi %scan3A_218, %scan3A_219 : i32
      %scan3A_221 = arith.constant 1 : i32
      scf.for %scan3A_372 = %scan3A_218 to %scan3A_220 step %scan3A_221  : i32 {
        %broadcast_in_dim3A = vector.broadcast %scan3A_372 : i32 to vector<16xi32>
        %gather3A = tpu.vector_load_idx %arg15[%broadcast_in_dim3A] : memref<80xf32, #tpu.memory_space<vmem>>[vector<16xi32>], vector<16xf32>,
        %get3A_373 = arith.index_cast %scan3A_372 : i32 to index
        %get3A_374 = arith.constant 0 : index
        %get3A_375 = tpu.vector_load %arg17[%get3A_373, %get3A_374] {strides = array<i32>} : memref<80x128xf32, #tpu.memory_space<vmem>>, vector<16xf32>,
        %mul3A_376 = arith.mulf %get3A_375, %gather3A : vector<16xf32>
        %swap3A_377 = arith.index_cast %scan3A_372 : i32 to index
        %swap3A_378 = arith.constant 0 : index
        %swap3A_379 = tpu.vector_load %arg17[%swap3A_377, %swap3A_378] {strides = array<i32>} : memref<80x128xf32, #tpu.memory_space<vmem>>, vector<16xf32>,
        tpu.vector_store %arg17[%swap3A_377, %swap3A_378], %mul3A_376 {strides = array<i32>} : memref<80x128xf32, #tpu.memory_space<vmem>>, vector<16xf32>,
        %get3A_380 = arith.index_cast %scan3A_372 : i32 to index
        %get3A_381 = arith.constant 16 : index
        %get3A_382 = tpu.vector_load %arg17[%get3A_380, %get3A_381] {strides = array<i32>} : memref<80x128xf32, #tpu.memory_space<vmem>>, vector<16xf32>,
        %mul3A_383 = arith.mulf %get3A_382, %gather3A : vector<16xf32>
        %swap3A_384 = arith.index_cast %scan3A_372 : i32 to index
        %swap3A_385 = arith.constant 16 : index
        %swap3A_386 = tpu.vector_load %arg17[%swap3A_384, %swap3A_385] {strides = array<i32>} : memref<80x128xf32, #tpu.memory_space<vmem>>, vector<16xf32>,
        tpu.vector_store %arg17[%swap3A_384, %swap3A_385], %mul3A_383 {strides = array<i32>} : memref<80x128xf32, #tpu.memory_space<vmem>>, vector<16xf32>,
        %get3A_387 = arith.index_cast %scan3A_372 : i32 to index
        %get3A_388 = arith.constant 32 : index
        %get3A_389 = tpu.vector_load %arg17[%get3A_387, %get3A_388] {strides = array<i32>} : memref<80x128xf32, #tpu.memory_space<vmem>>, vector<16xf32>,
        %mul3A_390 = arith.mulf %get3A_389, %gather3A : vector<16xf32>
        %swap3A_391 = arith.index_cast %scan3A_372 : i32 to index
        %swap3A_392 = arith.constant 32 : index
        %swap3A_393 = tpu.vector_load %arg17[%swap3A_391, %swap3A_392] {strides = array<i32>} : memref<80x128xf32, #tpu.memory_space<vmem>>, vector<16xf32>,
        tpu.vector_store %arg17[%swap3A_391, %swap3A_392], %mul3A_390 {strides = array<i32>} : memref<80x128xf32, #tpu.memory_space<vmem>>, vector<16xf32>,
        %get3A_394 = arith.index_cast %scan3A_372 : i32 to index
        %get3A_395 = arith.constant 48 : index
        %get3A_396 = tpu.vector_load %arg17[%get3A_394, %get3A_395] {strides = array<i32>} : memref<80x128xf32, #tpu.memory_space<vmem>>, vector<16xf32>,
        %mul3A_397 = arith.mulf %get3A_396, %gather3A : vector<16xf32>
        %swap3A_398 = arith.index_cast %scan3A_372 : i32 to index
        %swap3A_399 = arith.constant 48 : index
        %swap3A_400 = tpu.vector_load %arg17[%swap3A_398, %swap3A_399] {strides = array<i32>} : memref<80x128xf32, #tpu.memory_space<vmem>>, vector<16xf32>,
        tpu.vector_store %arg17[%swap3A_398, %swap3A_399], %mul3A_397 {strides = array<i32>} : memref<80x128xf32, #tpu.memory_space<vmem>>, vector<16xf32>,
        %get3A_401 = arith.index_cast %scan3A_372 : i32 to index
        %get3A_402 = arith.constant 64 : index
        %get3A_403 = tpu.vector_load %arg17[%get3A_401, %get3A_402] {strides = array<i32>} : memref<80x128xf32, #tpu.memory_space<vmem>>, vector<16xf32>,
        %mul3A_404 = arith.mulf %get3A_403, %gather3A : vector<16xf32>
        %swap3A_405 = arith.index_cast %scan3A_372 : i32 to index
        %swap3A_406 = arith.constant 64 : index
        %swap3A_407 = tpu.vector_load %arg17[%swap3A_405, %swap3A_406] {strides = array<i32>} : memref<80x128xf32, #tpu.memory_space<vmem>>, vector<16xf32>,
        tpu.vector_store %arg17[%swap3A_405, %swap3A_406], %mul3A_404 {strides = array<i32>} : memref<80x128xf32, #tpu.memory_space<vmem>>, vector<16xf32>,
        %get3A_408 = arith.index_cast %scan3A_372 : i32 to index
        %get3A_409 = arith.constant 80 : index
        %get3A_410 = tpu.vector_load %arg17[%get3A_408, %get3A_409] {strides = array<i32>} : memref<80x128xf32, #tpu.memory_space<vmem>>, vector<16xf32>,
        %mul3A_411 = arith.mulf %get3A_410, %gather3A : vector<16xf32>
        %swap3A_412 = arith.index_cast %scan3A_372 : i32 to index
        %swap3A_413 = arith.constant 80 : index
        %swap3A_414 = tpu.vector_load %arg17[%swap3A_412, %swap3A_413] {strides = array<i32>} : memref<80x128xf32, #tpu.memory_space<vmem>>, vector<16xf32>,
        tpu.vector_store %arg17[%swap3A_412, %swap3A_413], %mul3A_411 {strides = array<i32>} : memref<80x128xf32, #tpu.memory_space<vmem>>, vector<16xf32>,
        %get3A_415 = arith.index_cast %scan3A_372 : i32 to index
        %get3A_416 = arith.constant 96 : index
        %get3A_417 = tpu.vector_load %arg17[%get3A_415, %get3A_416] {strides = array<i32>} : memref<80x128xf32, #tpu.memory_space<vmem>>, vector<16xf32>,
        %mul3A_418 = arith.mulf %get3A_417, %gather3A : vector<16xf32>
        %swap3A_419 = arith.index_cast %scan3A_372 : i32 to index
        %swap3A_420 = arith.constant 96 : index
        %swap3A_421 = tpu.vector_load %arg17[%swap3A_419, %swap3A_420] {strides = array<i32>} : memref<80x128xf32, #tpu.memory_space<vmem>>, vector<16xf32>,
        tpu.vector_store %arg17[%swap3A_419, %swap3A_420], %mul3A_418 {strides = array<i32>} : memref<80x128xf32, #tpu.memory_space<vmem>>, vector<16xf32>,
        %get3A_422 = arith.index_cast %scan3A_372 : i32 to index
        %get3A_423 = arith.constant 112 : index
        %get3A_424 = tpu.vector_load %arg17[%get3A_422, %get3A_423] {strides = array<i32>} : memref<80x128xf32, #tpu.memory_space<vmem>>, vector<16xf32>,
        %mul3A_425 = arith.mulf %get3A_424, %gather3A : vector<16xf32>
        %swap3A_426 = arith.index_cast %scan3A_372 : i32 to index
        %swap3A_427 = arith.constant 112 : index
        %swap3A_428 = tpu.vector_load %arg17[%swap3A_426, %swap3A_427] {strides = array<i32>} : memref<80x128xf32, #tpu.memory_space<vmem>>, vector<16xf32>,
        tpu.vector_store %arg17[%swap3A_426, %swap3A_427], %mul3A_425 {strides = array<i32>} : memref<80x128xf32, #tpu.memory_space<vmem>>, vector<16xf32>,
      }
      %scan3A_222 = arith.constant 80 : i32
      %dma_start3A_223 = arith.constant 0 : i32
      %dma_start3A_224 = arith.constant 0 : i32
      %dma_start3A_225 = tpu.memref_slice %arg9[%dma_start3A_223, %dma_start3A_224] : memref<3x80xi32, #tpu.memory_space<vmem>> -> memref<1x80xi32, #tpu.memory_space<vmem>>
      %dma_start3A_226 = tpu.memref_squeeze %dma_start3A_225 : memref<1x80xi32, #tpu.memory_space<vmem>> -> memref<80xi32, #tpu.memory_space<vmem>>
      %dma_start3A_227 = arith.constant 0 : i32
      %dma_start3A_228 = arith.constant 0 : i32
      %dma_start3A_229 = tpu.memref_slice %arg21[%dma_start3A_227, %dma_start3A_228] : memref<10240x128xf32, #tpu.memory_space<vmem_shared>> -> memref<10240x128xf32, #tpu.memory_space<vmem_shared>>
      tpu.enqueue_indirect_dma source(%arg17 : memref<80x128xf32, #tpu.memory_space<vmem>>) target(%dma_start3A_229 : memref<10240x128xf32, #tpu.memory_space<vmem_shared>>) offsets(%dma_start3A_226 : memref<80xi32, #tpu.memory_space<vmem>>) semaphore(%arg28 : memref<!tpu.dma_semaphore, #tpu.memory_space<semaphore_mem>>) {add = true}
      %mul3A_230 = arith.constant 2 : i32
      %mul3A_231 = arith.muli %while3A_93, %mul3A_230 : i32
      %add3A_232 = arith.constant 1 : i32
      %add3A_233 = arith.addi %mul3A_231, %add3A_232 : i32
      %add3A_234 = arith.constant 1 : i32
      %add3A_235 = arith.addi %add3A_233, %add3A_234 : i32
      %lt3A_236 = arith.cmpi slt, %add3A_235, %select_n3A : i32
      %convert_element_type3A_237 = arith.extui %lt3A_236 : i1 to i32
      %cond3A_238 = arith.constant 0 : i32
      %cond3A_239 = arith.cmpi ne, %convert_element_type3A_237, %cond3A_238 : i32
      scf.if %cond3A_239 {
        %add3A_372 = arith.addi %add3A_9, %add3A_233 : i32
        %add3A_373 = arith.constant 1 : i32
        %add3A_374 = arith.addi %add3A_372, %add3A_373 : i32
        "tpu.region"() ({
          %run_scoped3A = tpu.sem_alloc : memref<!tpu.dma_semaphore, #tpu.memory_space<semaphore_mem>>
          %dma_start3A_401 = arith.constant 0 : i32
          %dma_start3A_402 = arith.constant 0 : i32
          %dma_start3A_403 = tpu.memref_slice %arg5[%add3A_374, %dma_start3A_401, %dma_start3A_402] : memref<2048x3x80xi32, #tpu.memory_space<hbm>> -> memref<1x3x80xi32, #tpu.memory_space<hbm>>
          %dma_start3A_404 = tpu.memref_squeeze %dma_start3A_403 : memref<1x3x80xi32, #tpu.memory_space<hbm>> -> memref<3x80xi32, #tpu.memory_space<hbm>>
          %dma_start3A_405 = arith.constant 0 : i32
          %dma_start3A_406 = arith.constant 0 : i32
          %dma_start3A_407 = tpu.memref_slice %arg5[%add3A_374, %dma_start3A_405, %dma_start3A_406] : memref<2048x3x80xi32, #tpu.memory_space<hbm>> -> memref<1x3x80xi32, #tpu.memory_space<hbm>>
          %dma_start3A_408 = tpu.memref_squeeze %dma_start3A_407 : memref<1x3x80xi32, #tpu.memory_space<hbm>> -> memref<3x80xi32, #tpu.memory_space<hbm>>
          tpu.enqueue_dma source(%dma_start3A_408 : memref<3x80xi32, #tpu.memory_space<hbm>>) target(%arg9 : memref<3x80xi32, #tpu.memory_space<vmem>>) target_semaphore(%run_scoped3A : memref<!tpu.dma_semaphore, #tpu.memory_space<semaphore_mem>>)
          %dma_wait3A_409 = arith.constant 0 : i32
          %dma_wait3A_410 = arith.constant 0 : i32
          %dma_wait3A_411 = tpu.memref_slice %arg5[%add3A_374, %dma_wait3A_409, %dma_wait3A_410] : memref<2048x3x80xi32, #tpu.memory_space<hbm>> -> memref<1x3x80xi32, #tpu.memory_space<hbm>>
          %dma_wait3A_412 = tpu.memref_squeeze %dma_wait3A_411 : memref<1x3x80xi32, #tpu.memory_space<hbm>> -> memref<3x80xi32, #tpu.memory_space<hbm>>
          %dma_wait3A_413 = arith.constant 0 : i32
          %dma_wait3A_414 = arith.constant 0 : i32
          %dma_wait3A_415 = tpu.memref_slice %arg5[%add3A_374, %dma_wait3A_413, %dma_wait3A_414] : memref<2048x3x80xi32, #tpu.memory_space<hbm>> -> memref<1x3x80xi32, #tpu.memory_space<hbm>>
          %dma_wait3A_416 = tpu.memref_squeeze %dma_wait3A_415 : memref<1x3x80xi32, #tpu.memory_space<hbm>> -> memref<3x80xi32, #tpu.memory_space<hbm>>
          tpu.wait_dma2 semaphore(%run_scoped3A : memref<!tpu.dma_semaphore, #tpu.memory_space<semaphore_mem>>) src(%dma_wait3A_416 : memref<3x80xi32, #tpu.memory_space<hbm>>) dst(%arg9 : memref<3x80xi32, #tpu.memory_space<vmem>>)
          tpu.yield
        }) : () -> ()
        %ge3A_375 = arith.constant 1 : i32
        %ge3A_376 = arith.cmpi sge, %add3A_233, %ge3A_375 : i32
        %convert_element_type3A_377 = arith.extui %ge3A_376 : i1 to i32
        %cond3A_378 = arith.constant 0 : i32
        %cond3A_379 = arith.cmpi ne, %convert_element_type3A_377, %cond3A_378 : i32
        scf.if %cond3A_379 {
          %dma_wait3A_401 = arith.constant 0 : i32
          %dma_wait3A_402 = arith.constant 0 : i32
          %dma_wait3A_403 = tpu.memref_slice %arg9[%dma_wait3A_401, %dma_wait3A_402] : memref<3x80xi32, #tpu.memory_space<vmem>> -> memref<1x80xi32, #tpu.memory_space<vmem>>
          %dma_wait3A_404 = tpu.memref_squeeze %dma_wait3A_403 : memref<1x80xi32, #tpu.memory_space<vmem>> -> memref<80xi32, #tpu.memory_space<vmem>>
          %dma_wait3A_405 = arith.constant 0 : i32
          %dma_wait3A_406 = arith.constant 0 : i32
          %dma_wait3A_407 = tpu.memref_slice %arg21[%dma_wait3A_405, %dma_wait3A_406] : memref<10240x128xf32, #tpu.memory_space<vmem_shared>> -> memref<10240x128xf32, #tpu.memory_space<vmem_shared>>
          tpu.wait_indirect_dma semaphore(%arg28 : memref<!tpu.dma_semaphore, #tpu.memory_space<semaphore_mem>>) src(%arg17 : memref<80x128xf32, #tpu.memory_space<vmem>>) dst(%dma_wait3A_407 : memref<10240x128xf32, #tpu.memory_space<vmem_shared>>)
        } else {
        }
        %add3A_380 = arith.constant 1 : i32
        %add3A_381 = arith.addi %add3A_233, %add3A_380 : i32
        %dma_start3A_382 = arith.constant 0 : i32
        %dma_start3A_383 = arith.constant 0 : i32
        %dma_start3A_384 = tpu.memref_slice %arg9[%dma_start3A_382, %dma_start3A_383] : memref<3x80xi32, #tpu.memory_space<vmem>> -> memref<1x80xi32, #tpu.memory_space<vmem>>
        %dma_start3A_385 = tpu.memref_squeeze %dma_start3A_384 : memref<1x80xi32, #tpu.memory_space<vmem>> -> memref<80xi32, #tpu.memory_space<vmem>>
        %dma_start3A_386 = arith.constant 0 : i32
        %dma_start3A_387 = tpu.memref_slice %arg3[%dma_start3A_386] : memref<10240xf32, #tpu.memory_space<hbm>> -> memref<10240xf32, #tpu.memory_space<hbm>>
        tpu.enqueue_indirect_dma source(%dma_start3A_387 : memref<10240xf32, #tpu.memory_space<hbm>>) target(%arg11 : memref<80xf32, #tpu.memory_space<vmem>>) offsets(%dma_start3A_385 : memref<80xi32, #tpu.memory_space<vmem>>) semaphore(%arg22 : memref<!tpu.dma_semaphore, #tpu.memory_space<semaphore_mem>>)
        %dma_start3A_388 = arith.constant 1 : i32
        %dma_start3A_389 = arith.constant 0 : i32
        %dma_start3A_390 = tpu.memref_slice %arg9[%dma_start3A_388, %dma_start3A_389] : memref<3x80xi32, #tpu.memory_space<vmem>> -> memref<1x80xi32, #tpu.memory_space<vmem>>
        %dma_start3A_391 = tpu.memref_squeeze %dma_start3A_390 : memref<1x80xi32, #tpu.memory_space<vmem>> -> memref<80xi32, #tpu.memory_space<vmem>>
        %dma_start3A_392 = arith.constant 0 : i32
        %dma_start3A_393 = tpu.memref_slice %arg4[%dma_start3A_392] : memref<81920xf32, #tpu.memory_space<hbm>> -> memref<81920xf32, #tpu.memory_space<hbm>>
        tpu.enqueue_indirect_dma source(%dma_start3A_393 : memref<81920xf32, #tpu.memory_space<hbm>>) target(%arg13 : memref<80xf32, #tpu.memory_space<vmem>>) offsets(%dma_start3A_391 : memref<80xi32, #tpu.memory_space<vmem>>) semaphore(%arg24 : memref<!tpu.dma_semaphore, #tpu.memory_space<semaphore_mem>>)
        %dma_start3A_394 = arith.constant 2 : i32
        %dma_start3A_395 = arith.constant 0 : i32
        %dma_start3A_396 = tpu.memref_slice %arg9[%dma_start3A_394, %dma_start3A_395] : memref<3x80xi32, #tpu.memory_space<vmem>> -> memref<1x80xi32, #tpu.memory_space<vmem>>
        %dma_start3A_397 = tpu.memref_squeeze %dma_start3A_396 : memref<1x80xi32, #tpu.memory_space<vmem>> -> memref<80xi32, #tpu.memory_space<vmem>>
        %dma_start3A_398 = arith.constant 0 : i32
        %dma_start3A_399 = arith.constant 0 : i32
        %dma_start3A_400 = tpu.memref_slice %arg2[%dma_start3A_398, %dma_start3A_399] : memref<81920x128xf32, #tpu.memory_space<hbm>> -> memref<81920x128xf32, #tpu.memory_space<hbm>>
        tpu.enqueue_indirect_dma source(%dma_start3A_400 : memref<81920x128xf32, #tpu.memory_space<hbm>>) target(%arg17 : memref<80x128xf32, #tpu.memory_space<vmem>>) offsets(%dma_start3A_397 : memref<80xi32, #tpu.memory_space<vmem>>) semaphore(%arg26 : memref<!tpu.dma_semaphore, #tpu.memory_space<semaphore_mem>>)
      } else {
      }
      %dma_wait3A_240 = arith.constant 0 : i32
      %dma_wait3A_241 = arith.constant 0 : i32
      %dma_wait3A_242 = tpu.memref_slice %arg10[%dma_wait3A_240, %dma_wait3A_241] : memref<3x80xi32, #tpu.memory_space<vmem>> -> memref<1x80xi32, #tpu.memory_space<vmem>>
      %dma_wait3A_243 = tpu.memref_squeeze %dma_wait3A_242 : memref<1x80xi32, #tpu.memory_space<vmem>> -> memref<80xi32, #tpu.memory_space<vmem>>
      %dma_wait3A_244 = arith.constant 0 : i32
      %dma_wait3A_245 = tpu.memref_slice %arg3[%dma_wait3A_244] : memref<10240xf32, #tpu.memory_space<hbm>> -> memref<10240xf32, #tpu.memory_space<hbm>>
      tpu.wait_indirect_dma semaphore(%arg23 : memref<!tpu.dma_semaphore, #tpu.memory_space<semaphore_mem>>) src(%dma_wait3A_245 : memref<10240xf32, #tpu.memory_space<hbm>>) dst(%arg12 : memref<80xf32, #tpu.memory_space<vmem>>)
      %dma_wait3A_246 = arith.constant 1 : i32
      %dma_wait3A_247 = arith.constant 0 : i32
      %dma_wait3A_248 = tpu.memref_slice %arg10[%dma_wait3A_246, %dma_wait3A_247] : memref<3x80xi32, #tpu.memory_space<vmem>> -> memref<1x80xi32, #tpu.memory_space<vmem>>
      %dma_wait3A_249 = tpu.memref_squeeze %dma_wait3A_248 : memref<1x80xi32, #tpu.memory_space<vmem>> -> memref<80xi32, #tpu.memory_space<vmem>>
      %dma_wait3A_250 = arith.constant 0 : i32
      %dma_wait3A_251 = tpu.memref_slice %arg4[%dma_wait3A_250] : memref<81920xf32, #tpu.memory_space<hbm>> -> memref<81920xf32, #tpu.memory_space<hbm>>
      tpu.wait_indirect_dma semaphore(%arg25 : memref<!tpu.dma_semaphore, #tpu.memory_space<semaphore_mem>>) src(%dma_wait3A_251 : memref<81920xf32, #tpu.memory_space<hbm>>) dst(%arg14 : memref<80xf32, #tpu.memory_space<vmem>>)
      %get3A_252 = arith.constant 0 : index
      %get3A_253 = tpu.vector_load %arg12[%get3A_252] {strides = array<i32>} : memref<80xf32, #tpu.memory_space<vmem>>, vector<16xf32>,
      %get3A_254 = arith.constant 0 : index
      %get3A_255 = tpu.vector_load %arg14[%get3A_254] {strides = array<i32>} : memref<80xf32, #tpu.memory_space<vmem>>, vector<16xf32>,
      %get3A_256 = arith.constant 0 : i32
      %get3A_257 = arith.index_cast %get3A_256 : i32 to index
      %get3A_258 = arith.constant 0 : index
      %get3A_259 = tpu.vector_load %arg10[%get3A_257, %get3A_258] {strides = array<i32>} : memref<3x80xi32, #tpu.memory_space<vmem>>, vector<16xi32>,
      %add3A_260 = arith.addf %get3A_253, %get3A_255 : vector<16xf32>
      %ge3A_261 = arith.constant 0.000000e+00 : f32
      %ge3A_262 = vector.broadcast %ge3A_261 : f32 to vector<16xf32>
      %ge3A_263 = arith.cmpf oge, %add3A_260, %ge3A_262 : vector<16xf32>
      %mul3A_264 = arith.constant 2.000000e-01 : f32
      %mul3A_265 = vector.broadcast %mul3A_264 : f32 to vector<16xf32>
      %mul3A_266 = arith.mulf %mul3A_265, %add3A_260 : vector<16xf32>
      %select_n3A_267 = arith.select %ge3A_263, %add3A_260, %mul3A_266 : vector<16xi1>, vector<16xf32>
      %sub3A_268 = arith.subf %select_n3A_267, %get3A_27 : vector<16xf32>
      %exp3A_269 = math.exp %sub3A_268 : vector<16xf32>
      %swap3A_270 = arith.constant 0 : index
      %swap3A_271 = tpu.vector_load %arg16[%swap3A_270] {strides = array<i32>} : memref<80xf32, #tpu.memory_space<vmem>>, vector<16xf32>,
      tpu.vector_store %arg16[%swap3A_270], %exp3A_269 {strides = array<i32>} : memref<80xf32, #tpu.memory_space<vmem>>, vector<16xf32>,
      tpu.vector_store_idx %arg20[%get3A_259], %exp3A_269 {add = true} : memref<10240xf32, #tpu.memory_space<vmem>>[vector<16xi32>], vector<16xf32>,
      %get3A_272 = arith.constant 16 : index
      %get3A_273 = tpu.vector_load %arg12[%get3A_272] {strides = array<i32>} : memref<80xf32, #tpu.memory_space<vmem>>, vector<16xf32>,
      %get3A_274 = arith.constant 16 : index
      %get3A_275 = tpu.vector_load %arg14[%get3A_274] {strides = array<i32>} : memref<80xf32, #tpu.memory_space<vmem>>, vector<16xf32>,
      %get3A_276 = arith.constant 0 : i32
      %get3A_277 = arith.index_cast %get3A_276 : i32 to index
      %get3A_278 = arith.constant 16 : index
      %get3A_279 = tpu.vector_load %arg10[%get3A_277, %get3A_278] {strides = array<i32>} : memref<3x80xi32, #tpu.memory_space<vmem>>, vector<16xi32>,
      %add3A_280 = arith.addf %get3A_273, %get3A_275 : vector<16xf32>
      %ge3A_281 = arith.constant 0.000000e+00 : f32
      %ge3A_282 = vector.broadcast %ge3A_281 : f32 to vector<16xf32>
      %ge3A_283 = arith.cmpf oge, %add3A_280, %ge3A_282 : vector<16xf32>
      %mul3A_284 = arith.constant 2.000000e-01 : f32
      %mul3A_285 = vector.broadcast %mul3A_284 : f32 to vector<16xf32>
      %mul3A_286 = arith.mulf %mul3A_285, %add3A_280 : vector<16xf32>
      %select_n3A_287 = arith.select %ge3A_283, %add3A_280, %mul3A_286 : vector<16xi1>, vector<16xf32>
      %sub3A_288 = arith.subf %select_n3A_287, %get3A_27 : vector<16xf32>
      %exp3A_289 = math.exp %sub3A_288 : vector<16xf32>
      %swap3A_290 = arith.constant 16 : index
      %swap3A_291 = tpu.vector_load %arg16[%swap3A_290] {strides = array<i32>} : memref<80xf32, #tpu.memory_space<vmem>>, vector<16xf32>,
      tpu.vector_store %arg16[%swap3A_290], %exp3A_289 {strides = array<i32>} : memref<80xf32, #tpu.memory_space<vmem>>, vector<16xf32>,
      tpu.vector_store_idx %arg20[%get3A_279], %exp3A_289 {add = true} : memref<10240xf32, #tpu.memory_space<vmem>>[vector<16xi32>], vector<16xf32>,
      %get3A_292 = arith.constant 32 : index
      %get3A_293 = tpu.vector_load %arg12[%get3A_292] {strides = array<i32>} : memref<80xf32, #tpu.memory_space<vmem>>, vector<16xf32>,
      %get3A_294 = arith.constant 32 : index
      %get3A_295 = tpu.vector_load %arg14[%get3A_294] {strides = array<i32>} : memref<80xf32, #tpu.memory_space<vmem>>, vector<16xf32>,
      %get3A_296 = arith.constant 0 : i32
      %get3A_297 = arith.index_cast %get3A_296 : i32 to index
      %get3A_298 = arith.constant 32 : index
      %get3A_299 = tpu.vector_load %arg10[%get3A_297, %get3A_298] {strides = array<i32>} : memref<3x80xi32, #tpu.memory_space<vmem>>, vector<16xi32>,
      %add3A_300 = arith.addf %get3A_293, %get3A_295 : vector<16xf32>
      %ge3A_301 = arith.constant 0.000000e+00 : f32
      %ge3A_302 = vector.broadcast %ge3A_301 : f32 to vector<16xf32>
      %ge3A_303 = arith.cmpf oge, %add3A_300, %ge3A_302 : vector<16xf32>
      %mul3A_304 = arith.constant 2.000000e-01 : f32
      %mul3A_305 = vector.broadcast %mul3A_304 : f32 to vector<16xf32>
      %mul3A_306 = arith.mulf %mul3A_305, %add3A_300 : vector<16xf32>
      %select_n3A_307 = arith.select %ge3A_303, %add3A_300, %mul3A_306 : vector<16xi1>, vector<16xf32>
      %sub3A_308 = arith.subf %select_n3A_307, %get3A_27 : vector<16xf32>
      %exp3A_309 = math.exp %sub3A_308 : vector<16xf32>
      %swap3A_310 = arith.constant 32 : index
      %swap3A_311 = tpu.vector_load %arg16[%swap3A_310] {strides = array<i32>} : memref<80xf32, #tpu.memory_space<vmem>>, vector<16xf32>,
      tpu.vector_store %arg16[%swap3A_310], %exp3A_309 {strides = array<i32>} : memref<80xf32, #tpu.memory_space<vmem>>, vector<16xf32>,
      tpu.vector_store_idx %arg20[%get3A_299], %exp3A_309 {add = true} : memref<10240xf32, #tpu.memory_space<vmem>>[vector<16xi32>], vector<16xf32>,
      %get3A_312 = arith.constant 48 : index
      %get3A_313 = tpu.vector_load %arg12[%get3A_312] {strides = array<i32>} : memref<80xf32, #tpu.memory_space<vmem>>, vector<16xf32>,
      %get3A_314 = arith.constant 48 : index
      %get3A_315 = tpu.vector_load %arg14[%get3A_314] {strides = array<i32>} : memref<80xf32, #tpu.memory_space<vmem>>, vector<16xf32>,
      %get3A_316 = arith.constant 0 : i32
      %get3A_317 = arith.index_cast %get3A_316 : i32 to index
      %get3A_318 = arith.constant 48 : index
      %get3A_319 = tpu.vector_load %arg10[%get3A_317, %get3A_318] {strides = array<i32>} : memref<3x80xi32, #tpu.memory_space<vmem>>, vector<16xi32>,
      %add3A_320 = arith.addf %get3A_313, %get3A_315 : vector<16xf32>
      %ge3A_321 = arith.constant 0.000000e+00 : f32
      %ge3A_322 = vector.broadcast %ge3A_321 : f32 to vector<16xf32>
      %ge3A_323 = arith.cmpf oge, %add3A_320, %ge3A_322 : vector<16xf32>
      %mul3A_324 = arith.constant 2.000000e-01 : f32
      %mul3A_325 = vector.broadcast %mul3A_324 : f32 to vector<16xf32>
      %mul3A_326 = arith.mulf %mul3A_325, %add3A_320 : vector<16xf32>
      %select_n3A_327 = arith.select %ge3A_323, %add3A_320, %mul3A_326 : vector<16xi1>, vector<16xf32>
      %sub3A_328 = arith.subf %select_n3A_327, %get3A_27 : vector<16xf32>
      %exp3A_329 = math.exp %sub3A_328 : vector<16xf32>
      %swap3A_330 = arith.constant 48 : index
      %swap3A_331 = tpu.vector_load %arg16[%swap3A_330] {strides = array<i32>} : memref<80xf32, #tpu.memory_space<vmem>>, vector<16xf32>,
      tpu.vector_store %arg16[%swap3A_330], %exp3A_329 {strides = array<i32>} : memref<80xf32, #tpu.memory_space<vmem>>, vector<16xf32>,
      tpu.vector_store_idx %arg20[%get3A_319], %exp3A_329 {add = true} : memref<10240xf32, #tpu.memory_space<vmem>>[vector<16xi32>], vector<16xf32>,
      %get3A_332 = arith.constant 64 : index
      %get3A_333 = tpu.vector_load %arg12[%get3A_332] {strides = array<i32>} : memref<80xf32, #tpu.memory_space<vmem>>, vector<16xf32>,
      %get3A_334 = arith.constant 64 : index
      %get3A_335 = tpu.vector_load %arg14[%get3A_334] {strides = array<i32>} : memref<80xf32, #tpu.memory_space<vmem>>, vector<16xf32>,
      %get3A_336 = arith.constant 0 : i32
      %get3A_337 = arith.index_cast %get3A_336 : i32 to index
      %get3A_338 = arith.constant 64 : index
      %get3A_339 = tpu.vector_load %arg10[%get3A_337, %get3A_338] {strides = array<i32>} : memref<3x80xi32, #tpu.memory_space<vmem>>, vector<16xi32>,
      %add3A_340 = arith.addf %get3A_333, %get3A_335 : vector<16xf32>
      %ge3A_341 = arith.constant 0.000000e+00 : f32
      %ge3A_342 = vector.broadcast %ge3A_341 : f32 to vector<16xf32>
      %ge3A_343 = arith.cmpf oge, %add3A_340, %ge3A_342 : vector<16xf32>
      %mul3A_344 = arith.constant 2.000000e-01 : f32
      %mul3A_345 = vector.broadcast %mul3A_344 : f32 to vector<16xf32>
      %mul3A_346 = arith.mulf %mul3A_345, %add3A_340 : vector<16xf32>
      %select_n3A_347 = arith.select %ge3A_343, %add3A_340, %mul3A_346 : vector<16xi1>, vector<16xf32>
      %sub3A_348 = arith.subf %select_n3A_347, %get3A_27 : vector<16xf32>
      %exp3A_349 = math.exp %sub3A_348 : vector<16xf32>
      %swap3A_350 = arith.constant 64 : index
      %swap3A_351 = tpu.vector_load %arg16[%swap3A_350] {strides = array<i32>} : memref<80xf32, #tpu.memory_space<vmem>>, vector<16xf32>,
      tpu.vector_store %arg16[%swap3A_350], %exp3A_349 {strides = array<i32>} : memref<80xf32, #tpu.memory_space<vmem>>, vector<16xf32>,
      tpu.vector_store_idx %arg20[%get3A_339], %exp3A_349 {add = true} : memref<10240xf32, #tpu.memory_space<vmem>>[vector<16xi32>], vector<16xf32>,
      %dma_wait3A_352 = arith.constant 2 : i32
      %dma_wait3A_353 = arith.constant 0 : i32
      %dma_wait3A_354 = tpu.memref_slice %arg10[%dma_wait3A_352, %dma_wait3A_353] : memref<3x80xi32, #tpu.memory_space<vmem>> -> memref<1x80xi32, #tpu.memory_space<vmem>>
      %dma_wait3A_355 = tpu.memref_squeeze %dma_wait3A_354 : memref<1x80xi32, #tpu.memory_space<vmem>> -> memref<80xi32, #tpu.memory_space<vmem>>
      %dma_wait3A_356 = arith.constant 0 : i32
      %dma_wait3A_357 = arith.constant 0 : i32
      %dma_wait3A_358 = tpu.memref_slice %arg2[%dma_wait3A_356, %dma_wait3A_357] : memref<81920x128xf32, #tpu.memory_space<hbm>> -> memref<81920x128xf32, #tpu.memory_space<hbm>>
      tpu.wait_indirect_dma semaphore(%arg27 : memref<!tpu.dma_semaphore, #tpu.memory_space<semaphore_mem>>) src(%dma_wait3A_358 : memref<81920x128xf32, #tpu.memory_space<hbm>>) dst(%arg18 : memref<80x128xf32, #tpu.memory_space<vmem>>)
      %scan3A_359 = arith.constant 0 : i32
      %scan3A_360 = arith.constant 0 : i32
      %scan3A_361 = arith.constant 80 : i32
      %scan3A_362 = arith.addi %scan3A_360, %scan3A_361 : i32
      %scan3A_363 = arith.constant 1 : i32
      scf.for %scan3A_372 = %scan3A_360 to %scan3A_362 step %scan3A_363  : i32 {
        %broadcast_in_dim3A = vector.broadcast %scan3A_372 : i32 to vector<16xi32>
        %gather3A = tpu.vector_load_idx %arg16[%broadcast_in_dim3A] : memref<80xf32, #tpu.memory_space<vmem>>[vector<16xi32>], vector<16xf32>,
        %get3A_373 = arith.index_cast %scan3A_372 : i32 to index
        %get3A_374 = arith.constant 0 : index
        %get3A_375 = tpu.vector_load %arg18[%get3A_373, %get3A_374] {strides = array<i32>} : memref<80x128xf32, #tpu.memory_space<vmem>>, vector<16xf32>,
        %mul3A_376 = arith.mulf %get3A_375, %gather3A : vector<16xf32>
        %swap3A_377 = arith.index_cast %scan3A_372 : i32 to index
        %swap3A_378 = arith.constant 0 : index
        %swap3A_379 = tpu.vector_load %arg18[%swap3A_377, %swap3A_378] {strides = array<i32>} : memref<80x128xf32, #tpu.memory_space<vmem>>, vector<16xf32>,
        tpu.vector_store %arg18[%swap3A_377, %swap3A_378], %mul3A_376 {strides = array<i32>} : memref<80x128xf32, #tpu.memory_space<vmem>>, vector<16xf32>,
        %get3A_380 = arith.index_cast %scan3A_372 : i32 to index
        %get3A_381 = arith.constant 16 : index
        %get3A_382 = tpu.vector_load %arg18[%get3A_380, %get3A_381] {strides = array<i32>} : memref<80x128xf32, #tpu.memory_space<vmem>>, vector<16xf32>,
        %mul3A_383 = arith.mulf %get3A_382, %gather3A : vector<16xf32>
        %swap3A_384 = arith.index_cast %scan3A_372 : i32 to index
        %swap3A_385 = arith.constant 16 : index
        %swap3A_386 = tpu.vector_load %arg18[%swap3A_384, %swap3A_385] {strides = array<i32>} : memref<80x128xf32, #tpu.memory_space<vmem>>, vector<16xf32>,
        tpu.vector_store %arg18[%swap3A_384, %swap3A_385], %mul3A_383 {strides = array<i32>} : memref<80x128xf32, #tpu.memory_space<vmem>>, vector<16xf32>,
        %get3A_387 = arith.index_cast %scan3A_372 : i32 to index
        %get3A_388 = arith.constant 32 : index
        %get3A_389 = tpu.vector_load %arg18[%get3A_387, %get3A_388] {strides = array<i32>} : memref<80x128xf32, #tpu.memory_space<vmem>>, vector<16xf32>,
        %mul3A_390 = arith.mulf %get3A_389, %gather3A : vector<16xf32>
        %swap3A_391 = arith.index_cast %scan3A_372 : i32 to index
        %swap3A_392 = arith.constant 32 : index
        %swap3A_393 = tpu.vector_load %arg18[%swap3A_391, %swap3A_392] {strides = array<i32>} : memref<80x128xf32, #tpu.memory_space<vmem>>, vector<16xf32>,
        tpu.vector_store %arg18[%swap3A_391, %swap3A_392], %mul3A_390 {strides = array<i32>} : memref<80x128xf32, #tpu.memory_space<vmem>>, vector<16xf32>,
        %get3A_394 = arith.index_cast %scan3A_372 : i32 to index
        %get3A_395 = arith.constant 48 : index
        %get3A_396 = tpu.vector_load %arg18[%get3A_394, %get3A_395] {strides = array<i32>} : memref<80x128xf32, #tpu.memory_space<vmem>>, vector<16xf32>,
        %mul3A_397 = arith.mulf %get3A_396, %gather3A : vector<16xf32>
        %swap3A_398 = arith.index_cast %scan3A_372 : i32 to index
        %swap3A_399 = arith.constant 48 : index
        %swap3A_400 = tpu.vector_load %arg18[%swap3A_398, %swap3A_399] {strides = array<i32>} : memref<80x128xf32, #tpu.memory_space<vmem>>, vector<16xf32>,
        tpu.vector_store %arg18[%swap3A_398, %swap3A_399], %mul3A_397 {strides = array<i32>} : memref<80x128xf32, #tpu.memory_space<vmem>>, vector<16xf32>,
        %get3A_401 = arith.index_cast %scan3A_372 : i32 to index
        %get3A_402 = arith.constant 64 : index
        %get3A_403 = tpu.vector_load %arg18[%get3A_401, %get3A_402] {strides = array<i32>} : memref<80x128xf32, #tpu.memory_space<vmem>>, vector<16xf32>,
        %mul3A_404 = arith.mulf %get3A_403, %gather3A : vector<16xf32>
        %swap3A_405 = arith.index_cast %scan3A_372 : i32 to index
        %swap3A_406 = arith.constant 64 : index
        %swap3A_407 = tpu.vector_load %arg18[%swap3A_405, %swap3A_406] {strides = array<i32>} : memref<80x128xf32, #tpu.memory_space<vmem>>, vector<16xf32>,
        tpu.vector_store %arg18[%swap3A_405, %swap3A_406], %mul3A_404 {strides = array<i32>} : memref<80x128xf32, #tpu.memory_space<vmem>>, vector<16xf32>,
        %get3A_408 = arith.index_cast %scan3A_372 : i32 to index
        %get3A_409 = arith.constant 80 : index
        %get3A_410 = tpu.vector_load %arg18[%get3A_408, %get3A_409] {strides = array<i32>} : memref<80x128xf32, #tpu.memory_space<vmem>>, vector<16xf32>,
        %mul3A_411 = arith.mulf %get3A_410, %gather3A : vector<16xf32>
        %swap3A_412 = arith.index_cast %scan3A_372 : i32 to index
        %swap3A_413 = arith.constant 80 : index
        %swap3A_414 = tpu.vector_load %arg18[%swap3A_412, %swap3A_413] {strides = array<i32>} : memref<80x128xf32, #tpu.memory_space<vmem>>, vector<16xf32>,
        tpu.vector_store %arg18[%swap3A_412, %swap3A_413], %mul3A_411 {strides = array<i32>} : memref<80x128xf32, #tpu.memory_space<vmem>>, vector<16xf32>,
        %get3A_415 = arith.index_cast %scan3A_372 : i32 to index
        %get3A_416 = arith.constant 96 : index
        %get3A_417 = tpu.vector_load %arg18[%get3A_415, %get3A_416] {strides = array<i32>} : memref<80x128xf32, #tpu.memory_space<vmem>>, vector<16xf32>,
        %mul3A_418 = arith.mulf %get3A_417, %gather3A : vector<16xf32>
        %swap3A_419 = arith.index_cast %scan3A_372 : i32 to index
        %swap3A_420 = arith.constant 96 : index
        %swap3A_421 = tpu.vector_load %arg18[%swap3A_419, %swap3A_420] {strides = array<i32>} : memref<80x128xf32, #tpu.memory_space<vmem>>, vector<16xf32>,
        tpu.vector_store %arg18[%swap3A_419, %swap3A_420], %mul3A_418 {strides = array<i32>} : memref<80x128xf32, #tpu.memory_space<vmem>>, vector<16xf32>,
        %get3A_422 = arith.index_cast %scan3A_372 : i32 to index
        %get3A_423 = arith.constant 112 : index
        %get3A_424 = tpu.vector_load %arg18[%get3A_422, %get3A_423] {strides = array<i32>} : memref<80x128xf32, #tpu.memory_space<vmem>>, vector<16xf32>,
        %mul3A_425 = arith.mulf %get3A_424, %gather3A : vector<16xf32>
        %swap3A_426 = arith.index_cast %scan3A_372 : i32 to index
        %swap3A_427 = arith.constant 112 : index
        %swap3A_428 = tpu.vector_load %arg18[%swap3A_426, %swap3A_427] {strides = array<i32>} : memref<80x128xf32, #tpu.memory_space<vmem>>, vector<16xf32>,
        tpu.vector_store %arg18[%swap3A_426, %swap3A_427], %mul3A_425 {strides = array<i32>} : memref<80x128xf32, #tpu.memory_space<vmem>>, vector<16xf32>,
      }
      %scan3A_364 = arith.constant 80 : i32
      %dma_start3A_365 = arith.constant 0 : i32
      %dma_start3A_366 = arith.constant 0 : i32
      %dma_start3A_367 = tpu.memref_slice %arg10[%dma_start3A_365, %dma_start3A_366] : memref<3x80xi32, #tpu.memory_space<vmem>> -> memref<1x80xi32, #tpu.memory_space<vmem>>
      %dma_start3A_368 = tpu.memref_squeeze %dma_start3A_367 : memref<1x80xi32, #tpu.memory_space<vmem>> -> memref<80xi32, #tpu.memory_space<vmem>>
      %dma_start3A_369 = arith.constant 0 : i32
      %dma_start3A_370 = arith.constant 0 : i32
      %dma_start3A_371 = tpu.memref_slice %arg21[%dma_start3A_369, %dma_start3A_370] : memref<10240x128xf32, #tpu.memory_space<vmem_shared>> -> memref<10240x128xf32, #tpu.memory_space<vmem_shared>>
      tpu.enqueue_indirect_dma source(%arg18 : memref<80x128xf32, #tpu.memory_space<vmem>>) target(%dma_start3A_371 : memref<10240x128xf32, #tpu.memory_space<vmem_shared>>) offsets(%dma_start3A_368 : memref<80xi32, #tpu.memory_space<vmem>>) semaphore(%arg29 : memref<!tpu.dma_semaphore, #tpu.memory_space<semaphore_mem>>) {add = true}
    }
    %while3A_74 = arith.constant 1 : i32
    scf.for %while3A_93 = %while3A_72 to %while3A_68 step %while3A_74  : i32 {
      %mul3A_94 = arith.constant 2 : i32
      %mul3A_95 = arith.muli %while3A_93, %mul3A_94 : i32
      %add3A_96 = arith.constant 0 : i32
      %add3A_97 = arith.addi %mul3A_95, %add3A_96 : i32
      %add3A_98 = arith.constant 1 : i32
      %add3A_99 = arith.addi %add3A_97, %add3A_98 : i32
      %lt3A = arith.cmpi slt, %add3A_99, %select_n3A : i32
      %convert_element_type3A = arith.extui %lt3A : i1 to i32
      %cond3A = arith.constant 0 : i32
      %cond3A_100 = arith.cmpi ne, %convert_element_type3A, %cond3A : i32
      scf.if %cond3A_100 {
        %add3A_372 = arith.addi %add3A_9, %add3A_97 : i32
        %add3A_373 = arith.constant 1 : i32
        %add3A_374 = arith.addi %add3A_372, %add3A_373 : i32
        "tpu.region"() ({
          %run_scoped3A = tpu.sem_alloc : memref<!tpu.dma_semaphore, #tpu.memory_space<semaphore_mem>>
          %dma_start3A_401 = arith.constant 0 : i32
          %dma_start3A_402 = arith.constant 0 : i32
          %dma_start3A_403 = tpu.memref_slice %arg5[%add3A_374, %dma_start3A_401, %dma_start3A_402] : memref<2048x3x80xi32, #tpu.memory_space<hbm>> -> memref<1x3x80xi32, #tpu.memory_space<hbm>>
          %dma_start3A_404 = tpu.memref_squeeze %dma_start3A_403 : memref<1x3x80xi32, #tpu.memory_space<hbm>> -> memref<3x80xi32, #tpu.memory_space<hbm>>
          %dma_start3A_405 = arith.constant 0 : i32
          %dma_start3A_406 = arith.constant 0 : i32
          %dma_start3A_407 = tpu.memref_slice %arg5[%add3A_374, %dma_start3A_405, %dma_start3A_406] : memref<2048x3x80xi32, #tpu.memory_space<hbm>> -> memref<1x3x80xi32, #tpu.memory_space<hbm>>
          %dma_start3A_408 = tpu.memref_squeeze %dma_start3A_407 : memref<1x3x80xi32, #tpu.memory_space<hbm>> -> memref<3x80xi32, #tpu.memory_space<hbm>>
          tpu.enqueue_dma source(%dma_start3A_408 : memref<3x80xi32, #tpu.memory_space<hbm>>) target(%arg10 : memref<3x80xi32, #tpu.memory_space<vmem>>) target_semaphore(%run_scoped3A : memref<!tpu.dma_semaphore, #tpu.memory_space<semaphore_mem>>)
          %dma_wait3A_409 = arith.constant 0 : i32
          %dma_wait3A_410 = arith.constant 0 : i32
          %dma_wait3A_411 = tpu.memref_slice %arg5[%add3A_374, %dma_wait3A_409, %dma_wait3A_410] : memref<2048x3x80xi32, #tpu.memory_space<hbm>> -> memref<1x3x80xi32, #tpu.memory_space<hbm>>
          %dma_wait3A_412 = tpu.memref_squeeze %dma_wait3A_411 : memref<1x3x80xi32, #tpu.memory_space<hbm>> -> memref<3x80xi32, #tpu.memory_space<hbm>>
          %dma_wait3A_413 = arith.constant 0 : i32
          %dma_wait3A_414 = arith.constant 0 : i32
          %dma_wait3A_415 = tpu.memref_slice %arg5[%add3A_374, %dma_wait3A_413, %dma_wait3A_414] : memref<2048x3x80xi32, #tpu.memory_space<hbm>> -> memref<1x3x80xi32, #tpu.memory_space<hbm>>
          %dma_wait3A_416 = tpu.memref_squeeze %dma_wait3A_415 : memref<1x3x80xi32, #tpu.memory_space<hbm>> -> memref<3x80xi32, #tpu.memory_space<hbm>>
          tpu.wait_dma2 semaphore(%run_scoped3A : memref<!tpu.dma_semaphore, #tpu.memory_space<semaphore_mem>>) src(%dma_wait3A_416 : memref<3x80xi32, #tpu.memory_space<hbm>>) dst(%arg10 : memref<3x80xi32, #tpu.memory_space<vmem>>)
          tpu.yield
        }) : () -> ()
        %ge3A_375 = arith.constant 1 : i32
        %ge3A_376 = arith.cmpi sge, %add3A_97, %ge3A_375 : i32
        %convert_element_type3A_377 = arith.extui %ge3A_376 : i1 to i32
        %cond3A_378 = arith.constant 0 : i32
        %cond3A_379 = arith.cmpi ne, %convert_element_type3A_377, %cond3A_378 : i32
        scf.if %cond3A_379 {
          %dma_wait3A_401 = arith.constant 0 : i32
          %dma_wait3A_402 = arith.constant 0 : i32
          %dma_wait3A_403 = tpu.memref_slice %arg10[%dma_wait3A_401, %dma_wait3A_402] : memref<3x80xi32, #tpu.memory_space<vmem>> -> memref<1x80xi32, #tpu.memory_space<vmem>>
          %dma_wait3A_404 = tpu.memref_squeeze %dma_wait3A_403 : memref<1x80xi32, #tpu.memory_space<vmem>> -> memref<80xi32, #tpu.memory_space<vmem>>
          %dma_wait3A_405 = arith.constant 0 : i32
          %dma_wait3A_406 = arith.constant 0 : i32
          %dma_wait3A_407 = tpu.memref_slice %arg21[%dma_wait3A_405, %dma_wait3A_406] : memref<10240x128xf32, #tpu.memory_space<vmem_shared>> -> memref<10240x128xf32, #tpu.memory_space<vmem_shared>>
          tpu.wait_indirect_dma semaphore(%arg29 : memref<!tpu.dma_semaphore, #tpu.memory_space<semaphore_mem>>) src(%arg18 : memref<80x128xf32, #tpu.memory_space<vmem>>) dst(%dma_wait3A_407 : memref<10240x128xf32, #tpu.memory_space<vmem_shared>>)
        } else {
        }
        %add3A_380 = arith.constant 1 : i32
        %add3A_381 = arith.addi %add3A_97, %add3A_380 : i32
        %dma_start3A_382 = arith.constant 0 : i32
        %dma_start3A_383 = arith.constant 0 : i32
        %dma_start3A_384 = tpu.memref_slice %arg10[%dma_start3A_382, %dma_start3A_383] : memref<3x80xi32, #tpu.memory_space<vmem>> -> memref<1x80xi32, #tpu.memory_space<vmem>>
        %dma_start3A_385 = tpu.memref_squeeze %dma_start3A_384 : memref<1x80xi32, #tpu.memory_space<vmem>> -> memref<80xi32, #tpu.memory_space<vmem>>
        %dma_start3A_386 = arith.constant 0 : i32
        %dma_start3A_387 = tpu.memref_slice %arg3[%dma_start3A_386] : memref<10240xf32, #tpu.memory_space<hbm>> -> memref<10240xf32, #tpu.memory_space<hbm>>
        tpu.enqueue_indirect_dma source(%dma_start3A_387 : memref<10240xf32, #tpu.memory_space<hbm>>) target(%arg12 : memref<80xf32, #tpu.memory_space<vmem>>) offsets(%dma_start3A_385 : memref<80xi32, #tpu.memory_space<vmem>>) semaphore(%arg23 : memref<!tpu.dma_semaphore, #tpu.memory_space<semaphore_mem>>)
        %dma_start3A_388 = arith.constant 1 : i32
        %dma_start3A_389 = arith.constant 0 : i32
        %dma_start3A_390 = tpu.memref_slice %arg10[%dma_start3A_388, %dma_start3A_389] : memref<3x80xi32, #tpu.memory_space<vmem>> -> memref<1x80xi32, #tpu.memory_space<vmem>>
        %dma_start3A_391 = tpu.memref_squeeze %dma_start3A_390 : memref<1x80xi32, #tpu.memory_space<vmem>> -> memref<80xi32, #tpu.memory_space<vmem>>
        %dma_start3A_392 = arith.constant 0 : i32
        %dma_start3A_393 = tpu.memref_slice %arg4[%dma_start3A_392] : memref<81920xf32, #tpu.memory_space<hbm>> -> memref<81920xf32, #tpu.memory_space<hbm>>
        tpu.enqueue_indirect_dma source(%dma_start3A_393 : memref<81920xf32, #tpu.memory_space<hbm>>) target(%arg14 : memref<80xf32, #tpu.memory_space<vmem>>) offsets(%dma_start3A_391 : memref<80xi32, #tpu.memory_space<vmem>>) semaphore(%arg25 : memref<!tpu.dma_semaphore, #tpu.memory_space<semaphore_mem>>)
        %dma_start3A_394 = arith.constant 2 : i32
        %dma_start3A_395 = arith.constant 0 : i32
        %dma_start3A_396 = tpu.memref_slice %arg10[%dma_start3A_394, %dma_start3A_395] : memref<3x80xi32, #tpu.memory_space<vmem>> -> memref<1x80xi32, #tpu.memory_space<vmem>>
        %dma_start3A_397 = tpu.memref_squeeze %dma_start3A_396 : memref<1x80xi32, #tpu.memory_space<vmem>> -> memref<80xi32, #tpu.memory_space<vmem>>
        %dma_start3A_398 = arith.constant 0 : i32
        %dma_start3A_399 = arith.constant 0 : i32
        %dma_start3A_400 = tpu.memref_slice %arg2[%dma_start3A_398, %dma_start3A_399] : memref<81920x128xf32, #tpu.memory_space<hbm>> -> memref<81920x128xf32, #tpu.memory_space<hbm>>
        tpu.enqueue_indirect_dma source(%dma_start3A_400 : memref<81920x128xf32, #tpu.memory_space<hbm>>) target(%arg18 : memref<80x128xf32, #tpu.memory_space<vmem>>) offsets(%dma_start3A_397 : memref<80xi32, #tpu.memory_space<vmem>>) semaphore(%arg27 : memref<!tpu.dma_semaphore, #tpu.memory_space<semaphore_mem>>)
      } else {
      }
      %dma_wait3A_101 = arith.constant 0 : i32
      %dma_wait3A_102 = arith.constant 0 : i32
      %dma_wait3A_103 = tpu.memref_slice %arg9[%dma_wait3A_101, %dma_wait3A_102] : memref<3x80xi32, #tpu.memory_space<vmem>> -> memref<1x80xi32, #tpu.memory_space<vmem>>
      %dma_wait3A_104 = tpu.memref_squeeze %dma_wait3A_103 : memref<1x80xi32, #tpu.memory_space<vmem>> -> memref<80xi32, #tpu.memory_space<vmem>>
      %dma_wait3A_105 = arith.constant 0 : i32
      %dma_wait3A_106 = tpu.memref_slice %arg3[%dma_wait3A_105] : memref<10240xf32, #tpu.memory_space<hbm>> -> memref<10240xf32, #tpu.memory_space<hbm>>
      tpu.wait_indirect_dma semaphore(%arg22 : memref<!tpu.dma_semaphore, #tpu.memory_space<semaphore_mem>>) src(%dma_wait3A_106 : memref<10240xf32, #tpu.memory_space<hbm>>) dst(%arg11 : memref<80xf32, #tpu.memory_space<vmem>>)
      %dma_wait3A_107 = arith.constant 1 : i32
      %dma_wait3A_108 = arith.constant 0 : i32
      %dma_wait3A_109 = tpu.memref_slice %arg9[%dma_wait3A_107, %dma_wait3A_108] : memref<3x80xi32, #tpu.memory_space<vmem>> -> memref<1x80xi32, #tpu.memory_space<vmem>>
      %dma_wait3A_110 = tpu.memref_squeeze %dma_wait3A_109 : memref<1x80xi32, #tpu.memory_space<vmem>> -> memref<80xi32, #tpu.memory_space<vmem>>
      %dma_wait3A_111 = arith.constant 0 : i32
      %dma_wait3A_112 = tpu.memref_slice %arg4[%dma_wait3A_111] : memref<81920xf32, #tpu.memory_space<hbm>> -> memref<81920xf32, #tpu.memory_space<hbm>>
      tpu.wait_indirect_dma semaphore(%arg24 : memref<!tpu.dma_semaphore, #tpu.memory_space<semaphore_mem>>) src(%dma_wait3A_112 : memref<81920xf32, #tpu.memory_space<hbm>>) dst(%arg13 : memref<80xf32, #tpu.memory_space<vmem>>)
      %get3A_113 = arith.constant 0 : index
      %get3A_114 = tpu.vector_load %arg11[%get3A_113] {strides = array<i32>} : memref<80xf32, #tpu.memory_space<vmem>>, vector<16xf32>,
      %get3A_115 = arith.constant 0 : index
      %get3A_116 = tpu.vector_load %arg13[%get3A_115] {strides = array<i32>} : memref<80xf32, #tpu.memory_space<vmem>>, vector<16xf32>,
      %get3A_117 = arith.constant 0 : i32
      %get3A_118 = arith.index_cast %get3A_117 : i32 to index
      %get3A_119 = arith.constant 0 : index
      %get3A_120 = tpu.vector_load %arg9[%get3A_118, %get3A_119] {strides = array<i32>} : memref<3x80xi32, #tpu.memory_space<vmem>>, vector<16xi32>,
      %add3A_121 = arith.addf %get3A_114, %get3A_116 : vector<16xf32>
      %ge3A = arith.constant 0.000000e+00 : f32
      %ge3A_122 = vector.broadcast %ge3A : f32 to vector<16xf32>
      %ge3A_123 = arith.cmpf oge, %add3A_121, %ge3A_122 : vector<16xf32>
      %mul3A_124 = arith.constant 2.000000e-01 : f32
      %mul3A_125 = vector.broadcast %mul3A_124 : f32 to vector<16xf32>
      %mul3A_126 = arith.mulf %mul3A_125, %add3A_121 : vector<16xf32>
      %select_n3A_127 = arith.select %ge3A_123, %add3A_121, %mul3A_126 : vector<16xi1>, vector<16xf32>
      %sub3A_128 = arith.subf %select_n3A_127, %get3A_27 : vector<16xf32>
      %exp3A = math.exp %sub3A_128 : vector<16xf32>
      %swap3A = arith.constant 0 : index
      %swap3A_129 = tpu.vector_load %arg15[%swap3A] {strides = array<i32>} : memref<80xf32, #tpu.memory_space<vmem>>, vector<16xf32>,
      tpu.vector_store %arg15[%swap3A], %exp3A {strides = array<i32>} : memref<80xf32, #tpu.memory_space<vmem>>, vector<16xf32>,
      tpu.vector_store_idx %arg20[%get3A_120], %exp3A {add = true} : memref<10240xf32, #tpu.memory_space<vmem>>[vector<16xi32>], vector<16xf32>,
      %get3A_130 = arith.constant 16 : index
      %get3A_131 = tpu.vector_load %arg11[%get3A_130] {strides = array<i32>} : memref<80xf32, #tpu.memory_space<vmem>>, vector<16xf32>,
      %get3A_132 = arith.constant 16 : index
      %get3A_133 = tpu.vector_load %arg13[%get3A_132] {strides = array<i32>} : memref<80xf32, #tpu.memory_space<vmem>>, vector<16xf32>,
      %get3A_134 = arith.constant 0 : i32
      %get3A_135 = arith.index_cast %get3A_134 : i32 to index
      %get3A_136 = arith.constant 16 : index
      %get3A_137 = tpu.vector_load %arg9[%get3A_135, %get3A_136] {strides = array<i32>} : memref<3x80xi32, #tpu.memory_space<vmem>>, vector<16xi32>,
      %add3A_138 = arith.addf %get3A_131, %get3A_133 : vector<16xf32>
      %ge3A_139 = arith.constant 0.000000e+00 : f32
      %ge3A_140 = vector.broadcast %ge3A_139 : f32 to vector<16xf32>
      %ge3A_141 = arith.cmpf oge, %add3A_138, %ge3A_140 : vector<16xf32>
      %mul3A_142 = arith.constant 2.000000e-01 : f32
      %mul3A_143 = vector.broadcast %mul3A_142 : f32 to vector<16xf32>
      %mul3A_144 = arith.mulf %mul3A_143, %add3A_138 : vector<16xf32>
      %select_n3A_145 = arith.select %ge3A_141, %add3A_138, %mul3A_144 : vector<16xi1>, vector<16xf32>
      %sub3A_146 = arith.subf %select_n3A_145, %get3A_27 : vector<16xf32>
      %exp3A_147 = math.exp %sub3A_146 : vector<16xf32>
      %swap3A_148 = arith.constant 16 : index
      %swap3A_149 = tpu.vector_load %arg15[%swap3A_148] {strides = array<i32>} : memref<80xf32, #tpu.memory_space<vmem>>, vector<16xf32>,
      tpu.vector_store %arg15[%swap3A_148], %exp3A_147 {strides = array<i32>} : memref<80xf32, #tpu.memory_space<vmem>>, vector<16xf32>,
      tpu.vector_store_idx %arg20[%get3A_137], %exp3A_147 {add = true} : memref<10240xf32, #tpu.memory_space<vmem>>[vector<16xi32>], vector<16xf32>,
      %get3A_150 = arith.constant 32 : index
      %get3A_151 = tpu.vector_load %arg11[%get3A_150] {strides = array<i32>} : memref<80xf32, #tpu.memory_space<vmem>>, vector<16xf32>,
      %get3A_152 = arith.constant 32 : index
      %get3A_153 = tpu.vector_load %arg13[%get3A_152] {strides = array<i32>} : memref<80xf32, #tpu.memory_space<vmem>>, vector<16xf32>,
      %get3A_154 = arith.constant 0 : i32
      %get3A_155 = arith.index_cast %get3A_154 : i32 to index
      %get3A_156 = arith.constant 32 : index
      %get3A_157 = tpu.vector_load %arg9[%get3A_155, %get3A_156] {strides = array<i32>} : memref<3x80xi32, #tpu.memory_space<vmem>>, vector<16xi32>,
      %add3A_158 = arith.addf %get3A_151, %get3A_153 : vector<16xf32>
      %ge3A_159 = arith.constant 0.000000e+00 : f32
      %ge3A_160 = vector.broadcast %ge3A_159 : f32 to vector<16xf32>
      %ge3A_161 = arith.cmpf oge, %add3A_158, %ge3A_160 : vector<16xf32>
      %mul3A_162 = arith.constant 2.000000e-01 : f32
      %mul3A_163 = vector.broadcast %mul3A_162 : f32 to vector<16xf32>
      %mul3A_164 = arith.mulf %mul3A_163, %add3A_158 : vector<16xf32>
      %select_n3A_165 = arith.select %ge3A_161, %add3A_158, %mul3A_164 : vector<16xi1>, vector<16xf32>
      %sub3A_166 = arith.subf %select_n3A_165, %get3A_27 : vector<16xf32>
      %exp3A_167 = math.exp %sub3A_166 : vector<16xf32>
      %swap3A_168 = arith.constant 32 : index
      %swap3A_169 = tpu.vector_load %arg15[%swap3A_168] {strides = array<i32>} : memref<80xf32, #tpu.memory_space<vmem>>, vector<16xf32>,
      tpu.vector_store %arg15[%swap3A_168], %exp3A_167 {strides = array<i32>} : memref<80xf32, #tpu.memory_space<vmem>>, vector<16xf32>,
      tpu.vector_store_idx %arg20[%get3A_157], %exp3A_167 {add = true} : memref<10240xf32, #tpu.memory_space<vmem>>[vector<16xi32>], vector<16xf32>,
      %get3A_170 = arith.constant 48 : index
      %get3A_171 = tpu.vector_load %arg11[%get3A_170] {strides = array<i32>} : memref<80xf32, #tpu.memory_space<vmem>>, vector<16xf32>,
      %get3A_172 = arith.constant 48 : index
      %get3A_173 = tpu.vector_load %arg13[%get3A_172] {strides = array<i32>} : memref<80xf32, #tpu.memory_space<vmem>>, vector<16xf32>,
      %get3A_174 = arith.constant 0 : i32
      %get3A_175 = arith.index_cast %get3A_174 : i32 to index
      %get3A_176 = arith.constant 48 : index
      %get3A_177 = tpu.vector_load %arg9[%get3A_175, %get3A_176] {strides = array<i32>} : memref<3x80xi32, #tpu.memory_space<vmem>>, vector<16xi32>,
      %add3A_178 = arith.addf %get3A_171, %get3A_173 : vector<16xf32>
      %ge3A_179 = arith.constant 0.000000e+00 : f32
      %ge3A_180 = vector.broadcast %ge3A_179 : f32 to vector<16xf32>
      %ge3A_181 = arith.cmpf oge, %add3A_178, %ge3A_180 : vector<16xf32>
      %mul3A_182 = arith.constant 2.000000e-01 : f32
      %mul3A_183 = vector.broadcast %mul3A_182 : f32 to vector<16xf32>
      %mul3A_184 = arith.mulf %mul3A_183, %add3A_178 : vector<16xf32>
      %select_n3A_185 = arith.select %ge3A_181, %add3A_178, %mul3A_184 : vector<16xi1>, vector<16xf32>
      %sub3A_186 = arith.subf %select_n3A_185, %get3A_27 : vector<16xf32>
      %exp3A_187 = math.exp %sub3A_186 : vector<16xf32>
      %swap3A_188 = arith.constant 48 : index
      %swap3A_189 = tpu.vector_load %arg15[%swap3A_188] {strides = array<i32>} : memref<80xf32, #tpu.memory_space<vmem>>, vector<16xf32>,
      tpu.vector_store %arg15[%swap3A_188], %exp3A_187 {strides = array<i32>} : memref<80xf32, #tpu.memory_space<vmem>>, vector<16xf32>,
      tpu.vector_store_idx %arg20[%get3A_177], %exp3A_187 {add = true} : memref<10240xf32, #tpu.memory_space<vmem>>[vector<16xi32>], vector<16xf32>,
      %get3A_190 = arith.constant 64 : index
      %get3A_191 = tpu.vector_load %arg11[%get3A_190] {strides = array<i32>} : memref<80xf32, #tpu.memory_space<vmem>>, vector<16xf32>,
      %get3A_192 = arith.constant 64 : index
      %get3A_193 = tpu.vector_load %arg13[%get3A_192] {strides = array<i32>} : memref<80xf32, #tpu.memory_space<vmem>>, vector<16xf32>,
      %get3A_194 = arith.constant 0 : i32
      %get3A_195 = arith.index_cast %get3A_194 : i32 to index
      %get3A_196 = arith.constant 64 : index
      %get3A_197 = tpu.vector_load %arg9[%get3A_195, %get3A_196] {strides = array<i32>} : memref<3x80xi32, #tpu.memory_space<vmem>>, vector<16xi32>,
      %add3A_198 = arith.addf %get3A_191, %get3A_193 : vector<16xf32>
      %ge3A_199 = arith.constant 0.000000e+00 : f32
      %ge3A_200 = vector.broadcast %ge3A_199 : f32 to vector<16xf32>
      %ge3A_201 = arith.cmpf oge, %add3A_198, %ge3A_200 : vector<16xf32>
      %mul3A_202 = arith.constant 2.000000e-01 : f32
      %mul3A_203 = vector.broadcast %mul3A_202 : f32 to vector<16xf32>
      %mul3A_204 = arith.mulf %mul3A_203, %add3A_198 : vector<16xf32>
      %select_n3A_205 = arith.select %ge3A_201, %add3A_198, %mul3A_204 : vector<16xi1>, vector<16xf32>
      %sub3A_206 = arith.subf %select_n3A_205, %get3A_27 : vector<16xf32>
      %exp3A_207 = math.exp %sub3A_206 : vector<16xf32>
      %swap3A_208 = arith.constant 64 : index
      %swap3A_209 = tpu.vector_load %arg15[%swap3A_208] {strides = array<i32>} : memref<80xf32, #tpu.memory_space<vmem>>, vector<16xf32>,
      tpu.vector_store %arg15[%swap3A_208], %exp3A_207 {strides = array<i32>} : memref<80xf32, #tpu.memory_space<vmem>>, vector<16xf32>,
      tpu.vector_store_idx %arg20[%get3A_197], %exp3A_207 {add = true} : memref<10240xf32, #tpu.memory_space<vmem>>[vector<16xi32>], vector<16xf32>,
      %dma_wait3A_210 = arith.constant 2 : i32
      %dma_wait3A_211 = arith.constant 0 : i32
      %dma_wait3A_212 = tpu.memref_slice %arg9[%dma_wait3A_210, %dma_wait3A_211] : memref<3x80xi32, #tpu.memory_space<vmem>> -> memref<1x80xi32, #tpu.memory_space<vmem>>
      %dma_wait3A_213 = tpu.memref_squeeze %dma_wait3A_212 : memref<1x80xi32, #tpu.memory_space<vmem>> -> memref<80xi32, #tpu.memory_space<vmem>>
      %dma_wait3A_214 = arith.constant 0 : i32
      %dma_wait3A_215 = arith.constant 0 : i32
      %dma_wait3A_216 = tpu.memref_slice %arg2[%dma_wait3A_214, %dma_wait3A_215] : memref<81920x128xf32, #tpu.memory_space<hbm>> -> memref<81920x128xf32, #tpu.memory_space<hbm>>
      tpu.wait_indirect_dma semaphore(%arg26 : memref<!tpu.dma_semaphore, #tpu.memory_space<semaphore_mem>>) src(%dma_wait3A_216 : memref<81920x128xf32, #tpu.memory_space<hbm>>) dst(%arg17 : memref<80x128xf32, #tpu.memory_space<vmem>>)
      %scan3A_217 = arith.constant 0 : i32
      %scan3A_218 = arith.constant 0 : i32
      %scan3A_219 = arith.constant 80 : i32
      %scan3A_220 = arith.addi %scan3A_218, %scan3A_219 : i32
      %scan3A_221 = arith.constant 1 : i32
      scf.for %scan3A_372 = %scan3A_218 to %scan3A_220 step %scan3A_221  : i32 {
        %broadcast_in_dim3A = vector.broadcast %scan3A_372 : i32 to vector<16xi32>
        %gather3A = tpu.vector_load_idx %arg15[%broadcast_in_dim3A] : memref<80xf32, #tpu.memory_space<vmem>>[vector<16xi32>], vector<16xf32>,
        %get3A_373 = arith.index_cast %scan3A_372 : i32 to index
        %get3A_374 = arith.constant 0 : index
        %get3A_375 = tpu.vector_load %arg17[%get3A_373, %get3A_374] {strides = array<i32>} : memref<80x128xf32, #tpu.memory_space<vmem>>, vector<16xf32>,
        %mul3A_376 = arith.mulf %get3A_375, %gather3A : vector<16xf32>
        %swap3A_377 = arith.index_cast %scan3A_372 : i32 to index
        %swap3A_378 = arith.constant 0 : index
        %swap3A_379 = tpu.vector_load %arg17[%swap3A_377, %swap3A_378] {strides = array<i32>} : memref<80x128xf32, #tpu.memory_space<vmem>>, vector<16xf32>,
        tpu.vector_store %arg17[%swap3A_377, %swap3A_378], %mul3A_376 {strides = array<i32>} : memref<80x128xf32, #tpu.memory_space<vmem>>, vector<16xf32>,
        %get3A_380 = arith.index_cast %scan3A_372 : i32 to index
        %get3A_381 = arith.constant 16 : index
        %get3A_382 = tpu.vector_load %arg17[%get3A_380, %get3A_381] {strides = array<i32>} : memref<80x128xf32, #tpu.memory_space<vmem>>, vector<16xf32>,
        %mul3A_383 = arith.mulf %get3A_382, %gather3A : vector<16xf32>
        %swap3A_384 = arith.index_cast %scan3A_372 : i32 to index
        %swap3A_385 = arith.constant 16 : index
        %swap3A_386 = tpu.vector_load %arg17[%swap3A_384, %swap3A_385] {strides = array<i32>} : memref<80x128xf32, #tpu.memory_space<vmem>>, vector<16xf32>,
        tpu.vector_store %arg17[%swap3A_384, %swap3A_385], %mul3A_383 {strides = array<i32>} : memref<80x128xf32, #tpu.memory_space<vmem>>, vector<16xf32>,
        %get3A_387 = arith.index_cast %scan3A_372 : i32 to index
        %get3A_388 = arith.constant 32 : index
        %get3A_389 = tpu.vector_load %arg17[%get3A_387, %get3A_388] {strides = array<i32>} : memref<80x128xf32, #tpu.memory_space<vmem>>, vector<16xf32>,
        %mul3A_390 = arith.mulf %get3A_389, %gather3A : vector<16xf32>
        %swap3A_391 = arith.index_cast %scan3A_372 : i32 to index
        %swap3A_392 = arith.constant 32 : index
        %swap3A_393 = tpu.vector_load %arg17[%swap3A_391, %swap3A_392] {strides = array<i32>} : memref<80x128xf32, #tpu.memory_space<vmem>>, vector<16xf32>,
        tpu.vector_store %arg17[%swap3A_391, %swap3A_392], %mul3A_390 {strides = array<i32>} : memref<80x128xf32, #tpu.memory_space<vmem>>, vector<16xf32>,
        %get3A_394 = arith.index_cast %scan3A_372 : i32 to index
        %get3A_395 = arith.constant 48 : index
        %get3A_396 = tpu.vector_load %arg17[%get3A_394, %get3A_395] {strides = array<i32>} : memref<80x128xf32, #tpu.memory_space<vmem>>, vector<16xf32>,
        %mul3A_397 = arith.mulf %get3A_396, %gather3A : vector<16xf32>
        %swap3A_398 = arith.index_cast %scan3A_372 : i32 to index
        %swap3A_399 = arith.constant 48 : index
        %swap3A_400 = tpu.vector_load %arg17[%swap3A_398, %swap3A_399] {strides = array<i32>} : memref<80x128xf32, #tpu.memory_space<vmem>>, vector<16xf32>,
        tpu.vector_store %arg17[%swap3A_398, %swap3A_399], %mul3A_397 {strides = array<i32>} : memref<80x128xf32, #tpu.memory_space<vmem>>, vector<16xf32>,
        %get3A_401 = arith.index_cast %scan3A_372 : i32 to index
        %get3A_402 = arith.constant 64 : index
        %get3A_403 = tpu.vector_load %arg17[%get3A_401, %get3A_402] {strides = array<i32>} : memref<80x128xf32, #tpu.memory_space<vmem>>, vector<16xf32>,
        %mul3A_404 = arith.mulf %get3A_403, %gather3A : vector<16xf32>
        %swap3A_405 = arith.index_cast %scan3A_372 : i32 to index
        %swap3A_406 = arith.constant 64 : index
        %swap3A_407 = tpu.vector_load %arg17[%swap3A_405, %swap3A_406] {strides = array<i32>} : memref<80x128xf32, #tpu.memory_space<vmem>>, vector<16xf32>,
        tpu.vector_store %arg17[%swap3A_405, %swap3A_406], %mul3A_404 {strides = array<i32>} : memref<80x128xf32, #tpu.memory_space<vmem>>, vector<16xf32>,
        %get3A_408 = arith.index_cast %scan3A_372 : i32 to index
        %get3A_409 = arith.constant 80 : index
        %get3A_410 = tpu.vector_load %arg17[%get3A_408, %get3A_409] {strides = array<i32>} : memref<80x128xf32, #tpu.memory_space<vmem>>, vector<16xf32>,
        %mul3A_411 = arith.mulf %get3A_410, %gather3A : vector<16xf32>
        %swap3A_412 = arith.index_cast %scan3A_372 : i32 to index
        %swap3A_413 = arith.constant 80 : index
        %swap3A_414 = tpu.vector_load %arg17[%swap3A_412, %swap3A_413] {strides = array<i32>} : memref<80x128xf32, #tpu.memory_space<vmem>>, vector<16xf32>,
        tpu.vector_store %arg17[%swap3A_412, %swap3A_413], %mul3A_411 {strides = array<i32>} : memref<80x128xf32, #tpu.memory_space<vmem>>, vector<16xf32>,
        %get3A_415 = arith.index_cast %scan3A_372 : i32 to index
        %get3A_416 = arith.constant 96 : index
        %get3A_417 = tpu.vector_load %arg17[%get3A_415, %get3A_416] {strides = array<i32>} : memref<80x128xf32, #tpu.memory_space<vmem>>, vector<16xf32>,
        %mul3A_418 = arith.mulf %get3A_417, %gather3A : vector<16xf32>
        %swap3A_419 = arith.index_cast %scan3A_372 : i32 to index
        %swap3A_420 = arith.constant 96 : index
        %swap3A_421 = tpu.vector_load %arg17[%swap3A_419, %swap3A_420] {strides = array<i32>} : memref<80x128xf32, #tpu.memory_space<vmem>>, vector<16xf32>,
        tpu.vector_store %arg17[%swap3A_419, %swap3A_420], %mul3A_418 {strides = array<i32>} : memref<80x128xf32, #tpu.memory_space<vmem>>, vector<16xf32>,
        %get3A_422 = arith.index_cast %scan3A_372 : i32 to index
        %get3A_423 = arith.constant 112 : index
        %get3A_424 = tpu.vector_load %arg17[%get3A_422, %get3A_423] {strides = array<i32>} : memref<80x128xf32, #tpu.memory_space<vmem>>, vector<16xf32>,
        %mul3A_425 = arith.mulf %get3A_424, %gather3A : vector<16xf32>
        %swap3A_426 = arith.index_cast %scan3A_372 : i32 to index
        %swap3A_427 = arith.constant 112 : index
        %swap3A_428 = tpu.vector_load %arg17[%swap3A_426, %swap3A_427] {strides = array<i32>} : memref<80x128xf32, #tpu.memory_space<vmem>>, vector<16xf32>,
        tpu.vector_store %arg17[%swap3A_426, %swap3A_427], %mul3A_425 {strides = array<i32>} : memref<80x128xf32, #tpu.memory_space<vmem>>, vector<16xf32>,
      }
      %scan3A_222 = arith.constant 80 : i32
      %dma_start3A_223 = arith.constant 0 : i32
      %dma_start3A_224 = arith.constant 0 : i32
      %dma_start3A_225 = tpu.memref_slice %arg9[%dma_start3A_223, %dma_start3A_224] : memref<3x80xi32, #tpu.memory_space<vmem>> -> memref<1x80xi32, #tpu.memory_space<vmem>>
      %dma_start3A_226 = tpu.memref_squeeze %dma_start3A_225 : memref<1x80xi32, #tpu.memory_space<vmem>> -> memref<80xi32, #tpu.memory_space<vmem>>
      %dma_start3A_227 = arith.constant 0 : i32
      %dma_start3A_228 = arith.constant 0 : i32
      %dma_start3A_229 = tpu.memref_slice %arg21[%dma_start3A_227, %dma_start3A_228] : memref<10240x128xf32, #tpu.memory_space<vmem_shared>> -> memref<10240x128xf32, #tpu.memory_space<vmem_shared>>
      tpu.enqueue_indirect_dma source(%arg17 : memref<80x128xf32, #tpu.memory_space<vmem>>) target(%dma_start3A_229 : memref<10240x128xf32, #tpu.memory_space<vmem_shared>>) offsets(%dma_start3A_226 : memref<80xi32, #tpu.memory_space<vmem>>) semaphore(%arg28 : memref<!tpu.dma_semaphore, #tpu.memory_space<semaphore_mem>>) {add = true}
      %mul3A_230 = arith.constant 2 : i32
      %mul3A_231 = arith.muli %while3A_93, %mul3A_230 : i32
      %add3A_232 = arith.constant 1 : i32
      %add3A_233 = arith.addi %mul3A_231, %add3A_232 : i32
      %add3A_234 = arith.constant 1 : i32
      %add3A_235 = arith.addi %add3A_233, %add3A_234 : i32
      %lt3A_236 = arith.cmpi slt, %add3A_235, %select_n3A : i32
      %convert_element_type3A_237 = arith.extui %lt3A_236 : i1 to i32
      %cond3A_238 = arith.constant 0 : i32
      %cond3A_239 = arith.cmpi ne, %convert_element_type3A_237, %cond3A_238 : i32
      scf.if %cond3A_239 {
        %add3A_372 = arith.addi %add3A_9, %add3A_233 : i32
        %add3A_373 = arith.constant 1 : i32
        %add3A_374 = arith.addi %add3A_372, %add3A_373 : i32
        "tpu.region"() ({
          %run_scoped3A = tpu.sem_alloc : memref<!tpu.dma_semaphore, #tpu.memory_space<semaphore_mem>>
          %dma_start3A_401 = arith.constant 0 : i32
          %dma_start3A_402 = arith.constant 0 : i32
          %dma_start3A_403 = tpu.memref_slice %arg5[%add3A_374, %dma_start3A_401, %dma_start3A_402] : memref<2048x3x80xi32, #tpu.memory_space<hbm>> -> memref<1x3x80xi32, #tpu.memory_space<hbm>>
          %dma_start3A_404 = tpu.memref_squeeze %dma_start3A_403 : memref<1x3x80xi32, #tpu.memory_space<hbm>> -> memref<3x80xi32, #tpu.memory_space<hbm>>
          %dma_start3A_405 = arith.constant 0 : i32
          %dma_start3A_406 = arith.constant 0 : i32
          %dma_start3A_407 = tpu.memref_slice %arg5[%add3A_374, %dma_start3A_405, %dma_start3A_406] : memref<2048x3x80xi32, #tpu.memory_space<hbm>> -> memref<1x3x80xi32, #tpu.memory_space<hbm>>
          %dma_start3A_408 = tpu.memref_squeeze %dma_start3A_407 : memref<1x3x80xi32, #tpu.memory_space<hbm>> -> memref<3x80xi32, #tpu.memory_space<hbm>>
          tpu.enqueue_dma source(%dma_start3A_408 : memref<3x80xi32, #tpu.memory_space<hbm>>) target(%arg9 : memref<3x80xi32, #tpu.memory_space<vmem>>) target_semaphore(%run_scoped3A : memref<!tpu.dma_semaphore, #tpu.memory_space<semaphore_mem>>)
          %dma_wait3A_409 = arith.constant 0 : i32
          %dma_wait3A_410 = arith.constant 0 : i32
          %dma_wait3A_411 = tpu.memref_slice %arg5[%add3A_374, %dma_wait3A_409, %dma_wait3A_410] : memref<2048x3x80xi32, #tpu.memory_space<hbm>> -> memref<1x3x80xi32, #tpu.memory_space<hbm>>
          %dma_wait3A_412 = tpu.memref_squeeze %dma_wait3A_411 : memref<1x3x80xi32, #tpu.memory_space<hbm>> -> memref<3x80xi32, #tpu.memory_space<hbm>>
          %dma_wait3A_413 = arith.constant 0 : i32
          %dma_wait3A_414 = arith.constant 0 : i32
          %dma_wait3A_415 = tpu.memref_slice %arg5[%add3A_374, %dma_wait3A_413, %dma_wait3A_414] : memref<2048x3x80xi32, #tpu.memory_space<hbm>> -> memref<1x3x80xi32, #tpu.memory_space<hbm>>
          %dma_wait3A_416 = tpu.memref_squeeze %dma_wait3A_415 : memref<1x3x80xi32, #tpu.memory_space<hbm>> -> memref<3x80xi32, #tpu.memory_space<hbm>>
          tpu.wait_dma2 semaphore(%run_scoped3A : memref<!tpu.dma_semaphore, #tpu.memory_space<semaphore_mem>>) src(%dma_wait3A_416 : memref<3x80xi32, #tpu.memory_space<hbm>>) dst(%arg9 : memref<3x80xi32, #tpu.memory_space<vmem>>)
          tpu.yield
        }) : () -> ()
        %ge3A_375 = arith.constant 1 : i32
        %ge3A_376 = arith.cmpi sge, %add3A_233, %ge3A_375 : i32
        %convert_element_type3A_377 = arith.extui %ge3A_376 : i1 to i32
        %cond3A_378 = arith.constant 0 : i32
        %cond3A_379 = arith.cmpi ne, %convert_element_type3A_377, %cond3A_378 : i32
        scf.if %cond3A_379 {
          %dma_wait3A_401 = arith.constant 0 : i32
          %dma_wait3A_402 = arith.constant 0 : i32
          %dma_wait3A_403 = tpu.memref_slice %arg9[%dma_wait3A_401, %dma_wait3A_402] : memref<3x80xi32, #tpu.memory_space<vmem>> -> memref<1x80xi32, #tpu.memory_space<vmem>>
          %dma_wait3A_404 = tpu.memref_squeeze %dma_wait3A_403 : memref<1x80xi32, #tpu.memory_space<vmem>> -> memref<80xi32, #tpu.memory_space<vmem>>
          %dma_wait3A_405 = arith.constant 0 : i32
          %dma_wait3A_406 = arith.constant 0 : i32
          %dma_wait3A_407 = tpu.memref_slice %arg21[%dma_wait3A_405, %dma_wait3A_406] : memref<10240x128xf32, #tpu.memory_space<vmem_shared>> -> memref<10240x128xf32, #tpu.memory_space<vmem_shared>>
          tpu.wait_indirect_dma semaphore(%arg28 : memref<!tpu.dma_semaphore, #tpu.memory_space<semaphore_mem>>) src(%arg17 : memref<80x128xf32, #tpu.memory_space<vmem>>) dst(%dma_wait3A_407 : memref<10240x128xf32, #tpu.memory_space<vmem_shared>>)
        } else {
        }
        %add3A_380 = arith.constant 1 : i32
        %add3A_381 = arith.addi %add3A_233, %add3A_380 : i32
        %dma_start3A_382 = arith.constant 0 : i32
        %dma_start3A_383 = arith.constant 0 : i32
        %dma_start3A_384 = tpu.memref_slice %arg9[%dma_start3A_382, %dma_start3A_383] : memref<3x80xi32, #tpu.memory_space<vmem>> -> memref<1x80xi32, #tpu.memory_space<vmem>>
        %dma_start3A_385 = tpu.memref_squeeze %dma_start3A_384 : memref<1x80xi32, #tpu.memory_space<vmem>> -> memref<80xi32, #tpu.memory_space<vmem>>
        %dma_start3A_386 = arith.constant 0 : i32
        %dma_start3A_387 = tpu.memref_slice %arg3[%dma_start3A_386] : memref<10240xf32, #tpu.memory_space<hbm>> -> memref<10240xf32, #tpu.memory_space<hbm>>
        tpu.enqueue_indirect_dma source(%dma_start3A_387 : memref<10240xf32, #tpu.memory_space<hbm>>) target(%arg11 : memref<80xf32, #tpu.memory_space<vmem>>) offsets(%dma_start3A_385 : memref<80xi32, #tpu.memory_space<vmem>>) semaphore(%arg22 : memref<!tpu.dma_semaphore, #tpu.memory_space<semaphore_mem>>)
        %dma_start3A_388 = arith.constant 1 : i32
        %dma_start3A_389 = arith.constant 0 : i32
        %dma_start3A_390 = tpu.memref_slice %arg9[%dma_start3A_388, %dma_start3A_389] : memref<3x80xi32, #tpu.memory_space<vmem>> -> memref<1x80xi32, #tpu.memory_space<vmem>>
        %dma_start3A_391 = tpu.memref_squeeze %dma_start3A_390 : memref<1x80xi32, #tpu.memory_space<vmem>> -> memref<80xi32, #tpu.memory_space<vmem>>
        %dma_start3A_392 = arith.constant 0 : i32
        %dma_start3A_393 = tpu.memref_slice %arg4[%dma_start3A_392] : memref<81920xf32, #tpu.memory_space<hbm>> -> memref<81920xf32, #tpu.memory_space<hbm>>
        tpu.enqueue_indirect_dma source(%dma_start3A_393 : memref<81920xf32, #tpu.memory_space<hbm>>) target(%arg13 : memref<80xf32, #tpu.memory_space<vmem>>) offsets(%dma_start3A_391 : memref<80xi32, #tpu.memory_space<vmem>>) semaphore(%arg24 : memref<!tpu.dma_semaphore, #tpu.memory_space<semaphore_mem>>)
        %dma_start3A_394 = arith.constant 2 : i32
        %dma_start3A_395 = arith.constant 0 : i32
        %dma_start3A_396 = tpu.memref_slice %arg9[%dma_start3A_394, %dma_start3A_395] : memref<3x80xi32, #tpu.memory_space<vmem>> -> memref<1x80xi32, #tpu.memory_space<vmem>>
        %dma_start3A_397 = tpu.memref_squeeze %dma_start3A_396 : memref<1x80xi32, #tpu.memory_space<vmem>> -> memref<80xi32, #tpu.memory_space<vmem>>
        %dma_start3A_398 = arith.constant 0 : i32
        %dma_start3A_399 = arith.constant 0 : i32
        %dma_start3A_400 = tpu.memref_slice %arg2[%dma_start3A_398, %dma_start3A_399] : memref<81920x128xf32, #tpu.memory_space<hbm>> -> memref<81920x128xf32, #tpu.memory_space<hbm>>
        tpu.enqueue_indirect_dma source(%dma_start3A_400 : memref<81920x128xf32, #tpu.memory_space<hbm>>) target(%arg17 : memref<80x128xf32, #tpu.memory_space<vmem>>) offsets(%dma_start3A_397 : memref<80xi32, #tpu.memory_space<vmem>>) semaphore(%arg26 : memref<!tpu.dma_semaphore, #tpu.memory_space<semaphore_mem>>)
      } else {
      }
      %dma_wait3A_240 = arith.constant 0 : i32
      %dma_wait3A_241 = arith.constant 0 : i32
      %dma_wait3A_242 = tpu.memref_slice %arg10[%dma_wait3A_240, %dma_wait3A_241] : memref<3x80xi32, #tpu.memory_space<vmem>> -> memref<1x80xi32, #tpu.memory_space<vmem>>
      %dma_wait3A_243 = tpu.memref_squeeze %dma_wait3A_242 : memref<1x80xi32, #tpu.memory_space<vmem>> -> memref<80xi32, #tpu.memory_space<vmem>>
      %dma_wait3A_244 = arith.constant 0 : i32
      %dma_wait3A_245 = tpu.memref_slice %arg3[%dma_wait3A_244] : memref<10240xf32, #tpu.memory_space<hbm>> -> memref<10240xf32, #tpu.memory_space<hbm>>
      tpu.wait_indirect_dma semaphore(%arg23 : memref<!tpu.dma_semaphore, #tpu.memory_space<semaphore_mem>>) src(%dma_wait3A_245 : memref<10240xf32, #tpu.memory_space<hbm>>) dst(%arg12 : memref<80xf32, #tpu.memory_space<vmem>>)
      %dma_wait3A_246 = arith.constant 1 : i32
      %dma_wait3A_247 = arith.constant 0 : i32
      %dma_wait3A_248 = tpu.memref_slice %arg10[%dma_wait3A_246, %dma_wait3A_247] : memref<3x80xi32, #tpu.memory_space<vmem>> -> memref<1x80xi32, #tpu.memory_space<vmem>>
      %dma_wait3A_249 = tpu.memref_squeeze %dma_wait3A_248 : memref<1x80xi32, #tpu.memory_space<vmem>> -> memref<80xi32, #tpu.memory_space<vmem>>
      %dma_wait3A_250 = arith.constant 0 : i32
      %dma_wait3A_251 = tpu.memref_slice %arg4[%dma_wait3A_250] : memref<81920xf32, #tpu.memory_space<hbm>> -> memref<81920xf32, #tpu.memory_space<hbm>>
      tpu.wait_indirect_dma semaphore(%arg25 : memref<!tpu.dma_semaphore, #tpu.memory_space<semaphore_mem>>) src(%dma_wait3A_251 : memref<81920xf32, #tpu.memory_space<hbm>>) dst(%arg14 : memref<80xf32, #tpu.memory_space<vmem>>)
      %get3A_252 = arith.constant 0 : index
      %get3A_253 = tpu.vector_load %arg12[%get3A_252] {strides = array<i32>} : memref<80xf32, #tpu.memory_space<vmem>>, vector<16xf32>,
      %get3A_254 = arith.constant 0 : index
      %get3A_255 = tpu.vector_load %arg14[%get3A_254] {strides = array<i32>} : memref<80xf32, #tpu.memory_space<vmem>>, vector<16xf32>,
      %get3A_256 = arith.constant 0 : i32
      %get3A_257 = arith.index_cast %get3A_256 : i32 to index
      %get3A_258 = arith.constant 0 : index
      %get3A_259 = tpu.vector_load %arg10[%get3A_257, %get3A_258] {strides = array<i32>} : memref<3x80xi32, #tpu.memory_space<vmem>>, vector<16xi32>,
      %add3A_260 = arith.addf %get3A_253, %get3A_255 : vector<16xf32>
      %ge3A_261 = arith.constant 0.000000e+00 : f32
      %ge3A_262 = vector.broadcast %ge3A_261 : f32 to vector<16xf32>
      %ge3A_263 = arith.cmpf oge, %add3A_260, %ge3A_262 : vector<16xf32>
      %mul3A_264 = arith.constant 2.000000e-01 : f32
      %mul3A_265 = vector.broadcast %mul3A_264 : f32 to vector<16xf32>
      %mul3A_266 = arith.mulf %mul3A_265, %add3A_260 : vector<16xf32>
      %select_n3A_267 = arith.select %ge3A_263, %add3A_260, %mul3A_266 : vector<16xi1>, vector<16xf32>
      %sub3A_268 = arith.subf %select_n3A_267, %get3A_27 : vector<16xf32>
      %exp3A_269 = math.exp %sub3A_268 : vector<16xf32>
      %swap3A_270 = arith.constant 0 : index
      %swap3A_271 = tpu.vector_load %arg16[%swap3A_270] {strides = array<i32>} : memref<80xf32, #tpu.memory_space<vmem>>, vector<16xf32>,
      tpu.vector_store %arg16[%swap3A_270], %exp3A_269 {strides = array<i32>} : memref<80xf32, #tpu.memory_space<vmem>>, vector<16xf32>,
      tpu.vector_store_idx %arg20[%get3A_259], %exp3A_269 {add = true} : memref<10240xf32, #tpu.memory_space<vmem>>[vector<16xi32>], vector<16xf32>,
      %get3A_272 = arith.constant 16 : index
      %get3A_273 = tpu.vector_load %arg12[%get3A_272] {strides = array<i32>} : memref<80xf32, #tpu.memory_space<vmem>>, vector<16xf32>,
      %get3A_274 = arith.constant 16 : index
      %get3A_275 = tpu.vector_load %arg14[%get3A_274] {strides = array<i32>} : memref<80xf32, #tpu.memory_space<vmem>>, vector<16xf32>,
      %get3A_276 = arith.constant 0 : i32
      %get3A_277 = arith.index_cast %get3A_276 : i32 to index
      %get3A_278 = arith.constant 16 : index
      %get3A_279 = tpu.vector_load %arg10[%get3A_277, %get3A_278] {strides = array<i32>} : memref<3x80xi32, #tpu.memory_space<vmem>>, vector<16xi32>,
      %add3A_280 = arith.addf %get3A_273, %get3A_275 : vector<16xf32>
      %ge3A_281 = arith.constant 0.000000e+00 : f32
      %ge3A_282 = vector.broadcast %ge3A_281 : f32 to vector<16xf32>
      %ge3A_283 = arith.cmpf oge, %add3A_280, %ge3A_282 : vector<16xf32>
      %mul3A_284 = arith.constant 2.000000e-01 : f32
      %mul3A_285 = vector.broadcast %mul3A_284 : f32 to vector<16xf32>
      %mul3A_286 = arith.mulf %mul3A_285, %add3A_280 : vector<16xf32>
      %select_n3A_287 = arith.select %ge3A_283, %add3A_280, %mul3A_286 : vector<16xi1>, vector<16xf32>
      %sub3A_288 = arith.subf %select_n3A_287, %get3A_27 : vector<16xf32>
      %exp3A_289 = math.exp %sub3A_288 : vector<16xf32>
      %swap3A_290 = arith.constant 16 : index
      %swap3A_291 = tpu.vector_load %arg16[%swap3A_290] {strides = array<i32>} : memref<80xf32, #tpu.memory_space<vmem>>, vector<16xf32>,
      tpu.vector_store %arg16[%swap3A_290], %exp3A_289 {strides = array<i32>} : memref<80xf32, #tpu.memory_space<vmem>>, vector<16xf32>,
      tpu.vector_store_idx %arg20[%get3A_279], %exp3A_289 {add = true} : memref<10240xf32, #tpu.memory_space<vmem>>[vector<16xi32>], vector<16xf32>,
      %get3A_292 = arith.constant 32 : index
      %get3A_293 = tpu.vector_load %arg12[%get3A_292] {strides = array<i32>} : memref<80xf32, #tpu.memory_space<vmem>>, vector<16xf32>,
      %get3A_294 = arith.constant 32 : index
      %get3A_295 = tpu.vector_load %arg14[%get3A_294] {strides = array<i32>} : memref<80xf32, #tpu.memory_space<vmem>>, vector<16xf32>,
      %get3A_296 = arith.constant 0 : i32
      %get3A_297 = arith.index_cast %get3A_296 : i32 to index
      %get3A_298 = arith.constant 32 : index
      %get3A_299 = tpu.vector_load %arg10[%get3A_297, %get3A_298] {strides = array<i32>} : memref<3x80xi32, #tpu.memory_space<vmem>>, vector<16xi32>,
      %add3A_300 = arith.addf %get3A_293, %get3A_295 : vector<16xf32>
      %ge3A_301 = arith.constant 0.000000e+00 : f32
      %ge3A_302 = vector.broadcast %ge3A_301 : f32 to vector<16xf32>
      %ge3A_303 = arith.cmpf oge, %add3A_300, %ge3A_302 : vector<16xf32>
      %mul3A_304 = arith.constant 2.000000e-01 : f32
      %mul3A_305 = vector.broadcast %mul3A_304 : f32 to vector<16xf32>
      %mul3A_306 = arith.mulf %mul3A_305, %add3A_300 : vector<16xf32>
      %select_n3A_307 = arith.select %ge3A_303, %add3A_300, %mul3A_306 : vector<16xi1>, vector<16xf32>
      %sub3A_308 = arith.subf %select_n3A_307, %get3A_27 : vector<16xf32>
      %exp3A_309 = math.exp %sub3A_308 : vector<16xf32>
      %swap3A_310 = arith.constant 32 : index
      %swap3A_311 = tpu.vector_load %arg16[%swap3A_310] {strides = array<i32>} : memref<80xf32, #tpu.memory_space<vmem>>, vector<16xf32>,
      tpu.vector_store %arg16[%swap3A_310], %exp3A_309 {strides = array<i32>} : memref<80xf32, #tpu.memory_space<vmem>>, vector<16xf32>,
      tpu.vector_store_idx %arg20[%get3A_299], %exp3A_309 {add = true} : memref<10240xf32, #tpu.memory_space<vmem>>[vector<16xi32>], vector<16xf32>,
      %get3A_312 = arith.constant 48 : index
      %get3A_313 = tpu.vector_load %arg12[%get3A_312] {strides = array<i32>} : memref<80xf32, #tpu.memory_space<vmem>>, vector<16xf32>,
      %get3A_314 = arith.constant 48 : index
      %get3A_315 = tpu.vector_load %arg14[%get3A_314] {strides = array<i32>} : memref<80xf32, #tpu.memory_space<vmem>>, vector<16xf32>,
      %get3A_316 = arith.constant 0 : i32
      %get3A_317 = arith.index_cast %get3A_316 : i32 to index
      %get3A_318 = arith.constant 48 : index
      %get3A_319 = tpu.vector_load %arg10[%get3A_317, %get3A_318] {strides = array<i32>} : memref<3x80xi32, #tpu.memory_space<vmem>>, vector<16xi32>,
      %add3A_320 = arith.addf %get3A_313, %get3A_315 : vector<16xf32>
      %ge3A_321 = arith.constant 0.000000e+00 : f32
      %ge3A_322 = vector.broadcast %ge3A_321 : f32 to vector<16xf32>
      %ge3A_323 = arith.cmpf oge, %add3A_320, %ge3A_322 : vector<16xf32>
      %mul3A_324 = arith.constant 2.000000e-01 : f32
      %mul3A_325 = vector.broadcast %mul3A_324 : f32 to vector<16xf32>
      %mul3A_326 = arith.mulf %mul3A_325, %add3A_320 : vector<16xf32>
      %select_n3A_327 = arith.select %ge3A_323, %add3A_320, %mul3A_326 : vector<16xi1>, vector<16xf32>
      %sub3A_328 = arith.subf %select_n3A_327, %get3A_27 : vector<16xf32>
      %exp3A_329 = math.exp %sub3A_328 : vector<16xf32>
      %swap3A_330 = arith.constant 48 : index
      %swap3A_331 = tpu.vector_load %arg16[%swap3A_330] {strides = array<i32>} : memref<80xf32, #tpu.memory_space<vmem>>, vector<16xf32>,
      tpu.vector_store %arg16[%swap3A_330], %exp3A_329 {strides = array<i32>} : memref<80xf32, #tpu.memory_space<vmem>>, vector<16xf32>,
      tpu.vector_store_idx %arg20[%get3A_319], %exp3A_329 {add = true} : memref<10240xf32, #tpu.memory_space<vmem>>[vector<16xi32>], vector<16xf32>,
      %get3A_332 = arith.constant 64 : index
      %get3A_333 = tpu.vector_load %arg12[%get3A_332] {strides = array<i32>} : memref<80xf32, #tpu.memory_space<vmem>>, vector<16xf32>,
      %get3A_334 = arith.constant 64 : index
      %get3A_335 = tpu.vector_load %arg14[%get3A_334] {strides = array<i32>} : memref<80xf32, #tpu.memory_space<vmem>>, vector<16xf32>,
      %get3A_336 = arith.constant 0 : i32
      %get3A_337 = arith.index_cast %get3A_336 : i32 to index
      %get3A_338 = arith.constant 64 : index
      %get3A_339 = tpu.vector_load %arg10[%get3A_337, %get3A_338] {strides = array<i32>} : memref<3x80xi32, #tpu.memory_space<vmem>>, vector<16xi32>,
      %add3A_340 = arith.addf %get3A_333, %get3A_335 : vector<16xf32>
      %ge3A_341 = arith.constant 0.000000e+00 : f32
      %ge3A_342 = vector.broadcast %ge3A_341 : f32 to vector<16xf32>
      %ge3A_343 = arith.cmpf oge, %add3A_340, %ge3A_342 : vector<16xf32>
      %mul3A_344 = arith.constant 2.000000e-01 : f32
      %mul3A_345 = vector.broadcast %mul3A_344 : f32 to vector<16xf32>
      %mul3A_346 = arith.mulf %mul3A_345, %add3A_340 : vector<16xf32>
      %select_n3A_347 = arith.select %ge3A_343, %add3A_340, %mul3A_346 : vector<16xi1>, vector<16xf32>
      %sub3A_348 = arith.subf %select_n3A_347, %get3A_27 : vector<16xf32>
      %exp3A_349 = math.exp %sub3A_348 : vector<16xf32>
      %swap3A_350 = arith.constant 64 : index
      %swap3A_351 = tpu.vector_load %arg16[%swap3A_350] {strides = array<i32>} : memref<80xf32, #tpu.memory_space<vmem>>, vector<16xf32>,
      tpu.vector_store %arg16[%swap3A_350], %exp3A_349 {strides = array<i32>} : memref<80xf32, #tpu.memory_space<vmem>>, vector<16xf32>,
      tpu.vector_store_idx %arg20[%get3A_339], %exp3A_349 {add = true} : memref<10240xf32, #tpu.memory_space<vmem>>[vector<16xi32>], vector<16xf32>,
      %dma_wait3A_352 = arith.constant 2 : i32
      %dma_wait3A_353 = arith.constant 0 : i32
      %dma_wait3A_354 = tpu.memref_slice %arg10[%dma_wait3A_352, %dma_wait3A_353] : memref<3x80xi32, #tpu.memory_space<vmem>> -> memref<1x80xi32, #tpu.memory_space<vmem>>
      %dma_wait3A_355 = tpu.memref_squeeze %dma_wait3A_354 : memref<1x80xi32, #tpu.memory_space<vmem>> -> memref<80xi32, #tpu.memory_space<vmem>>
      %dma_wait3A_356 = arith.constant 0 : i32
      %dma_wait3A_357 = arith.constant 0 : i32
      %dma_wait3A_358 = tpu.memref_slice %arg2[%dma_wait3A_356, %dma_wait3A_357] : memref<81920x128xf32, #tpu.memory_space<hbm>> -> memref<81920x128xf32, #tpu.memory_space<hbm>>
      tpu.wait_indirect_dma semaphore(%arg27 : memref<!tpu.dma_semaphore, #tpu.memory_space<semaphore_mem>>) src(%dma_wait3A_358 : memref<81920x128xf32, #tpu.memory_space<hbm>>) dst(%arg18 : memref<80x128xf32, #tpu.memory_space<vmem>>)
      %scan3A_359 = arith.constant 0 : i32
      %scan3A_360 = arith.constant 0 : i32
      %scan3A_361 = arith.constant 80 : i32
      %scan3A_362 = arith.addi %scan3A_360, %scan3A_361 : i32
      %scan3A_363 = arith.constant 1 : i32
      scf.for %scan3A_372 = %scan3A_360 to %scan3A_362 step %scan3A_363  : i32 {
        %broadcast_in_dim3A = vector.broadcast %scan3A_372 : i32 to vector<16xi32>
        %gather3A = tpu.vector_load_idx %arg16[%broadcast_in_dim3A] : memref<80xf32, #tpu.memory_space<vmem>>[vector<16xi32>], vector<16xf32>,
        %get3A_373 = arith.index_cast %scan3A_372 : i32 to index
        %get3A_374 = arith.constant 0 : index
        %get3A_375 = tpu.vector_load %arg18[%get3A_373, %get3A_374] {strides = array<i32>} : memref<80x128xf32, #tpu.memory_space<vmem>>, vector<16xf32>,
        %mul3A_376 = arith.mulf %get3A_375, %gather3A : vector<16xf32>
        %swap3A_377 = arith.index_cast %scan3A_372 : i32 to index
        %swap3A_378 = arith.constant 0 : index
        %swap3A_379 = tpu.vector_load %arg18[%swap3A_377, %swap3A_378] {strides = array<i32>} : memref<80x128xf32, #tpu.memory_space<vmem>>, vector<16xf32>,
        tpu.vector_store %arg18[%swap3A_377, %swap3A_378], %mul3A_376 {strides = array<i32>} : memref<80x128xf32, #tpu.memory_space<vmem>>, vector<16xf32>,
        %get3A_380 = arith.index_cast %scan3A_372 : i32 to index
        %get3A_381 = arith.constant 16 : index
        %get3A_382 = tpu.vector_load %arg18[%get3A_380, %get3A_381] {strides = array<i32>} : memref<80x128xf32, #tpu.memory_space<vmem>>, vector<16xf32>,
        %mul3A_383 = arith.mulf %get3A_382, %gather3A : vector<16xf32>
        %swap3A_384 = arith.index_cast %scan3A_372 : i32 to index
        %swap3A_385 = arith.constant 16 : index
        %swap3A_386 = tpu.vector_load %arg18[%swap3A_384, %swap3A_385] {strides = array<i32>} : memref<80x128xf32, #tpu.memory_space<vmem>>, vector<16xf32>,
        tpu.vector_store %arg18[%swap3A_384, %swap3A_385], %mul3A_383 {strides = array<i32>} : memref<80x128xf32, #tpu.memory_space<vmem>>, vector<16xf32>,
        %get3A_387 = arith.index_cast %scan3A_372 : i32 to index
        %get3A_388 = arith.constant 32 : index
        %get3A_389 = tpu.vector_load %arg18[%get3A_387, %get3A_388] {strides = array<i32>} : memref<80x128xf32, #tpu.memory_space<vmem>>, vector<16xf32>,
        %mul3A_390 = arith.mulf %get3A_389, %gather3A : vector<16xf32>
        %swap3A_391 = arith.index_cast %scan3A_372 : i32 to index
        %swap3A_392 = arith.constant 32 : index
        %swap3A_393 = tpu.vector_load %arg18[%swap3A_391, %swap3A_392] {strides = array<i32>} : memref<80x128xf32, #tpu.memory_space<vmem>>, vector<16xf32>,
        tpu.vector_store %arg18[%swap3A_391, %swap3A_392], %mul3A_390 {strides = array<i32>} : memref<80x128xf32, #tpu.memory_space<vmem>>, vector<16xf32>,
        %get3A_394 = arith.index_cast %scan3A_372 : i32 to index
        %get3A_395 = arith.constant 48 : index
        %get3A_396 = tpu.vector_load %arg18[%get3A_394, %get3A_395] {strides = array<i32>} : memref<80x128xf32, #tpu.memory_space<vmem>>, vector<16xf32>,
        %mul3A_397 = arith.mulf %get3A_396, %gather3A : vector<16xf32>
        %swap3A_398 = arith.index_cast %scan3A_372 : i32 to index
        %swap3A_399 = arith.constant 48 : index
        %swap3A_400 = tpu.vector_load %arg18[%swap3A_398, %swap3A_399] {strides = array<i32>} : memref<80x128xf32, #tpu.memory_space<vmem>>, vector<16xf32>,
        tpu.vector_store %arg18[%swap3A_398, %swap3A_399], %mul3A_397 {strides = array<i32>} : memref<80x128xf32, #tpu.memory_space<vmem>>, vector<16xf32>,
        %get3A_401 = arith.index_cast %scan3A_372 : i32 to index
        %get3A_402 = arith.constant 64 : index
        %get3A_403 = tpu.vector_load %arg18[%get3A_401, %get3A_402] {strides = array<i32>} : memref<80x128xf32, #tpu.memory_space<vmem>>, vector<16xf32>,
        %mul3A_404 = arith.mulf %get3A_403, %gather3A : vector<16xf32>
        %swap3A_405 = arith.index_cast %scan3A_372 : i32 to index
        %swap3A_406 = arith.constant 64 : index
        %swap3A_407 = tpu.vector_load %arg18[%swap3A_405, %swap3A_406] {strides = array<i32>} : memref<80x128xf32, #tpu.memory_space<vmem>>, vector<16xf32>,
        tpu.vector_store %arg18[%swap3A_405, %swap3A_406], %mul3A_404 {strides = array<i32>} : memref<80x128xf32, #tpu.memory_space<vmem>>, vector<16xf32>,
        %get3A_408 = arith.index_cast %scan3A_372 : i32 to index
        %get3A_409 = arith.constant 80 : index
        %get3A_410 = tpu.vector_load %arg18[%get3A_408, %get3A_409] {strides = array<i32>} : memref<80x128xf32, #tpu.memory_space<vmem>>, vector<16xf32>,
        %mul3A_411 = arith.mulf %get3A_410, %gather3A : vector<16xf32>
        %swap3A_412 = arith.index_cast %scan3A_372 : i32 to index
        %swap3A_413 = arith.constant 80 : index
        %swap3A_414 = tpu.vector_load %arg18[%swap3A_412, %swap3A_413] {strides = array<i32>} : memref<80x128xf32, #tpu.memory_space<vmem>>, vector<16xf32>,
        tpu.vector_store %arg18[%swap3A_412, %swap3A_413], %mul3A_411 {strides = array<i32>} : memref<80x128xf32, #tpu.memory_space<vmem>>, vector<16xf32>,
        %get3A_415 = arith.index_cast %scan3A_372 : i32 to index
        %get3A_416 = arith.constant 96 : index
        %get3A_417 = tpu.vector_load %arg18[%get3A_415, %get3A_416] {strides = array<i32>} : memref<80x128xf32, #tpu.memory_space<vmem>>, vector<16xf32>,
        %mul3A_418 = arith.mulf %get3A_417, %gather3A : vector<16xf32>
        %swap3A_419 = arith.index_cast %scan3A_372 : i32 to index
        %swap3A_420 = arith.constant 96 : index
        %swap3A_421 = tpu.vector_load %arg18[%swap3A_419, %swap3A_420] {strides = array<i32>} : memref<80x128xf32, #tpu.memory_space<vmem>>, vector<16xf32>,
        tpu.vector_store %arg18[%swap3A_419, %swap3A_420], %mul3A_418 {strides = array<i32>} : memref<80x128xf32, #tpu.memory_space<vmem>>, vector<16xf32>,
        %get3A_422 = arith.index_cast %scan3A_372 : i32 to index
        %get3A_423 = arith.constant 112 : index
        %get3A_424 = tpu.vector_load %arg18[%get3A_422, %get3A_423] {strides = array<i32>} : memref<80x128xf32, #tpu.memory_space<vmem>>, vector<16xf32>,
        %mul3A_425 = arith.mulf %get3A_424, %gather3A : vector<16xf32>
        %swap3A_426 = arith.index_cast %scan3A_372 : i32 to index
        %swap3A_427 = arith.constant 112 : index
        %swap3A_428 = tpu.vector_load %arg18[%swap3A_426, %swap3A_427] {strides = array<i32>} : memref<80x128xf32, #tpu.memory_space<vmem>>, vector<16xf32>,
        tpu.vector_store %arg18[%swap3A_426, %swap3A_427], %mul3A_425 {strides = array<i32>} : memref<80x128xf32, #tpu.memory_space<vmem>>, vector<16xf32>,
      }
      %scan3A_364 = arith.constant 80 : i32
      %dma_start3A_365 = arith.constant 0 : i32
      %dma_start3A_366 = arith.constant 0 : i32
      %dma_start3A_367 = tpu.memref_slice %arg10[%dma_start3A_365, %dma_start3A_366] : memref<3x80xi32, #tpu.memory_space<vmem>> -> memref<1x80xi32, #tpu.memory_space<vmem>>
      %dma_start3A_368 = tpu.memref_squeeze %dma_start3A_367 : memref<1x80xi32, #tpu.memory_space<vmem>> -> memref<80xi32, #tpu.memory_space<vmem>>
      %dma_start3A_369 = arith.constant 0 : i32
      %dma_start3A_370 = arith.constant 0 : i32
      %dma_start3A_371 = tpu.memref_slice %arg21[%dma_start3A_369, %dma_start3A_370] : memref<10240x128xf32, #tpu.memory_space<vmem_shared>> -> memref<10240x128xf32, #tpu.memory_space<vmem_shared>>
      tpu.enqueue_indirect_dma source(%arg18 : memref<80x128xf32, #tpu.memory_space<vmem>>) target(%dma_start3A_371 : memref<10240x128xf32, #tpu.memory_space<vmem_shared>>) offsets(%dma_start3A_368 : memref<80xi32, #tpu.memory_space<vmem>>) semaphore(%arg29 : memref<!tpu.dma_semaphore, #tpu.memory_space<semaphore_mem>>) {add = true}
    }
    %dma_wait3A = arith.constant 0 : i32
    %dma_wait3A_75 = arith.constant 0 : i32
    %dma_wait3A_76 = tpu.memref_slice %arg9[%dma_wait3A, %dma_wait3A_75] : memref<3x80xi32, #tpu.memory_space<vmem>> -> memref<1x80xi32, #tpu.memory_space<vmem>>
    %dma_wait3A_77 = tpu.memref_squeeze %dma_wait3A_76 : memref<1x80xi32, #tpu.memory_space<vmem>> -> memref<80xi32, #tpu.memory_space<vmem>>
    %dma_wait3A_78 = arith.constant 0 : i32
    %dma_wait3A_79 = arith.constant 0 : i32
    %dma_wait3A_80 = tpu.memref_slice %arg21[%dma_wait3A_78, %dma_wait3A_79] : memref<10240x128xf32, #tpu.memory_space<vmem_shared>> -> memref<10240x128xf32, #tpu.memory_space<vmem_shared>>
    tpu.wait_indirect_dma semaphore(%arg28 : memref<!tpu.dma_semaphore, #tpu.memory_space<semaphore_mem>>) src(%arg17 : memref<80x128xf32, #tpu.memory_space<vmem>>) dst(%dma_wait3A_80 : memref<10240x128xf32, #tpu.memory_space<vmem_shared>>)
    %dma_wait3A_81 = arith.constant 0 : i32
    %dma_wait3A_82 = arith.constant 0 : i32
    %dma_wait3A_83 = tpu.memref_slice %arg10[%dma_wait3A_81, %dma_wait3A_82] : memref<3x80xi32, #tpu.memory_space<vmem>> -> memref<1x80xi32, #tpu.memory_space<vmem>>
    %dma_wait3A_84 = tpu.memref_squeeze %dma_wait3A_83 : memref<1x80xi32, #tpu.memory_space<vmem>> -> memref<80xi32, #tpu.memory_space<vmem>>
    %dma_wait3A_85 = arith.constant 0 : i32
    %dma_wait3A_86 = arith.constant 0 : i32
    %dma_wait3A_87 = tpu.memref_slice %arg21[%dma_wait3A_85, %dma_wait3A_86] : memref<10240x128xf32, #tpu.memory_space<vmem_shared>> -> memref<10240x128xf32, #tpu.memory_space<vmem_shared>>
    tpu.wait_indirect_dma semaphore(%arg29 : memref<!tpu.dma_semaphore, #tpu.memory_space<semaphore_mem>>) src(%arg18 : memref<80x128xf32, #tpu.memory_space<vmem>>) dst(%dma_wait3A_87 : memref<10240x128xf32, #tpu.memory_space<vmem_shared>>)
    %barrier3A_88 = arith.constant 0 : index
    tpu.barrier barrier_id(%barrier3A_88)
    %mul3A_89 = arith.constant 640 : i32
    %mul3A_90 = arith.muli %arg1, %mul3A_89 : i32
    %mul3A_91 = arith.constant 640 : i32
    %mul3A_92 = arith.muli %arg1, %mul3A_91 : i32
    "tpu.region"() ({
      %run_scoped3A = tpu.sem_alloc : memref<!tpu.dma_semaphore, #tpu.memory_space<semaphore_mem>>
      %dma_start3A_93 = arith.constant 0 : i32
      %dma_start3A_94 = tpu.memref_slice %arg7[%arg0, %mul3A_92, %dma_start3A_93] : memref<2x10240x128xf32, #tpu.memory_space<hbm>> -> memref<1x640x128xf32, #tpu.memory_space<hbm>>
      %dma_start3A_95 = tpu.memref_squeeze %dma_start3A_94 : memref<1x640x128xf32, #tpu.memory_space<hbm>> -> memref<640x128xf32, #tpu.memory_space<hbm>>
      %dma_start3A_96 = arith.constant 0 : i32
      %dma_start3A_97 = tpu.memref_slice %arg21[%mul3A_90, %dma_start3A_96] : memref<10240x128xf32, #tpu.memory_space<vmem_shared>> -> memref<640x128xf32, #tpu.memory_space<vmem_shared>>
      tpu.enqueue_dma source(%dma_start3A_97 : memref<640x128xf32, #tpu.memory_space<vmem_shared>>) target(%dma_start3A_95 : memref<640x128xf32, #tpu.memory_space<hbm>>) target_semaphore(%run_scoped3A : memref<!tpu.dma_semaphore, #tpu.memory_space<semaphore_mem>>)
      %dma_wait3A_98 = arith.constant 0 : i32
      %dma_wait3A_99 = tpu.memref_slice %arg7[%arg0, %mul3A_92, %dma_wait3A_98] : memref<2x10240x128xf32, #tpu.memory_space<hbm>> -> memref<1x640x128xf32, #tpu.memory_space<hbm>>
      %dma_wait3A_100 = tpu.memref_squeeze %dma_wait3A_99 : memref<1x640x128xf32, #tpu.memory_space<hbm>> -> memref<640x128xf32, #tpu.memory_space<hbm>>
      %dma_wait3A_101 = arith.constant 0 : i32
      %dma_wait3A_102 = tpu.memref_slice %arg21[%mul3A_90, %dma_wait3A_101] : memref<10240x128xf32, #tpu.memory_space<vmem_shared>> -> memref<640x128xf32, #tpu.memory_space<vmem_shared>>
      tpu.wait_dma2 semaphore(%run_scoped3A : memref<!tpu.dma_semaphore, #tpu.memory_space<semaphore_mem>>) src(%dma_wait3A_102 : memref<640x128xf32, #tpu.memory_space<vmem_shared>>) dst(%dma_wait3A_100 : memref<640x128xf32, #tpu.memory_space<hbm>>)
      tpu.yield
    }) : () -> ()
    "tpu.region"() ({
      %run_scoped3A = tpu.sem_alloc : memref<!tpu.dma_semaphore, #tpu.memory_space<semaphore_mem>>
      %dma_start3A_93 = arith.constant 0 : i32
      %dma_start3A_94 = tpu.memref_slice %arg8[%add3A, %dma_start3A_93] : memref<32x10240xf32, #tpu.memory_space<hbm>> -> memref<1x10240xf32, #tpu.memory_space<hbm>>
      %dma_start3A_95 = tpu.memref_squeeze %dma_start3A_94 : memref<1x10240xf32, #tpu.memory_space<hbm>> -> memref<10240xf32, #tpu.memory_space<hbm>>
      %dma_start3A_96 = arith.constant 0 : i32
      %dma_start3A_97 = tpu.memref_slice %arg8[%add3A, %dma_start3A_96] : memref<32x10240xf32, #tpu.memory_space<hbm>> -> memref<1x10240xf32, #tpu.memory_space<hbm>>
      %dma_start3A_98 = tpu.memref_squeeze %dma_start3A_97 : memref<1x10240xf32, #tpu.memory_space<hbm>> -> memref<10240xf32, #tpu.memory_space<hbm>>
      tpu.enqueue_dma source(%arg20 : memref<10240xf32, #tpu.memory_space<vmem>>) target(%dma_start3A_98 : memref<10240xf32, #tpu.memory_space<hbm>>) target_semaphore(%run_scoped3A : memref<!tpu.dma_semaphore, #tpu.memory_space<semaphore_mem>>)
      %dma_wait3A_99 = arith.constant 0 : i32
      %dma_wait3A_100 = tpu.memref_slice %arg8[%add3A, %dma_wait3A_99] : memref<32x10240xf32, #tpu.memory_space<hbm>> -> memref<1x10240xf32, #tpu.memory_space<hbm>>
      %dma_wait3A_101 = tpu.memref_squeeze %dma_wait3A_100 : memref<1x10240xf32, #tpu.memory_space<hbm>> -> memref<10240xf32, #tpu.memory_space<hbm>>
      %dma_wait3A_102 = arith.constant 0 : i32
      %dma_wait3A_103 = tpu.memref_slice %arg8[%add3A, %dma_wait3A_102] : memref<32x10240xf32, #tpu.memory_space<hbm>> -> memref<1x10240xf32, #tpu.memory_space<hbm>>
      %dma_wait3A_104 = tpu.memref_squeeze %dma_wait3A_103 : memref<1x10240xf32, #tpu.memory_space<hbm>> -> memref<10240xf32, #tpu.memory_space<hbm>>
      tpu.wait_dma2 semaphore(%run_scoped3A : memref<!tpu.dma_semaphore, #tpu.memory_space<semaphore_mem>>) src(%arg20 : memref<10240xf32, #tpu.memory_space<vmem>>) dst(%dma_wait3A_104 : memref<10240xf32, #tpu.memory_space<hbm>>)
      tpu.yield
    }) : () -> ()
    return
  }
}

#map = affine_map<(d0, d1) -> (0, 0)>
#map1 = affine_map<(d0, d1) -> (0)>
#map2 = affine_map<(d0, d1) -> (0, 0, 0)>
module attributes {stable_mosaic.version = 14 : i64} {
  func.func @_sc_body(%arg0: i32, %arg1: i32, %arg2: memref<81920x128xf32, #tpu.memory_space<hbm>>, %arg3: memref<10240xf32, #tpu.memory_space<hbm>>, %arg4: memref<81920xf32, #tpu.memory_space<hbm>>, %arg5: memref<2048x3x80xi32, #tpu.memory_space<hbm>>, %arg6: memref<16xf32, #tpu.memory_space<hbm>>, %arg7: memref<2x10240x128xf32, #tpu.memory_space<hbm>>, %arg8: memref<32x10240xf32, #tpu.memory_space<hbm>>, %arg9: memref<3x80xi32, #tpu.memory_space<vmem>>, %arg10: memref<3x80xi32, #tpu.memory_space<vmem>>, %arg11: memref<80xf32, #tpu.memory_space<vmem>>, %arg12: memref<80xf32, #tpu.memory_space<vmem>>, %arg13: memref<80xf32, #tpu.memory_space<vmem>>, %arg14: memref<80xf32, #tpu.memory_space<vmem>>, %arg15: memref<80xf32, #tpu.memory_space<vmem>>, %arg16: memref<80xf32, #tpu.memory_space<vmem>>, %arg17: memref<80x128xf32, #tpu.memory_space<vmem>>, %arg18: memref<80x128xf32, #tpu.memory_space<vmem>>, %arg19: memref<16xf32, #tpu.memory_space<vmem>>, %arg20: memref<10240xf32, #tpu.memory_space<vmem>>, %arg21: memref<10240x128xf32, #tpu.memory_space<vmem_shared>>, %arg22: memref<!tpu.dma_semaphore, #tpu.memory_space<semaphore_mem>>, %arg23: memref<!tpu.dma_semaphore, #tpu.memory_space<semaphore_mem>>, %arg24: memref<!tpu.dma_semaphore, #tpu.memory_space<semaphore_mem>>, %arg25: memref<!tpu.dma_semaphore, #tpu.memory_space<semaphore_mem>>, %arg26: memref<!tpu.dma_semaphore, #tpu.memory_space<semaphore_mem>>, %arg27: memref<!tpu.dma_semaphore, #tpu.memory_space<semaphore_mem>>, %arg28: memref<!tpu.dma_semaphore, #tpu.memory_space<semaphore_mem>>, %arg29: memref<!tpu.dma_semaphore, #tpu.memory_space<semaphore_mem>>) attributes {dimension_semantics = [#tpu.dimension_semantics<core_parallel>, #tpu.dimension_semantics<subcore_parallel>], iteration_bounds = array<i64: 2, 16>, scalar_prefetch = 0 : i64, scratch_operands = 21 : i64, tpu.core_type = #tpu.core_type<sc_vector_subcore>, window_params = [{transform_indices = #map}, {transform_indices = #map1}, {transform_indices = #map1}, {transform_indices = #map2}, {transform_indices = #map1}, {transform_indices = #map2}, {transform_indices = #map}]} {
    %mul3A = arith.constant 2 : i32
    %mul3A_0 = arith.muli %arg1, %mul3A : i32
    %add3A = arith.addi %mul3A_0, %arg0 : i32
    %eq3A = arith.constant 0 : i32
    %eq3A_1 = arith.cmpi eq, %arg0, %eq3A : i32
    %jit3A = arith.constant 104 : i32
    %jit3A_2 = arith.constant 24 : i32
    %select_n3A = arith.select %eq3A_1, %jit3A, %jit3A_2 : i32
    %eq3A_3 = arith.constant 0 : i32
    %eq3A_4 = arith.cmpi eq, %arg0, %eq3A_3 : i32
    %jit3A_5 = arith.constant 0 : i32
    %jit3A_6 = arith.constant 1664 : i32
    %select_n3A_7 = arith.select %eq3A_4, %jit3A_5, %jit3A_6 : i32
    %mul3A_8 = arith.muli %arg1, %select_n3A : i32
    %add3A_9 = arith.addi %select_n3A_7, %mul3A_8 : i32
    %scan3A = arith.constant 0 : i32
    %scan3A_10 = arith.constant 0 : i32
    %scan3A_11 = arith.constant 80 : i32
    %scan3A_12 = arith.addi %scan3A_10, %scan3A_11 : i32
    %scan3A_13 = arith.constant 1 : i32
    scf.for %scan3A_93 = %scan3A_10 to %scan3A_12 step %scan3A_13  : i32 {
      %broadcast_in_dim3A = arith.constant 0.000000e+00 : f32
      %broadcast_in_dim3A_94 = vector.broadcast %broadcast_in_dim3A : f32 to vector<16xf32>
      %swap3A = arith.index_cast %scan3A_93 : i32 to index
      %swap3A_95 = arith.constant 0 : index
      %swap3A_96 = tpu.vector_load %arg17[%swap3A, %swap3A_95] {strides = array<i32>} : memref<80x128xf32, #tpu.memory_space<vmem>>, vector<16xf32>,
      tpu.vector_store %arg17[%swap3A, %swap3A_95], %broadcast_in_dim3A_94 {strides = array<i32>} : memref<80x128xf32, #tpu.memory_space<vmem>>, vector<16xf32>,
      %broadcast_in_dim3A_97 = arith.constant 0.000000e+00 : f32
      %broadcast_in_dim3A_98 = vector.broadcast %broadcast_in_dim3A_97 : f32 to vector<16xf32>
      %swap3A_99 = arith.index_cast %scan3A_93 : i32 to index
      %swap3A_100 = arith.constant 16 : index
      %swap3A_101 = tpu.vector_load %arg17[%swap3A_99, %swap3A_100] {strides = array<i32>} : memref<80x128xf32, #tpu.memory_space<vmem>>, vector<16xf32>,
      tpu.vector_store %arg17[%swap3A_99, %swap3A_100], %broadcast_in_dim3A_98 {strides = array<i32>} : memref<80x128xf32, #tpu.memory_space<vmem>>, vector<16xf32>,
      %broadcast_in_dim3A_102 = arith.constant 0.000000e+00 : f32
      %broadcast_in_dim3A_103 = vector.broadcast %broadcast_in_dim3A_102 : f32 to vector<16xf32>
      %swap3A_104 = arith.index_cast %scan3A_93 : i32 to index
      %swap3A_105 = arith.constant 32 : index
      %swap3A_106 = tpu.vector_load %arg17[%swap3A_104, %swap3A_105] {strides = array<i32>} : memref<80x128xf32, #tpu.memory_space<vmem>>, vector<16xf32>,
      tpu.vector_store %arg17[%swap3A_104, %swap3A_105], %broadcast_in_dim3A_103 {strides = array<i32>} : memref<80x128xf32, #tpu.memory_space<vmem>>, vector<16xf32>,
      %broadcast_in_dim3A_107 = arith.constant 0.000000e+00 : f32
      %broadcast_in_dim3A_108 = vector.broadcast %broadcast_in_dim3A_107 : f32 to vector<16xf32>
      %swap3A_109 = arith.index_cast %scan3A_93 : i32 to index
      %swap3A_110 = arith.constant 48 : index
      %swap3A_111 = tpu.vector_load %arg17[%swap3A_109, %swap3A_110] {strides = array<i32>} : memref<80x128xf32, #tpu.memory_space<vmem>>, vector<16xf32>,
      tpu.vector_store %arg17[%swap3A_109, %swap3A_110], %broadcast_in_dim3A_108 {strides = array<i32>} : memref<80x128xf32, #tpu.memory_space<vmem>>, vector<16xf32>,
      %broadcast_in_dim3A_112 = arith.constant 0.000000e+00 : f32
      %broadcast_in_dim3A_113 = vector.broadcast %broadcast_in_dim3A_112 : f32 to vector<16xf32>
      %swap3A_114 = arith.index_cast %scan3A_93 : i32 to index
      %swap3A_115 = arith.constant 64 : index
      %swap3A_116 = tpu.vector_load %arg17[%swap3A_114, %swap3A_115] {strides = array<i32>} : memref<80x128xf32, #tpu.memory_space<vmem>>, vector<16xf32>,
      tpu.vector_store %arg17[%swap3A_114, %swap3A_115], %broadcast_in_dim3A_113 {strides = array<i32>} : memref<80x128xf32, #tpu.memory_space<vmem>>, vector<16xf32>,
      %broadcast_in_dim3A_117 = arith.constant 0.000000e+00 : f32
      %broadcast_in_dim3A_118 = vector.broadcast %broadcast_in_dim3A_117 : f32 to vector<16xf32>
      %swap3A_119 = arith.index_cast %scan3A_93 : i32 to index
      %swap3A_120 = arith.constant 80 : index
      %swap3A_121 = tpu.vector_load %arg17[%swap3A_119, %swap3A_120] {strides = array<i32>} : memref<80x128xf32, #tpu.memory_space<vmem>>, vector<16xf32>,
      tpu.vector_store %arg17[%swap3A_119, %swap3A_120], %broadcast_in_dim3A_118 {strides = array<i32>} : memref<80x128xf32, #tpu.memory_space<vmem>>, vector<16xf32>,
      %broadcast_in_dim3A_122 = arith.constant 0.000000e+00 : f32
      %broadcast_in_dim3A_123 = vector.broadcast %broadcast_in_dim3A_122 : f32 to vector<16xf32>
      %swap3A_124 = arith.index_cast %scan3A_93 : i32 to index
      %swap3A_125 = arith.constant 96 : index
      %swap3A_126 = tpu.vector_load %arg17[%swap3A_124, %swap3A_125] {strides = array<i32>} : memref<80x128xf32, #tpu.memory_space<vmem>>, vector<16xf32>,
      tpu.vector_store %arg17[%swap3A_124, %swap3A_125], %broadcast_in_dim3A_123 {strides = array<i32>} : memref<80x128xf32, #tpu.memory_space<vmem>>, vector<16xf32>,
      %broadcast_in_dim3A_127 = arith.constant 0.000000e+00 : f32
      %broadcast_in_dim3A_128 = vector.broadcast %broadcast_in_dim3A_127 : f32 to vector<16xf32>
      %swap3A_129 = arith.index_cast %scan3A_93 : i32 to index
      %swap3A_130 = arith.constant 112 : index
      %swap3A_131 = tpu.vector_load %arg17[%swap3A_129, %swap3A_130] {strides = array<i32>} : memref<80x128xf32, #tpu.memory_space<vmem>>, vector<16xf32>,
      tpu.vector_store %arg17[%swap3A_129, %swap3A_130], %broadcast_in_dim3A_128 {strides = array<i32>} : memref<80x128xf32, #tpu.memory_space<vmem>>, vector<16xf32>,
    }
    %scan3A_14 = arith.constant 80 : i32
    %scan3A_15 = arith.constant 0 : i32
    %scan3A_16 = arith.constant 0 : i32
    %scan3A_17 = arith.constant 8 : i32
    %scan3A_18 = arith.addi %scan3A_16, %scan3A_17 : i32
    %scan3A_19 = arith.constant 1 : i32
    scf.for %scan3A_93 = %scan3A_16 to %scan3A_18 step %scan3A_19  : i32 {
      %mul3A_94 = arith.constant 640 : i32
      %mul3A_95 = arith.muli %arg1, %mul3A_94 : i32
      %mul3A_96 = arith.constant 80 : i32
      %mul3A_97 = arith.muli %scan3A_93, %mul3A_96 : i32
      %add3A_98 = arith.addi %mul3A_95, %mul3A_97 : i32
      "tpu.region"() ({
        %run_scoped3A = tpu.sem_alloc : memref<!tpu.dma_semaphore, #tpu.memory_space<semaphore_mem>>
        %dma_start3A_99 = arith.constant 0 : i32
        %dma_start3A_100 = tpu.memref_slice %arg21[%add3A_98, %dma_start3A_99] : memref<10240x128xf32, #tpu.memory_space<vmem_shared>> -> memref<80x128xf32, #tpu.memory_space<vmem_shared>>
        %dma_start3A_101 = arith.constant 0 : i32
        %dma_start3A_102 = tpu.memref_slice %arg21[%add3A_98, %dma_start3A_101] : memref<10240x128xf32, #tpu.memory_space<vmem_shared>> -> memref<80x128xf32, #tpu.memory_space<vmem_shared>>
        tpu.enqueue_dma source(%arg17 : memref<80x128xf32, #tpu.memory_space<vmem>>) target(%dma_start3A_102 : memref<80x128xf32, #tpu.memory_space<vmem_shared>>) target_semaphore(%run_scoped3A : memref<!tpu.dma_semaphore, #tpu.memory_space<semaphore_mem>>)
        %dma_wait3A_103 = arith.constant 0 : i32
        %dma_wait3A_104 = tpu.memref_slice %arg21[%add3A_98, %dma_wait3A_103] : memref<10240x128xf32, #tpu.memory_space<vmem_shared>> -> memref<80x128xf32, #tpu.memory_space<vmem_shared>>
        %dma_wait3A_105 = arith.constant 0 : i32
        %dma_wait3A_106 = tpu.memref_slice %arg21[%add3A_98, %dma_wait3A_105] : memref<10240x128xf32, #tpu.memory_space<vmem_shared>> -> memref<80x128xf32, #tpu.memory_space<vmem_shared>>
        tpu.wait_dma2 semaphore(%run_scoped3A : memref<!tpu.dma_semaphore, #tpu.memory_space<semaphore_mem>>) src(%arg17 : memref<80x128xf32, #tpu.memory_space<vmem>>) dst(%dma_wait3A_106 : memref<80x128xf32, #tpu.memory_space<vmem_shared>>)
        tpu.yield
      }) : () -> ()
    }
    %scan3A_20 = arith.constant 8 : i32
    %scan3A_21 = arith.constant 0 : i32
    %scan3A_22 = arith.constant 0 : i32
    %scan3A_23 = arith.constant 640 : i32
    %scan3A_24 = arith.addi %scan3A_22, %scan3A_23 : i32
    %scan3A_25 = arith.constant 1 : i32
    scf.for %scan3A_93 = %scan3A_22 to %scan3A_24 step %scan3A_25  : i32 {
      %broadcast_in_dim3A = arith.constant 0.000000e+00 : f32
      %broadcast_in_dim3A_94 = vector.broadcast %broadcast_in_dim3A : f32 to vector<16xf32>
      %mul3A_95 = arith.constant 16 : i32
      %mul3A_96 = arith.muli %scan3A_93, %mul3A_95 : i32
      %swap3A = arith.index_cast %mul3A_96 : i32 to index
      %swap3A_97 = tpu.vector_load %arg20[%swap3A] {strides = array<i32>} : memref<10240xf32, #tpu.memory_space<vmem>>, vector<16xf32>,
      tpu.vector_store %arg20[%swap3A], %broadcast_in_dim3A_94 {strides = array<i32>} : memref<10240xf32, #tpu.memory_space<vmem>>, vector<16xf32>,
    }
    %scan3A_26 = arith.constant 640 : i32
    "tpu.region"() ({
      %run_scoped3A = tpu.sem_alloc : memref<!tpu.dma_semaphore, #tpu.memory_space<semaphore_mem>>
      tpu.enqueue_dma source(%arg6 : memref<16xf32, #tpu.memory_space<hbm>>) target(%arg19 : memref<16xf32, #tpu.memory_space<vmem>>) target_semaphore(%run_scoped3A : memref<!tpu.dma_semaphore, #tpu.memory_space<semaphore_mem>>)
      tpu.wait_dma2 semaphore(%run_scoped3A : memref<!tpu.dma_semaphore, #tpu.memory_space<semaphore_mem>>) src(%arg6 : memref<16xf32, #tpu.memory_space<hbm>>) dst(%arg19 : memref<16xf32, #tpu.memory_space<vmem>>)
      tpu.yield
    }) : () -> ()
    %get3A = arith.constant 0 : index
    %get3A_27 = tpu.vector_load %arg19[%get3A] {strides = array<i32>} : memref<16xf32, #tpu.memory_space<vmem>>, vector<16xf32>,
    %barrier3A = arith.constant 0 : index
    tpu.barrier barrier_id(%barrier3A)
    "tpu.region"() ({
      %run_scoped3A = tpu.sem_alloc : memref<!tpu.dma_semaphore, #tpu.memory_space<semaphore_mem>>
      %dma_start3A_93 = arith.constant 0 : i32
      %dma_start3A_94 = arith.constant 0 : i32
      %dma_start3A_95 = tpu.memref_slice %arg5[%add3A_9, %dma_start3A_93, %dma_start3A_94] : memref<2048x3x80xi32, #tpu.memory_space<hbm>> -> memref<1x3x80xi32, #tpu.memory_space<hbm>>
      %dma_start3A_96 = tpu.memref_squeeze %dma_start3A_95 : memref<1x3x80xi32, #tpu.memory_space<hbm>> -> memref<3x80xi32, #tpu.memory_space<hbm>>
      %dma_start3A_97 = arith.constant 0 : i32
      %dma_start3A_98 = arith.constant 0 : i32
      %dma_start3A_99 = tpu.memref_slice %arg5[%add3A_9, %dma_start3A_97, %dma_start3A_98] : memref<2048x3x80xi32, #tpu.memory_space<hbm>> -> memref<1x3x80xi32, #tpu.memory_space<hbm>>
      %dma_start3A_100 = tpu.memref_squeeze %dma_start3A_99 : memref<1x3x80xi32, #tpu.memory_space<hbm>> -> memref<3x80xi32, #tpu.memory_space<hbm>>
      tpu.enqueue_dma source(%dma_start3A_100 : memref<3x80xi32, #tpu.memory_space<hbm>>) target(%arg9 : memref<3x80xi32, #tpu.memory_space<vmem>>) target_semaphore(%run_scoped3A : memref<!tpu.dma_semaphore, #tpu.memory_space<semaphore_mem>>)
      %dma_wait3A_101 = arith.constant 0 : i32
      %dma_wait3A_102 = arith.constant 0 : i32
      %dma_wait3A_103 = tpu.memref_slice %arg5[%add3A_9, %dma_wait3A_101, %dma_wait3A_102] : memref<2048x3x80xi32, #tpu.memory_space<hbm>> -> memref<1x3x80xi32, #tpu.memory_space<hbm>>
      %dma_wait3A_104 = tpu.memref_squeeze %dma_wait3A_103 : memref<1x3x80xi32, #tpu.memory_space<hbm>> -> memref<3x80xi32, #tpu.memory_space<hbm>>
      %dma_wait3A_105 = arith.constant 0 : i32
      %dma_wait3A_106 = arith.constant 0 : i32
      %dma_wait3A_107 = tpu.memref_slice %arg5[%add3A_9, %dma_wait3A_105, %dma_wait3A_106] : memref<2048x3x80xi32, #tpu.memory_space<hbm>> -> memref<1x3x80xi32, #tpu.memory_space<hbm>>
      %dma_wait3A_108 = tpu.memref_squeeze %dma_wait3A_107 : memref<1x3x80xi32, #tpu.memory_space<hbm>> -> memref<3x80xi32, #tpu.memory_space<hbm>>
      tpu.wait_dma2 semaphore(%run_scoped3A : memref<!tpu.dma_semaphore, #tpu.memory_space<semaphore_mem>>) src(%dma_wait3A_108 : memref<3x80xi32, #tpu.memory_space<hbm>>) dst(%arg9 : memref<3x80xi32, #tpu.memory_space<vmem>>)
      tpu.yield
    }) : () -> ()
    %dma_start3A = arith.constant 0 : i32
    %dma_start3A_28 = arith.constant 0 : i32
    %dma_start3A_29 = tpu.memref_slice %arg9[%dma_start3A, %dma_start3A_28] : memref<3x80xi32, #tpu.memory_space<vmem>> -> memref<1x80xi32, #tpu.memory_space<vmem>>
    %dma_start3A_30 = tpu.memref_squeeze %dma_start3A_29 : memref<1x80xi32, #tpu.memory_space<vmem>> -> memref<80xi32, #tpu.memory_space<vmem>>
    %dma_start3A_31 = arith.constant 0 : i32
    %dma_start3A_32 = tpu.memref_slice %arg3[%dma_start3A_31] : memref<10240xf32, #tpu.memory_space<hbm>> -> memref<10240xf32, #tpu.memory_space<hbm>>
    tpu.enqueue_indirect_dma source(%dma_start3A_32 : memref<10240xf32, #tpu.memory_space<hbm>>) target(%arg11 : memref<80xf32, #tpu.memory_space<vmem>>) offsets(%dma_start3A_30 : memref<80xi32, #tpu.memory_space<vmem>>) semaphore(%arg22 : memref<!tpu.dma_semaphore, #tpu.memory_space<semaphore_mem>>)
    %dma_start3A_33 = arith.constant 1 : i32
    %dma_start3A_34 = arith.constant 0 : i32
    %dma_start3A_35 = tpu.memref_slice %arg9[%dma_start3A_33, %dma_start3A_34] : memref<3x80xi32, #tpu.memory_space<vmem>> -> memref<1x80xi32, #tpu.memory_space<vmem>>
    %dma_start3A_36 = tpu.memref_squeeze %dma_start3A_35 : memref<1x80xi32, #tpu.memory_space<vmem>> -> memref<80xi32, #tpu.memory_space<vmem>>
    %dma_start3A_37 = arith.constant 0 : i32
    %dma_start3A_38 = tpu.memref_slice %arg4[%dma_start3A_37] : memref<81920xf32, #tpu.memory_space<hbm>> -> memref<81920xf32, #tpu.memory_space<hbm>>
    tpu.enqueue_indirect_dma source(%dma_start3A_38 : memref<81920xf32, #tpu.memory_space<hbm>>) target(%arg13 : memref<80xf32, #tpu.memory_space<vmem>>) offsets(%dma_start3A_36 : memref<80xi32, #tpu.memory_space<vmem>>) semaphore(%arg24 : memref<!tpu.dma_semaphore, #tpu.memory_space<semaphore_mem>>)
    %dma_start3A_39 = arith.constant 2 : i32
    %dma_start3A_40 = arith.constant 0 : i32
    %dma_start3A_41 = tpu.memref_slice %arg9[%dma_start3A_39, %dma_start3A_40] : memref<3x80xi32, #tpu.memory_space<vmem>> -> memref<1x80xi32, #tpu.memory_space<vmem>>
    %dma_start3A_42 = tpu.memref_squeeze %dma_start3A_41 : memref<1x80xi32, #tpu.memory_space<vmem>> -> memref<80xi32, #tpu.memory_space<vmem>>
    %dma_start3A_43 = arith.constant 0 : i32
    %dma_start3A_44 = arith.constant 0 : i32
    %dma_start3A_45 = tpu.memref_slice %arg2[%dma_start3A_43, %dma_start3A_44] : memref<81920x128xf32, #tpu.memory_space<hbm>> -> memref<81920x128xf32, #tpu.memory_space<hbm>>
    tpu.enqueue_indirect_dma source(%dma_start3A_45 : memref<81920x128xf32, #tpu.memory_space<hbm>>) target(%arg17 : memref<80x128xf32, #tpu.memory_space<vmem>>) offsets(%dma_start3A_42 : memref<80xi32, #tpu.memory_space<vmem>>) semaphore(%arg26 : memref<!tpu.dma_semaphore, #tpu.memory_space<semaphore_mem>>)
    %add3A_46 = arith.constant 1 : i32
    %add3A_47 = arith.addi %select_n3A, %add3A_46 : i32
    %jit3A_48 = arith.constant 2 : i32
    %div3A = arith.divsi %add3A_47, %jit3A_48 : i32
    %sign3A = arith.constant 0 : i32
    %sign3A_49 = arith.cmpi sgt, %add3A_47, %sign3A : i32
    %sign3A_50 = arith.extui %sign3A_49 : i1 to i32
    %sign3A_51 = arith.constant 0 : i32
    %sign3A_52 = arith.cmpi slt, %add3A_47, %sign3A_51 : i32
    %sign3A_53 = arith.extui %sign3A_52 : i1 to i32
    %sign3A_54 = arith.subi %sign3A_50, %sign3A_53 : i32
    %sign3A_55 = arith.constant 0 : i32
    %sign3A_56 = arith.cmpi sgt, %jit3A_48, %sign3A_55 : i32
    %sign3A_57 = arith.extui %sign3A_56 : i1 to i32
    %sign3A_58 = arith.constant 0 : i32
    %sign3A_59 = arith.cmpi slt, %jit3A_48, %sign3A_58 : i32
    %sign3A_60 = arith.extui %sign3A_59 : i1 to i32
    %sign3A_61 = arith.subi %sign3A_57, %sign3A_60 : i32
    %ne3A = arith.cmpi ne, %sign3A_54, %sign3A_61 : i32
    %rem3A = arith.remsi %add3A_47, %jit3A_48 : i32
    %ne3A_62 = arith.constant 0 : i32
    %ne3A_63 = arith.cmpi ne, %rem3A, %ne3A_62 : i32
    %and3A = arith.andi %ne3A, %ne3A_63 : i1
    %sub3A = arith.constant 1 : i32
    %sub3A_64 = arith.subi %div3A, %sub3A : i32
    %select_n3A_65 = arith.select %and3A, %sub3A_64, %div3A : i32
    %while3A = arith.constant 0 : i32
    %while3A_66 = arith.constant 0 : i32
    %while3A_67 = arith.subi %select_n3A_65, %while3A_66 : i32
    %while3A_68 = arith.addi %while3A_66, %while3A_67 : i32
    %while3A_69 = arith.constant 1 : i32
    %while3A_70 = arith.divsi %while3A_67, %while3A_69 : i32
    %while3A_71 = arith.muli %while3A_70, %while3A_69 : i32
    %while3A_72 = arith.addi %while3A_66, %while3A_71 : i32
    %while3A_73 = arith.constant 1 : i32
    scf.for %while3A_93 = %while3A_66 to %while3A_72 step %while3A_73  : i32 {
      %mul3A_94 = arith.constant 2 : i32
      %mul3A_95 = arith.muli %while3A_93, %mul3A_94 : i32
      %add3A_96 = arith.constant 0 : i32
      %add3A_97 = arith.addi %mul3A_95, %add3A_96 : i32
      %add3A_98 = arith.constant 1 : i32
      %add3A_99 = arith.addi %add3A_97, %add3A_98 : i32
      %lt3A = arith.cmpi slt, %add3A_99, %select_n3A : i32
      %convert_element_type3A = arith.extui %lt3A : i1 to i32
      %cond3A = arith.constant 0 : i32
      %cond3A_100 = arith.cmpi ne, %convert_element_type3A, %cond3A : i32
      scf.if %cond3A_100 {
        %add3A_372 = arith.addi %add3A_9, %add3A_97 : i32
        %add3A_373 = arith.constant 1 : i32
        %add3A_374 = arith.addi %add3A_372, %add3A_373 : i32
        "tpu.region"() ({
          %run_scoped3A = tpu.sem_alloc : memref<!tpu.dma_semaphore, #tpu.memory_space<semaphore_mem>>
          %dma_start3A_401 = arith.constant 0 : i32
          %dma_start3A_402 = arith.constant 0 : i32
          %dma_start3A_403 = tpu.memref_slice %arg5[%add3A_374, %dma_start3A_401, %dma_start3A_402] : memref<2048x3x80xi32, #tpu.memory_space<hbm>> -> memref<1x3x80xi32, #tpu.memory_space<hbm>>
          %dma_start3A_404 = tpu.memref_squeeze %dma_start3A_403 : memref<1x3x80xi32, #tpu.memory_space<hbm>> -> memref<3x80xi32, #tpu.memory_space<hbm>>
          %dma_start3A_405 = arith.constant 0 : i32
          %dma_start3A_406 = arith.constant 0 : i32
          %dma_start3A_407 = tpu.memref_slice %arg5[%add3A_374, %dma_start3A_405, %dma_start3A_406] : memref<2048x3x80xi32, #tpu.memory_space<hbm>> -> memref<1x3x80xi32, #tpu.memory_space<hbm>>
          %dma_start3A_408 = tpu.memref_squeeze %dma_start3A_407 : memref<1x3x80xi32, #tpu.memory_space<hbm>> -> memref<3x80xi32, #tpu.memory_space<hbm>>
          tpu.enqueue_dma source(%dma_start3A_408 : memref<3x80xi32, #tpu.memory_space<hbm>>) target(%arg10 : memref<3x80xi32, #tpu.memory_space<vmem>>) target_semaphore(%run_scoped3A : memref<!tpu.dma_semaphore, #tpu.memory_space<semaphore_mem>>)
          %dma_wait3A_409 = arith.constant 0 : i32
          %dma_wait3A_410 = arith.constant 0 : i32
          %dma_wait3A_411 = tpu.memref_slice %arg5[%add3A_374, %dma_wait3A_409, %dma_wait3A_410] : memref<2048x3x80xi32, #tpu.memory_space<hbm>> -> memref<1x3x80xi32, #tpu.memory_space<hbm>>
          %dma_wait3A_412 = tpu.memref_squeeze %dma_wait3A_411 : memref<1x3x80xi32, #tpu.memory_space<hbm>> -> memref<3x80xi32, #tpu.memory_space<hbm>>
          %dma_wait3A_413 = arith.constant 0 : i32
          %dma_wait3A_414 = arith.constant 0 : i32
          %dma_wait3A_415 = tpu.memref_slice %arg5[%add3A_374, %dma_wait3A_413, %dma_wait3A_414] : memref<2048x3x80xi32, #tpu.memory_space<hbm>> -> memref<1x3x80xi32, #tpu.memory_space<hbm>>
          %dma_wait3A_416 = tpu.memref_squeeze %dma_wait3A_415 : memref<1x3x80xi32, #tpu.memory_space<hbm>> -> memref<3x80xi32, #tpu.memory_space<hbm>>
          tpu.wait_dma2 semaphore(%run_scoped3A : memref<!tpu.dma_semaphore, #tpu.memory_space<semaphore_mem>>) src(%dma_wait3A_416 : memref<3x80xi32, #tpu.memory_space<hbm>>) dst(%arg10 : memref<3x80xi32, #tpu.memory_space<vmem>>)
          tpu.yield
        }) : () -> ()
        %ge3A_375 = arith.constant 1 : i32
        %ge3A_376 = arith.cmpi sge, %add3A_97, %ge3A_375 : i32
        %convert_element_type3A_377 = arith.extui %ge3A_376 : i1 to i32
        %cond3A_378 = arith.constant 0 : i32
        %cond3A_379 = arith.cmpi ne, %convert_element_type3A_377, %cond3A_378 : i32
        scf.if %cond3A_379 {
          %dma_wait3A_401 = arith.constant 0 : i32
          %dma_wait3A_402 = arith.constant 0 : i32
          %dma_wait3A_403 = tpu.memref_slice %arg10[%dma_wait3A_401, %dma_wait3A_402] : memref<3x80xi32, #tpu.memory_space<vmem>> -> memref<1x80xi32, #tpu.memory_space<vmem>>
          %dma_wait3A_404 = tpu.memref_squeeze %dma_wait3A_403 : memref<1x80xi32, #tpu.memory_space<vmem>> -> memref<80xi32, #tpu.memory_space<vmem>>
          %dma_wait3A_405 = arith.constant 0 : i32
          %dma_wait3A_406 = arith.constant 0 : i32
          %dma_wait3A_407 = tpu.memref_slice %arg21[%dma_wait3A_405, %dma_wait3A_406] : memref<10240x128xf32, #tpu.memory_space<vmem_shared>> -> memref<10240x128xf32, #tpu.memory_space<vmem_shared>>
          tpu.wait_indirect_dma semaphore(%arg29 : memref<!tpu.dma_semaphore, #tpu.memory_space<semaphore_mem>>) src(%arg18 : memref<80x128xf32, #tpu.memory_space<vmem>>) dst(%dma_wait3A_407 : memref<10240x128xf32, #tpu.memory_space<vmem_shared>>)
        } else {
        }
        %add3A_380 = arith.constant 1 : i32
        %add3A_381 = arith.addi %add3A_97, %add3A_380 : i32
        %dma_start3A_382 = arith.constant 0 : i32
        %dma_start3A_383 = arith.constant 0 : i32
        %dma_start3A_384 = tpu.memref_slice %arg10[%dma_start3A_382, %dma_start3A_383] : memref<3x80xi32, #tpu.memory_space<vmem>> -> memref<1x80xi32, #tpu.memory_space<vmem>>
        %dma_start3A_385 = tpu.memref_squeeze %dma_start3A_384 : memref<1x80xi32, #tpu.memory_space<vmem>> -> memref<80xi32, #tpu.memory_space<vmem>>
        %dma_start3A_386 = arith.constant 0 : i32
        %dma_start3A_387 = tpu.memref_slice %arg3[%dma_start3A_386] : memref<10240xf32, #tpu.memory_space<hbm>> -> memref<10240xf32, #tpu.memory_space<hbm>>
        tpu.enqueue_indirect_dma source(%dma_start3A_387 : memref<10240xf32, #tpu.memory_space<hbm>>) target(%arg12 : memref<80xf32, #tpu.memory_space<vmem>>) offsets(%dma_start3A_385 : memref<80xi32, #tpu.memory_space<vmem>>) semaphore(%arg23 : memref<!tpu.dma_semaphore, #tpu.memory_space<semaphore_mem>>)
        %dma_start3A_388 = arith.constant 1 : i32
        %dma_start3A_389 = arith.constant 0 : i32
        %dma_start3A_390 = tpu.memref_slice %arg10[%dma_start3A_388, %dma_start3A_389] : memref<3x80xi32, #tpu.memory_space<vmem>> -> memref<1x80xi32, #tpu.memory_space<vmem>>
        %dma_start3A_391 = tpu.memref_squeeze %dma_start3A_390 : memref<1x80xi32, #tpu.memory_space<vmem>> -> memref<80xi32, #tpu.memory_space<vmem>>
        %dma_start3A_392 = arith.constant 0 : i32
        %dma_start3A_393 = tpu.memref_slice %arg4[%dma_start3A_392] : memref<81920xf32, #tpu.memory_space<hbm>> -> memref<81920xf32, #tpu.memory_space<hbm>>
        tpu.enqueue_indirect_dma source(%dma_start3A_393 : memref<81920xf32, #tpu.memory_space<hbm>>) target(%arg14 : memref<80xf32, #tpu.memory_space<vmem>>) offsets(%dma_start3A_391 : memref<80xi32, #tpu.memory_space<vmem>>) semaphore(%arg25 : memref<!tpu.dma_semaphore, #tpu.memory_space<semaphore_mem>>)
        %dma_start3A_394 = arith.constant 2 : i32
        %dma_start3A_395 = arith.constant 0 : i32
        %dma_start3A_396 = tpu.memref_slice %arg10[%dma_start3A_394, %dma_start3A_395] : memref<3x80xi32, #tpu.memory_space<vmem>> -> memref<1x80xi32, #tpu.memory_space<vmem>>
        %dma_start3A_397 = tpu.memref_squeeze %dma_start3A_396 : memref<1x80xi32, #tpu.memory_space<vmem>> -> memref<80xi32, #tpu.memory_space<vmem>>
        %dma_start3A_398 = arith.constant 0 : i32
        %dma_start3A_399 = arith.constant 0 : i32
        %dma_start3A_400 = tpu.memref_slice %arg2[%dma_start3A_398, %dma_start3A_399] : memref<81920x128xf32, #tpu.memory_space<hbm>> -> memref<81920x128xf32, #tpu.memory_space<hbm>>
        tpu.enqueue_indirect_dma source(%dma_start3A_400 : memref<81920x128xf32, #tpu.memory_space<hbm>>) target(%arg18 : memref<80x128xf32, #tpu.memory_space<vmem>>) offsets(%dma_start3A_397 : memref<80xi32, #tpu.memory_space<vmem>>) semaphore(%arg27 : memref<!tpu.dma_semaphore, #tpu.memory_space<semaphore_mem>>)
      } else {
      }
      %dma_wait3A_101 = arith.constant 0 : i32
      %dma_wait3A_102 = arith.constant 0 : i32
      %dma_wait3A_103 = tpu.memref_slice %arg9[%dma_wait3A_101, %dma_wait3A_102] : memref<3x80xi32, #tpu.memory_space<vmem>> -> memref<1x80xi32, #tpu.memory_space<vmem>>
      %dma_wait3A_104 = tpu.memref_squeeze %dma_wait3A_103 : memref<1x80xi32, #tpu.memory_space<vmem>> -> memref<80xi32, #tpu.memory_space<vmem>>
      %dma_wait3A_105 = arith.constant 0 : i32
      %dma_wait3A_106 = tpu.memref_slice %arg3[%dma_wait3A_105] : memref<10240xf32, #tpu.memory_space<hbm>> -> memref<10240xf32, #tpu.memory_space<hbm>>
      tpu.wait_indirect_dma semaphore(%arg22 : memref<!tpu.dma_semaphore, #tpu.memory_space<semaphore_mem>>) src(%dma_wait3A_106 : memref<10240xf32, #tpu.memory_space<hbm>>) dst(%arg11 : memref<80xf32, #tpu.memory_space<vmem>>)
      %dma_wait3A_107 = arith.constant 1 : i32
      %dma_wait3A_108 = arith.constant 0 : i32
      %dma_wait3A_109 = tpu.memref_slice %arg9[%dma_wait3A_107, %dma_wait3A_108] : memref<3x80xi32, #tpu.memory_space<vmem>> -> memref<1x80xi32, #tpu.memory_space<vmem>>
      %dma_wait3A_110 = tpu.memref_squeeze %dma_wait3A_109 : memref<1x80xi32, #tpu.memory_space<vmem>> -> memref<80xi32, #tpu.memory_space<vmem>>
      %dma_wait3A_111 = arith.constant 0 : i32
      %dma_wait3A_112 = tpu.memref_slice %arg4[%dma_wait3A_111] : memref<81920xf32, #tpu.memory_space<hbm>> -> memref<81920xf32, #tpu.memory_space<hbm>>
      tpu.wait_indirect_dma semaphore(%arg24 : memref<!tpu.dma_semaphore, #tpu.memory_space<semaphore_mem>>) src(%dma_wait3A_112 : memref<81920xf32, #tpu.memory_space<hbm>>) dst(%arg13 : memref<80xf32, #tpu.memory_space<vmem>>)
      %get3A_113 = arith.constant 0 : index
      %get3A_114 = tpu.vector_load %arg11[%get3A_113] {strides = array<i32>} : memref<80xf32, #tpu.memory_space<vmem>>, vector<16xf32>,
      %get3A_115 = arith.constant 0 : index
      %get3A_116 = tpu.vector_load %arg13[%get3A_115] {strides = array<i32>} : memref<80xf32, #tpu.memory_space<vmem>>, vector<16xf32>,
      %get3A_117 = arith.constant 0 : i32
      %get3A_118 = arith.index_cast %get3A_117 : i32 to index
      %get3A_119 = arith.constant 0 : index
      %get3A_120 = tpu.vector_load %arg9[%get3A_118, %get3A_119] {strides = array<i32>} : memref<3x80xi32, #tpu.memory_space<vmem>>, vector<16xi32>,
      %add3A_121 = arith.addf %get3A_114, %get3A_116 : vector<16xf32>
      %ge3A = arith.constant 0.000000e+00 : f32
      %ge3A_122 = vector.broadcast %ge3A : f32 to vector<16xf32>
      %ge3A_123 = arith.cmpf oge, %add3A_121, %ge3A_122 : vector<16xf32>
      %mul3A_124 = arith.constant 2.000000e-01 : f32
      %mul3A_125 = vector.broadcast %mul3A_124 : f32 to vector<16xf32>
      %mul3A_126 = arith.mulf %mul3A_125, %add3A_121 : vector<16xf32>
      %select_n3A_127 = arith.select %ge3A_123, %add3A_121, %mul3A_126 : vector<16xi1>, vector<16xf32>
      %sub3A_128 = arith.subf %select_n3A_127, %get3A_27 : vector<16xf32>
      %exp3A = math.exp %sub3A_128 : vector<16xf32>
      %swap3A = arith.constant 0 : index
      %swap3A_129 = tpu.vector_load %arg15[%swap3A] {strides = array<i32>} : memref<80xf32, #tpu.memory_space<vmem>>, vector<16xf32>,
      tpu.vector_store %arg15[%swap3A], %exp3A {strides = array<i32>} : memref<80xf32, #tpu.memory_space<vmem>>, vector<16xf32>,
      tpu.vector_store_idx %arg20[%get3A_120], %exp3A {add = true} : memref<10240xf32, #tpu.memory_space<vmem>>[vector<16xi32>], vector<16xf32>,
      %get3A_130 = arith.constant 16 : index
      %get3A_131 = tpu.vector_load %arg11[%get3A_130] {strides = array<i32>} : memref<80xf32, #tpu.memory_space<vmem>>, vector<16xf32>,
      %get3A_132 = arith.constant 16 : index
      %get3A_133 = tpu.vector_load %arg13[%get3A_132] {strides = array<i32>} : memref<80xf32, #tpu.memory_space<vmem>>, vector<16xf32>,
      %get3A_134 = arith.constant 0 : i32
      %get3A_135 = arith.index_cast %get3A_134 : i32 to index
      %get3A_136 = arith.constant 16 : index
      %get3A_137 = tpu.vector_load %arg9[%get3A_135, %get3A_136] {strides = array<i32>} : memref<3x80xi32, #tpu.memory_space<vmem>>, vector<16xi32>,
      %add3A_138 = arith.addf %get3A_131, %get3A_133 : vector<16xf32>
      %ge3A_139 = arith.constant 0.000000e+00 : f32
      %ge3A_140 = vector.broadcast %ge3A_139 : f32 to vector<16xf32>
      %ge3A_141 = arith.cmpf oge, %add3A_138, %ge3A_140 : vector<16xf32>
      %mul3A_142 = arith.constant 2.000000e-01 : f32
      %mul3A_143 = vector.broadcast %mul3A_142 : f32 to vector<16xf32>
      %mul3A_144 = arith.mulf %mul3A_143, %add3A_138 : vector<16xf32>
      %select_n3A_145 = arith.select %ge3A_141, %add3A_138, %mul3A_144 : vector<16xi1>, vector<16xf32>
      %sub3A_146 = arith.subf %select_n3A_145, %get3A_27 : vector<16xf32>
      %exp3A_147 = math.exp %sub3A_146 : vector<16xf32>
      %swap3A_148 = arith.constant 16 : index
      %swap3A_149 = tpu.vector_load %arg15[%swap3A_148] {strides = array<i32>} : memref<80xf32, #tpu.memory_space<vmem>>, vector<16xf32>,
      tpu.vector_store %arg15[%swap3A_148], %exp3A_147 {strides = array<i32>} : memref<80xf32, #tpu.memory_space<vmem>>, vector<16xf32>,
      tpu.vector_store_idx %arg20[%get3A_137], %exp3A_147 {add = true} : memref<10240xf32, #tpu.memory_space<vmem>>[vector<16xi32>], vector<16xf32>,
      %get3A_150 = arith.constant 32 : index
      %get3A_151 = tpu.vector_load %arg11[%get3A_150] {strides = array<i32>} : memref<80xf32, #tpu.memory_space<vmem>>, vector<16xf32>,
      %get3A_152 = arith.constant 32 : index
      %get3A_153 = tpu.vector_load %arg13[%get3A_152] {strides = array<i32>} : memref<80xf32, #tpu.memory_space<vmem>>, vector<16xf32>,
      %get3A_154 = arith.constant 0 : i32
      %get3A_155 = arith.index_cast %get3A_154 : i32 to index
      %get3A_156 = arith.constant 32 : index
      %get3A_157 = tpu.vector_load %arg9[%get3A_155, %get3A_156] {strides = array<i32>} : memref<3x80xi32, #tpu.memory_space<vmem>>, vector<16xi32>,
      %add3A_158 = arith.addf %get3A_151, %get3A_153 : vector<16xf32>
      %ge3A_159 = arith.constant 0.000000e+00 : f32
      %ge3A_160 = vector.broadcast %ge3A_159 : f32 to vector<16xf32>
      %ge3A_161 = arith.cmpf oge, %add3A_158, %ge3A_160 : vector<16xf32>
      %mul3A_162 = arith.constant 2.000000e-01 : f32
      %mul3A_163 = vector.broadcast %mul3A_162 : f32 to vector<16xf32>
      %mul3A_164 = arith.mulf %mul3A_163, %add3A_158 : vector<16xf32>
      %select_n3A_165 = arith.select %ge3A_161, %add3A_158, %mul3A_164 : vector<16xi1>, vector<16xf32>
      %sub3A_166 = arith.subf %select_n3A_165, %get3A_27 : vector<16xf32>
      %exp3A_167 = math.exp %sub3A_166 : vector<16xf32>
      %swap3A_168 = arith.constant 32 : index
      %swap3A_169 = tpu.vector_load %arg15[%swap3A_168] {strides = array<i32>} : memref<80xf32, #tpu.memory_space<vmem>>, vector<16xf32>,
      tpu.vector_store %arg15[%swap3A_168], %exp3A_167 {strides = array<i32>} : memref<80xf32, #tpu.memory_space<vmem>>, vector<16xf32>,
      tpu.vector_store_idx %arg20[%get3A_157], %exp3A_167 {add = true} : memref<10240xf32, #tpu.memory_space<vmem>>[vector<16xi32>], vector<16xf32>,
      %get3A_170 = arith.constant 48 : index
      %get3A_171 = tpu.vector_load %arg11[%get3A_170] {strides = array<i32>} : memref<80xf32, #tpu.memory_space<vmem>>, vector<16xf32>,
      %get3A_172 = arith.constant 48 : index
      %get3A_173 = tpu.vector_load %arg13[%get3A_172] {strides = array<i32>} : memref<80xf32, #tpu.memory_space<vmem>>, vector<16xf32>,
      %get3A_174 = arith.constant 0 : i32
      %get3A_175 = arith.index_cast %get3A_174 : i32 to index
      %get3A_176 = arith.constant 48 : index
      %get3A_177 = tpu.vector_load %arg9[%get3A_175, %get3A_176] {strides = array<i32>} : memref<3x80xi32, #tpu.memory_space<vmem>>, vector<16xi32>,
      %add3A_178 = arith.addf %get3A_171, %get3A_173 : vector<16xf32>
      %ge3A_179 = arith.constant 0.000000e+00 : f32
      %ge3A_180 = vector.broadcast %ge3A_179 : f32 to vector<16xf32>
      %ge3A_181 = arith.cmpf oge, %add3A_178, %ge3A_180 : vector<16xf32>
      %mul3A_182 = arith.constant 2.000000e-01 : f32
      %mul3A_183 = vector.broadcast %mul3A_182 : f32 to vector<16xf32>
      %mul3A_184 = arith.mulf %mul3A_183, %add3A_178 : vector<16xf32>
      %select_n3A_185 = arith.select %ge3A_181, %add3A_178, %mul3A_184 : vector<16xi1>, vector<16xf32>
      %sub3A_186 = arith.subf %select_n3A_185, %get3A_27 : vector<16xf32>
      %exp3A_187 = math.exp %sub3A_186 : vector<16xf32>
      %swap3A_188 = arith.constant 48 : index
      %swap3A_189 = tpu.vector_load %arg15[%swap3A_188] {strides = array<i32>} : memref<80xf32, #tpu.memory_space<vmem>>, vector<16xf32>,
      tpu.vector_store %arg15[%swap3A_188], %exp3A_187 {strides = array<i32>} : memref<80xf32, #tpu.memory_space<vmem>>, vector<16xf32>,
      tpu.vector_store_idx %arg20[%get3A_177], %exp3A_187 {add = true} : memref<10240xf32, #tpu.memory_space<vmem>>[vector<16xi32>], vector<16xf32>,
      %get3A_190 = arith.constant 64 : index
      %get3A_191 = tpu.vector_load %arg11[%get3A_190] {strides = array<i32>} : memref<80xf32, #tpu.memory_space<vmem>>, vector<16xf32>,
      %get3A_192 = arith.constant 64 : index
      %get3A_193 = tpu.vector_load %arg13[%get3A_192] {strides = array<i32>} : memref<80xf32, #tpu.memory_space<vmem>>, vector<16xf32>,
      %get3A_194 = arith.constant 0 : i32
      %get3A_195 = arith.index_cast %get3A_194 : i32 to index
      %get3A_196 = arith.constant 64 : index
      %get3A_197 = tpu.vector_load %arg9[%get3A_195, %get3A_196] {strides = array<i32>} : memref<3x80xi32, #tpu.memory_space<vmem>>, vector<16xi32>,
      %add3A_198 = arith.addf %get3A_191, %get3A_193 : vector<16xf32>
      %ge3A_199 = arith.constant 0.000000e+00 : f32
      %ge3A_200 = vector.broadcast %ge3A_199 : f32 to vector<16xf32>
      %ge3A_201 = arith.cmpf oge, %add3A_198, %ge3A_200 : vector<16xf32>
      %mul3A_202 = arith.constant 2.000000e-01 : f32
      %mul3A_203 = vector.broadcast %mul3A_202 : f32 to vector<16xf32>
      %mul3A_204 = arith.mulf %mul3A_203, %add3A_198 : vector<16xf32>
      %select_n3A_205 = arith.select %ge3A_201, %add3A_198, %mul3A_204 : vector<16xi1>, vector<16xf32>
      %sub3A_206 = arith.subf %select_n3A_205, %get3A_27 : vector<16xf32>
      %exp3A_207 = math.exp %sub3A_206 : vector<16xf32>
      %swap3A_208 = arith.constant 64 : index
      %swap3A_209 = tpu.vector_load %arg15[%swap3A_208] {strides = array<i32>} : memref<80xf32, #tpu.memory_space<vmem>>, vector<16xf32>,
      tpu.vector_store %arg15[%swap3A_208], %exp3A_207 {strides = array<i32>} : memref<80xf32, #tpu.memory_space<vmem>>, vector<16xf32>,
      tpu.vector_store_idx %arg20[%get3A_197], %exp3A_207 {add = true} : memref<10240xf32, #tpu.memory_space<vmem>>[vector<16xi32>], vector<16xf32>,
      %dma_wait3A_210 = arith.constant 2 : i32
      %dma_wait3A_211 = arith.constant 0 : i32
      %dma_wait3A_212 = tpu.memref_slice %arg9[%dma_wait3A_210, %dma_wait3A_211] : memref<3x80xi32, #tpu.memory_space<vmem>> -> memref<1x80xi32, #tpu.memory_space<vmem>>
      %dma_wait3A_213 = tpu.memref_squeeze %dma_wait3A_212 : memref<1x80xi32, #tpu.memory_space<vmem>> -> memref<80xi32, #tpu.memory_space<vmem>>
      %dma_wait3A_214 = arith.constant 0 : i32
      %dma_wait3A_215 = arith.constant 0 : i32
      %dma_wait3A_216 = tpu.memref_slice %arg2[%dma_wait3A_214, %dma_wait3A_215] : memref<81920x128xf32, #tpu.memory_space<hbm>> -> memref<81920x128xf32, #tpu.memory_space<hbm>>
      tpu.wait_indirect_dma semaphore(%arg26 : memref<!tpu.dma_semaphore, #tpu.memory_space<semaphore_mem>>) src(%dma_wait3A_216 : memref<81920x128xf32, #tpu.memory_space<hbm>>) dst(%arg17 : memref<80x128xf32, #tpu.memory_space<vmem>>)
      %scan3A_217 = arith.constant 0 : i32
      %scan3A_218 = arith.constant 0 : i32
      %scan3A_219 = arith.constant 80 : i32
      %scan3A_220 = arith.addi %scan3A_218, %scan3A_219 : i32
      %scan3A_221 = arith.constant 1 : i32
      scf.for %scan3A_372 = %scan3A_218 to %scan3A_220 step %scan3A_221  : i32 {
        %broadcast_in_dim3A = vector.broadcast %scan3A_372 : i32 to vector<16xi32>
        %gather3A = tpu.vector_load_idx %arg15[%broadcast_in_dim3A] : memref<80xf32, #tpu.memory_space<vmem>>[vector<16xi32>], vector<16xf32>,
        %get3A_373 = arith.index_cast %scan3A_372 : i32 to index
        %get3A_374 = arith.constant 0 : index
        %get3A_375 = tpu.vector_load %arg17[%get3A_373, %get3A_374] {strides = array<i32>} : memref<80x128xf32, #tpu.memory_space<vmem>>, vector<16xf32>,
        %mul3A_376 = arith.mulf %get3A_375, %gather3A : vector<16xf32>
        %swap3A_377 = arith.index_cast %scan3A_372 : i32 to index
        %swap3A_378 = arith.constant 0 : index
        %swap3A_379 = tpu.vector_load %arg17[%swap3A_377, %swap3A_378] {strides = array<i32>} : memref<80x128xf32, #tpu.memory_space<vmem>>, vector<16xf32>,
        tpu.vector_store %arg17[%swap3A_377, %swap3A_378], %mul3A_376 {strides = array<i32>} : memref<80x128xf32, #tpu.memory_space<vmem>>, vector<16xf32>,
        %get3A_380 = arith.index_cast %scan3A_372 : i32 to index
        %get3A_381 = arith.constant 16 : index
        %get3A_382 = tpu.vector_load %arg17[%get3A_380, %get3A_381] {strides = array<i32>} : memref<80x128xf32, #tpu.memory_space<vmem>>, vector<16xf32>,
        %mul3A_383 = arith.mulf %get3A_382, %gather3A : vector<16xf32>
        %swap3A_384 = arith.index_cast %scan3A_372 : i32 to index
        %swap3A_385 = arith.constant 16 : index
        %swap3A_386 = tpu.vector_load %arg17[%swap3A_384, %swap3A_385] {strides = array<i32>} : memref<80x128xf32, #tpu.memory_space<vmem>>, vector<16xf32>,
        tpu.vector_store %arg17[%swap3A_384, %swap3A_385], %mul3A_383 {strides = array<i32>} : memref<80x128xf32, #tpu.memory_space<vmem>>, vector<16xf32>,
        %get3A_387 = arith.index_cast %scan3A_372 : i32 to index
        %get3A_388 = arith.constant 32 : index
        %get3A_389 = tpu.vector_load %arg17[%get3A_387, %get3A_388] {strides = array<i32>} : memref<80x128xf32, #tpu.memory_space<vmem>>, vector<16xf32>,
        %mul3A_390 = arith.mulf %get3A_389, %gather3A : vector<16xf32>
        %swap3A_391 = arith.index_cast %scan3A_372 : i32 to index
        %swap3A_392 = arith.constant 32 : index
        %swap3A_393 = tpu.vector_load %arg17[%swap3A_391, %swap3A_392] {strides = array<i32>} : memref<80x128xf32, #tpu.memory_space<vmem>>, vector<16xf32>,
        tpu.vector_store %arg17[%swap3A_391, %swap3A_392], %mul3A_390 {strides = array<i32>} : memref<80x128xf32, #tpu.memory_space<vmem>>, vector<16xf32>,
        %get3A_394 = arith.index_cast %scan3A_372 : i32 to index
        %get3A_395 = arith.constant 48 : index
        %get3A_396 = tpu.vector_load %arg17[%get3A_394, %get3A_395] {strides = array<i32>} : memref<80x128xf32, #tpu.memory_space<vmem>>, vector<16xf32>,
        %mul3A_397 = arith.mulf %get3A_396, %gather3A : vector<16xf32>
        %swap3A_398 = arith.index_cast %scan3A_372 : i32 to index
        %swap3A_399 = arith.constant 48 : index
        %swap3A_400 = tpu.vector_load %arg17[%swap3A_398, %swap3A_399] {strides = array<i32>} : memref<80x128xf32, #tpu.memory_space<vmem>>, vector<16xf32>,
        tpu.vector_store %arg17[%swap3A_398, %swap3A_399], %mul3A_397 {strides = array<i32>} : memref<80x128xf32, #tpu.memory_space<vmem>>, vector<16xf32>,
        %get3A_401 = arith.index_cast %scan3A_372 : i32 to index
        %get3A_402 = arith.constant 64 : index
        %get3A_403 = tpu.vector_load %arg17[%get3A_401, %get3A_402] {strides = array<i32>} : memref<80x128xf32, #tpu.memory_space<vmem>>, vector<16xf32>,
        %mul3A_404 = arith.mulf %get3A_403, %gather3A : vector<16xf32>
        %swap3A_405 = arith.index_cast %scan3A_372 : i32 to index
        %swap3A_406 = arith.constant 64 : index
        %swap3A_407 = tpu.vector_load %arg17[%swap3A_405, %swap3A_406] {strides = array<i32>} : memref<80x128xf32, #tpu.memory_space<vmem>>, vector<16xf32>,
        tpu.vector_store %arg17[%swap3A_405, %swap3A_406], %mul3A_404 {strides = array<i32>} : memref<80x128xf32, #tpu.memory_space<vmem>>, vector<16xf32>,
        %get3A_408 = arith.index_cast %scan3A_372 : i32 to index
        %get3A_409 = arith.constant 80 : index
        %get3A_410 = tpu.vector_load %arg17[%get3A_408, %get3A_409] {strides = array<i32>} : memref<80x128xf32, #tpu.memory_space<vmem>>, vector<16xf32>,
        %mul3A_411 = arith.mulf %get3A_410, %gather3A : vector<16xf32>
        %swap3A_412 = arith.index_cast %scan3A_372 : i32 to index
        %swap3A_413 = arith.constant 80 : index
        %swap3A_414 = tpu.vector_load %arg17[%swap3A_412, %swap3A_413] {strides = array<i32>} : memref<80x128xf32, #tpu.memory_space<vmem>>, vector<16xf32>,
        tpu.vector_store %arg17[%swap3A_412, %swap3A_413], %mul3A_411 {strides = array<i32>} : memref<80x128xf32, #tpu.memory_space<vmem>>, vector<16xf32>,
        %get3A_415 = arith.index_cast %scan3A_372 : i32 to index
        %get3A_416 = arith.constant 96 : index
        %get3A_417 = tpu.vector_load %arg17[%get3A_415, %get3A_416] {strides = array<i32>} : memref<80x128xf32, #tpu.memory_space<vmem>>, vector<16xf32>,
        %mul3A_418 = arith.mulf %get3A_417, %gather3A : vector<16xf32>
        %swap3A_419 = arith.index_cast %scan3A_372 : i32 to index
        %swap3A_420 = arith.constant 96 : index
        %swap3A_421 = tpu.vector_load %arg17[%swap3A_419, %swap3A_420] {strides = array<i32>} : memref<80x128xf32, #tpu.memory_space<vmem>>, vector<16xf32>,
        tpu.vector_store %arg17[%swap3A_419, %swap3A_420], %mul3A_418 {strides = array<i32>} : memref<80x128xf32, #tpu.memory_space<vmem>>, vector<16xf32>,
        %get3A_422 = arith.index_cast %scan3A_372 : i32 to index
        %get3A_423 = arith.constant 112 : index
        %get3A_424 = tpu.vector_load %arg17[%get3A_422, %get3A_423] {strides = array<i32>} : memref<80x128xf32, #tpu.memory_space<vmem>>, vector<16xf32>,
        %mul3A_425 = arith.mulf %get3A_424, %gather3A : vector<16xf32>
        %swap3A_426 = arith.index_cast %scan3A_372 : i32 to index
        %swap3A_427 = arith.constant 112 : index
        %swap3A_428 = tpu.vector_load %arg17[%swap3A_426, %swap3A_427] {strides = array<i32>} : memref<80x128xf32, #tpu.memory_space<vmem>>, vector<16xf32>,
        tpu.vector_store %arg17[%swap3A_426, %swap3A_427], %mul3A_425 {strides = array<i32>} : memref<80x128xf32, #tpu.memory_space<vmem>>, vector<16xf32>,
      }
      %scan3A_222 = arith.constant 80 : i32
      %dma_start3A_223 = arith.constant 0 : i32
      %dma_start3A_224 = arith.constant 0 : i32
      %dma_start3A_225 = tpu.memref_slice %arg9[%dma_start3A_223, %dma_start3A_224] : memref<3x80xi32, #tpu.memory_space<vmem>> -> memref<1x80xi32, #tpu.memory_space<vmem>>
      %dma_start3A_226 = tpu.memref_squeeze %dma_start3A_225 : memref<1x80xi32, #tpu.memory_space<vmem>> -> memref<80xi32, #tpu.memory_space<vmem>>
      %dma_start3A_227 = arith.constant 0 : i32
      %dma_start3A_228 = arith.constant 0 : i32
      %dma_start3A_229 = tpu.memref_slice %arg21[%dma_start3A_227, %dma_start3A_228] : memref<10240x128xf32, #tpu.memory_space<vmem_shared>> -> memref<10240x128xf32, #tpu.memory_space<vmem_shared>>
      tpu.enqueue_indirect_dma source(%arg17 : memref<80x128xf32, #tpu.memory_space<vmem>>) target(%dma_start3A_229 : memref<10240x128xf32, #tpu.memory_space<vmem_shared>>) offsets(%dma_start3A_226 : memref<80xi32, #tpu.memory_space<vmem>>) semaphore(%arg28 : memref<!tpu.dma_semaphore, #tpu.memory_space<semaphore_mem>>) {add = true}
      %mul3A_230 = arith.constant 2 : i32
      %mul3A_231 = arith.muli %while3A_93, %mul3A_230 : i32
      %add3A_232 = arith.constant 1 : i32
      %add3A_233 = arith.addi %mul3A_231, %add3A_232 : i32
      %add3A_234 = arith.constant 1 : i32
      %add3A_235 = arith.addi %add3A_233, %add3A_234 : i32
      %lt3A_236 = arith.cmpi slt, %add3A_235, %select_n3A : i32
      %convert_element_type3A_237 = arith.extui %lt3A_236 : i1 to i32
      %cond3A_238 = arith.constant 0 : i32
      %cond3A_239 = arith.cmpi ne, %convert_element_type3A_237, %cond3A_238 : i32
      scf.if %cond3A_239 {
        %add3A_372 = arith.addi %add3A_9, %add3A_233 : i32
        %add3A_373 = arith.constant 1 : i32
        %add3A_374 = arith.addi %add3A_372, %add3A_373 : i32
        "tpu.region"() ({
          %run_scoped3A = tpu.sem_alloc : memref<!tpu.dma_semaphore, #tpu.memory_space<semaphore_mem>>
          %dma_start3A_401 = arith.constant 0 : i32
          %dma_start3A_402 = arith.constant 0 : i32
          %dma_start3A_403 = tpu.memref_slice %arg5[%add3A_374, %dma_start3A_401, %dma_start3A_402] : memref<2048x3x80xi32, #tpu.memory_space<hbm>> -> memref<1x3x80xi32, #tpu.memory_space<hbm>>
          %dma_start3A_404 = tpu.memref_squeeze %dma_start3A_403 : memref<1x3x80xi32, #tpu.memory_space<hbm>> -> memref<3x80xi32, #tpu.memory_space<hbm>>
          %dma_start3A_405 = arith.constant 0 : i32
          %dma_start3A_406 = arith.constant 0 : i32
          %dma_start3A_407 = tpu.memref_slice %arg5[%add3A_374, %dma_start3A_405, %dma_start3A_406] : memref<2048x3x80xi32, #tpu.memory_space<hbm>> -> memref<1x3x80xi32, #tpu.memory_space<hbm>>
          %dma_start3A_408 = tpu.memref_squeeze %dma_start3A_407 : memref<1x3x80xi32, #tpu.memory_space<hbm>> -> memref<3x80xi32, #tpu.memory_space<hbm>>
          tpu.enqueue_dma source(%dma_start3A_408 : memref<3x80xi32, #tpu.memory_space<hbm>>) target(%arg9 : memref<3x80xi32, #tpu.memory_space<vmem>>) target_semaphore(%run_scoped3A : memref<!tpu.dma_semaphore, #tpu.memory_space<semaphore_mem>>)
          %dma_wait3A_409 = arith.constant 0 : i32
          %dma_wait3A_410 = arith.constant 0 : i32
          %dma_wait3A_411 = tpu.memref_slice %arg5[%add3A_374, %dma_wait3A_409, %dma_wait3A_410] : memref<2048x3x80xi32, #tpu.memory_space<hbm>> -> memref<1x3x80xi32, #tpu.memory_space<hbm>>
          %dma_wait3A_412 = tpu.memref_squeeze %dma_wait3A_411 : memref<1x3x80xi32, #tpu.memory_space<hbm>> -> memref<3x80xi32, #tpu.memory_space<hbm>>
          %dma_wait3A_413 = arith.constant 0 : i32
          %dma_wait3A_414 = arith.constant 0 : i32
          %dma_wait3A_415 = tpu.memref_slice %arg5[%add3A_374, %dma_wait3A_413, %dma_wait3A_414] : memref<2048x3x80xi32, #tpu.memory_space<hbm>> -> memref<1x3x80xi32, #tpu.memory_space<hbm>>
          %dma_wait3A_416 = tpu.memref_squeeze %dma_wait3A_415 : memref<1x3x80xi32, #tpu.memory_space<hbm>> -> memref<3x80xi32, #tpu.memory_space<hbm>>
          tpu.wait_dma2 semaphore(%run_scoped3A : memref<!tpu.dma_semaphore, #tpu.memory_space<semaphore_mem>>) src(%dma_wait3A_416 : memref<3x80xi32, #tpu.memory_space<hbm>>) dst(%arg9 : memref<3x80xi32, #tpu.memory_space<vmem>>)
          tpu.yield
        }) : () -> ()
        %ge3A_375 = arith.constant 1 : i32
        %ge3A_376 = arith.cmpi sge, %add3A_233, %ge3A_375 : i32
        %convert_element_type3A_377 = arith.extui %ge3A_376 : i1 to i32
        %cond3A_378 = arith.constant 0 : i32
        %cond3A_379 = arith.cmpi ne, %convert_element_type3A_377, %cond3A_378 : i32
        scf.if %cond3A_379 {
          %dma_wait3A_401 = arith.constant 0 : i32
          %dma_wait3A_402 = arith.constant 0 : i32
          %dma_wait3A_403 = tpu.memref_slice %arg9[%dma_wait3A_401, %dma_wait3A_402] : memref<3x80xi32, #tpu.memory_space<vmem>> -> memref<1x80xi32, #tpu.memory_space<vmem>>
          %dma_wait3A_404 = tpu.memref_squeeze %dma_wait3A_403 : memref<1x80xi32, #tpu.memory_space<vmem>> -> memref<80xi32, #tpu.memory_space<vmem>>
          %dma_wait3A_405 = arith.constant 0 : i32
          %dma_wait3A_406 = arith.constant 0 : i32
          %dma_wait3A_407 = tpu.memref_slice %arg21[%dma_wait3A_405, %dma_wait3A_406] : memref<10240x128xf32, #tpu.memory_space<vmem_shared>> -> memref<10240x128xf32, #tpu.memory_space<vmem_shared>>
          tpu.wait_indirect_dma semaphore(%arg28 : memref<!tpu.dma_semaphore, #tpu.memory_space<semaphore_mem>>) src(%arg17 : memref<80x128xf32, #tpu.memory_space<vmem>>) dst(%dma_wait3A_407 : memref<10240x128xf32, #tpu.memory_space<vmem_shared>>)
        } else {
        }
        %add3A_380 = arith.constant 1 : i32
        %add3A_381 = arith.addi %add3A_233, %add3A_380 : i32
        %dma_start3A_382 = arith.constant 0 : i32
        %dma_start3A_383 = arith.constant 0 : i32
        %dma_start3A_384 = tpu.memref_slice %arg9[%dma_start3A_382, %dma_start3A_383] : memref<3x80xi32, #tpu.memory_space<vmem>> -> memref<1x80xi32, #tpu.memory_space<vmem>>
        %dma_start3A_385 = tpu.memref_squeeze %dma_start3A_384 : memref<1x80xi32, #tpu.memory_space<vmem>> -> memref<80xi32, #tpu.memory_space<vmem>>
        %dma_start3A_386 = arith.constant 0 : i32
        %dma_start3A_387 = tpu.memref_slice %arg3[%dma_start3A_386] : memref<10240xf32, #tpu.memory_space<hbm>> -> memref<10240xf32, #tpu.memory_space<hbm>>
        tpu.enqueue_indirect_dma source(%dma_start3A_387 : memref<10240xf32, #tpu.memory_space<hbm>>) target(%arg11 : memref<80xf32, #tpu.memory_space<vmem>>) offsets(%dma_start3A_385 : memref<80xi32, #tpu.memory_space<vmem>>) semaphore(%arg22 : memref<!tpu.dma_semaphore, #tpu.memory_space<semaphore_mem>>)
        %dma_start3A_388 = arith.constant 1 : i32
        %dma_start3A_389 = arith.constant 0 : i32
        %dma_start3A_390 = tpu.memref_slice %arg9[%dma_start3A_388, %dma_start3A_389] : memref<3x80xi32, #tpu.memory_space<vmem>> -> memref<1x80xi32, #tpu.memory_space<vmem>>
        %dma_start3A_391 = tpu.memref_squeeze %dma_start3A_390 : memref<1x80xi32, #tpu.memory_space<vmem>> -> memref<80xi32, #tpu.memory_space<vmem>>
        %dma_start3A_392 = arith.constant 0 : i32
        %dma_start3A_393 = tpu.memref_slice %arg4[%dma_start3A_392] : memref<81920xf32, #tpu.memory_space<hbm>> -> memref<81920xf32, #tpu.memory_space<hbm>>
        tpu.enqueue_indirect_dma source(%dma_start3A_393 : memref<81920xf32, #tpu.memory_space<hbm>>) target(%arg13 : memref<80xf32, #tpu.memory_space<vmem>>) offsets(%dma_start3A_391 : memref<80xi32, #tpu.memory_space<vmem>>) semaphore(%arg24 : memref<!tpu.dma_semaphore, #tpu.memory_space<semaphore_mem>>)
        %dma_start3A_394 = arith.constant 2 : i32
        %dma_start3A_395 = arith.constant 0 : i32
        %dma_start3A_396 = tpu.memref_slice %arg9[%dma_start3A_394, %dma_start3A_395] : memref<3x80xi32, #tpu.memory_space<vmem>> -> memref<1x80xi32, #tpu.memory_space<vmem>>
        %dma_start3A_397 = tpu.memref_squeeze %dma_start3A_396 : memref<1x80xi32, #tpu.memory_space<vmem>> -> memref<80xi32, #tpu.memory_space<vmem>>
        %dma_start3A_398 = arith.constant 0 : i32
        %dma_start3A_399 = arith.constant 0 : i32
        %dma_start3A_400 = tpu.memref_slice %arg2[%dma_start3A_398, %dma_start3A_399] : memref<81920x128xf32, #tpu.memory_space<hbm>> -> memref<81920x128xf32, #tpu.memory_space<hbm>>
        tpu.enqueue_indirect_dma source(%dma_start3A_400 : memref<81920x128xf32, #tpu.memory_space<hbm>>) target(%arg17 : memref<80x128xf32, #tpu.memory_space<vmem>>) offsets(%dma_start3A_397 : memref<80xi32, #tpu.memory_space<vmem>>) semaphore(%arg26 : memref<!tpu.dma_semaphore, #tpu.memory_space<semaphore_mem>>)
      } else {
      }
      %dma_wait3A_240 = arith.constant 0 : i32
      %dma_wait3A_241 = arith.constant 0 : i32
      %dma_wait3A_242 = tpu.memref_slice %arg10[%dma_wait3A_240, %dma_wait3A_241] : memref<3x80xi32, #tpu.memory_space<vmem>> -> memref<1x80xi32, #tpu.memory_space<vmem>>
      %dma_wait3A_243 = tpu.memref_squeeze %dma_wait3A_242 : memref<1x80xi32, #tpu.memory_space<vmem>> -> memref<80xi32, #tpu.memory_space<vmem>>
      %dma_wait3A_244 = arith.constant 0 : i32
      %dma_wait3A_245 = tpu.memref_slice %arg3[%dma_wait3A_244] : memref<10240xf32, #tpu.memory_space<hbm>> -> memref<10240xf32, #tpu.memory_space<hbm>>
      tpu.wait_indirect_dma semaphore(%arg23 : memref<!tpu.dma_semaphore, #tpu.memory_space<semaphore_mem>>) src(%dma_wait3A_245 : memref<10240xf32, #tpu.memory_space<hbm>>) dst(%arg12 : memref<80xf32, #tpu.memory_space<vmem>>)
      %dma_wait3A_246 = arith.constant 1 : i32
      %dma_wait3A_247 = arith.constant 0 : i32
      %dma_wait3A_248 = tpu.memref_slice %arg10[%dma_wait3A_246, %dma_wait3A_247] : memref<3x80xi32, #tpu.memory_space<vmem>> -> memref<1x80xi32, #tpu.memory_space<vmem>>
      %dma_wait3A_249 = tpu.memref_squeeze %dma_wait3A_248 : memref<1x80xi32, #tpu.memory_space<vmem>> -> memref<80xi32, #tpu.memory_space<vmem>>
      %dma_wait3A_250 = arith.constant 0 : i32
      %dma_wait3A_251 = tpu.memref_slice %arg4[%dma_wait3A_250] : memref<81920xf32, #tpu.memory_space<hbm>> -> memref<81920xf32, #tpu.memory_space<hbm>>
      tpu.wait_indirect_dma semaphore(%arg25 : memref<!tpu.dma_semaphore, #tpu.memory_space<semaphore_mem>>) src(%dma_wait3A_251 : memref<81920xf32, #tpu.memory_space<hbm>>) dst(%arg14 : memref<80xf32, #tpu.memory_space<vmem>>)
      %get3A_252 = arith.constant 0 : index
      %get3A_253 = tpu.vector_load %arg12[%get3A_252] {strides = array<i32>} : memref<80xf32, #tpu.memory_space<vmem>>, vector<16xf32>,
      %get3A_254 = arith.constant 0 : index
      %get3A_255 = tpu.vector_load %arg14[%get3A_254] {strides = array<i32>} : memref<80xf32, #tpu.memory_space<vmem>>, vector<16xf32>,
      %get3A_256 = arith.constant 0 : i32
      %get3A_257 = arith.index_cast %get3A_256 : i32 to index
      %get3A_258 = arith.constant 0 : index
      %get3A_259 = tpu.vector_load %arg10[%get3A_257, %get3A_258] {strides = array<i32>} : memref<3x80xi32, #tpu.memory_space<vmem>>, vector<16xi32>,
      %add3A_260 = arith.addf %get3A_253, %get3A_255 : vector<16xf32>
      %ge3A_261 = arith.constant 0.000000e+00 : f32
      %ge3A_262 = vector.broadcast %ge3A_261 : f32 to vector<16xf32>
      %ge3A_263 = arith.cmpf oge, %add3A_260, %ge3A_262 : vector<16xf32>
      %mul3A_264 = arith.constant 2.000000e-01 : f32
      %mul3A_265 = vector.broadcast %mul3A_264 : f32 to vector<16xf32>
      %mul3A_266 = arith.mulf %mul3A_265, %add3A_260 : vector<16xf32>
      %select_n3A_267 = arith.select %ge3A_263, %add3A_260, %mul3A_266 : vector<16xi1>, vector<16xf32>
      %sub3A_268 = arith.subf %select_n3A_267, %get3A_27 : vector<16xf32>
      %exp3A_269 = math.exp %sub3A_268 : vector<16xf32>
      %swap3A_270 = arith.constant 0 : index
      %swap3A_271 = tpu.vector_load %arg16[%swap3A_270] {strides = array<i32>} : memref<80xf32, #tpu.memory_space<vmem>>, vector<16xf32>,
      tpu.vector_store %arg16[%swap3A_270], %exp3A_269 {strides = array<i32>} : memref<80xf32, #tpu.memory_space<vmem>>, vector<16xf32>,
      tpu.vector_store_idx %arg20[%get3A_259], %exp3A_269 {add = true} : memref<10240xf32, #tpu.memory_space<vmem>>[vector<16xi32>], vector<16xf32>,
      %get3A_272 = arith.constant 16 : index
      %get3A_273 = tpu.vector_load %arg12[%get3A_272] {strides = array<i32>} : memref<80xf32, #tpu.memory_space<vmem>>, vector<16xf32>,
      %get3A_274 = arith.constant 16 : index
      %get3A_275 = tpu.vector_load %arg14[%get3A_274] {strides = array<i32>} : memref<80xf32, #tpu.memory_space<vmem>>, vector<16xf32>,
      %get3A_276 = arith.constant 0 : i32
      %get3A_277 = arith.index_cast %get3A_276 : i32 to index
      %get3A_278 = arith.constant 16 : index
      %get3A_279 = tpu.vector_load %arg10[%get3A_277, %get3A_278] {strides = array<i32>} : memref<3x80xi32, #tpu.memory_space<vmem>>, vector<16xi32>,
      %add3A_280 = arith.addf %get3A_273, %get3A_275 : vector<16xf32>
      %ge3A_281 = arith.constant 0.000000e+00 : f32
      %ge3A_282 = vector.broadcast %ge3A_281 : f32 to vector<16xf32>
      %ge3A_283 = arith.cmpf oge, %add3A_280, %ge3A_282 : vector<16xf32>
      %mul3A_284 = arith.constant 2.000000e-01 : f32
      %mul3A_285 = vector.broadcast %mul3A_284 : f32 to vector<16xf32>
      %mul3A_286 = arith.mulf %mul3A_285, %add3A_280 : vector<16xf32>
      %select_n3A_287 = arith.select %ge3A_283, %add3A_280, %mul3A_286 : vector<16xi1>, vector<16xf32>
      %sub3A_288 = arith.subf %select_n3A_287, %get3A_27 : vector<16xf32>
      %exp3A_289 = math.exp %sub3A_288 : vector<16xf32>
      %swap3A_290 = arith.constant 16 : index
      %swap3A_291 = tpu.vector_load %arg16[%swap3A_290] {strides = array<i32>} : memref<80xf32, #tpu.memory_space<vmem>>, vector<16xf32>,
      tpu.vector_store %arg16[%swap3A_290], %exp3A_289 {strides = array<i32>} : memref<80xf32, #tpu.memory_space<vmem>>, vector<16xf32>,
      tpu.vector_store_idx %arg20[%get3A_279], %exp3A_289 {add = true} : memref<10240xf32, #tpu.memory_space<vmem>>[vector<16xi32>], vector<16xf32>,
      %get3A_292 = arith.constant 32 : index
      %get3A_293 = tpu.vector_load %arg12[%get3A_292] {strides = array<i32>} : memref<80xf32, #tpu.memory_space<vmem>>, vector<16xf32>,
      %get3A_294 = arith.constant 32 : index
      %get3A_295 = tpu.vector_load %arg14[%get3A_294] {strides = array<i32>} : memref<80xf32, #tpu.memory_space<vmem>>, vector<16xf32>,
      %get3A_296 = arith.constant 0 : i32
      %get3A_297 = arith.index_cast %get3A_296 : i32 to index
      %get3A_298 = arith.constant 32 : index
      %get3A_299 = tpu.vector_load %arg10[%get3A_297, %get3A_298] {strides = array<i32>} : memref<3x80xi32, #tpu.memory_space<vmem>>, vector<16xi32>,
      %add3A_300 = arith.addf %get3A_293, %get3A_295 : vector<16xf32>
      %ge3A_301 = arith.constant 0.000000e+00 : f32
      %ge3A_302 = vector.broadcast %ge3A_301 : f32 to vector<16xf32>
      %ge3A_303 = arith.cmpf oge, %add3A_300, %ge3A_302 : vector<16xf32>
      %mul3A_304 = arith.constant 2.000000e-01 : f32
      %mul3A_305 = vector.broadcast %mul3A_304 : f32 to vector<16xf32>
      %mul3A_306 = arith.mulf %mul3A_305, %add3A_300 : vector<16xf32>
      %select_n3A_307 = arith.select %ge3A_303, %add3A_300, %mul3A_306 : vector<16xi1>, vector<16xf32>
      %sub3A_308 = arith.subf %select_n3A_307, %get3A_27 : vector<16xf32>
      %exp3A_309 = math.exp %sub3A_308 : vector<16xf32>
      %swap3A_310 = arith.constant 32 : index
      %swap3A_311 = tpu.vector_load %arg16[%swap3A_310] {strides = array<i32>} : memref<80xf32, #tpu.memory_space<vmem>>, vector<16xf32>,
      tpu.vector_store %arg16[%swap3A_310], %exp3A_309 {strides = array<i32>} : memref<80xf32, #tpu.memory_space<vmem>>, vector<16xf32>,
      tpu.vector_store_idx %arg20[%get3A_299], %exp3A_309 {add = true} : memref<10240xf32, #tpu.memory_space<vmem>>[vector<16xi32>], vector<16xf32>,
      %get3A_312 = arith.constant 48 : index
      %get3A_313 = tpu.vector_load %arg12[%get3A_312] {strides = array<i32>} : memref<80xf32, #tpu.memory_space<vmem>>, vector<16xf32>,
      %get3A_314 = arith.constant 48 : index
      %get3A_315 = tpu.vector_load %arg14[%get3A_314] {strides = array<i32>} : memref<80xf32, #tpu.memory_space<vmem>>, vector<16xf32>,
      %get3A_316 = arith.constant 0 : i32
      %get3A_317 = arith.index_cast %get3A_316 : i32 to index
      %get3A_318 = arith.constant 48 : index
      %get3A_319 = tpu.vector_load %arg10[%get3A_317, %get3A_318] {strides = array<i32>} : memref<3x80xi32, #tpu.memory_space<vmem>>, vector<16xi32>,
      %add3A_320 = arith.addf %get3A_313, %get3A_315 : vector<16xf32>
      %ge3A_321 = arith.constant 0.000000e+00 : f32
      %ge3A_322 = vector.broadcast %ge3A_321 : f32 to vector<16xf32>
      %ge3A_323 = arith.cmpf oge, %add3A_320, %ge3A_322 : vector<16xf32>
      %mul3A_324 = arith.constant 2.000000e-01 : f32
      %mul3A_325 = vector.broadcast %mul3A_324 : f32 to vector<16xf32>
      %mul3A_326 = arith.mulf %mul3A_325, %add3A_320 : vector<16xf32>
      %select_n3A_327 = arith.select %ge3A_323, %add3A_320, %mul3A_326 : vector<16xi1>, vector<16xf32>
      %sub3A_328 = arith.subf %select_n3A_327, %get3A_27 : vector<16xf32>
      %exp3A_329 = math.exp %sub3A_328 : vector<16xf32>
      %swap3A_330 = arith.constant 48 : index
      %swap3A_331 = tpu.vector_load %arg16[%swap3A_330] {strides = array<i32>} : memref<80xf32, #tpu.memory_space<vmem>>, vector<16xf32>,
      tpu.vector_store %arg16[%swap3A_330], %exp3A_329 {strides = array<i32>} : memref<80xf32, #tpu.memory_space<vmem>>, vector<16xf32>,
      tpu.vector_store_idx %arg20[%get3A_319], %exp3A_329 {add = true} : memref<10240xf32, #tpu.memory_space<vmem>>[vector<16xi32>], vector<16xf32>,
      %get3A_332 = arith.constant 64 : index
      %get3A_333 = tpu.vector_load %arg12[%get3A_332] {strides = array<i32>} : memref<80xf32, #tpu.memory_space<vmem>>, vector<16xf32>,
      %get3A_334 = arith.constant 64 : index
      %get3A_335 = tpu.vector_load %arg14[%get3A_334] {strides = array<i32>} : memref<80xf32, #tpu.memory_space<vmem>>, vector<16xf32>,
      %get3A_336 = arith.constant 0 : i32
      %get3A_337 = arith.index_cast %get3A_336 : i32 to index
      %get3A_338 = arith.constant 64 : index
      %get3A_339 = tpu.vector_load %arg10[%get3A_337, %get3A_338] {strides = array<i32>} : memref<3x80xi32, #tpu.memory_space<vmem>>, vector<16xi32>,
      %add3A_340 = arith.addf %get3A_333, %get3A_335 : vector<16xf32>
      %ge3A_341 = arith.constant 0.000000e+00 : f32
      %ge3A_342 = vector.broadcast %ge3A_341 : f32 to vector<16xf32>
      %ge3A_343 = arith.cmpf oge, %add3A_340, %ge3A_342 : vector<16xf32>
      %mul3A_344 = arith.constant 2.000000e-01 : f32
      %mul3A_345 = vector.broadcast %mul3A_344 : f32 to vector<16xf32>
      %mul3A_346 = arith.mulf %mul3A_345, %add3A_340 : vector<16xf32>
      %select_n3A_347 = arith.select %ge3A_343, %add3A_340, %mul3A_346 : vector<16xi1>, vector<16xf32>
      %sub3A_348 = arith.subf %select_n3A_347, %get3A_27 : vector<16xf32>
      %exp3A_349 = math.exp %sub3A_348 : vector<16xf32>
      %swap3A_350 = arith.constant 64 : index
      %swap3A_351 = tpu.vector_load %arg16[%swap3A_350] {strides = array<i32>} : memref<80xf32, #tpu.memory_space<vmem>>, vector<16xf32>,
      tpu.vector_store %arg16[%swap3A_350], %exp3A_349 {strides = array<i32>} : memref<80xf32, #tpu.memory_space<vmem>>, vector<16xf32>,
      tpu.vector_store_idx %arg20[%get3A_339], %exp3A_349 {add = true} : memref<10240xf32, #tpu.memory_space<vmem>>[vector<16xi32>], vector<16xf32>,
      %dma_wait3A_352 = arith.constant 2 : i32
      %dma_wait3A_353 = arith.constant 0 : i32
      %dma_wait3A_354 = tpu.memref_slice %arg10[%dma_wait3A_352, %dma_wait3A_353] : memref<3x80xi32, #tpu.memory_space<vmem>> -> memref<1x80xi32, #tpu.memory_space<vmem>>
      %dma_wait3A_355 = tpu.memref_squeeze %dma_wait3A_354 : memref<1x80xi32, #tpu.memory_space<vmem>> -> memref<80xi32, #tpu.memory_space<vmem>>
      %dma_wait3A_356 = arith.constant 0 : i32
      %dma_wait3A_357 = arith.constant 0 : i32
      %dma_wait3A_358 = tpu.memref_slice %arg2[%dma_wait3A_356, %dma_wait3A_357] : memref<81920x128xf32, #tpu.memory_space<hbm>> -> memref<81920x128xf32, #tpu.memory_space<hbm>>
      tpu.wait_indirect_dma semaphore(%arg27 : memref<!tpu.dma_semaphore, #tpu.memory_space<semaphore_mem>>) src(%dma_wait3A_358 : memref<81920x128xf32, #tpu.memory_space<hbm>>) dst(%arg18 : memref<80x128xf32, #tpu.memory_space<vmem>>)
      %scan3A_359 = arith.constant 0 : i32
      %scan3A_360 = arith.constant 0 : i32
      %scan3A_361 = arith.constant 80 : i32
      %scan3A_362 = arith.addi %scan3A_360, %scan3A_361 : i32
      %scan3A_363 = arith.constant 1 : i32
      scf.for %scan3A_372 = %scan3A_360 to %scan3A_362 step %scan3A_363  : i32 {
        %broadcast_in_dim3A = vector.broadcast %scan3A_372 : i32 to vector<16xi32>
        %gather3A = tpu.vector_load_idx %arg16[%broadcast_in_dim3A] : memref<80xf32, #tpu.memory_space<vmem>>[vector<16xi32>], vector<16xf32>,
        %get3A_373 = arith.index_cast %scan3A_372 : i32 to index
        %get3A_374 = arith.constant 0 : index
        %get3A_375 = tpu.vector_load %arg18[%get3A_373, %get3A_374] {strides = array<i32>} : memref<80x128xf32, #tpu.memory_space<vmem>>, vector<16xf32>,
        %mul3A_376 = arith.mulf %get3A_375, %gather3A : vector<16xf32>
        %swap3A_377 = arith.index_cast %scan3A_372 : i32 to index
        %swap3A_378 = arith.constant 0 : index
        %swap3A_379 = tpu.vector_load %arg18[%swap3A_377, %swap3A_378] {strides = array<i32>} : memref<80x128xf32, #tpu.memory_space<vmem>>, vector<16xf32>,
        tpu.vector_store %arg18[%swap3A_377, %swap3A_378], %mul3A_376 {strides = array<i32>} : memref<80x128xf32, #tpu.memory_space<vmem>>, vector<16xf32>,
        %get3A_380 = arith.index_cast %scan3A_372 : i32 to index
        %get3A_381 = arith.constant 16 : index
        %get3A_382 = tpu.vector_load %arg18[%get3A_380, %get3A_381] {strides = array<i32>} : memref<80x128xf32, #tpu.memory_space<vmem>>, vector<16xf32>,
        %mul3A_383 = arith.mulf %get3A_382, %gather3A : vector<16xf32>
        %swap3A_384 = arith.index_cast %scan3A_372 : i32 to index
        %swap3A_385 = arith.constant 16 : index
        %swap3A_386 = tpu.vector_load %arg18[%swap3A_384, %swap3A_385] {strides = array<i32>} : memref<80x128xf32, #tpu.memory_space<vmem>>, vector<16xf32>,
        tpu.vector_store %arg18[%swap3A_384, %swap3A_385], %mul3A_383 {strides = array<i32>} : memref<80x128xf32, #tpu.memory_space<vmem>>, vector<16xf32>,
        %get3A_387 = arith.index_cast %scan3A_372 : i32 to index
        %get3A_388 = arith.constant 32 : index
        %get3A_389 = tpu.vector_load %arg18[%get3A_387, %get3A_388] {strides = array<i32>} : memref<80x128xf32, #tpu.memory_space<vmem>>, vector<16xf32>,
        %mul3A_390 = arith.mulf %get3A_389, %gather3A : vector<16xf32>
        %swap3A_391 = arith.index_cast %scan3A_372 : i32 to index
        %swap3A_392 = arith.constant 32 : index
        %swap3A_393 = tpu.vector_load %arg18[%swap3A_391, %swap3A_392] {strides = array<i32>} : memref<80x128xf32, #tpu.memory_space<vmem>>, vector<16xf32>,
        tpu.vector_store %arg18[%swap3A_391, %swap3A_392], %mul3A_390 {strides = array<i32>} : memref<80x128xf32, #tpu.memory_space<vmem>>, vector<16xf32>,
        %get3A_394 = arith.index_cast %scan3A_372 : i32 to index
        %get3A_395 = arith.constant 48 : index
        %get3A_396 = tpu.vector_load %arg18[%get3A_394, %get3A_395] {strides = array<i32>} : memref<80x128xf32, #tpu.memory_space<vmem>>, vector<16xf32>,
        %mul3A_397 = arith.mulf %get3A_396, %gather3A : vector<16xf32>
        %swap3A_398 = arith.index_cast %scan3A_372 : i32 to index
        %swap3A_399 = arith.constant 48 : index
        %swap3A_400 = tpu.vector_load %arg18[%swap3A_398, %swap3A_399] {strides = array<i32>} : memref<80x128xf32, #tpu.memory_space<vmem>>, vector<16xf32>,
        tpu.vector_store %arg18[%swap3A_398, %swap3A_399], %mul3A_397 {strides = array<i32>} : memref<80x128xf32, #tpu.memory_space<vmem>>, vector<16xf32>,
        %get3A_401 = arith.index_cast %scan3A_372 : i32 to index
        %get3A_402 = arith.constant 64 : index
        %get3A_403 = tpu.vector_load %arg18[%get3A_401, %get3A_402] {strides = array<i32>} : memref<80x128xf32, #tpu.memory_space<vmem>>, vector<16xf32>,
        %mul3A_404 = arith.mulf %get3A_403, %gather3A : vector<16xf32>
        %swap3A_405 = arith.index_cast %scan3A_372 : i32 to index
        %swap3A_406 = arith.constant 64 : index
        %swap3A_407 = tpu.vector_load %arg18[%swap3A_405, %swap3A_406] {strides = array<i32>} : memref<80x128xf32, #tpu.memory_space<vmem>>, vector<16xf32>,
        tpu.vector_store %arg18[%swap3A_405, %swap3A_406], %mul3A_404 {strides = array<i32>} : memref<80x128xf32, #tpu.memory_space<vmem>>, vector<16xf32>,
        %get3A_408 = arith.index_cast %scan3A_372 : i32 to index
        %get3A_409 = arith.constant 80 : index
        %get3A_410 = tpu.vector_load %arg18[%get3A_408, %get3A_409] {strides = array<i32>} : memref<80x128xf32, #tpu.memory_space<vmem>>, vector<16xf32>,
        %mul3A_411 = arith.mulf %get3A_410, %gather3A : vector<16xf32>
        %swap3A_412 = arith.index_cast %scan3A_372 : i32 to index
        %swap3A_413 = arith.constant 80 : index
        %swap3A_414 = tpu.vector_load %arg18[%swap3A_412, %swap3A_413] {strides = array<i32>} : memref<80x128xf32, #tpu.memory_space<vmem>>, vector<16xf32>,
        tpu.vector_store %arg18[%swap3A_412, %swap3A_413], %mul3A_411 {strides = array<i32>} : memref<80x128xf32, #tpu.memory_space<vmem>>, vector<16xf32>,
        %get3A_415 = arith.index_cast %scan3A_372 : i32 to index
        %get3A_416 = arith.constant 96 : index
        %get3A_417 = tpu.vector_load %arg18[%get3A_415, %get3A_416] {strides = array<i32>} : memref<80x128xf32, #tpu.memory_space<vmem>>, vector<16xf32>,
        %mul3A_418 = arith.mulf %get3A_417, %gather3A : vector<16xf32>
        %swap3A_419 = arith.index_cast %scan3A_372 : i32 to index
        %swap3A_420 = arith.constant 96 : index
        %swap3A_421 = tpu.vector_load %arg18[%swap3A_419, %swap3A_420] {strides = array<i32>} : memref<80x128xf32, #tpu.memory_space<vmem>>, vector<16xf32>,
        tpu.vector_store %arg18[%swap3A_419, %swap3A_420], %mul3A_418 {strides = array<i32>} : memref<80x128xf32, #tpu.memory_space<vmem>>, vector<16xf32>,
        %get3A_422 = arith.index_cast %scan3A_372 : i32 to index
        %get3A_423 = arith.constant 112 : index
        %get3A_424 = tpu.vector_load %arg18[%get3A_422, %get3A_423] {strides = array<i32>} : memref<80x128xf32, #tpu.memory_space<vmem>>, vector<16xf32>,
        %mul3A_425 = arith.mulf %get3A_424, %gather3A : vector<16xf32>
        %swap3A_426 = arith.index_cast %scan3A_372 : i32 to index
        %swap3A_427 = arith.constant 112 : index
        %swap3A_428 = tpu.vector_load %arg18[%swap3A_426, %swap3A_427] {strides = array<i32>} : memref<80x128xf32, #tpu.memory_space<vmem>>, vector<16xf32>,
        tpu.vector_store %arg18[%swap3A_426, %swap3A_427], %mul3A_425 {strides = array<i32>} : memref<80x128xf32, #tpu.memory_space<vmem>>, vector<16xf32>,
      }
      %scan3A_364 = arith.constant 80 : i32
      %dma_start3A_365 = arith.constant 0 : i32
      %dma_start3A_366 = arith.constant 0 : i32
      %dma_start3A_367 = tpu.memref_slice %arg10[%dma_start3A_365, %dma_start3A_366] : memref<3x80xi32, #tpu.memory_space<vmem>> -> memref<1x80xi32, #tpu.memory_space<vmem>>
      %dma_start3A_368 = tpu.memref_squeeze %dma_start3A_367 : memref<1x80xi32, #tpu.memory_space<vmem>> -> memref<80xi32, #tpu.memory_space<vmem>>
      %dma_start3A_369 = arith.constant 0 : i32
      %dma_start3A_370 = arith.constant 0 : i32
      %dma_start3A_371 = tpu.memref_slice %arg21[%dma_start3A_369, %dma_start3A_370] : memref<10240x128xf32, #tpu.memory_space<vmem_shared>> -> memref<10240x128xf32, #tpu.memory_space<vmem_shared>>
      tpu.enqueue_indirect_dma source(%arg18 : memref<80x128xf32, #tpu.memory_space<vmem>>) target(%dma_start3A_371 : memref<10240x128xf32, #tpu.memory_space<vmem_shared>>) offsets(%dma_start3A_368 : memref<80xi32, #tpu.memory_space<vmem>>) semaphore(%arg29 : memref<!tpu.dma_semaphore, #tpu.memory_space<semaphore_mem>>) {add = true}
    }
    %while3A_74 = arith.constant 1 : i32
    scf.for %while3A_93 = %while3A_72 to %while3A_68 step %while3A_74  : i32 {
      %mul3A_94 = arith.constant 2 : i32
      %mul3A_95 = arith.muli %while3A_93, %mul3A_94 : i32
      %add3A_96 = arith.constant 0 : i32
      %add3A_97 = arith.addi %mul3A_95, %add3A_96 : i32
      %add3A_98 = arith.constant 1 : i32
      %add3A_99 = arith.addi %add3A_97, %add3A_98 : i32
      %lt3A = arith.cmpi slt, %add3A_99, %select_n3A : i32
      %convert_element_type3A = arith.extui %lt3A : i1 to i32
      %cond3A = arith.constant 0 : i32
      %cond3A_100 = arith.cmpi ne, %convert_element_type3A, %cond3A : i32
      scf.if %cond3A_100 {
        %add3A_372 = arith.addi %add3A_9, %add3A_97 : i32
        %add3A_373 = arith.constant 1 : i32
        %add3A_374 = arith.addi %add3A_372, %add3A_373 : i32
        "tpu.region"() ({
          %run_scoped3A = tpu.sem_alloc : memref<!tpu.dma_semaphore, #tpu.memory_space<semaphore_mem>>
          %dma_start3A_401 = arith.constant 0 : i32
          %dma_start3A_402 = arith.constant 0 : i32
          %dma_start3A_403 = tpu.memref_slice %arg5[%add3A_374, %dma_start3A_401, %dma_start3A_402] : memref<2048x3x80xi32, #tpu.memory_space<hbm>> -> memref<1x3x80xi32, #tpu.memory_space<hbm>>
          %dma_start3A_404 = tpu.memref_squeeze %dma_start3A_403 : memref<1x3x80xi32, #tpu.memory_space<hbm>> -> memref<3x80xi32, #tpu.memory_space<hbm>>
          %dma_start3A_405 = arith.constant 0 : i32
          %dma_start3A_406 = arith.constant 0 : i32
          %dma_start3A_407 = tpu.memref_slice %arg5[%add3A_374, %dma_start3A_405, %dma_start3A_406] : memref<2048x3x80xi32, #tpu.memory_space<hbm>> -> memref<1x3x80xi32, #tpu.memory_space<hbm>>
          %dma_start3A_408 = tpu.memref_squeeze %dma_start3A_407 : memref<1x3x80xi32, #tpu.memory_space<hbm>> -> memref<3x80xi32, #tpu.memory_space<hbm>>
          tpu.enqueue_dma source(%dma_start3A_408 : memref<3x80xi32, #tpu.memory_space<hbm>>) target(%arg10 : memref<3x80xi32, #tpu.memory_space<vmem>>) target_semaphore(%run_scoped3A : memref<!tpu.dma_semaphore, #tpu.memory_space<semaphore_mem>>)
          %dma_wait3A_409 = arith.constant 0 : i32
          %dma_wait3A_410 = arith.constant 0 : i32
          %dma_wait3A_411 = tpu.memref_slice %arg5[%add3A_374, %dma_wait3A_409, %dma_wait3A_410] : memref<2048x3x80xi32, #tpu.memory_space<hbm>> -> memref<1x3x80xi32, #tpu.memory_space<hbm>>
          %dma_wait3A_412 = tpu.memref_squeeze %dma_wait3A_411 : memref<1x3x80xi32, #tpu.memory_space<hbm>> -> memref<3x80xi32, #tpu.memory_space<hbm>>
          %dma_wait3A_413 = arith.constant 0 : i32
          %dma_wait3A_414 = arith.constant 0 : i32
          %dma_wait3A_415 = tpu.memref_slice %arg5[%add3A_374, %dma_wait3A_413, %dma_wait3A_414] : memref<2048x3x80xi32, #tpu.memory_space<hbm>> -> memref<1x3x80xi32, #tpu.memory_space<hbm>>
          %dma_wait3A_416 = tpu.memref_squeeze %dma_wait3A_415 : memref<1x3x80xi32, #tpu.memory_space<hbm>> -> memref<3x80xi32, #tpu.memory_space<hbm>>
          tpu.wait_dma2 semaphore(%run_scoped3A : memref<!tpu.dma_semaphore, #tpu.memory_space<semaphore_mem>>) src(%dma_wait3A_416 : memref<3x80xi32, #tpu.memory_space<hbm>>) dst(%arg10 : memref<3x80xi32, #tpu.memory_space<vmem>>)
          tpu.yield
        }) : () -> ()
        %ge3A_375 = arith.constant 1 : i32
        %ge3A_376 = arith.cmpi sge, %add3A_97, %ge3A_375 : i32
        %convert_element_type3A_377 = arith.extui %ge3A_376 : i1 to i32
        %cond3A_378 = arith.constant 0 : i32
        %cond3A_379 = arith.cmpi ne, %convert_element_type3A_377, %cond3A_378 : i32
        scf.if %cond3A_379 {
          %dma_wait3A_401 = arith.constant 0 : i32
          %dma_wait3A_402 = arith.constant 0 : i32
          %dma_wait3A_403 = tpu.memref_slice %arg10[%dma_wait3A_401, %dma_wait3A_402] : memref<3x80xi32, #tpu.memory_space<vmem>> -> memref<1x80xi32, #tpu.memory_space<vmem>>
          %dma_wait3A_404 = tpu.memref_squeeze %dma_wait3A_403 : memref<1x80xi32, #tpu.memory_space<vmem>> -> memref<80xi32, #tpu.memory_space<vmem>>
          %dma_wait3A_405 = arith.constant 0 : i32
          %dma_wait3A_406 = arith.constant 0 : i32
          %dma_wait3A_407 = tpu.memref_slice %arg21[%dma_wait3A_405, %dma_wait3A_406] : memref<10240x128xf32, #tpu.memory_space<vmem_shared>> -> memref<10240x128xf32, #tpu.memory_space<vmem_shared>>
          tpu.wait_indirect_dma semaphore(%arg29 : memref<!tpu.dma_semaphore, #tpu.memory_space<semaphore_mem>>) src(%arg18 : memref<80x128xf32, #tpu.memory_space<vmem>>) dst(%dma_wait3A_407 : memref<10240x128xf32, #tpu.memory_space<vmem_shared>>)
        } else {
        }
        %add3A_380 = arith.constant 1 : i32
        %add3A_381 = arith.addi %add3A_97, %add3A_380 : i32
        %dma_start3A_382 = arith.constant 0 : i32
        %dma_start3A_383 = arith.constant 0 : i32
        %dma_start3A_384 = tpu.memref_slice %arg10[%dma_start3A_382, %dma_start3A_383] : memref<3x80xi32, #tpu.memory_space<vmem>> -> memref<1x80xi32, #tpu.memory_space<vmem>>
        %dma_start3A_385 = tpu.memref_squeeze %dma_start3A_384 : memref<1x80xi32, #tpu.memory_space<vmem>> -> memref<80xi32, #tpu.memory_space<vmem>>
        %dma_start3A_386 = arith.constant 0 : i32
        %dma_start3A_387 = tpu.memref_slice %arg3[%dma_start3A_386] : memref<10240xf32, #tpu.memory_space<hbm>> -> memref<10240xf32, #tpu.memory_space<hbm>>
        tpu.enqueue_indirect_dma source(%dma_start3A_387 : memref<10240xf32, #tpu.memory_space<hbm>>) target(%arg12 : memref<80xf32, #tpu.memory_space<vmem>>) offsets(%dma_start3A_385 : memref<80xi32, #tpu.memory_space<vmem>>) semaphore(%arg23 : memref<!tpu.dma_semaphore, #tpu.memory_space<semaphore_mem>>)
        %dma_start3A_388 = arith.constant 1 : i32
        %dma_start3A_389 = arith.constant 0 : i32
        %dma_start3A_390 = tpu.memref_slice %arg10[%dma_start3A_388, %dma_start3A_389] : memref<3x80xi32, #tpu.memory_space<vmem>> -> memref<1x80xi32, #tpu.memory_space<vmem>>
        %dma_start3A_391 = tpu.memref_squeeze %dma_start3A_390 : memref<1x80xi32, #tpu.memory_space<vmem>> -> memref<80xi32, #tpu.memory_space<vmem>>
        %dma_start3A_392 = arith.constant 0 : i32
        %dma_start3A_393 = tpu.memref_slice %arg4[%dma_start3A_392] : memref<81920xf32, #tpu.memory_space<hbm>> -> memref<81920xf32, #tpu.memory_space<hbm>>
        tpu.enqueue_indirect_dma source(%dma_start3A_393 : memref<81920xf32, #tpu.memory_space<hbm>>) target(%arg14 : memref<80xf32, #tpu.memory_space<vmem>>) offsets(%dma_start3A_391 : memref<80xi32, #tpu.memory_space<vmem>>) semaphore(%arg25 : memref<!tpu.dma_semaphore, #tpu.memory_space<semaphore_mem>>)
        %dma_start3A_394 = arith.constant 2 : i32
        %dma_start3A_395 = arith.constant 0 : i32
        %dma_start3A_396 = tpu.memref_slice %arg10[%dma_start3A_394, %dma_start3A_395] : memref<3x80xi32, #tpu.memory_space<vmem>> -> memref<1x80xi32, #tpu.memory_space<vmem>>
        %dma_start3A_397 = tpu.memref_squeeze %dma_start3A_396 : memref<1x80xi32, #tpu.memory_space<vmem>> -> memref<80xi32, #tpu.memory_space<vmem>>
        %dma_start3A_398 = arith.constant 0 : i32
        %dma_start3A_399 = arith.constant 0 : i32
        %dma_start3A_400 = tpu.memref_slice %arg2[%dma_start3A_398, %dma_start3A_399] : memref<81920x128xf32, #tpu.memory_space<hbm>> -> memref<81920x128xf32, #tpu.memory_space<hbm>>
        tpu.enqueue_indirect_dma source(%dma_start3A_400 : memref<81920x128xf32, #tpu.memory_space<hbm>>) target(%arg18 : memref<80x128xf32, #tpu.memory_space<vmem>>) offsets(%dma_start3A_397 : memref<80xi32, #tpu.memory_space<vmem>>) semaphore(%arg27 : memref<!tpu.dma_semaphore, #tpu.memory_space<semaphore_mem>>)
      } else {
      }
      %dma_wait3A_101 = arith.constant 0 : i32
      %dma_wait3A_102 = arith.constant 0 : i32
      %dma_wait3A_103 = tpu.memref_slice %arg9[%dma_wait3A_101, %dma_wait3A_102] : memref<3x80xi32, #tpu.memory_space<vmem>> -> memref<1x80xi32, #tpu.memory_space<vmem>>
      %dma_wait3A_104 = tpu.memref_squeeze %dma_wait3A_103 : memref<1x80xi32, #tpu.memory_space<vmem>> -> memref<80xi32, #tpu.memory_space<vmem>>
      %dma_wait3A_105 = arith.constant 0 : i32
      %dma_wait3A_106 = tpu.memref_slice %arg3[%dma_wait3A_105] : memref<10240xf32, #tpu.memory_space<hbm>> -> memref<10240xf32, #tpu.memory_space<hbm>>
      tpu.wait_indirect_dma semaphore(%arg22 : memref<!tpu.dma_semaphore, #tpu.memory_space<semaphore_mem>>) src(%dma_wait3A_106 : memref<10240xf32, #tpu.memory_space<hbm>>) dst(%arg11 : memref<80xf32, #tpu.memory_space<vmem>>)
      %dma_wait3A_107 = arith.constant 1 : i32
      %dma_wait3A_108 = arith.constant 0 : i32
      %dma_wait3A_109 = tpu.memref_slice %arg9[%dma_wait3A_107, %dma_wait3A_108] : memref<3x80xi32, #tpu.memory_space<vmem>> -> memref<1x80xi32, #tpu.memory_space<vmem>>
      %dma_wait3A_110 = tpu.memref_squeeze %dma_wait3A_109 : memref<1x80xi32, #tpu.memory_space<vmem>> -> memref<80xi32, #tpu.memory_space<vmem>>
      %dma_wait3A_111 = arith.constant 0 : i32
      %dma_wait3A_112 = tpu.memref_slice %arg4[%dma_wait3A_111] : memref<81920xf32, #tpu.memory_space<hbm>> -> memref<81920xf32, #tpu.memory_space<hbm>>
      tpu.wait_indirect_dma semaphore(%arg24 : memref<!tpu.dma_semaphore, #tpu.memory_space<semaphore_mem>>) src(%dma_wait3A_112 : memref<81920xf32, #tpu.memory_space<hbm>>) dst(%arg13 : memref<80xf32, #tpu.memory_space<vmem>>)
      %get3A_113 = arith.constant 0 : index
      %get3A_114 = tpu.vector_load %arg11[%get3A_113] {strides = array<i32>} : memref<80xf32, #tpu.memory_space<vmem>>, vector<16xf32>,
      %get3A_115 = arith.constant 0 : index
      %get3A_116 = tpu.vector_load %arg13[%get3A_115] {strides = array<i32>} : memref<80xf32, #tpu.memory_space<vmem>>, vector<16xf32>,
      %get3A_117 = arith.constant 0 : i32
      %get3A_118 = arith.index_cast %get3A_117 : i32 to index
      %get3A_119 = arith.constant 0 : index
      %get3A_120 = tpu.vector_load %arg9[%get3A_118, %get3A_119] {strides = array<i32>} : memref<3x80xi32, #tpu.memory_space<vmem>>, vector<16xi32>,
      %add3A_121 = arith.addf %get3A_114, %get3A_116 : vector<16xf32>
      %ge3A = arith.constant 0.000000e+00 : f32
      %ge3A_122 = vector.broadcast %ge3A : f32 to vector<16xf32>
      %ge3A_123 = arith.cmpf oge, %add3A_121, %ge3A_122 : vector<16xf32>
      %mul3A_124 = arith.constant 2.000000e-01 : f32
      %mul3A_125 = vector.broadcast %mul3A_124 : f32 to vector<16xf32>
      %mul3A_126 = arith.mulf %mul3A_125, %add3A_121 : vector<16xf32>
      %select_n3A_127 = arith.select %ge3A_123, %add3A_121, %mul3A_126 : vector<16xi1>, vector<16xf32>
      %sub3A_128 = arith.subf %select_n3A_127, %get3A_27 : vector<16xf32>
      %exp3A = math.exp %sub3A_128 : vector<16xf32>
      %swap3A = arith.constant 0 : index
      %swap3A_129 = tpu.vector_load %arg15[%swap3A] {strides = array<i32>} : memref<80xf32, #tpu.memory_space<vmem>>, vector<16xf32>,
      tpu.vector_store %arg15[%swap3A], %exp3A {strides = array<i32>} : memref<80xf32, #tpu.memory_space<vmem>>, vector<16xf32>,
      tpu.vector_store_idx %arg20[%get3A_120], %exp3A {add = true} : memref<10240xf32, #tpu.memory_space<vmem>>[vector<16xi32>], vector<16xf32>,
      %get3A_130 = arith.constant 16 : index
      %get3A_131 = tpu.vector_load %arg11[%get3A_130] {strides = array<i32>} : memref<80xf32, #tpu.memory_space<vmem>>, vector<16xf32>,
      %get3A_132 = arith.constant 16 : index
      %get3A_133 = tpu.vector_load %arg13[%get3A_132] {strides = array<i32>} : memref<80xf32, #tpu.memory_space<vmem>>, vector<16xf32>,
      %get3A_134 = arith.constant 0 : i32
      %get3A_135 = arith.index_cast %get3A_134 : i32 to index
      %get3A_136 = arith.constant 16 : index
      %get3A_137 = tpu.vector_load %arg9[%get3A_135, %get3A_136] {strides = array<i32>} : memref<3x80xi32, #tpu.memory_space<vmem>>, vector<16xi32>,
      %add3A_138 = arith.addf %get3A_131, %get3A_133 : vector<16xf32>
      %ge3A_139 = arith.constant 0.000000e+00 : f32
      %ge3A_140 = vector.broadcast %ge3A_139 : f32 to vector<16xf32>
      %ge3A_141 = arith.cmpf oge, %add3A_138, %ge3A_140 : vector<16xf32>
      %mul3A_142 = arith.constant 2.000000e-01 : f32
      %mul3A_143 = vector.broadcast %mul3A_142 : f32 to vector<16xf32>
      %mul3A_144 = arith.mulf %mul3A_143, %add3A_138 : vector<16xf32>
      %select_n3A_145 = arith.select %ge3A_141, %add3A_138, %mul3A_144 : vector<16xi1>, vector<16xf32>
      %sub3A_146 = arith.subf %select_n3A_145, %get3A_27 : vector<16xf32>
      %exp3A_147 = math.exp %sub3A_146 : vector<16xf32>
      %swap3A_148 = arith.constant 16 : index
      %swap3A_149 = tpu.vector_load %arg15[%swap3A_148] {strides = array<i32>} : memref<80xf32, #tpu.memory_space<vmem>>, vector<16xf32>,
      tpu.vector_store %arg15[%swap3A_148], %exp3A_147 {strides = array<i32>} : memref<80xf32, #tpu.memory_space<vmem>>, vector<16xf32>,
      tpu.vector_store_idx %arg20[%get3A_137], %exp3A_147 {add = true} : memref<10240xf32, #tpu.memory_space<vmem>>[vector<16xi32>], vector<16xf32>,
      %get3A_150 = arith.constant 32 : index
      %get3A_151 = tpu.vector_load %arg11[%get3A_150] {strides = array<i32>} : memref<80xf32, #tpu.memory_space<vmem>>, vector<16xf32>,
      %get3A_152 = arith.constant 32 : index
      %get3A_153 = tpu.vector_load %arg13[%get3A_152] {strides = array<i32>} : memref<80xf32, #tpu.memory_space<vmem>>, vector<16xf32>,
      %get3A_154 = arith.constant 0 : i32
      %get3A_155 = arith.index_cast %get3A_154 : i32 to index
      %get3A_156 = arith.constant 32 : index
      %get3A_157 = tpu.vector_load %arg9[%get3A_155, %get3A_156] {strides = array<i32>} : memref<3x80xi32, #tpu.memory_space<vmem>>, vector<16xi32>,
      %add3A_158 = arith.addf %get3A_151, %get3A_153 : vector<16xf32>
      %ge3A_159 = arith.constant 0.000000e+00 : f32
      %ge3A_160 = vector.broadcast %ge3A_159 : f32 to vector<16xf32>
      %ge3A_161 = arith.cmpf oge, %add3A_158, %ge3A_160 : vector<16xf32>
      %mul3A_162 = arith.constant 2.000000e-01 : f32
      %mul3A_163 = vector.broadcast %mul3A_162 : f32 to vector<16xf32>
      %mul3A_164 = arith.mulf %mul3A_163, %add3A_158 : vector<16xf32>
      %select_n3A_165 = arith.select %ge3A_161, %add3A_158, %mul3A_164 : vector<16xi1>, vector<16xf32>
      %sub3A_166 = arith.subf %select_n3A_165, %get3A_27 : vector<16xf32>
      %exp3A_167 = math.exp %sub3A_166 : vector<16xf32>
      %swap3A_168 = arith.constant 32 : index
      %swap3A_169 = tpu.vector_load %arg15[%swap3A_168] {strides = array<i32>} : memref<80xf32, #tpu.memory_space<vmem>>, vector<16xf32>,
      tpu.vector_store %arg15[%swap3A_168], %exp3A_167 {strides = array<i32>} : memref<80xf32, #tpu.memory_space<vmem>>, vector<16xf32>,
      tpu.vector_store_idx %arg20[%get3A_157], %exp3A_167 {add = true} : memref<10240xf32, #tpu.memory_space<vmem>>[vector<16xi32>], vector<16xf32>,
      %get3A_170 = arith.constant 48 : index
      %get3A_171 = tpu.vector_load %arg11[%get3A_170] {strides = array<i32>} : memref<80xf32, #tpu.memory_space<vmem>>, vector<16xf32>,
      %get3A_172 = arith.constant 48 : index
      %get3A_173 = tpu.vector_load %arg13[%get3A_172] {strides = array<i32>} : memref<80xf32, #tpu.memory_space<vmem>>, vector<16xf32>,
      %get3A_174 = arith.constant 0 : i32
      %get3A_175 = arith.index_cast %get3A_174 : i32 to index
      %get3A_176 = arith.constant 48 : index
      %get3A_177 = tpu.vector_load %arg9[%get3A_175, %get3A_176] {strides = array<i32>} : memref<3x80xi32, #tpu.memory_space<vmem>>, vector<16xi32>,
      %add3A_178 = arith.addf %get3A_171, %get3A_173 : vector<16xf32>
      %ge3A_179 = arith.constant 0.000000e+00 : f32
      %ge3A_180 = vector.broadcast %ge3A_179 : f32 to vector<16xf32>
      %ge3A_181 = arith.cmpf oge, %add3A_178, %ge3A_180 : vector<16xf32>
      %mul3A_182 = arith.constant 2.000000e-01 : f32
      %mul3A_183 = vector.broadcast %mul3A_182 : f32 to vector<16xf32>
      %mul3A_184 = arith.mulf %mul3A_183, %add3A_178 : vector<16xf32>
      %select_n3A_185 = arith.select %ge3A_181, %add3A_178, %mul3A_184 : vector<16xi1>, vector<16xf32>
      %sub3A_186 = arith.subf %select_n3A_185, %get3A_27 : vector<16xf32>
      %exp3A_187 = math.exp %sub3A_186 : vector<16xf32>
      %swap3A_188 = arith.constant 48 : index
      %swap3A_189 = tpu.vector_load %arg15[%swap3A_188] {strides = array<i32>} : memref<80xf32, #tpu.memory_space<vmem>>, vector<16xf32>,
      tpu.vector_store %arg15[%swap3A_188], %exp3A_187 {strides = array<i32>} : memref<80xf32, #tpu.memory_space<vmem>>, vector<16xf32>,
      tpu.vector_store_idx %arg20[%get3A_177], %exp3A_187 {add = true} : memref<10240xf32, #tpu.memory_space<vmem>>[vector<16xi32>], vector<16xf32>,
      %get3A_190 = arith.constant 64 : index
      %get3A_191 = tpu.vector_load %arg11[%get3A_190] {strides = array<i32>} : memref<80xf32, #tpu.memory_space<vmem>>, vector<16xf32>,
      %get3A_192 = arith.constant 64 : index
      %get3A_193 = tpu.vector_load %arg13[%get3A_192] {strides = array<i32>} : memref<80xf32, #tpu.memory_space<vmem>>, vector<16xf32>,
      %get3A_194 = arith.constant 0 : i32
      %get3A_195 = arith.index_cast %get3A_194 : i32 to index
      %get3A_196 = arith.constant 64 : index
      %get3A_197 = tpu.vector_load %arg9[%get3A_195, %get3A_196] {strides = array<i32>} : memref<3x80xi32, #tpu.memory_space<vmem>>, vector<16xi32>,
      %add3A_198 = arith.addf %get3A_191, %get3A_193 : vector<16xf32>
      %ge3A_199 = arith.constant 0.000000e+00 : f32
      %ge3A_200 = vector.broadcast %ge3A_199 : f32 to vector<16xf32>
      %ge3A_201 = arith.cmpf oge, %add3A_198, %ge3A_200 : vector<16xf32>
      %mul3A_202 = arith.constant 2.000000e-01 : f32
      %mul3A_203 = vector.broadcast %mul3A_202 : f32 to vector<16xf32>
      %mul3A_204 = arith.mulf %mul3A_203, %add3A_198 : vector<16xf32>
      %select_n3A_205 = arith.select %ge3A_201, %add3A_198, %mul3A_204 : vector<16xi1>, vector<16xf32>
      %sub3A_206 = arith.subf %select_n3A_205, %get3A_27 : vector<16xf32>
      %exp3A_207 = math.exp %sub3A_206 : vector<16xf32>
      %swap3A_208 = arith.constant 64 : index
      %swap3A_209 = tpu.vector_load %arg15[%swap3A_208] {strides = array<i32>} : memref<80xf32, #tpu.memory_space<vmem>>, vector<16xf32>,
      tpu.vector_store %arg15[%swap3A_208], %exp3A_207 {strides = array<i32>} : memref<80xf32, #tpu.memory_space<vmem>>, vector<16xf32>,
      tpu.vector_store_idx %arg20[%get3A_197], %exp3A_207 {add = true} : memref<10240xf32, #tpu.memory_space<vmem>>[vector<16xi32>], vector<16xf32>,
      %dma_wait3A_210 = arith.constant 2 : i32
      %dma_wait3A_211 = arith.constant 0 : i32
      %dma_wait3A_212 = tpu.memref_slice %arg9[%dma_wait3A_210, %dma_wait3A_211] : memref<3x80xi32, #tpu.memory_space<vmem>> -> memref<1x80xi32, #tpu.memory_space<vmem>>
      %dma_wait3A_213 = tpu.memref_squeeze %dma_wait3A_212 : memref<1x80xi32, #tpu.memory_space<vmem>> -> memref<80xi32, #tpu.memory_space<vmem>>
      %dma_wait3A_214 = arith.constant 0 : i32
      %dma_wait3A_215 = arith.constant 0 : i32
      %dma_wait3A_216 = tpu.memref_slice %arg2[%dma_wait3A_214, %dma_wait3A_215] : memref<81920x128xf32, #tpu.memory_space<hbm>> -> memref<81920x128xf32, #tpu.memory_space<hbm>>
      tpu.wait_indirect_dma semaphore(%arg26 : memref<!tpu.dma_semaphore, #tpu.memory_space<semaphore_mem>>) src(%dma_wait3A_216 : memref<81920x128xf32, #tpu.memory_space<hbm>>) dst(%arg17 : memref<80x128xf32, #tpu.memory_space<vmem>>)
      %scan3A_217 = arith.constant 0 : i32
      %scan3A_218 = arith.constant 0 : i32
      %scan3A_219 = arith.constant 80 : i32
      %scan3A_220 = arith.addi %scan3A_218, %scan3A_219 : i32
      %scan3A_221 = arith.constant 1 : i32
      scf.for %scan3A_372 = %scan3A_218 to %scan3A_220 step %scan3A_221  : i32 {
        %broadcast_in_dim3A = vector.broadcast %scan3A_372 : i32 to vector<16xi32>
        %gather3A = tpu.vector_load_idx %arg15[%broadcast_in_dim3A] : memref<80xf32, #tpu.memory_space<vmem>>[vector<16xi32>], vector<16xf32>,
        %get3A_373 = arith.index_cast %scan3A_372 : i32 to index
        %get3A_374 = arith.constant 0 : index
        %get3A_375 = tpu.vector_load %arg17[%get3A_373, %get3A_374] {strides = array<i32>} : memref<80x128xf32, #tpu.memory_space<vmem>>, vector<16xf32>,
        %mul3A_376 = arith.mulf %get3A_375, %gather3A : vector<16xf32>
        %swap3A_377 = arith.index_cast %scan3A_372 : i32 to index
        %swap3A_378 = arith.constant 0 : index
        %swap3A_379 = tpu.vector_load %arg17[%swap3A_377, %swap3A_378] {strides = array<i32>} : memref<80x128xf32, #tpu.memory_space<vmem>>, vector<16xf32>,
        tpu.vector_store %arg17[%swap3A_377, %swap3A_378], %mul3A_376 {strides = array<i32>} : memref<80x128xf32, #tpu.memory_space<vmem>>, vector<16xf32>,
        %get3A_380 = arith.index_cast %scan3A_372 : i32 to index
        %get3A_381 = arith.constant 16 : index
        %get3A_382 = tpu.vector_load %arg17[%get3A_380, %get3A_381] {strides = array<i32>} : memref<80x128xf32, #tpu.memory_space<vmem>>, vector<16xf32>,
        %mul3A_383 = arith.mulf %get3A_382, %gather3A : vector<16xf32>
        %swap3A_384 = arith.index_cast %scan3A_372 : i32 to index
        %swap3A_385 = arith.constant 16 : index
        %swap3A_386 = tpu.vector_load %arg17[%swap3A_384, %swap3A_385] {strides = array<i32>} : memref<80x128xf32, #tpu.memory_space<vmem>>, vector<16xf32>,
        tpu.vector_store %arg17[%swap3A_384, %swap3A_385], %mul3A_383 {strides = array<i32>} : memref<80x128xf32, #tpu.memory_space<vmem>>, vector<16xf32>,
        %get3A_387 = arith.index_cast %scan3A_372 : i32 to index
        %get3A_388 = arith.constant 32 : index
        %get3A_389 = tpu.vector_load %arg17[%get3A_387, %get3A_388] {strides = array<i32>} : memref<80x128xf32, #tpu.memory_space<vmem>>, vector<16xf32>,
        %mul3A_390 = arith.mulf %get3A_389, %gather3A : vector<16xf32>
        %swap3A_391 = arith.index_cast %scan3A_372 : i32 to index
        %swap3A_392 = arith.constant 32 : index
        %swap3A_393 = tpu.vector_load %arg17[%swap3A_391, %swap3A_392] {strides = array<i32>} : memref<80x128xf32, #tpu.memory_space<vmem>>, vector<16xf32>,
        tpu.vector_store %arg17[%swap3A_391, %swap3A_392], %mul3A_390 {strides = array<i32>} : memref<80x128xf32, #tpu.memory_space<vmem>>, vector<16xf32>,
        %get3A_394 = arith.index_cast %scan3A_372 : i32 to index
        %get3A_395 = arith.constant 48 : index
        %get3A_396 = tpu.vector_load %arg17[%get3A_394, %get3A_395] {strides = array<i32>} : memref<80x128xf32, #tpu.memory_space<vmem>>, vector<16xf32>,
        %mul3A_397 = arith.mulf %get3A_396, %gather3A : vector<16xf32>
        %swap3A_398 = arith.index_cast %scan3A_372 : i32 to index
        %swap3A_399 = arith.constant 48 : index
        %swap3A_400 = tpu.vector_load %arg17[%swap3A_398, %swap3A_399] {strides = array<i32>} : memref<80x128xf32, #tpu.memory_space<vmem>>, vector<16xf32>,
        tpu.vector_store %arg17[%swap3A_398, %swap3A_399], %mul3A_397 {strides = array<i32>} : memref<80x128xf32, #tpu.memory_space<vmem>>, vector<16xf32>,
        %get3A_401 = arith.index_cast %scan3A_372 : i32 to index
        %get3A_402 = arith.constant 64 : index
        %get3A_403 = tpu.vector_load %arg17[%get3A_401, %get3A_402] {strides = array<i32>} : memref<80x128xf32, #tpu.memory_space<vmem>>, vector<16xf32>,
        %mul3A_404 = arith.mulf %get3A_403, %gather3A : vector<16xf32>
        %swap3A_405 = arith.index_cast %scan3A_372 : i32 to index
        %swap3A_406 = arith.constant 64 : index
        %swap3A_407 = tpu.vector_load %arg17[%swap3A_405, %swap3A_406] {strides = array<i32>} : memref<80x128xf32, #tpu.memory_space<vmem>>, vector<16xf32>,
        tpu.vector_store %arg17[%swap3A_405, %swap3A_406], %mul3A_404 {strides = array<i32>} : memref<80x128xf32, #tpu.memory_space<vmem>>, vector<16xf32>,
        %get3A_408 = arith.index_cast %scan3A_372 : i32 to index
        %get3A_409 = arith.constant 80 : index
        %get3A_410 = tpu.vector_load %arg17[%get3A_408, %get3A_409] {strides = array<i32>} : memref<80x128xf32, #tpu.memory_space<vmem>>, vector<16xf32>,
        %mul3A_411 = arith.mulf %get3A_410, %gather3A : vector<16xf32>
        %swap3A_412 = arith.index_cast %scan3A_372 : i32 to index
        %swap3A_413 = arith.constant 80 : index
        %swap3A_414 = tpu.vector_load %arg17[%swap3A_412, %swap3A_413] {strides = array<i32>} : memref<80x128xf32, #tpu.memory_space<vmem>>, vector<16xf32>,
        tpu.vector_store %arg17[%swap3A_412, %swap3A_413], %mul3A_411 {strides = array<i32>} : memref<80x128xf32, #tpu.memory_space<vmem>>, vector<16xf32>,
        %get3A_415 = arith.index_cast %scan3A_372 : i32 to index
        %get3A_416 = arith.constant 96 : index
        %get3A_417 = tpu.vector_load %arg17[%get3A_415, %get3A_416] {strides = array<i32>} : memref<80x128xf32, #tpu.memory_space<vmem>>, vector<16xf32>,
        %mul3A_418 = arith.mulf %get3A_417, %gather3A : vector<16xf32>
        %swap3A_419 = arith.index_cast %scan3A_372 : i32 to index
        %swap3A_420 = arith.constant 96 : index
        %swap3A_421 = tpu.vector_load %arg17[%swap3A_419, %swap3A_420] {strides = array<i32>} : memref<80x128xf32, #tpu.memory_space<vmem>>, vector<16xf32>,
        tpu.vector_store %arg17[%swap3A_419, %swap3A_420], %mul3A_418 {strides = array<i32>} : memref<80x128xf32, #tpu.memory_space<vmem>>, vector<16xf32>,
        %get3A_422 = arith.index_cast %scan3A_372 : i32 to index
        %get3A_423 = arith.constant 112 : index
        %get3A_424 = tpu.vector_load %arg17[%get3A_422, %get3A_423] {strides = array<i32>} : memref<80x128xf32, #tpu.memory_space<vmem>>, vector<16xf32>,
        %mul3A_425 = arith.mulf %get3A_424, %gather3A : vector<16xf32>
        %swap3A_426 = arith.index_cast %scan3A_372 : i32 to index
        %swap3A_427 = arith.constant 112 : index
        %swap3A_428 = tpu.vector_load %arg17[%swap3A_426, %swap3A_427] {strides = array<i32>} : memref<80x128xf32, #tpu.memory_space<vmem>>, vector<16xf32>,
        tpu.vector_store %arg17[%swap3A_426, %swap3A_427], %mul3A_425 {strides = array<i32>} : memref<80x128xf32, #tpu.memory_space<vmem>>, vector<16xf32>,
      }
      %scan3A_222 = arith.constant 80 : i32
      %dma_start3A_223 = arith.constant 0 : i32
      %dma_start3A_224 = arith.constant 0 : i32
      %dma_start3A_225 = tpu.memref_slice %arg9[%dma_start3A_223, %dma_start3A_224] : memref<3x80xi32, #tpu.memory_space<vmem>> -> memref<1x80xi32, #tpu.memory_space<vmem>>
      %dma_start3A_226 = tpu.memref_squeeze %dma_start3A_225 : memref<1x80xi32, #tpu.memory_space<vmem>> -> memref<80xi32, #tpu.memory_space<vmem>>
      %dma_start3A_227 = arith.constant 0 : i32
      %dma_start3A_228 = arith.constant 0 : i32
      %dma_start3A_229 = tpu.memref_slice %arg21[%dma_start3A_227, %dma_start3A_228] : memref<10240x128xf32, #tpu.memory_space<vmem_shared>> -> memref<10240x128xf32, #tpu.memory_space<vmem_shared>>
      tpu.enqueue_indirect_dma source(%arg17 : memref<80x128xf32, #tpu.memory_space<vmem>>) target(%dma_start3A_229 : memref<10240x128xf32, #tpu.memory_space<vmem_shared>>) offsets(%dma_start3A_226 : memref<80xi32, #tpu.memory_space<vmem>>) semaphore(%arg28 : memref<!tpu.dma_semaphore, #tpu.memory_space<semaphore_mem>>) {add = true}
      %mul3A_230 = arith.constant 2 : i32
      %mul3A_231 = arith.muli %while3A_93, %mul3A_230 : i32
      %add3A_232 = arith.constant 1 : i32
      %add3A_233 = arith.addi %mul3A_231, %add3A_232 : i32
      %add3A_234 = arith.constant 1 : i32
      %add3A_235 = arith.addi %add3A_233, %add3A_234 : i32
      %lt3A_236 = arith.cmpi slt, %add3A_235, %select_n3A : i32
      %convert_element_type3A_237 = arith.extui %lt3A_236 : i1 to i32
      %cond3A_238 = arith.constant 0 : i32
      %cond3A_239 = arith.cmpi ne, %convert_element_type3A_237, %cond3A_238 : i32
      scf.if %cond3A_239 {
        %add3A_372 = arith.addi %add3A_9, %add3A_233 : i32
        %add3A_373 = arith.constant 1 : i32
        %add3A_374 = arith.addi %add3A_372, %add3A_373 : i32
        "tpu.region"() ({
          %run_scoped3A = tpu.sem_alloc : memref<!tpu.dma_semaphore, #tpu.memory_space<semaphore_mem>>
          %dma_start3A_401 = arith.constant 0 : i32
          %dma_start3A_402 = arith.constant 0 : i32
          %dma_start3A_403 = tpu.memref_slice %arg5[%add3A_374, %dma_start3A_401, %dma_start3A_402] : memref<2048x3x80xi32, #tpu.memory_space<hbm>> -> memref<1x3x80xi32, #tpu.memory_space<hbm>>
          %dma_start3A_404 = tpu.memref_squeeze %dma_start3A_403 : memref<1x3x80xi32, #tpu.memory_space<hbm>> -> memref<3x80xi32, #tpu.memory_space<hbm>>
          %dma_start3A_405 = arith.constant 0 : i32
          %dma_start3A_406 = arith.constant 0 : i32
          %dma_start3A_407 = tpu.memref_slice %arg5[%add3A_374, %dma_start3A_405, %dma_start3A_406] : memref<2048x3x80xi32, #tpu.memory_space<hbm>> -> memref<1x3x80xi32, #tpu.memory_space<hbm>>
          %dma_start3A_408 = tpu.memref_squeeze %dma_start3A_407 : memref<1x3x80xi32, #tpu.memory_space<hbm>> -> memref<3x80xi32, #tpu.memory_space<hbm>>
          tpu.enqueue_dma source(%dma_start3A_408 : memref<3x80xi32, #tpu.memory_space<hbm>>) target(%arg9 : memref<3x80xi32, #tpu.memory_space<vmem>>) target_semaphore(%run_scoped3A : memref<!tpu.dma_semaphore, #tpu.memory_space<semaphore_mem>>)
          %dma_wait3A_409 = arith.constant 0 : i32
          %dma_wait3A_410 = arith.constant 0 : i32
          %dma_wait3A_411 = tpu.memref_slice %arg5[%add3A_374, %dma_wait3A_409, %dma_wait3A_410] : memref<2048x3x80xi32, #tpu.memory_space<hbm>> -> memref<1x3x80xi32, #tpu.memory_space<hbm>>
          %dma_wait3A_412 = tpu.memref_squeeze %dma_wait3A_411 : memref<1x3x80xi32, #tpu.memory_space<hbm>> -> memref<3x80xi32, #tpu.memory_space<hbm>>
          %dma_wait3A_413 = arith.constant 0 : i32
          %dma_wait3A_414 = arith.constant 0 : i32
          %dma_wait3A_415 = tpu.memref_slice %arg5[%add3A_374, %dma_wait3A_413, %dma_wait3A_414] : memref<2048x3x80xi32, #tpu.memory_space<hbm>> -> memref<1x3x80xi32, #tpu.memory_space<hbm>>
          %dma_wait3A_416 = tpu.memref_squeeze %dma_wait3A_415 : memref<1x3x80xi32, #tpu.memory_space<hbm>> -> memref<3x80xi32, #tpu.memory_space<hbm>>
          tpu.wait_dma2 semaphore(%run_scoped3A : memref<!tpu.dma_semaphore, #tpu.memory_space<semaphore_mem>>) src(%dma_wait3A_416 : memref<3x80xi32, #tpu.memory_space<hbm>>) dst(%arg9 : memref<3x80xi32, #tpu.memory_space<vmem>>)
          tpu.yield
        }) : () -> ()
        %ge3A_375 = arith.constant 1 : i32
        %ge3A_376 = arith.cmpi sge, %add3A_233, %ge3A_375 : i32
        %convert_element_type3A_377 = arith.extui %ge3A_376 : i1 to i32
        %cond3A_378 = arith.constant 0 : i32
        %cond3A_379 = arith.cmpi ne, %convert_element_type3A_377, %cond3A_378 : i32
        scf.if %cond3A_379 {
          %dma_wait3A_401 = arith.constant 0 : i32
          %dma_wait3A_402 = arith.constant 0 : i32
          %dma_wait3A_403 = tpu.memref_slice %arg9[%dma_wait3A_401, %dma_wait3A_402] : memref<3x80xi32, #tpu.memory_space<vmem>> -> memref<1x80xi32, #tpu.memory_space<vmem>>
          %dma_wait3A_404 = tpu.memref_squeeze %dma_wait3A_403 : memref<1x80xi32, #tpu.memory_space<vmem>> -> memref<80xi32, #tpu.memory_space<vmem>>
          %dma_wait3A_405 = arith.constant 0 : i32
          %dma_wait3A_406 = arith.constant 0 : i32
          %dma_wait3A_407 = tpu.memref_slice %arg21[%dma_wait3A_405, %dma_wait3A_406] : memref<10240x128xf32, #tpu.memory_space<vmem_shared>> -> memref<10240x128xf32, #tpu.memory_space<vmem_shared>>
          tpu.wait_indirect_dma semaphore(%arg28 : memref<!tpu.dma_semaphore, #tpu.memory_space<semaphore_mem>>) src(%arg17 : memref<80x128xf32, #tpu.memory_space<vmem>>) dst(%dma_wait3A_407 : memref<10240x128xf32, #tpu.memory_space<vmem_shared>>)
        } else {
        }
        %add3A_380 = arith.constant 1 : i32
        %add3A_381 = arith.addi %add3A_233, %add3A_380 : i32
        %dma_start3A_382 = arith.constant 0 : i32
        %dma_start3A_383 = arith.constant 0 : i32
        %dma_start3A_384 = tpu.memref_slice %arg9[%dma_start3A_382, %dma_start3A_383] : memref<3x80xi32, #tpu.memory_space<vmem>> -> memref<1x80xi32, #tpu.memory_space<vmem>>
        %dma_start3A_385 = tpu.memref_squeeze %dma_start3A_384 : memref<1x80xi32, #tpu.memory_space<vmem>> -> memref<80xi32, #tpu.memory_space<vmem>>
        %dma_start3A_386 = arith.constant 0 : i32
        %dma_start3A_387 = tpu.memref_slice %arg3[%dma_start3A_386] : memref<10240xf32, #tpu.memory_space<hbm>> -> memref<10240xf32, #tpu.memory_space<hbm>>
        tpu.enqueue_indirect_dma source(%dma_start3A_387 : memref<10240xf32, #tpu.memory_space<hbm>>) target(%arg11 : memref<80xf32, #tpu.memory_space<vmem>>) offsets(%dma_start3A_385 : memref<80xi32, #tpu.memory_space<vmem>>) semaphore(%arg22 : memref<!tpu.dma_semaphore, #tpu.memory_space<semaphore_mem>>)
        %dma_start3A_388 = arith.constant 1 : i32
        %dma_start3A_389 = arith.constant 0 : i32
        %dma_start3A_390 = tpu.memref_slice %arg9[%dma_start3A_388, %dma_start3A_389] : memref<3x80xi32, #tpu.memory_space<vmem>> -> memref<1x80xi32, #tpu.memory_space<vmem>>
        %dma_start3A_391 = tpu.memref_squeeze %dma_start3A_390 : memref<1x80xi32, #tpu.memory_space<vmem>> -> memref<80xi32, #tpu.memory_space<vmem>>
        %dma_start3A_392 = arith.constant 0 : i32
        %dma_start3A_393 = tpu.memref_slice %arg4[%dma_start3A_392] : memref<81920xf32, #tpu.memory_space<hbm>> -> memref<81920xf32, #tpu.memory_space<hbm>>
        tpu.enqueue_indirect_dma source(%dma_start3A_393 : memref<81920xf32, #tpu.memory_space<hbm>>) target(%arg13 : memref<80xf32, #tpu.memory_space<vmem>>) offsets(%dma_start3A_391 : memref<80xi32, #tpu.memory_space<vmem>>) semaphore(%arg24 : memref<!tpu.dma_semaphore, #tpu.memory_space<semaphore_mem>>)
        %dma_start3A_394 = arith.constant 2 : i32
        %dma_start3A_395 = arith.constant 0 : i32
        %dma_start3A_396 = tpu.memref_slice %arg9[%dma_start3A_394, %dma_start3A_395] : memref<3x80xi32, #tpu.memory_space<vmem>> -> memref<1x80xi32, #tpu.memory_space<vmem>>
        %dma_start3A_397 = tpu.memref_squeeze %dma_start3A_396 : memref<1x80xi32, #tpu.memory_space<vmem>> -> memref<80xi32, #tpu.memory_space<vmem>>
        %dma_start3A_398 = arith.constant 0 : i32
        %dma_start3A_399 = arith.constant 0 : i32
        %dma_start3A_400 = tpu.memref_slice %arg2[%dma_start3A_398, %dma_start3A_399] : memref<81920x128xf32, #tpu.memory_space<hbm>> -> memref<81920x128xf32, #tpu.memory_space<hbm>>
        tpu.enqueue_indirect_dma source(%dma_start3A_400 : memref<81920x128xf32, #tpu.memory_space<hbm>>) target(%arg17 : memref<80x128xf32, #tpu.memory_space<vmem>>) offsets(%dma_start3A_397 : memref<80xi32, #tpu.memory_space<vmem>>) semaphore(%arg26 : memref<!tpu.dma_semaphore, #tpu.memory_space<semaphore_mem>>)
      } else {
      }
      %dma_wait3A_240 = arith.constant 0 : i32
      %dma_wait3A_241 = arith.constant 0 : i32
      %dma_wait3A_242 = tpu.memref_slice %arg10[%dma_wait3A_240, %dma_wait3A_241] : memref<3x80xi32, #tpu.memory_space<vmem>> -> memref<1x80xi32, #tpu.memory_space<vmem>>
      %dma_wait3A_243 = tpu.memref_squeeze %dma_wait3A_242 : memref<1x80xi32, #tpu.memory_space<vmem>> -> memref<80xi32, #tpu.memory_space<vmem>>
      %dma_wait3A_244 = arith.constant 0 : i32
      %dma_wait3A_245 = tpu.memref_slice %arg3[%dma_wait3A_244] : memref<10240xf32, #tpu.memory_space<hbm>> -> memref<10240xf32, #tpu.memory_space<hbm>>
      tpu.wait_indirect_dma semaphore(%arg23 : memref<!tpu.dma_semaphore, #tpu.memory_space<semaphore_mem>>) src(%dma_wait3A_245 : memref<10240xf32, #tpu.memory_space<hbm>>) dst(%arg12 : memref<80xf32, #tpu.memory_space<vmem>>)
      %dma_wait3A_246 = arith.constant 1 : i32
      %dma_wait3A_247 = arith.constant 0 : i32
      %dma_wait3A_248 = tpu.memref_slice %arg10[%dma_wait3A_246, %dma_wait3A_247] : memref<3x80xi32, #tpu.memory_space<vmem>> -> memref<1x80xi32, #tpu.memory_space<vmem>>
      %dma_wait3A_249 = tpu.memref_squeeze %dma_wait3A_248 : memref<1x80xi32, #tpu.memory_space<vmem>> -> memref<80xi32, #tpu.memory_space<vmem>>
      %dma_wait3A_250 = arith.constant 0 : i32
      %dma_wait3A_251 = tpu.memref_slice %arg4[%dma_wait3A_250] : memref<81920xf32, #tpu.memory_space<hbm>> -> memref<81920xf32, #tpu.memory_space<hbm>>
      tpu.wait_indirect_dma semaphore(%arg25 : memref<!tpu.dma_semaphore, #tpu.memory_space<semaphore_mem>>) src(%dma_wait3A_251 : memref<81920xf32, #tpu.memory_space<hbm>>) dst(%arg14 : memref<80xf32, #tpu.memory_space<vmem>>)
      %get3A_252 = arith.constant 0 : index
      %get3A_253 = tpu.vector_load %arg12[%get3A_252] {strides = array<i32>} : memref<80xf32, #tpu.memory_space<vmem>>, vector<16xf32>,
      %get3A_254 = arith.constant 0 : index
      %get3A_255 = tpu.vector_load %arg14[%get3A_254] {strides = array<i32>} : memref<80xf32, #tpu.memory_space<vmem>>, vector<16xf32>,
      %get3A_256 = arith.constant 0 : i32
      %get3A_257 = arith.index_cast %get3A_256 : i32 to index
      %get3A_258 = arith.constant 0 : index
      %get3A_259 = tpu.vector_load %arg10[%get3A_257, %get3A_258] {strides = array<i32>} : memref<3x80xi32, #tpu.memory_space<vmem>>, vector<16xi32>,
      %add3A_260 = arith.addf %get3A_253, %get3A_255 : vector<16xf32>
      %ge3A_261 = arith.constant 0.000000e+00 : f32
      %ge3A_262 = vector.broadcast %ge3A_261 : f32 to vector<16xf32>
      %ge3A_263 = arith.cmpf oge, %add3A_260, %ge3A_262 : vector<16xf32>
      %mul3A_264 = arith.constant 2.000000e-01 : f32
      %mul3A_265 = vector.broadcast %mul3A_264 : f32 to vector<16xf32>
      %mul3A_266 = arith.mulf %mul3A_265, %add3A_260 : vector<16xf32>
      %select_n3A_267 = arith.select %ge3A_263, %add3A_260, %mul3A_266 : vector<16xi1>, vector<16xf32>
      %sub3A_268 = arith.subf %select_n3A_267, %get3A_27 : vector<16xf32>
      %exp3A_269 = math.exp %sub3A_268 : vector<16xf32>
      %swap3A_270 = arith.constant 0 : index
      %swap3A_271 = tpu.vector_load %arg16[%swap3A_270] {strides = array<i32>} : memref<80xf32, #tpu.memory_space<vmem>>, vector<16xf32>,
      tpu.vector_store %arg16[%swap3A_270], %exp3A_269 {strides = array<i32>} : memref<80xf32, #tpu.memory_space<vmem>>, vector<16xf32>,
      tpu.vector_store_idx %arg20[%get3A_259], %exp3A_269 {add = true} : memref<10240xf32, #tpu.memory_space<vmem>>[vector<16xi32>], vector<16xf32>,
      %get3A_272 = arith.constant 16 : index
      %get3A_273 = tpu.vector_load %arg12[%get3A_272] {strides = array<i32>} : memref<80xf32, #tpu.memory_space<vmem>>, vector<16xf32>,
      %get3A_274 = arith.constant 16 : index
      %get3A_275 = tpu.vector_load %arg14[%get3A_274] {strides = array<i32>} : memref<80xf32, #tpu.memory_space<vmem>>, vector<16xf32>,
      %get3A_276 = arith.constant 0 : i32
      %get3A_277 = arith.index_cast %get3A_276 : i32 to index
      %get3A_278 = arith.constant 16 : index
      %get3A_279 = tpu.vector_load %arg10[%get3A_277, %get3A_278] {strides = array<i32>} : memref<3x80xi32, #tpu.memory_space<vmem>>, vector<16xi32>,
      %add3A_280 = arith.addf %get3A_273, %get3A_275 : vector<16xf32>
      %ge3A_281 = arith.constant 0.000000e+00 : f32
      %ge3A_282 = vector.broadcast %ge3A_281 : f32 to vector<16xf32>
      %ge3A_283 = arith.cmpf oge, %add3A_280, %ge3A_282 : vector<16xf32>
      %mul3A_284 = arith.constant 2.000000e-01 : f32
      %mul3A_285 = vector.broadcast %mul3A_284 : f32 to vector<16xf32>
      %mul3A_286 = arith.mulf %mul3A_285, %add3A_280 : vector<16xf32>
      %select_n3A_287 = arith.select %ge3A_283, %add3A_280, %mul3A_286 : vector<16xi1>, vector<16xf32>
      %sub3A_288 = arith.subf %select_n3A_287, %get3A_27 : vector<16xf32>
      %exp3A_289 = math.exp %sub3A_288 : vector<16xf32>
      %swap3A_290 = arith.constant 16 : index
      %swap3A_291 = tpu.vector_load %arg16[%swap3A_290] {strides = array<i32>} : memref<80xf32, #tpu.memory_space<vmem>>, vector<16xf32>,
      tpu.vector_store %arg16[%swap3A_290], %exp3A_289 {strides = array<i32>} : memref<80xf32, #tpu.memory_space<vmem>>, vector<16xf32>,
      tpu.vector_store_idx %arg20[%get3A_279], %exp3A_289 {add = true} : memref<10240xf32, #tpu.memory_space<vmem>>[vector<16xi32>], vector<16xf32>,
      %get3A_292 = arith.constant 32 : index
      %get3A_293 = tpu.vector_load %arg12[%get3A_292] {strides = array<i32>} : memref<80xf32, #tpu.memory_space<vmem>>, vector<16xf32>,
      %get3A_294 = arith.constant 32 : index
      %get3A_295 = tpu.vector_load %arg14[%get3A_294] {strides = array<i32>} : memref<80xf32, #tpu.memory_space<vmem>>, vector<16xf32>,
      %get3A_296 = arith.constant 0 : i32
      %get3A_297 = arith.index_cast %get3A_296 : i32 to index
      %get3A_298 = arith.constant 32 : index
      %get3A_299 = tpu.vector_load %arg10[%get3A_297, %get3A_298] {strides = array<i32>} : memref<3x80xi32, #tpu.memory_space<vmem>>, vector<16xi32>,
      %add3A_300 = arith.addf %get3A_293, %get3A_295 : vector<16xf32>
      %ge3A_301 = arith.constant 0.000000e+00 : f32
      %ge3A_302 = vector.broadcast %ge3A_301 : f32 to vector<16xf32>
      %ge3A_303 = arith.cmpf oge, %add3A_300, %ge3A_302 : vector<16xf32>
      %mul3A_304 = arith.constant 2.000000e-01 : f32
      %mul3A_305 = vector.broadcast %mul3A_304 : f32 to vector<16xf32>
      %mul3A_306 = arith.mulf %mul3A_305, %add3A_300 : vector<16xf32>
      %select_n3A_307 = arith.select %ge3A_303, %add3A_300, %mul3A_306 : vector<16xi1>, vector<16xf32>
      %sub3A_308 = arith.subf %select_n3A_307, %get3A_27 : vector<16xf32>
      %exp3A_309 = math.exp %sub3A_308 : vector<16xf32>
      %swap3A_310 = arith.constant 32 : index
      %swap3A_311 = tpu.vector_load %arg16[%swap3A_310] {strides = array<i32>} : memref<80xf32, #tpu.memory_space<vmem>>, vector<16xf32>,
      tpu.vector_store %arg16[%swap3A_310], %exp3A_309 {strides = array<i32>} : memref<80xf32, #tpu.memory_space<vmem>>, vector<16xf32>,
      tpu.vector_store_idx %arg20[%get3A_299], %exp3A_309 {add = true} : memref<10240xf32, #tpu.memory_space<vmem>>[vector<16xi32>], vector<16xf32>,
      %get3A_312 = arith.constant 48 : index
      %get3A_313 = tpu.vector_load %arg12[%get3A_312] {strides = array<i32>} : memref<80xf32, #tpu.memory_space<vmem>>, vector<16xf32>,
      %get3A_314 = arith.constant 48 : index
      %get3A_315 = tpu.vector_load %arg14[%get3A_314] {strides = array<i32>} : memref<80xf32, #tpu.memory_space<vmem>>, vector<16xf32>,
      %get3A_316 = arith.constant 0 : i32
      %get3A_317 = arith.index_cast %get3A_316 : i32 to index
      %get3A_318 = arith.constant 48 : index
      %get3A_319 = tpu.vector_load %arg10[%get3A_317, %get3A_318] {strides = array<i32>} : memref<3x80xi32, #tpu.memory_space<vmem>>, vector<16xi32>,
      %add3A_320 = arith.addf %get3A_313, %get3A_315 : vector<16xf32>
      %ge3A_321 = arith.constant 0.000000e+00 : f32
      %ge3A_322 = vector.broadcast %ge3A_321 : f32 to vector<16xf32>
      %ge3A_323 = arith.cmpf oge, %add3A_320, %ge3A_322 : vector<16xf32>
      %mul3A_324 = arith.constant 2.000000e-01 : f32
      %mul3A_325 = vector.broadcast %mul3A_324 : f32 to vector<16xf32>
      %mul3A_326 = arith.mulf %mul3A_325, %add3A_320 : vector<16xf32>
      %select_n3A_327 = arith.select %ge3A_323, %add3A_320, %mul3A_326 : vector<16xi1>, vector<16xf32>
      %sub3A_328 = arith.subf %select_n3A_327, %get3A_27 : vector<16xf32>
      %exp3A_329 = math.exp %sub3A_328 : vector<16xf32>
      %swap3A_330 = arith.constant 48 : index
      %swap3A_331 = tpu.vector_load %arg16[%swap3A_330] {strides = array<i32>} : memref<80xf32, #tpu.memory_space<vmem>>, vector<16xf32>,
      tpu.vector_store %arg16[%swap3A_330], %exp3A_329 {strides = array<i32>} : memref<80xf32, #tpu.memory_space<vmem>>, vector<16xf32>,
      tpu.vector_store_idx %arg20[%get3A_319], %exp3A_329 {add = true} : memref<10240xf32, #tpu.memory_space<vmem>>[vector<16xi32>], vector<16xf32>,
      %get3A_332 = arith.constant 64 : index
      %get3A_333 = tpu.vector_load %arg12[%get3A_332] {strides = array<i32>} : memref<80xf32, #tpu.memory_space<vmem>>, vector<16xf32>,
      %get3A_334 = arith.constant 64 : index
      %get3A_335 = tpu.vector_load %arg14[%get3A_334] {strides = array<i32>} : memref<80xf32, #tpu.memory_space<vmem>>, vector<16xf32>,
      %get3A_336 = arith.constant 0 : i32
      %get3A_337 = arith.index_cast %get3A_336 : i32 to index
      %get3A_338 = arith.constant 64 : index
      %get3A_339 = tpu.vector_load %arg10[%get3A_337, %get3A_338] {strides = array<i32>} : memref<3x80xi32, #tpu.memory_space<vmem>>, vector<16xi32>,
      %add3A_340 = arith.addf %get3A_333, %get3A_335 : vector<16xf32>
      %ge3A_341 = arith.constant 0.000000e+00 : f32
      %ge3A_342 = vector.broadcast %ge3A_341 : f32 to vector<16xf32>
      %ge3A_343 = arith.cmpf oge, %add3A_340, %ge3A_342 : vector<16xf32>
      %mul3A_344 = arith.constant 2.000000e-01 : f32
      %mul3A_345 = vector.broadcast %mul3A_344 : f32 to vector<16xf32>
      %mul3A_346 = arith.mulf %mul3A_345, %add3A_340 : vector<16xf32>
      %select_n3A_347 = arith.select %ge3A_343, %add3A_340, %mul3A_346 : vector<16xi1>, vector<16xf32>
      %sub3A_348 = arith.subf %select_n3A_347, %get3A_27 : vector<16xf32>
      %exp3A_349 = math.exp %sub3A_348 : vector<16xf32>
      %swap3A_350 = arith.constant 64 : index
      %swap3A_351 = tpu.vector_load %arg16[%swap3A_350] {strides = array<i32>} : memref<80xf32, #tpu.memory_space<vmem>>, vector<16xf32>,
      tpu.vector_store %arg16[%swap3A_350], %exp3A_349 {strides = array<i32>} : memref<80xf32, #tpu.memory_space<vmem>>, vector<16xf32>,
      tpu.vector_store_idx %arg20[%get3A_339], %exp3A_349 {add = true} : memref<10240xf32, #tpu.memory_space<vmem>>[vector<16xi32>], vector<16xf32>,
      %dma_wait3A_352 = arith.constant 2 : i32
      %dma_wait3A_353 = arith.constant 0 : i32
      %dma_wait3A_354 = tpu.memref_slice %arg10[%dma_wait3A_352, %dma_wait3A_353] : memref<3x80xi32, #tpu.memory_space<vmem>> -> memref<1x80xi32, #tpu.memory_space<vmem>>
      %dma_wait3A_355 = tpu.memref_squeeze %dma_wait3A_354 : memref<1x80xi32, #tpu.memory_space<vmem>> -> memref<80xi32, #tpu.memory_space<vmem>>
      %dma_wait3A_356 = arith.constant 0 : i32
      %dma_wait3A_357 = arith.constant 0 : i32
      %dma_wait3A_358 = tpu.memref_slice %arg2[%dma_wait3A_356, %dma_wait3A_357] : memref<81920x128xf32, #tpu.memory_space<hbm>> -> memref<81920x128xf32, #tpu.memory_space<hbm>>
      tpu.wait_indirect_dma semaphore(%arg27 : memref<!tpu.dma_semaphore, #tpu.memory_space<semaphore_mem>>) src(%dma_wait3A_358 : memref<81920x128xf32, #tpu.memory_space<hbm>>) dst(%arg18 : memref<80x128xf32, #tpu.memory_space<vmem>>)
      %scan3A_359 = arith.constant 0 : i32
      %scan3A_360 = arith.constant 0 : i32
      %scan3A_361 = arith.constant 80 : i32
      %scan3A_362 = arith.addi %scan3A_360, %scan3A_361 : i32
      %scan3A_363 = arith.constant 1 : i32
      scf.for %scan3A_372 = %scan3A_360 to %scan3A_362 step %scan3A_363  : i32 {
        %broadcast_in_dim3A = vector.broadcast %scan3A_372 : i32 to vector<16xi32>
        %gather3A = tpu.vector_load_idx %arg16[%broadcast_in_dim3A] : memref<80xf32, #tpu.memory_space<vmem>>[vector<16xi32>], vector<16xf32>,
        %get3A_373 = arith.index_cast %scan3A_372 : i32 to index
        %get3A_374 = arith.constant 0 : index
        %get3A_375 = tpu.vector_load %arg18[%get3A_373, %get3A_374] {strides = array<i32>} : memref<80x128xf32, #tpu.memory_space<vmem>>, vector<16xf32>,
        %mul3A_376 = arith.mulf %get3A_375, %gather3A : vector<16xf32>
        %swap3A_377 = arith.index_cast %scan3A_372 : i32 to index
        %swap3A_378 = arith.constant 0 : index
        %swap3A_379 = tpu.vector_load %arg18[%swap3A_377, %swap3A_378] {strides = array<i32>} : memref<80x128xf32, #tpu.memory_space<vmem>>, vector<16xf32>,
        tpu.vector_store %arg18[%swap3A_377, %swap3A_378], %mul3A_376 {strides = array<i32>} : memref<80x128xf32, #tpu.memory_space<vmem>>, vector<16xf32>,
        %get3A_380 = arith.index_cast %scan3A_372 : i32 to index
        %get3A_381 = arith.constant 16 : index
        %get3A_382 = tpu.vector_load %arg18[%get3A_380, %get3A_381] {strides = array<i32>} : memref<80x128xf32, #tpu.memory_space<vmem>>, vector<16xf32>,
        %mul3A_383 = arith.mulf %get3A_382, %gather3A : vector<16xf32>
        %swap3A_384 = arith.index_cast %scan3A_372 : i32 to index
        %swap3A_385 = arith.constant 16 : index
        %swap3A_386 = tpu.vector_load %arg18[%swap3A_384, %swap3A_385] {strides = array<i32>} : memref<80x128xf32, #tpu.memory_space<vmem>>, vector<16xf32>,
        tpu.vector_store %arg18[%swap3A_384, %swap3A_385], %mul3A_383 {strides = array<i32>} : memref<80x128xf32, #tpu.memory_space<vmem>>, vector<16xf32>,
        %get3A_387 = arith.index_cast %scan3A_372 : i32 to index
        %get3A_388 = arith.constant 32 : index
        %get3A_389 = tpu.vector_load %arg18[%get3A_387, %get3A_388] {strides = array<i32>} : memref<80x128xf32, #tpu.memory_space<vmem>>, vector<16xf32>,
        %mul3A_390 = arith.mulf %get3A_389, %gather3A : vector<16xf32>
        %swap3A_391 = arith.index_cast %scan3A_372 : i32 to index
        %swap3A_392 = arith.constant 32 : index
        %swap3A_393 = tpu.vector_load %arg18[%swap3A_391, %swap3A_392] {strides = array<i32>} : memref<80x128xf32, #tpu.memory_space<vmem>>, vector<16xf32>,
        tpu.vector_store %arg18[%swap3A_391, %swap3A_392], %mul3A_390 {strides = array<i32>} : memref<80x128xf32, #tpu.memory_space<vmem>>, vector<16xf32>,
        %get3A_394 = arith.index_cast %scan3A_372 : i32 to index
        %get3A_395 = arith.constant 48 : index
        %get3A_396 = tpu.vector_load %arg18[%get3A_394, %get3A_395] {strides = array<i32>} : memref<80x128xf32, #tpu.memory_space<vmem>>, vector<16xf32>,
        %mul3A_397 = arith.mulf %get3A_396, %gather3A : vector<16xf32>
        %swap3A_398 = arith.index_cast %scan3A_372 : i32 to index
        %swap3A_399 = arith.constant 48 : index
        %swap3A_400 = tpu.vector_load %arg18[%swap3A_398, %swap3A_399] {strides = array<i32>} : memref<80x128xf32, #tpu.memory_space<vmem>>, vector<16xf32>,
        tpu.vector_store %arg18[%swap3A_398, %swap3A_399], %mul3A_397 {strides = array<i32>} : memref<80x128xf32, #tpu.memory_space<vmem>>, vector<16xf32>,
        %get3A_401 = arith.index_cast %scan3A_372 : i32 to index
        %get3A_402 = arith.constant 64 : index
        %get3A_403 = tpu.vector_load %arg18[%get3A_401, %get3A_402] {strides = array<i32>} : memref<80x128xf32, #tpu.memory_space<vmem>>, vector<16xf32>,
        %mul3A_404 = arith.mulf %get3A_403, %gather3A : vector<16xf32>
        %swap3A_405 = arith.index_cast %scan3A_372 : i32 to index
        %swap3A_406 = arith.constant 64 : index
        %swap3A_407 = tpu.vector_load %arg18[%swap3A_405, %swap3A_406] {strides = array<i32>} : memref<80x128xf32, #tpu.memory_space<vmem>>, vector<16xf32>,
        tpu.vector_store %arg18[%swap3A_405, %swap3A_406], %mul3A_404 {strides = array<i32>} : memref<80x128xf32, #tpu.memory_space<vmem>>, vector<16xf32>,
        %get3A_408 = arith.index_cast %scan3A_372 : i32 to index
        %get3A_409 = arith.constant 80 : index
        %get3A_410 = tpu.vector_load %arg18[%get3A_408, %get3A_409] {strides = array<i32>} : memref<80x128xf32, #tpu.memory_space<vmem>>, vector<16xf32>,
        %mul3A_411 = arith.mulf %get3A_410, %gather3A : vector<16xf32>
        %swap3A_412 = arith.index_cast %scan3A_372 : i32 to index
        %swap3A_413 = arith.constant 80 : index
        %swap3A_414 = tpu.vector_load %arg18[%swap3A_412, %swap3A_413] {strides = array<i32>} : memref<80x128xf32, #tpu.memory_space<vmem>>, vector<16xf32>,
        tpu.vector_store %arg18[%swap3A_412, %swap3A_413], %mul3A_411 {strides = array<i32>} : memref<80x128xf32, #tpu.memory_space<vmem>>, vector<16xf32>,
        %get3A_415 = arith.index_cast %scan3A_372 : i32 to index
        %get3A_416 = arith.constant 96 : index
        %get3A_417 = tpu.vector_load %arg18[%get3A_415, %get3A_416] {strides = array<i32>} : memref<80x128xf32, #tpu.memory_space<vmem>>, vector<16xf32>,
        %mul3A_418 = arith.mulf %get3A_417, %gather3A : vector<16xf32>
        %swap3A_419 = arith.index_cast %scan3A_372 : i32 to index
        %swap3A_420 = arith.constant 96 : index
        %swap3A_421 = tpu.vector_load %arg18[%swap3A_419, %swap3A_420] {strides = array<i32>} : memref<80x128xf32, #tpu.memory_space<vmem>>, vector<16xf32>,
        tpu.vector_store %arg18[%swap3A_419, %swap3A_420], %mul3A_418 {strides = array<i32>} : memref<80x128xf32, #tpu.memory_space<vmem>>, vector<16xf32>,
        %get3A_422 = arith.index_cast %scan3A_372 : i32 to index
        %get3A_423 = arith.constant 112 : index
        %get3A_424 = tpu.vector_load %arg18[%get3A_422, %get3A_423] {strides = array<i32>} : memref<80x128xf32, #tpu.memory_space<vmem>>, vector<16xf32>,
        %mul3A_425 = arith.mulf %get3A_424, %gather3A : vector<16xf32>
        %swap3A_426 = arith.index_cast %scan3A_372 : i32 to index
        %swap3A_427 = arith.constant 112 : index
        %swap3A_428 = tpu.vector_load %arg18[%swap3A_426, %swap3A_427] {strides = array<i32>} : memref<80x128xf32, #tpu.memory_space<vmem>>, vector<16xf32>,
        tpu.vector_store %arg18[%swap3A_426, %swap3A_427], %mul3A_425 {strides = array<i32>} : memref<80x128xf32, #tpu.memory_space<vmem>>, vector<16xf32>,
      }
      %scan3A_364 = arith.constant 80 : i32
      %dma_start3A_365 = arith.constant 0 : i32
      %dma_start3A_366 = arith.constant 0 : i32
      %dma_start3A_367 = tpu.memref_slice %arg10[%dma_start3A_365, %dma_start3A_366] : memref<3x80xi32, #tpu.memory_space<vmem>> -> memref<1x80xi32, #tpu.memory_space<vmem>>
      %dma_start3A_368 = tpu.memref_squeeze %dma_start3A_367 : memref<1x80xi32, #tpu.memory_space<vmem>> -> memref<80xi32, #tpu.memory_space<vmem>>
      %dma_start3A_369 = arith.constant 0 : i32
      %dma_start3A_370 = arith.constant 0 : i32
      %dma_start3A_371 = tpu.memref_slice %arg21[%dma_start3A_369, %dma_start3A_370] : memref<10240x128xf32, #tpu.memory_space<vmem_shared>> -> memref<10240x128xf32, #tpu.memory_space<vmem_shared>>
      tpu.enqueue_indirect_dma source(%arg18 : memref<80x128xf32, #tpu.memory_space<vmem>>) target(%dma_start3A_371 : memref<10240x128xf32, #tpu.memory_space<vmem_shared>>) offsets(%dma_start3A_368 : memref<80xi32, #tpu.memory_space<vmem>>) semaphore(%arg29 : memref<!tpu.dma_semaphore, #tpu.memory_space<semaphore_mem>>) {add = true}
    }
    %dma_wait3A = arith.constant 0 : i32
    %dma_wait3A_75 = arith.constant 0 : i32
    %dma_wait3A_76 = tpu.memref_slice %arg9[%dma_wait3A, %dma_wait3A_75] : memref<3x80xi32, #tpu.memory_space<vmem>> -> memref<1x80xi32, #tpu.memory_space<vmem>>
    %dma_wait3A_77 = tpu.memref_squeeze %dma_wait3A_76 : memref<1x80xi32, #tpu.memory_space<vmem>> -> memref<80xi32, #tpu.memory_space<vmem>>
    %dma_wait3A_78 = arith.constant 0 : i32
    %dma_wait3A_79 = arith.constant 0 : i32
    %dma_wait3A_80 = tpu.memref_slice %arg21[%dma_wait3A_78, %dma_wait3A_79] : memref<10240x128xf32, #tpu.memory_space<vmem_shared>> -> memref<10240x128xf32, #tpu.memory_space<vmem_shared>>
    tpu.wait_indirect_dma semaphore(%arg28 : memref<!tpu.dma_semaphore, #tpu.memory_space<semaphore_mem>>) src(%arg17 : memref<80x128xf32, #tpu.memory_space<vmem>>) dst(%dma_wait3A_80 : memref<10240x128xf32, #tpu.memory_space<vmem_shared>>)
    %dma_wait3A_81 = arith.constant 0 : i32
    %dma_wait3A_82 = arith.constant 0 : i32
    %dma_wait3A_83 = tpu.memref_slice %arg10[%dma_wait3A_81, %dma_wait3A_82] : memref<3x80xi32, #tpu.memory_space<vmem>> -> memref<1x80xi32, #tpu.memory_space<vmem>>
    %dma_wait3A_84 = tpu.memref_squeeze %dma_wait3A_83 : memref<1x80xi32, #tpu.memory_space<vmem>> -> memref<80xi32, #tpu.memory_space<vmem>>
    %dma_wait3A_85 = arith.constant 0 : i32
    %dma_wait3A_86 = arith.constant 0 : i32
    %dma_wait3A_87 = tpu.memref_slice %arg21[%dma_wait3A_85, %dma_wait3A_86] : memref<10240x128xf32, #tpu.memory_space<vmem_shared>> -> memref<10240x128xf32, #tpu.memory_space<vmem_shared>>
    tpu.wait_indirect_dma semaphore(%arg29 : memref<!tpu.dma_semaphore, #tpu.memory_space<semaphore_mem>>) src(%arg18 : memref<80x128xf32, #tpu.memory_space<vmem>>) dst(%dma_wait3A_87 : memref<10240x128xf32, #tpu.memory_space<vmem_shared>>)
    %barrier3A_88 = arith.constant 0 : index
    tpu.barrier barrier_id(%barrier3A_88)
    %mul3A_89 = arith.constant 640 : i32
    %mul3A_90 = arith.muli %arg1, %mul3A_89 : i32
    %mul3A_91 = arith.constant 640 : i32
    %mul3A_92 = arith.muli %arg1, %mul3A_91 : i32
    "tpu.region"() ({
      %run_scoped3A = tpu.sem_alloc : memref<!tpu.dma_semaphore, #tpu.memory_space<semaphore_mem>>
      %dma_start3A_93 = arith.constant 0 : i32
      %dma_start3A_94 = tpu.memref_slice %arg7[%arg0, %mul3A_92, %dma_start3A_93] : memref<2x10240x128xf32, #tpu.memory_space<hbm>> -> memref<1x640x128xf32, #tpu.memory_space<hbm>>
      %dma_start3A_95 = tpu.memref_squeeze %dma_start3A_94 : memref<1x640x128xf32, #tpu.memory_space<hbm>> -> memref<640x128xf32, #tpu.memory_space<hbm>>
      %dma_start3A_96 = arith.constant 0 : i32
      %dma_start3A_97 = tpu.memref_slice %arg21[%mul3A_90, %dma_start3A_96] : memref<10240x128xf32, #tpu.memory_space<vmem_shared>> -> memref<640x128xf32, #tpu.memory_space<vmem_shared>>
      tpu.enqueue_dma source(%dma_start3A_97 : memref<640x128xf32, #tpu.memory_space<vmem_shared>>) target(%dma_start3A_95 : memref<640x128xf32, #tpu.memory_space<hbm>>) target_semaphore(%run_scoped3A : memref<!tpu.dma_semaphore, #tpu.memory_space<semaphore_mem>>)
      %dma_wait3A_98 = arith.constant 0 : i32
      %dma_wait3A_99 = tpu.memref_slice %arg7[%arg0, %mul3A_92, %dma_wait3A_98] : memref<2x10240x128xf32, #tpu.memory_space<hbm>> -> memref<1x640x128xf32, #tpu.memory_space<hbm>>
      %dma_wait3A_100 = tpu.memref_squeeze %dma_wait3A_99 : memref<1x640x128xf32, #tpu.memory_space<hbm>> -> memref<640x128xf32, #tpu.memory_space<hbm>>
      %dma_wait3A_101 = arith.constant 0 : i32
      %dma_wait3A_102 = tpu.memref_slice %arg21[%mul3A_90, %dma_wait3A_101] : memref<10240x128xf32, #tpu.memory_space<vmem_shared>> -> memref<640x128xf32, #tpu.memory_space<vmem_shared>>
      tpu.wait_dma2 semaphore(%run_scoped3A : memref<!tpu.dma_semaphore, #tpu.memory_space<semaphore_mem>>) src(%dma_wait3A_102 : memref<640x128xf32, #tpu.memory_space<vmem_shared>>) dst(%dma_wait3A_100 : memref<640x128xf32, #tpu.memory_space<hbm>>)
      tpu.yield
    }) : () -> ()
    "tpu.region"() ({
      %run_scoped3A = tpu.sem_alloc : memref<!tpu.dma_semaphore, #tpu.memory_space<semaphore_mem>>
      %dma_start3A_93 = arith.constant 0 : i32
      %dma_start3A_94 = tpu.memref_slice %arg8[%add3A, %dma_start3A_93] : memref<32x10240xf32, #tpu.memory_space<hbm>> -> memref<1x10240xf32, #tpu.memory_space<hbm>>
      %dma_start3A_95 = tpu.memref_squeeze %dma_start3A_94 : memref<1x10240xf32, #tpu.memory_space<hbm>> -> memref<10240xf32, #tpu.memory_space<hbm>>
      %dma_start3A_96 = arith.constant 0 : i32
      %dma_start3A_97 = tpu.memref_slice %arg8[%add3A, %dma_start3A_96] : memref<32x10240xf32, #tpu.memory_space<hbm>> -> memref<1x10240xf32, #tpu.memory_space<hbm>>
      %dma_start3A_98 = tpu.memref_squeeze %dma_start3A_97 : memref<1x10240xf32, #tpu.memory_space<hbm>> -> memref<10240xf32, #tpu.memory_space<hbm>>
      tpu.enqueue_dma source(%arg20 : memref<10240xf32, #tpu.memory_space<vmem>>) target(%dma_start3A_98 : memref<10240xf32, #tpu.memory_space<hbm>>) target_semaphore(%run_scoped3A : memref<!tpu.dma_semaphore, #tpu.memory_space<semaphore_mem>>)
      %dma_wait3A_99 = arith.constant 0 : i32
      %dma_wait3A_100 = tpu.memref_slice %arg8[%add3A, %dma_wait3A_99] : memref<32x10240xf32, #tpu.memory_space<hbm>> -> memref<1x10240xf32, #tpu.memory_space<hbm>>
      %dma_wait3A_101 = tpu.memref_squeeze %dma_wait3A_100 : memref<1x10240xf32, #tpu.memory_space<hbm>> -> memref<10240xf32, #tpu.memory_space<hbm>>
      %dma_wait3A_102 = arith.constant 0 : i32
      %dma_wait3A_103 = tpu.memref_slice %arg8[%add3A, %dma_wait3A_102] : memref<32x10240xf32, #tpu.memory_space<hbm>> -> memref<1x10240xf32, #tpu.memory_space<hbm>>
      %dma_wait3A_104 = tpu.memref_squeeze %dma_wait3A_103 : memref<1x10240xf32, #tpu.memory_space<hbm>> -> memref<10240xf32, #tpu.memory_space<hbm>>
      tpu.wait_dma2 semaphore(%run_scoped3A : memref<!tpu.dma_semaphore, #tpu.memory_space<semaphore_mem>>) src(%arg20 : memref<10240xf32, #tpu.memory_space<vmem>>) dst(%dma_wait3A_104 : memref<10240xf32, #tpu.memory_space<hbm>>)
      tpu.yield
    }) : () -> ()
    return
  }
}

module attributes {stable_mosaic.version = 14 : i64} {
  func.func @_a2_body(%arg0: i32, %arg1: memref<256x128xf32, #tpu.memory_space<vmem>>, %arg2: memref<128x256xf32, #tpu.memory_space<vmem>>, %arg3: memref<128x1xf32, #tpu.memory_space<vmem>>, %arg4: memref<256x128xf32, #tpu.memory_space<vmem>>, %arg5: memref<256x8xf32, #tpu.memory_space<vmem>>, %arg6: memref<256x1xf32, #tpu.memory_space<vmem>>, %arg7: memref<1x1xf32, #tpu.memory_space<smem>>, %arg8: memref<1x1xf32, #tpu.memory_space<smem>>) attributes {dimension_semantics = [#tpu.dimension_semantics<arbitrary>], iteration_bounds = array<i64: 40>, scalar_prefetch = 0 : i64, scratch_operands = 0 : i64, tpu.core_type = #tpu.core_type<tc>, window_params = [{transform_indices = @transform_0, window_bounds = array<i64: 256, 128>}, {pipeline_mode = #tpu.pipeline_mode<synchronous>, transform_indices = @transform_1, window_bounds = array<i64: 128, 256>}, {pipeline_mode = #tpu.pipeline_mode<synchronous>, transform_indices = @transform_2, window_bounds = array<i64: 128, 1>}, {transform_indices = @transform_3, window_bounds = array<i64: 256, 128>}, {transform_indices = @transform_4, window_bounds = array<i64: 256, 8>}, {transform_indices = @transform_5, window_bounds = array<i64: 256, 1>}, {transform_indices = @transform_6, window_bounds = array<i64: 1, 1>}, {transform_indices = @transform_7, window_bounds = array<i64: 1, 1>}]} {
    %get3A = arith.constant 0 : index
    %get3A_0 = arith.constant 0 : index
    %get3A_1 = vector.load %arg1[%get3A, %get3A_0] : memref<256x128xf32, #tpu.memory_space<vmem>>, vector<256x128xf32>
    %get3A_2 = arith.constant 0 : index
    %get3A_3 = arith.constant 0 : index
    %get3A_4 = vector.load %arg2[%get3A_2, %get3A_3] : memref<128x256xf32, #tpu.memory_space<vmem>>, vector<128x256xf32>
    %dot_general3A = arith.constant dense<0.000000e+00> : vector<256x256xf32>
    %dot_general3A_5 = tpu.matmul %get3A_1, %get3A_4, %dot_general3A {dimension_numbers = #tpu.dot_dimension_numbers<[1], [0], [0], [1], [0, 0, 1, 1], [], []>, transpose_lhs_hint = false} : vector<256x128xf32>, vector<128x256xf32>, vector<256x256xf32> -> vector<256x256xf32>
    %slice3A = vector.extract_strided_slice %dot_general3A_5 {offsets = [0, 0], sizes = [256, 128], strides = [1, 1]} : vector<256x256xf32> to vector<256x128xf32>
    %slice3A_6 = vector.extract_strided_slice %dot_general3A_5 {offsets = [0, 128], sizes = [256, 8], strides = [1, 1]} : vector<256x256xf32> to vector<256x8xf32>
    %get3A_7 = arith.constant 0 : index
    %get3A_8 = arith.constant 0 : index
    %get3A_9 = vector.load %arg3[%get3A_7, %get3A_8] : memref<128x1xf32, #tpu.memory_space<vmem>>, vector<128x1xf32>
    %dot_general3A_10 = arith.constant dense<0.000000e+00> : vector<256x1xf32>
    %dot_general3A_11 = tpu.matmul %slice3A, %get3A_9, %dot_general3A_10 {dimension_numbers = #tpu.dot_dimension_numbers<[1], [0], [0], [1], [0, 0, 1, 1], [], []>, transpose_lhs_hint = false} : vector<256x128xf32>, vector<128x1xf32>, vector<256x1xf32> -> vector<256x1xf32>
    %swap3A = arith.constant 0 : index
    %swap3A_12 = arith.constant 0 : index
    %swap3A_13 = vector.load %arg4[%swap3A, %swap3A_12] : memref<256x128xf32, #tpu.memory_space<vmem>>, vector<256x128xf32>
    tpu.vector_store %arg4[%swap3A, %swap3A_12], %slice3A {strides = array<i32>} : memref<256x128xf32, #tpu.memory_space<vmem>>, vector<256x128xf32>,
    %swap3A_14 = arith.constant 0 : index
    %swap3A_15 = arith.constant 0 : index
    %swap3A_16 = vector.load %arg5[%swap3A_14, %swap3A_15] : memref<256x8xf32, #tpu.memory_space<vmem>>, vector<256x8xf32>
    tpu.vector_store %arg5[%swap3A_14, %swap3A_15], %slice3A_6 {strides = array<i32>} : memref<256x8xf32, #tpu.memory_space<vmem>>, vector<256x8xf32>,
    %swap3A_17 = arith.constant 0 : index
    %swap3A_18 = arith.constant 0 : index
    %swap3A_19 = vector.load %arg6[%swap3A_17, %swap3A_18] : memref<256x1xf32, #tpu.memory_space<vmem>>, vector<256x1xf32>
    tpu.vector_store %arg6[%swap3A_17, %swap3A_18], %dot_general3A_11 {strides = array<i32>} : memref<256x1xf32, #tpu.memory_space<vmem>>, vector<256x1xf32>,
    %reduce_max3A = vector.shape_cast %dot_general3A_11 : vector<256x1xf32> to vector<1x256x1xf32>
    %reduce_max3A_20 = arith.constant dense<0xFF800000> : vector<1xf32>
    %reduce_max3A_21 = vector.multi_reduction <maximumf>, %reduce_max3A, %reduce_max3A_20 [1, 2] : vector<1x256x1xf32> to vector<1xf32>
    %reduce_max3A_22 = vector.shape_cast %reduce_max3A_21 : vector<1xf32> to vector<1x1x1xf32>
    %reduce_max3A_23 = vector.extract %reduce_max3A_22[0, 0, 0] : f32 from vector<1x1x1xf32>
    %reduce_max3A_24 = vector.shape_cast %slice3A_6 : vector<256x8xf32> to vector<1x256x8xf32>
    %reduce_max3A_25 = arith.constant dense<0xFF800000> : vector<1xf32>
    %reduce_max3A_26 = vector.multi_reduction <maximumf>, %reduce_max3A_24, %reduce_max3A_25 [1, 2] : vector<1x256x8xf32> to vector<1xf32>
    %reduce_max3A_27 = vector.shape_cast %reduce_max3A_26 : vector<1xf32> to vector<1x1x1xf32>
    %reduce_max3A_28 = vector.extract %reduce_max3A_27[0, 0, 0] : f32 from vector<1x1x1xf32>
    %eq3A = arith.constant 0 : i32
    %eq3A_29 = arith.cmpi eq, %arg0, %eq3A : i32
    %convert_element_type3A = arith.extui %eq3A_29 : i1 to i32
    %cond3A = arith.constant 0 : i32
    %cond3A_30 = arith.cmpi ne, %convert_element_type3A, %cond3A : i32
    scf.if %cond3A_30 {
      %swap3A_35 = arith.constant 0 : index
      %swap3A_36 = arith.constant 0 : index
      %swap3A_37 = memref.load %arg7[%swap3A_35, %swap3A_36] : memref<1x1xf32, #tpu.memory_space<smem>>
      memref.store %reduce_max3A_23, %arg7[%swap3A_35, %swap3A_36] : memref<1x1xf32, #tpu.memory_space<smem>>
      %swap3A_38 = arith.constant 0 : index
      %swap3A_39 = arith.constant 0 : index
      %swap3A_40 = memref.load %arg8[%swap3A_38, %swap3A_39] : memref<1x1xf32, #tpu.memory_space<smem>>
      memref.store %reduce_max3A_28, %arg8[%swap3A_38, %swap3A_39] : memref<1x1xf32, #tpu.memory_space<smem>>
    } else {
    }
    %gt3A = arith.constant 0 : i32
    %gt3A_31 = arith.cmpi sgt, %arg0, %gt3A : i32
    %convert_element_type3A_32 = arith.extui %gt3A_31 : i1 to i32
    %cond3A_33 = arith.constant 0 : i32
    %cond3A_34 = arith.cmpi ne, %convert_element_type3A_32, %cond3A_33 : i32
    scf.if %cond3A_34 {
      %get3A_35 = arith.constant 0 : index
      %get3A_36 = arith.constant 0 : index
      %get3A_37 = memref.load %arg7[%get3A_35, %get3A_36] : memref<1x1xf32, #tpu.memory_space<smem>>
      %max3A = arith.maximumf %get3A_37, %reduce_max3A_23 : f32
      %swap3A_38 = arith.constant 0 : index
      %swap3A_39 = arith.constant 0 : index
      %swap3A_40 = memref.load %arg7[%swap3A_38, %swap3A_39] : memref<1x1xf32, #tpu.memory_space<smem>>
      memref.store %max3A, %arg7[%swap3A_38, %swap3A_39] : memref<1x1xf32, #tpu.memory_space<smem>>
      %get3A_41 = arith.constant 0 : index
      %get3A_42 = arith.constant 0 : index
      %get3A_43 = memref.load %arg8[%get3A_41, %get3A_42] : memref<1x1xf32, #tpu.memory_space<smem>>
      %max3A_44 = arith.maximumf %get3A_43, %reduce_max3A_28 : f32
      %swap3A_45 = arith.constant 0 : index
      %swap3A_46 = arith.constant 0 : index
      %swap3A_47 = memref.load %arg8[%swap3A_45, %swap3A_46] : memref<1x1xf32, #tpu.memory_space<smem>>
      memref.store %max3A_44, %arg8[%swap3A_45, %swap3A_46] : memref<1x1xf32, #tpu.memory_space<smem>>
    } else {
    }
    return
  }
  func.func @transform_0(%arg0: i32) -> (i32, i32) {
    %c0_i32 = arith.constant 0 : i32
    %c0_i32_0 = arith.constant 0 : i32
    return %arg0, %c0_i32 : i32, i32
  }
  func.func @transform_1(%arg0: i32) -> (i32, i32) {
    %c0_i32 = arith.constant 0 : i32
    %c0_i32_0 = arith.constant 0 : i32
    %c0_i32_1 = arith.constant 0 : i32
    return %c0_i32, %c0_i32_0 : i32, i32
  }
  func.func @transform_2(%arg0: i32) -> (i32, i32) {
    %c0_i32 = arith.constant 0 : i32
    %c0_i32_0 = arith.constant 0 : i32
    %c0_i32_1 = arith.constant 0 : i32
    return %c0_i32, %c0_i32_0 : i32, i32
  }
  func.func @transform_3(%arg0: i32) -> (i32, i32) {
    %c0_i32 = arith.constant 0 : i32
    %c0_i32_0 = arith.constant 0 : i32
    return %arg0, %c0_i32 : i32, i32
  }
  func.func @transform_4(%arg0: i32) -> (i32, i32) {
    %c0_i32 = arith.constant 0 : i32
    %c0_i32_0 = arith.constant 0 : i32
    return %arg0, %c0_i32 : i32, i32
  }
  func.func @transform_5(%arg0: i32) -> (i32, i32) {
    %c0_i32 = arith.constant 0 : i32
    %c0_i32_0 = arith.constant 0 : i32
    return %arg0, %c0_i32 : i32, i32
  }
  func.func @transform_6(%arg0: i32) -> (i32, i32) {
    %c0_i32 = arith.constant 0 : i32
    %c0_i32_0 = arith.constant 0 : i32
    %c0_i32_1 = arith.constant 0 : i32
    return %c0_i32, %c0_i32_0 : i32, i32
  }
  func.func @transform_7(%arg0: i32) -> (i32, i32) {
    %c0_i32 = arith.constant 0 : i32
    %c0_i32_0 = arith.constant 0 : i32
    %c0_i32_1 = arith.constant 0 : i32
    return %c0_i32, %c0_i32_0 : i32, i32
  }
}

module attributes {stable_mosaic.version = 14 : i64} {
  func.func @_a1_body(%arg0: i32, %arg1: memref<10240x128xf32, #tpu.memory_space<vmem>>, %arg2: memref<128x128xf32, #tpu.memory_space<vmem>>, %arg3: memref<1x10240x128xf32, #tpu.memory_space<vmem>>) attributes {dimension_semantics = [#tpu.dimension_semantics<arbitrary>], iteration_bounds = array<i64: 8>, scalar_prefetch = 0 : i64, scratch_operands = 0 : i64, tpu.core_type = #tpu.core_type<tc>, window_params = [{pipeline_mode = #tpu.pipeline_mode<synchronous>, transform_indices = @transform_0, window_bounds = array<i64: 10240, 128>}, {transform_indices = @transform_1, window_bounds = array<i64: 128, 128>}, {transform_indices = @transform_2, window_bounds = array<i64: 1, 10240, 128>}]} {
    %get3A = arith.constant 0 : index
    %get3A_0 = arith.constant 0 : index
    %get3A_1 = vector.load %arg1[%get3A, %get3A_0] : memref<10240x128xf32, #tpu.memory_space<vmem>>, vector<10240x128xf32>
    %get3A_2 = arith.constant 0 : index
    %get3A_3 = arith.constant 0 : index
    %get3A_4 = vector.load %arg2[%get3A_2, %get3A_3] : memref<128x128xf32, #tpu.memory_space<vmem>>, vector<128x128xf32>
    %dot_general3A = arith.constant dense<0.000000e+00> : vector<10240x128xf32>
    %dot_general3A_5 = tpu.matmul %get3A_1, %get3A_4, %dot_general3A {dimension_numbers = #tpu.dot_dimension_numbers<[1], [0], [0], [1], [0, 0, 1, 1], [], []>, transpose_lhs_hint = false} : vector<10240x128xf32>, vector<128x128xf32>, vector<10240x128xf32> -> vector<10240x128xf32>
    %broadcast_in_dim3A = vector.shape_cast %dot_general3A_5 : vector<10240x128xf32> to vector<1x10240x128xf32>
    %swap3A = arith.constant 0 : index
    %swap3A_6 = arith.constant 0 : index
    %swap3A_7 = arith.constant 0 : index
    %swap3A_8 = vector.load %arg3[%swap3A, %swap3A_6, %swap3A_7] : memref<1x10240x128xf32, #tpu.memory_space<vmem>>, vector<1x10240x128xf32>
    tpu.vector_store %arg3[%swap3A, %swap3A_6, %swap3A_7], %broadcast_in_dim3A {strides = array<i32>} : memref<1x10240x128xf32, #tpu.memory_space<vmem>>, vector<1x10240x128xf32>,
    return
  }
  func.func @transform_0(%arg0: i32) -> (i32, i32) {
    %c0_i32 = arith.constant 0 : i32
    %c0_i32_0 = arith.constant 0 : i32
    %c0_i32_1 = arith.constant 0 : i32
    return %c0_i32, %c0_i32_0 : i32, i32
  }
  func.func @transform_1(%arg0: i32) -> (i32, i32) {
    %c0_i32 = arith.constant 0 : i32
    %c0_i32_0 = arith.constant 0 : i32
    return %c0_i32, %arg0 : i32, i32
  }
  func.func @transform_2(%arg0: i32) -> (i32, i32, i32) {
    %c0_i32 = arith.constant 0 : i32
    %c0_i32_0 = arith.constant 0 : i32
    %c0_i32_1 = arith.constant 0 : i32
    return %arg0, %c0_i32, %c0_i32_0 : i32, i32, i32
  }
}

module attributes {stable_mosaic.version = 14 : i64} {
  func.func @_c_body(%arg0: i32, %arg1: memref<2x256x128xf32, #tpu.memory_space<vmem>>, %arg2: memref<32x256xf32, #tpu.memory_space<vmem>>, %arg3: memref<256x128xf32, #tpu.memory_space<vmem>>, %arg4: memref<1x128xf32, #tpu.memory_space<vmem>>, %arg5: memref<1x128xf32, #tpu.memory_space<vmem>>, %arg6: memref<1x128xf32, #tpu.memory_space<vmem>>, %arg7: memref<256x128xf32, #tpu.memory_space<vmem>>) attributes {dimension_semantics = [#tpu.dimension_semantics<arbitrary>], iteration_bounds = array<i64: 40>, scalar_prefetch = 0 : i64, scratch_operands = 0 : i64, tpu.core_type = #tpu.core_type<tc>, window_params = [{transform_indices = @transform_0, window_bounds = array<i64: 2, 256, 128>}, {transform_indices = @transform_1, window_bounds = array<i64: 32, 256>}, {transform_indices = @transform_2, window_bounds = array<i64: 256, 128>}, {pipeline_mode = #tpu.pipeline_mode<synchronous>, transform_indices = @transform_3, window_bounds = array<i64: 1, 128>}, {pipeline_mode = #tpu.pipeline_mode<synchronous>, transform_indices = @transform_4, window_bounds = array<i64: 1, 128>}, {pipeline_mode = #tpu.pipeline_mode<synchronous>, transform_indices = @transform_5, window_bounds = array<i64: 1, 128>}, {transform_indices = @transform_6, window_bounds = array<i64: 256, 128>}]} {
    %get3A = arith.constant 0 : index
    %get3A_0 = arith.constant 0 : index
    %get3A_1 = vector.load %arg2[%get3A, %get3A_0] : memref<32x256xf32, #tpu.memory_space<vmem>>, vector<32x256xf32>
    %reduce_sum3A = arith.constant dense<0.000000e+00> : vector<256xf32>
    %reduce_sum3A_2 = vector.multi_reduction <add>, %get3A_1, %reduce_sum3A [0] : vector<32x256xf32> to vector<256xf32>
    %broadcast_in_dim3A = vector.shape_cast %reduce_sum3A_2 : vector<256xf32> to vector<256x1xf32>
    %add3A = arith.constant 1.000000e-16 : f32
    %add3A_3 = vector.broadcast %add3A : f32 to vector<256x1xf32>
    %add3A_4 = arith.addf %broadcast_in_dim3A, %add3A_3 : vector<256x1xf32>
    %get3A_5 = arith.constant 0 : index
    %get3A_6 = arith.constant 0 : index
    %get3A_7 = arith.constant 0 : index
    %get3A_8 = vector.load %arg1[%get3A_5, %get3A_6, %get3A_7] : memref<2x256x128xf32, #tpu.memory_space<vmem>>, vector<1x256x128xf32>
    %get3A_9 = vector.shape_cast %get3A_8 : vector<1x256x128xf32> to vector<256x128xf32>
    %get3A_10 = arith.constant 1 : index
    %get3A_11 = arith.constant 0 : index
    %get3A_12 = arith.constant 0 : index
    %get3A_13 = vector.load %arg1[%get3A_10, %get3A_11, %get3A_12] : memref<2x256x128xf32, #tpu.memory_space<vmem>>, vector<1x256x128xf32>
    %get3A_14 = vector.shape_cast %get3A_13 : vector<1x256x128xf32> to vector<256x128xf32>
    %add3A_15 = arith.addf %get3A_9, %get3A_14 : vector<256x128xf32>
    %div3A = vector.broadcast %add3A_4 : vector<256x1xf32> to vector<256x128xf32>
    %div3A_16 = arith.divf %add3A_15, %div3A : vector<256x128xf32>
    %get3A_17 = arith.constant 0 : index
    %get3A_18 = arith.constant 0 : index
    %get3A_19 = vector.load %arg3[%get3A_17, %get3A_18] : memref<256x128xf32, #tpu.memory_space<vmem>>, vector<256x128xf32>
    %add3A_20 = arith.addf %div3A_16, %get3A_19 : vector<256x128xf32>
    %get3A_21 = arith.constant 0 : index
    %get3A_22 = arith.constant 0 : index
    %get3A_23 = vector.load %arg4[%get3A_21, %get3A_22] : memref<1x128xf32, #tpu.memory_space<vmem>>, vector<1x128xf32>
    %add3A_24 = vector.broadcast %get3A_23 : vector<1x128xf32> to vector<256x128xf32>
    %add3A_25 = arith.addf %add3A_20, %add3A_24 : vector<256x128xf32>
    %reduce_sum3A_26 = arith.constant dense<0.000000e+00> : vector<256xf32>
    %reduce_sum3A_27 = vector.multi_reduction <add>, %add3A_25, %reduce_sum3A_26 [1] : vector<256x128xf32> to vector<256xf32>
    %broadcast_in_dim3A_28 = vector.shape_cast %reduce_sum3A_27 : vector<256xf32> to vector<256x1xf32>
    %div3A_29 = arith.constant 1.280000e+02 : f32
    %div3A_30 = vector.broadcast %div3A_29 : f32 to vector<256x1xf32>
    %div3A_31 = arith.divf %broadcast_in_dim3A_28, %div3A_30 : vector<256x1xf32>
    %sub3A = vector.broadcast %div3A_31 : vector<256x1xf32> to vector<256x128xf32>
    %sub3A_32 = arith.subf %add3A_25, %sub3A : vector<256x128xf32>
    %square3A = arith.mulf %sub3A_32, %sub3A_32 : vector<256x128xf32>
    %reduce_sum3A_33 = arith.constant dense<0.000000e+00> : vector<256xf32>
    %reduce_sum3A_34 = vector.multi_reduction <add>, %square3A, %reduce_sum3A_33 [1] : vector<256x128xf32> to vector<256xf32>
    %broadcast_in_dim3A_35 = vector.shape_cast %reduce_sum3A_34 : vector<256xf32> to vector<256x1xf32>
    %div3A_36 = arith.constant 1.280000e+02 : f32
    %div3A_37 = vector.broadcast %div3A_36 : f32 to vector<256x1xf32>
    %div3A_38 = arith.divf %broadcast_in_dim3A_35, %div3A_37 : vector<256x1xf32>
    %sub3A_39 = vector.broadcast %div3A_31 : vector<256x1xf32> to vector<256x128xf32>
    %sub3A_40 = arith.subf %add3A_25, %sub3A_39 : vector<256x128xf32>
    %add3A_41 = arith.constant 9.99999974E-6 : f32
    %add3A_42 = vector.broadcast %add3A_41 : f32 to vector<256x1xf32>
    %add3A_43 = arith.addf %div3A_38, %add3A_42 : vector<256x1xf32>
    %rsqrt3A = math.rsqrt %add3A_43 : vector<256x1xf32>
    %mul3A = vector.broadcast %rsqrt3A : vector<256x1xf32> to vector<256x128xf32>
    %mul3A_44 = arith.mulf %sub3A_40, %mul3A : vector<256x128xf32>
    %get3A_45 = arith.constant 0 : index
    %get3A_46 = arith.constant 0 : index
    %get3A_47 = vector.load %arg5[%get3A_45, %get3A_46] : memref<1x128xf32, #tpu.memory_space<vmem>>, vector<1x128xf32>
    %mul3A_48 = vector.broadcast %get3A_47 : vector<1x128xf32> to vector<256x128xf32>
    %mul3A_49 = arith.mulf %mul3A_44, %mul3A_48 : vector<256x128xf32>
    %get3A_50 = arith.constant 0 : index
    %get3A_51 = arith.constant 0 : index
    %get3A_52 = vector.load %arg6[%get3A_50, %get3A_51] : memref<1x128xf32, #tpu.memory_space<vmem>>, vector<1x128xf32>
    %add3A_53 = vector.broadcast %get3A_52 : vector<1x128xf32> to vector<256x128xf32>
    %add3A_54 = arith.addf %mul3A_49, %add3A_53 : vector<256x128xf32>
    %tanh3A = math.tanh %add3A_54 : vector<256x128xf32>
    %swap3A = arith.constant 0 : index
    %swap3A_55 = arith.constant 0 : index
    %swap3A_56 = vector.load %arg7[%swap3A, %swap3A_55] : memref<256x128xf32, #tpu.memory_space<vmem>>, vector<256x128xf32>
    tpu.vector_store %arg7[%swap3A, %swap3A_55], %tanh3A {strides = array<i32>} : memref<256x128xf32, #tpu.memory_space<vmem>>, vector<256x128xf32>,
    return
  }
  func.func @transform_0(%arg0: i32) -> (i32, i32, i32) {
    %c0_i32 = arith.constant 0 : i32
    %c0_i32_0 = arith.constant 0 : i32
    %c0_i32_1 = arith.constant 0 : i32
    return %c0_i32, %arg0, %c0_i32_0 : i32, i32, i32
  }
  func.func @transform_1(%arg0: i32) -> (i32, i32) {
    %c0_i32 = arith.constant 0 : i32
    %c0_i32_0 = arith.constant 0 : i32
    return %c0_i32, %arg0 : i32, i32
  }
  func.func @transform_2(%arg0: i32) -> (i32, i32) {
    %c0_i32 = arith.constant 0 : i32
    %c0_i32_0 = arith.constant 0 : i32
    return %arg0, %c0_i32 : i32, i32
  }
  func.func @transform_3(%arg0: i32) -> (i32, i32) {
    %c0_i32 = arith.constant 0 : i32
    %c0_i32_0 = arith.constant 0 : i32
    %c0_i32_1 = arith.constant 0 : i32
    return %c0_i32, %c0_i32_0 : i32, i32
  }
  func.func @transform_4(%arg0: i32) -> (i32, i32) {
    %c0_i32 = arith.constant 0 : i32
    %c0_i32_0 = arith.constant 0 : i32
    %c0_i32_1 = arith.constant 0 : i32
    return %c0_i32, %c0_i32_0 : i32, i32
  }
  func.func @transform_5(%arg0: i32) -> (i32, i32) {
    %c0_i32 = arith.constant 0 : i32
    %c0_i32_0 = arith.constant 0 : i32
    %c0_i32_1 = arith.constant 0 : i32
    return %c0_i32, %c0_i32_0 : i32, i32
  }
  func.func @transform_6(%arg0: i32) -> (i32, i32) {
    %c0_i32 = arith.constant 0 : i32
    %c0_i32_0 = arith.constant 0 : i32
    return %arg0, %c0_i32 : i32, i32
  }
}

</mosaic_0001>

<sc_bundles>
// kernel: kernel.10.cloned.1.call-start
scs
__scs_entry_jumppad:
0x0: {  	(pc) =	sbr.rel $0x88, $3  }
0x1: {  	(tag) =	ssettag $0x0;
	lr =	simm.s32 $0x1  }
0x2: {  	[smem:$0x3F90] =	sst lr;
	_ =	strace $0xD0000000  }
0x3: {  	_ = 	snop  }
0x4: {  	_ = 	snop  }
0x5: {  	_ = 	snop  }
0x6: {  	_ = 	snop  }
0x7: {  	_ = 	snop  }
__scs_overlays_trampoline_lowered:
0x8: {  	[smem:$0x3F9F] =	sst s0  }
0x9: {  	[smem:$0x3FA0] =	sst s1  }
0xa: {  	[smem:$0x3FA1] =	sst s2  }
0xb: {  	[smem:$0x3FA2] =	sst s3  }
0xc: {  	[smem:$0x3FA3] =	sst s4  }
0xd: {  	[smem:$0x3FA4] =	sst s5  }
0xe: {  	[smem:$0x3FA5] =	sst s6  }
0xf: {  	[smem:$0x3FA6] =	sst s7  }
0x10: {  	[smem:$0x3FA7] =	sst s8  }
0x11: {  	[smem:$0x3FA8] =	sst s9;
	s0 =	simm.s32 @!p0 $0x0  }
0x12: {  	s1 =	sld [smem:$0x3F8E];
	s0 =	simm.s32 @p0 $0x1  }
0x13: {  	[smem:$0x3FA9] =	sst s0;
	s0 =	simm.s32 @!p1 $0x0  }
0x14: {  	s2 =	sld [smem:$0x3F8D];
	s0 =	simm.s32 @p1 $0x1  }
0x15: {  	[smem:$0x3FAA] =	sst s0;
	s0 =	simm.s32 @!p2 $0x0  }
0x16: {  	s3 =	sld [smem:$0x3FDB];
	s0 =	simm.s32 @p2 $0x1  }
0x17: {  	s4 =	simm.s32 $0x1BF5;
	[smem:$0x3FAC] =	sst s0  }
0x18: {  	s0 =	sld [smem:$0x3F8F];
	_ =	swait.ge [sflag:s4], $0x0  }
0x19: {  	s7 =	sld [smem:$0x3F90]  }
0x1a: {  	s8 =	sadd.s32 $0xFFFFE003, lr  }
0x1b: {  	s9 =	sadd.s32 $0xFFFFFEF7, lr;
	s5 =	simm.s32 $0xFFFFFFFF;
	p2 =	slt.u32 s8, $0xFFFFF086  }
0x1c: {  	p1 =	slt.u32 s9, $0xF7A;
	s5 =	simm.s32 @!p2 $0x0  }
0x1d: {  	s5 =	simm.s32 @p1 $0x1;
	p0 =	seq.s32 s7, s2  }
0x1e: {  	s7 =	smul.u32 @!p0 $0xF7A, s2;
	p2 =	seq.s32 @!p0 s5, $0x0  }
0x1f: {  	s9 =	smul.u32 $0xF7A, s1;
	s8 =	simm.s32 @!p0 $0x1BF5;
	p2 =	por !p2, p0  }
0x20: {  	[sflag:s8] =	ssyncset.s32 @!p0 $0xFFFFF086;
	s6 =	sadd.s32 @!p0 s3, s7;
	s7 =	simm.s32 @!p0 $0x108  }
0x21: {  	s3 =	sadd.s32 s3, s9;
	s6 =	sadd.s32 @!p0 $0x88, s6;
	s7 =	simm.s32 @p2 $0x1082  }
0x22: {  	[simem:s7], [sflag:s8] =	dma.local @!p0 [hbm:s6], $0xF7A  }
0x23: {  	s9 =	sor.u32 $0xD0000000, s2;
	s6 =	simm.s32 $0x108;
	_ =	swait.ge @!p0 [sflag:s8], $0x0  }
0x24: {  	s3 =	sadd.s32 $0x88, s3;
	s6 =	simm.s32 @!p1 $0x1082;
	[sflag:s4] =	ssyncset.s32 $0xFFFFF086  }
0x25: {  	[simem:s6], [sflag:s4] =	dma.local [hbm:s3], $0xF7A  }
0x26: {  	[smem:$0x3F90] =	sst s1;
	(tag) =	ssettag s2;
	_ =	strace s9  }
0x27: {  	s1 =	sld [smem:$0x3FA0]  }
0x28: {  	s2 =	sld [smem:$0x3FA1]  }
0x29: {  	s4 =	sld [smem:$0x3FA3]  }
0x2a: {  	p0 =	seq.s32 s5, $0x0;
	s5 =	sld [smem:$0x3FA4]  }
0x2b: {  	s6 =	sld [smem:$0x3FA5]  }
0x2c: {  	s7 =	sld [smem:$0x3FA6]  }
0x2d: {  	s3 =	simm.s32 $0x108;
	s8 =	sld [smem:$0x3FA7]  }
0x2e: {  	s3 =	simm.s32 @!p0 $0x1082;
	s9 =	sld [smem:$0x3FA8]  }
0x2f: {  	lr =	sadd.s32 s0, s3;
	s0 =	sld [smem:$0x3F9F]  }
0x30: {  	s3 =	sld [smem:$0x3FA2]  }
0x31: {  	[smem:$0x3FAB] =	sst s10  }
0x32: {  	s10 =	sld [smem:$0x3FA9];
	_ =	sdelay $0x3  }
0x33: {  	p0 =	seq.s32 s10, $0x1;
	s10 =	sld [smem:$0x3FAB];
	_ =	sdelay $0x3  }
0x34: {  	[smem:$0x3FAB] =	sst s10  }
0x35: {  	s10 =	sld [smem:$0x3FAA];
	_ =	sdelay $0x3  }
0x36: {  	p1 =	seq.s32 s10, $0x1;
	s10 =	sld [smem:$0x3FAB];
	_ =	sdelay $0x3  }
0x37: {  	[smem:$0x3FAB] =	sst s10  }
0x38: {  	s10 =	sld [smem:$0x3FAC]  }
0x39: {  	_ = 	snop;
	(pc) =	sbr.ind lr, $3  }
0x3a: {  	_ = 	snop  }
0x3b: {  	_ = 	snop  }
0x3c: {  	p2 =	seq.s32 s10, $0x1;
	s10 =	sld [smem:$0x3FAB]  }
0x3d: {  	_ =	shalt  }
0x3e: {  	_ =	shalt  }
0x3f: {  	_ =	shalt  }
0x40: {  	_ =	shalt  }
0x41: {  	_ =	shalt  }
0x42: {  	_ =	shalt  }
0x43: {  	_ =	shalt  }
0x44: {  	_ =	shalt  }
0x45: {  	_ =	shalt  }
0x46: {  	_ =	shalt  }
0x47: {  	_ =	shalt  }
0x48: {  	_ =	shalt  }
0x49: {  	_ =	shalt  }
0x4a: {  	_ =	shalt  }
0x4b: {  	_ =	shalt  }
0x4c: {  	_ =	shalt  }
0x4d: {  	_ =	shalt  }
0x4e: {  	_ =	shalt  }
0x4f: {  	_ =	shalt  }
0x50: {  	_ =	shalt  }
0x51: {  	_ =	shalt  }
0x52: {  	_ =	shalt  }
0x53: {  	_ =	shalt  }
0x54: {  	_ =	shalt  }
0x55: {  	_ =	shalt  }
0x56: {  	_ =	shalt  }
0x57: {  	_ =	shalt  }
0x58: {  	_ =	shalt  }
0x59: {  	_ =	shalt  }
0x5a: {  	_ =	shalt  }
0x5b: {  	_ =	shalt  }
0x5c: {  	_ =	shalt  }
0x5d: {  	_ =	shalt  }
0x5e: {  	_ =	shalt  }
0x5f: {  	_ =	shalt  }
0x60: {  	_ =	shalt  }
0x61: {  	_ =	shalt  }
0x62: {  	_ =	shalt  }
0x63: {  	_ =	shalt  }
0x64: {  	_ =	shalt  }
0x65: {  	_ =	shalt  }
0x66: {  	_ =	shalt  }
0x67: {  	_ =	shalt  }
0x68: {  	_ =	shalt  }
0x69: {  	_ =	shalt  }
0x6a: {  	_ =	shalt  }
0x6b: {  	_ =	shalt  }
0x6c: {  	_ =	shalt  }
0x6d: {  	_ =	shalt  }
0x6e: {  	_ =	shalt  }
0x6f: {  	_ =	shalt  }
0x70: {  	_ =	shalt  }
0x71: {  	_ =	shalt  }
0x72: {  	_ =	shalt  }
0x73: {  	_ =	shalt  }
0x74: {  	_ =	shalt  }
0x75: {  	_ =	shalt  }
0x76: {  	_ =	shalt  }
0x77: {  	_ =	shalt  }
0x78: {  	_ =	shalt  }
0x79: {  	_ =	shalt  }
0x7a: {  	_ =	shalt  }
0x7b: {  	_ =	shalt  }
0x7c: {  	_ =	shalt  }
0x7d: {  	_ =	shalt  }
0x7e: {  	_ =	shalt  }
0x7f: {  	_ =	shalt  }
0x80: {  	_ =	shalt  }
0x81: {  	_ =	shalt  }
0x82: {  	_ =	shalt  }
0x83: {  	_ =	shalt  }
0x84: {  	_ =	shalt  }
0x85: {  	_ =	shalt  }
0x86: {  	_ =	shalt  }
0x87: {  	_ =	shalt  }
.Lfunc_end0:
.L_simem_size_0:
called_computation_lowered:
.L_overlay_start_0:
0x88: {  	s2 =	sld [smem:$0x3FD9]  }
0x89: {  	s3 =	sld [smem:$0x3FFE];
	_ =	sdelay $0x1  }
0x8a: {  	s1 =	srdreg.scid  }
0x8b: {  	s0 =	sand.u32 $0x1, s1  }
0x8c: {  	s14 =	sshll.u32 s0, $0xA;
	s2 =	sadd.s32 s3, s2  }
0x8d: {  	s2 =	sadd.s32 s2, s14  }
0x8e: {  	[smem:$0x3FB7] =	sst s2  }
0x8f: {  	_ = 	snop  }
0x90: {  	s2 =	sld [smem:$0x3FD0];
	_ =	sdelay $0x2  }
0x91: {  	s15 =	simm.s32 $0xA;
	s4 =	simm.s32 $0x10  }
0x92: {  	[smem:s4], [sflag:s15] =	dma.local [hbm:s2], $0x1  }
0x93: {  	_ =	swait.eq [sflag:s15], $0x1  }
0x94: {  	s16 =	sld [smem:$0x10];
	[sflag:s15] =	ssyncset.done $0x0  }
0x95: {  	s17 =	sld [smem:$0x11];
	[sflag:s15] =	ssyncadd.s32 $0xFFFFFFFF  }
0x96: {  	s18 =	sld [smem:$0x12];
	(tm) =	ssettm $0x1  }
0x97: {  	s5 =	sld [smem:$0x3FFB];
	_ =	sdelay $0x3  }
0x98: {  	_ =	strace s5  }
0x99: {  	s5 =	sld [smem:$0x3FFC];
	_ =	sdelay $0x3  }
0x9a: {  	_ =	strace s5  }
0x9b: {  	s5 =	sld [smem:$0x3FFD];
	_ =	sdelay $0x3  }
0x9c: {  	_ =	strace s5  }
0x9d: {  	_ =	strace $0x8FFFFFFF  }
0x9e: {  	s19 =	sld [smem:$0x3FDB];
	_ =	sdelay $0x1  }
0x9f: {  	s6 =	simm.s32 $_scs_section_size  }
0xa0: {  	s7 =	simm.s32 $_size__tile_overlayer_lowered;
	s8 =	simm.s32 $_tile_overlayer_lowered  }
0xa1: {  	s22 =	simm.s32 $0x1BFF;
	s21 =	sshll.u32 s8, $0x1;
	s5 =	sadd.s32 s6, s19  }
0xa2: {  	s9 =	simm.s32 $0x0;
	s20 =	sshll.u32 s7, $0x1;
	s7 =	sadd.s32 s21, s5  }
0xa3: {  	[timem:s9], [sflag:s22] =	dma.local [hbm:s7], s20  }
0xa4: {  	_ =	swait.ge [sflag:s22], s20  }
0xa5: {  	s6 =	ssub.s32 $0x0, s20;
	[sflag:s22] =	ssyncset.done $0x0  }
0xa6: {  	[sflag:s22] =	ssyncadd.s32 s6;
	_ =	sdelay $0x1  }
0xa7: {  	s23 =	simm.s32 $0x1B8B  }
0xa8: {  	_ =	swait.ge [sflag:s23], $0x1  }
0xa9: {  	[sflag:s23] =	ssyncset.done $0x0  }
0xaa: {  	s25 =	simm.s32 $0x1B8E;
	s24 =	sld [smem:$0x3FFE];
	[sflag:s23] =	ssyncadd.s32 $0xFFFFFFFF  }
0xab: {  	s26 =	simm.s32 $execute0_lowered;
	[smem:$0x3FD2] =	sst s25  }
0xac: {  	s7 =	sshll.u32 s26, $0x1;
	_ =	strace $0x80000046;
	[dreg:$0x1] =	wrdreg $0xFFFFFFFF  }
0xad: {  	s28 =	simm.s32 $_size_execute0_lowered;
	s5 =	sadd.s32 s5, s7;
	[dreg:$0x0] =	wrdreg $0x0  }
0xae: {  	s7 =	sshll.u32 s28, $0x1;
	[dreg:$0x2] =	wrdreg s5  }
0xaf: {  	[dreg:$0x3] =	wrdreg s7  }
0xb0: {  	[dreg:$0x4] =	wrdreg $0xC0  }
0xb1: {  	_ =	task [dreg:s9], $0x5FFFF  }
0xb2: {  	[dreg:$0x1] =	wrdreg $0xFFFFFFFF  }
0xb3: {  	[dreg:$0x0] =	wrdreg $0x60  }
0xb4: {  	[dreg:$0x2] =	wrdreg s24  }
0xb5: {  	[dreg:$0x3] =	wrdreg s16  }
0xb6: {  	[dreg:$0x4] =	wrdreg s18  }
0xb7: {  	[dreg:$0x5] =	wrdreg s17  }
0xb8: {  	[dreg:$0x6] =	wrdreg $0x7F800  }
0xb9: {  	[dreg:$0x7] =	wrdreg $0x9  }
0xba: {  	_ =	task.clear_ibuf [dreg:s9], $0x8FFFF;
	_ =	strace $0x90000046  }
0xbb: {  	s29 =	simm.s32 $0x9;
	_ =	strace $0x80000048  }
0xbc: {  	_ =	swait.ge [sflag:s29], $0x1  }
0xbd: {  	[sflag:s29] =	ssyncadd.s32 $0xFFFFFFFF  }
0xbe: {  	_ =	strace $0x90000048  }
0xbf: {  	_ =	sfence  }
0xc0: {  	s30 =	sld [smem:$0x0];
	_ =	sdelay $0x2  }
0xc1: {  	s31 =	sshll.u32 s1, $0xD;
	s1 =	sshrl.u32 s1, $0x2  }
0xc2: {  	s3 =	sand.u32 $0x4000, s31;
	s1 =	sadd.s32 s1, s30  }
0xc3: {  	s0 =	sor.u32 s3, s0;
	s1 =	sshll.u32 s1, $0x11  }
0xc4: {  	s0 =	sor.u32 s1, s0  }
0xc5: {  	s0 =	sadd.s32 $0x8F2B, s0  }
0xc6: {  	[sflag:s0] =	ssyncadd.remote.s32 $0x1  }
0xc7: {  	_ =	sfence.sel $0xFFFF  }
0xc8: {  	[dreg:$0x0] =	wrdreg $0xFFFFFFFF;
	(pc) =	sbr.abs _section_cstart, $3  }
0xc9: {  	[dreg:$0x1] =	wrdreg $0xFFFFFFFF  }
0xca: {  	_ =	task.clear_ibuf [dreg:s9], $0x2FFFF;
	_ =	strace $0x9FFFFFFF  }
0xcb: {  	(tm) =	ssettm $0x7FFFFFFF  }
tec
execute0_lowered:
.L_overlay_start_1:
0x0: {  	(tag) =	ssettag $0x1  }
0x1: {  	s0 =	rddreg [dreg:$0x0]  }
0x2: {  	s1 =	rddreg [dreg:$0x1]  }
0x3: {  	s5 =	rddreg [dreg:$0x2]  }
0x4: {  	s2 =	rddreg [dreg:$0x3]  }
0x5: {  	s3 =	rddreg [dreg:$0x4]  }
0x6: {  	s6 =	simm.s32 $0x0;
	s4 =	srdreg.scid;
	s15 =	stileid.u32  }
0x7: {  	s8 =	simm.s32 $0x68;
	s28 =	simm.s32 $0x9;
	s30 =	simm.s32 $0x50  }
0x8: {  	s29 =	simm.s32 $0x1;
	[smem:$0x7FF] =	sst s6;
	s4 =	sand.u32 $0x1, s4  }
0x9: {  	s6 =	sadd.s32 $0x3200, s0;
	s10 =	smul.u32 $0x14000, s15;
	s7 =	sadd.s32 $0x143200, s0  }
0xa: {  	s11 =	sadd.s32 $0x143800, s0;
	s26 =	sshrl.u32 s15, $0x2;
	s17 =	smul.u32 $0x50000, s15  }
0xb: {  	s31 =	sshll.u32 s15, $0x8;
	s9 =	smul.u32 $0x140000, s4;
	_ =	strace $0x80000047  }
0xc: {  	p0 =	seq.s32 s4, $0x0;
	[dreg:$0x6] =	wrdreg s11;
	s22 =	ssub.s32 $0x0, s4  }
0xd: {  	s23 =	ssub.s32 $0x2, s4;
	s14 =	smul.u32 $0x14000, s26;
	s4 =	sshll.u32 s4, $0x7  }
0xe: {  	s16 =	sand.u32 $0x300, s31;
	s8 =	simm.s32 @!p0 $0x18;
	s13 =	sshrl.u32 s23, $0x1  }
0xf: {  	s4 =	sor.u32 s4, s16;
	s18 =	sshrl.u32 s17, $0x2;
	s16 =	simm.s32 $0x2  }
0x10: {  	s17 =	simm.s32 $0x4;
	s9 =	sadd.s32 s10, s9;
	s12 =	smul.u32 s15, s8  }
0x11: {  	s10 =	sand.u32 $0x680, s22;
	s24 =	ssub.s32 s23, s13;
	s13 =	sadd.s32 $0x40, s5  }
0x12: {  	s4 =	sor.u32 s14, s4;
	s15 =	sadd.s32 s18, s3;
	s14 =	simm.s32 $0x600  }
0x13: {  	s18 =	simm.s32 $0x6;
	s20 =	smax.u32 s24, $0x1;
	[dreg:$0x9] =	wrdreg s15  }
0x14: {  	s9 =	sshrl.u32 s9, $0x3;
	s21 =	sadd.s32 $0x2800, s15;
	[dreg:$0xb] =	wrdreg s20  }
0x15: {  	s4 =	sshrl.u32 s4, $0x3;
	s22 =	sadd.s32 $0x5000, s15;
	[dreg:$0xc] =	wrdreg s21  }
0x16: {  	s23 =	sadd.s32 $0x7800, s15;
	s24 =	sadd.s32 $0xA000, s15;
	[dreg:$0xd] =	wrdreg s22  }
0x17: {  	s26 =	sadd.s32 $0xF000, s15;
	s31 =	sadd.s32 $0x11800, s15;
	[dreg:$0xe] =	wrdreg s23  }
0x18: {  	s0 =	sadd.s32 s9, s0;
	s10 =	sadd.s32 s10, s12;
	[dreg:$0xf] =	wrdreg s24  }
0x19: {  	s12 =	sshrl.u32 s8, $0x1;
	s19 =	sadd.s32 s2, s4;
	[dreg:$0x11] =	wrdreg s26  }
0x1a: {  	[dreg:$0x12] =	wrdreg s31;
	s26 =	simm.s32 $0x700;
	s22 =	simm.s32 $0x80  }
0x1b: {  	s4 =	simm.s32 $0x3;
	s9 =	simm.s32 $0x5780;
	s20 =	simm.s32 $0x200  }
0x1c: {  	s21 =	simm.s32 $0x2F00;
	s2 =	simm.s32 $0x0;
	s23 =	simm.s32 $0x0  }
0x1d: {  	s25 =	sshll.u32 s10, $0x6;
	s0 =	sadd.s32 $0x143A00, s0;
	[dreg:$0xa] =	wrdreg s19  }
0x1e: {  	s19 =	simm.s32 $0x680;
	s11 =	sadd.s32 s5, s25;
	[dreg:$0x8] =	wrdreg s0  }
0x1f: {  	s25 =	sadd.s32 $0xC800, s15;
	s5 =	simm.s32 $0x400;
	[dreg:$0x7] =	wrdreg s11  }
0x20: {  	v0 =	vimm.f32 $0.0e+00;
	[dreg:$0x10] =	wrdreg s25;
	s25 =	sadd.s32 $0xFFFFFFFE, s8;
	s11 =	simm.s32 $0x5  }
.LBB2_1:
0x21: {  	[dreg:$0x13] =	wrdreg s2;
	s0 =	simm.s32 $0x0;
	s2 =	simm.s32 $0x200  }
.LBB2_2:
0x22: {  	p0 =	sne.s32 s2, $0x9E00;
	[tilespmem:s0+$0x770] =	vst v0  }
0x23: {  	[tilespmem:s0+$0x700] =	vst v0  }
0x24: {  	[tilespmem:s0+$0x710] =	vst v0  }
.Ltmp0:
0x25: {  	[tilespmem:s0+$0x720] =	vst v0;
	(pc) =	sbr.rel @p0 .LBB2_2-.Ltmp0, $4  }
0x26: {  	[tilespmem:s0+$0x730] =	vst v0  }
0x27: {  	[tilespmem:s0+$0x740] =	vst v0  }
0x28: {  	[tilespmem:s0+$0x750] =	vst v0  }
0x29: {  	[tilespmem:s0+$0x760] =	vst v0;
	s0 =	sshra.s32 s2, $0x2;
	s2 =	sadd.s32 $0x200, s2  }
0x2a: {  	[tilespmem:s0+$0x770] =	vst v0  }
0x2b: {  	[tilespmem:s0+$0x700] =	vst v0  }
0x2c: {  	[tilespmem:s0+$0x710] =	vst v0  }
0x2d: {  	[tilespmem:s0+$0x720] =	vst v0  }
0x2e: {  	[tilespmem:s0+$0x730] =	vst v0  }
0x2f: {  	[tilespmem:s0+$0x740] =	vst v0  }
0x30: {  	[tilespmem:s0+$0x750] =	vst v0  }
0x31: {  	[tilespmem:s0+$0x760] =	vst v0  }
0x32: {  	[spmem:s15] =	stream.linear.scatter [tilespmem:s26], [sflag:$0x9], $0x2800, $0x38;
	[tilespmem:$0x1BF80] =	vst v63  }
0x33: {  	_ =	swait.ge [sflag:s28], $0x2800  }
0x34: {  	[sflag:s28] =	ssyncset.done $0x0  }
0x35: {  	s15 =	rddreg [dreg:$0xc];
	[sflag:s28] =	ssyncadd.s32 $0xFFFFD800  }
0x36: {  	[spmem:s15] =	stream.linear.scatter [tilespmem:s26], [sflag:$0x9], $0x2800, $0x38;
	[tilespmem:$0x1BF80] =	vst v63  }
0x37: {  	_ =	swait.ge [sflag:s28], $0x2800  }
0x38: {  	[sflag:s28] =	ssyncset.done $0x0  }
0x39: {  	s24 =	rddreg [dreg:$0xd];
	[sflag:s28] =	ssyncadd.s32 $0xFFFFD800  }
0x3a: {  	[spmem:s24] =	stream.linear.scatter [tilespmem:s26], [sflag:$0x9], $0x2800, $0x38;
	[tilespmem:$0x1BF80] =	vst v63  }
0x3b: {  	_ =	swait.ge [sflag:s28], $0x2800  }
0x3c: {  	[sflag:s28] =	ssyncset.done $0x0  }
0x3d: {  	s31 =	rddreg [dreg:$0xe];
	[sflag:s28] =	ssyncadd.s32 $0xFFFFD800  }
0x3e: {  	[spmem:s31] =	stream.linear.scatter [tilespmem:s26], [sflag:$0x9], $0x2800, $0x38;
	[tilespmem:$0x1BF80] =	vst v63  }
0x3f: {  	_ =	swait.ge [sflag:s28], $0x2800  }
0x40: {  	[sflag:s28] =	ssyncset.done $0x0  }
0x41: {  	s2 =	rddreg [dreg:$0xf];
	[sflag:s28] =	ssyncadd.s32 $0xFFFFD800  }
0x42: {  	[spmem:s2] =	stream.linear.scatter [tilespmem:s26], [sflag:$0x9], $0x2800, $0x38;
	[tilespmem:$0x1BF80] =	vst v63  }
0x43: {  	_ =	swait.ge [sflag:s28], $0x2800  }
0x44: {  	[sflag:s28] =	ssyncset.done $0x0  }
0x45: {  	s15 =	rddreg [dreg:$0x10];
	[sflag:s28] =	ssyncadd.s32 $0xFFFFD800  }
0x46: {  	[spmem:s15] =	stream.linear.scatter [tilespmem:s26], [sflag:$0x9], $0x2800, $0x38;
	[tilespmem:$0x1BF80] =	vst v63  }
0x47: {  	_ =	swait.ge [sflag:s28], $0x2800  }
0x48: {  	[sflag:s28] =	ssyncset.done $0x0  }
0x49: {  	s24 =	rddreg [dreg:$0x11];
	[sflag:s28] =	ssyncadd.s32 $0xFFFFD800  }
0x4a: {  	[spmem:s24] =	stream.linear.scatter [tilespmem:s26], [sflag:$0x9], $0x2800, $0x38;
	[tilespmem:$0x1BF80] =	vst v63  }
0x4b: {  	_ =	swait.ge [sflag:s28], $0x2800  }
0x4c: {  	[sflag:s28] =	ssyncset.done $0x0  }
0x4d: {  	s31 =	rddreg [dreg:$0x12];
	[sflag:s28] =	ssyncadd.s32 $0xFFFFD800  }
0x4e: {  	[spmem:s31] =	stream.linear.scatter [tilespmem:s26], [sflag:$0x9], $0x2800, $0x38;
	[tilespmem:$0x1BF80] =	vst v63  }
0x4f: {  	_ =	swait.ge [sflag:s28], $0x2800  }
0x50: {  	[sflag:s28] =	ssyncset.done $0x0  }
0x51: {  	s0 =	simm.s32 $0x40;
	s2 =	simm.s32 $0x0;
	[sflag:s28] =	ssyncadd.s32 $0xFFFFD800  }
.LBB2_4:
0x52: {  	p0 =	sne.s32 s0, $0x9FC0;
	[tilespmem:s2+$0x5780] =	vst v0;
	s2 =	smov.u32 s0;
	s0 =	sadd.s32 $0x40, s0  }
.Ltmp1:
0x53: {  	(pc) =	sbr.rel @p0 .LBB2_4-.Ltmp1, $2  }
0x54: {  	_ =	sdelay $0x2  }
0x55: {  	s2 =	sshra.s32 s2, $0x2  }
0x56: {  	[tilespmem:s2+$0x5780] =	vst v0;
	s0 =	rddreg [dreg:$0x6];
	s31 =	simm.s32 $0x5700  }
0x57: {  	[tilespmem:s31], [sflag:$0x9] =	stream.linear.gather [hbm4b:s0+s23], $0x80, $0x38;
	[tilespmem:$0x1BF80] =	vst v63  }
0x58: {  	_ =	swait.ge [sflag:s28], $0x80  }
0x59: {  	[sflag:s28] =	ssyncset.done $0x0  }
0x5a: {  	[sflag:s28] =	ssyncadd.s32 $0xFFFFFF80  }
0x5b: {  	v1 =	vld [tilespmem:$0x5700];
	[bflag:$0x0] =	sbarrier.arrive $0xFFFF  }
0x5c: {  	s15 =	rddreg [dreg:$0x7]  }
0x5d: {  	[tilespmem:s23], [sflag:$0x9] =	stream.linear.gather [hbm4b:s15+s23], $0x180, $0x38;
	[tilespmem:$0x1BF80] =	vst v63  }
0x5e: {  	_ =	swait.ge [sflag:s28], $0x180  }
0x5f: {  	[sflag:s28] =	ssyncset.done $0x0  }
0x60: {  	[sflag:s28] =	ssyncadd.s32 $0xFFFFFE80  }
0x61: {  	[tilespmem:s5], [sflag:$0x1] =	stream.indirect.gather [hbm4b:s7+s30], $0x1, s23, s30, $0xb8;
	[tilespmem:$0x1BF80] =	vst v63  }
0x62: {  	s24 =	simm.s32 $0x500  }
0x63: {  	[tilespmem:s24], [sflag:$0x3] =	stream.indirect.gather [hbm4b:s1+s30], $0x1, s22, s30, $0xb8;
	[tilespmem:$0x1BF80] =	vst v63  }
0x64: {  	s31 =	simm.s32 $0x100;
	s24 =	simm.s32 $0x0  }
0x65: {  	[tilespmem:s26], [sflag:$0x5] =	stream.indirect.gather [hbm4b:s6+s30], $0x80, s31, s30, $0xb8;
	[tilespmem:$0x1BF80] =	vst v63  }
.LBB2_6:
0x66: {  	s31 =	sshllo.u32 s24, $0x1  }
0x67: {  	s22 =	sshll.u32 s24, $0x1;
	p0 =	sge.u32 s31, s8  }
0x68: {  	s0 =	sadd.s32 @!p0 s10, s22  }
0x69: {  	s0 =	sshll.u32 @!p0 s0, $0x6  }
0x6a: {  	s0 =	sand.u32 @!p0 $0x1FFFFF80, s0  }
0x6b: {  	s2 =	simm.s32 @!p0 $0x0;
	s15 =	simm.s32 @!p0 $0x200;
	s0 =	sadd.s32 @!p0 s0, s13  }
0x6c: {  	[tilespmem:s15], [sflag:$0x9] =	stream.linear.gather @!p0 [hbm4b:s0+s2], $0x180, $0x38;
	[tilespmem:$0x1BF80] =	vst v63  }
0x6d: {  	s0 =	simm.s32 @!p0 $0x9  }
0x6e: {  	p1 =	seq.s32 @!p0 s24, $0x0;
	_ =	swait.ge @!p0 [sflag:s0], $0x180  }
0x6f: {  	p1 =	por p1, p0;
	[sflag:s0] =	ssyncset.done @!p0 $0x0  }
0x70: {  	[sflag:s0] =	ssyncadd.s32 @!p0 $0xFFFFFE80;
	s0 =	simm.s32 @!p1 $0x8  }
0x71: {  	_ =	swait.ge @!p1 [sflag:s0], $0x2800  }
0x72: {  	[sflag:s0] =	ssyncset.done @!p1 $0x0  }
0x73: {  	s2 =	simm.s32 @!p0 $0x480;
	[sflag:s0] =	ssyncadd.s32 @!p1 $0xFFFFD800;
	s0 =	simm.s32 @!p0 $0x50  }
0x74: {  	[tilespmem:s2], [sflag:$0x2] =	stream.indirect.gather @!p0 [hbm4b:s7+s0], $0x1, s15, s0, $0xb8;
	[tilespmem:$0x1BF80] =	vst v63  }
0x75: {  	s2 =	simm.s32 @!p0 $0x280;
	s15 =	simm.s32 @!p0 $0x580  }
0x76: {  	[tilespmem:s15], [sflag:$0x4] =	stream.indirect.gather @!p0 [hbm4b:s1+s0], $0x1, s2, s0, $0xb8;
	[tilespmem:$0x1BF80] =	vst v63  }
0x77: {  	s2 =	simm.s32 @!p0 $0x300;
	s15 =	simm.s32 @!p0 $0x2F00  }
0x78: {  	[tilespmem:s15], [sflag:$0x6] =	stream.indirect.gather @!p0 [hbm4b:s6+s0], $0x80, s2, s0, $0xb8;
	[tilespmem:$0x1BF80] =	vst v63  }
0x79: {  	_ =	swait.ge [sflag:s29], $0x50  }
0x7a: {  	[sflag:s29] =	ssyncset.done $0x0  }
0x7b: {  	[sflag:s29] =	ssyncadd.s32 $0xFFFFFFB0  }
0x7c: {  	_ =	swait.ge [sflag:s4], $0x50  }
0x7d: {  	[sflag:s4] =	ssyncset.done $0x0  }
0x7e: {  	[sflag:s4] =	ssyncadd.s32 $0xFFFFFFB0  }
0x7f: {  	v2 =	vld [tilespmem:$0x400]  }
0x80: {  	v3 =	vld [tilespmem:$0x500];
	_ =	sdelay $0x4  }
0x81: {  	v2 =	vadd.f32 v3, v2;
	_ =	sdelay $0x1  }
0x82: {  	v3 =	vmul.f32 $2.000000030e-01, v2  }
0x83: {  	vm0 =	vge.f32 v2, $0.0e+00  }
0x84: {  	v2 =	vsel vm0, v2, v3  }
0x85: {  	v2 =	vsub.f32 v2, v1;
	_ =	sdelay $0x1  }
0x86: {  	v2 =	vmul.f32 $1.442695020e+00, v2;
	_ =	sdelay $0x1  }
0x87: {  	(erf) = vpow2.f32 v2;
	_ =	sdelay $0x2  }
0x88: {  	v2 =	vld [tilespmem:$0x0];
	_ =	sdelay $0x5  }
0x89: {  	v3 =	vpop (erf)  }
0x8a: {  	[tilespmem:$0x600] =	vst v3  }
0x8b: {  	[tilespmem:v2+s9+$0x0] =	vst.idx.add.f32.msk $0xffff, v3  }
0x8c: {  	v2 =	vld [tilespmem:$0x410]  }
0x8d: {  	v3 =	vld [tilespmem:$0x510];
	_ =	sdelay $0x4  }
0x8e: {  	v2 =	vadd.f32 v3, v2;
	_ =	sdelay $0x1  }
0x8f: {  	v3 =	vmul.f32 $2.000000030e-01, v2  }
0x90: {  	vm12 =	vge.f32 v2, $0.0e+00  }
0x91: {  	v2 =	vsel vm12, v2, v3  }
0x92: {  	v2 =	vsub.f32 v2, v1;
	_ =	sdelay $0x1  }
0x93: {  	v2 =	vmul.f32 $1.442695020e+00, v2;
	_ =	sdelay $0x1  }
0x94: {  	(erf) = vpow2.f32 v2;
	_ =	sdelay $0x2  }
0x95: {  	v2 =	vld [tilespmem:$0x10];
	_ =	sdelay $0x5  }
0x96: {  	v3 =	vpop (erf)  }
0x97: {  	[tilespmem:$0x610] =	vst v3  }
0x98: {  	[tilespmem:v2+s9+$0x0] =	vst.idx.add.f32.msk $0xffff, v3  }
0x99: {  	v2 =	vld [tilespmem:$0x420]  }
0x9a: {  	v3 =	vld [tilespmem:$0x520];
	_ =	sdelay $0x4  }
0x9b: {  	v2 =	vadd.f32 v3, v2;
	_ =	sdelay $0x1  }
0x9c: {  	v3 =	vmul.f32 $2.000000030e-01, v2  }
0x9d: {  	vm13 =	vge.f32 v2, $0.0e+00  }
0x9e: {  	v2 =	vsel vm13, v2, v3  }
0x9f: {  	v2 =	vsub.f32 v2, v1;
	_ =	sdelay $0x1  }
0xa0: {  	v2 =	vmul.f32 $1.442695020e+00, v2;
	_ =	sdelay $0x1  }
0xa1: {  	(erf) = vpow2.f32 v2;
	_ =	sdelay $0x2  }
0xa2: {  	v2 =	vld [tilespmem:$0x20];
	_ =	sdelay $0x5  }
0xa3: {  	v3 =	vpop (erf)  }
0xa4: {  	[tilespmem:$0x620] =	vst v3  }
0xa5: {  	[tilespmem:v2+s9+$0x0] =	vst.idx.add.f32.msk $0xffff, v3  }
0xa6: {  	v2 =	vld [tilespmem:$0x430]  }
0xa7: {  	v3 =	vld [tilespmem:$0x530];
	_ =	sdelay $0x4  }
0xa8: {  	v2 =	vadd.f32 v3, v2;
	_ =	sdelay $0x1  }
0xa9: {  	v3 =	vmul.f32 $2.000000030e-01, v2  }
0xaa: {  	vm14 =	vge.f32 v2, $0.0e+00  }
0xab: {  	v2 =	vsel vm14, v2, v3  }
0xac: {  	v2 =	vsub.f32 v2, v1;
	_ =	sdelay $0x1  }
0xad: {  	v2 =	vmul.f32 $1.442695020e+00, v2;
	_ =	sdelay $0x1  }
0xae: {  	(erf) = vpow2.f32 v2;
	_ =	sdelay $0x2  }
0xaf: {  	v2 =	vld [tilespmem:$0x30];
	_ =	sdelay $0x5  }
0xb0: {  	v3 =	vpop (erf)  }
0xb1: {  	[tilespmem:$0x630] =	vst v3  }
0xb2: {  	[tilespmem:v2+s9+$0x0] =	vst.idx.add.f32.msk $0xffff, v3  }
0xb3: {  	v2 =	vld [tilespmem:$0x440]  }
0xb4: {  	v3 =	vld [tilespmem:$0x540];
	_ =	sdelay $0x4  }
0xb5: {  	v2 =	vadd.f32 v3, v2;
	_ =	sdelay $0x1  }
0xb6: {  	v3 =	vmul.f32 $2.000000030e-01, v2  }
0xb7: {  	vm15 =	vge.f32 v2, $0.0e+00  }
0xb8: {  	v2 =	vsel vm15, v2, v3  }
0xb9: {  	v2 =	vsub.f32 v2, v1;
	_ =	sdelay $0x1  }
0xba: {  	v2 =	vmul.f32 $1.442695020e+00, v2;
	_ =	sdelay $0x1  }
0xbb: {  	(erf) = vpow2.f32 v2;
	_ =	sdelay $0x2  }
0xbc: {  	v2 =	vld [tilespmem:$0x40];
	_ =	sdelay $0x5  }
0xbd: {  	v3 =	vpop (erf)  }
0xbe: {  	[tilespmem:$0x640] =	vst v3  }
0xbf: {  	[tilespmem:v2+s9+$0x0] =	vst.idx.add.f32.msk $0xffff, v3  }
0xc0: {  	_ =	swait.ge [sflag:s11], $0x2800  }
0xc1: {  	v2 =	vmov s23;
	[sflag:s11] =	ssyncset.done $0x0  }
0xc2: {  	s15 =	simm.s32 $0x740;
	[sflag:s11] =	ssyncadd.s32 $0xFFFFD800  }
0xc3: {  	v6 =	vld [tilespmem:s15+$0x30]  }
0xc4: {  	v9 =	vld [tilespmem:s15+$0x10]  }
0xc5: {  	v7 =	vld [tilespmem:s15+$0xFFFFFFC0]  }
0xc6: {  	v3 =	vld.idx.msk [tilespmem:v2+s14+$0x0], $0xffff  }
0xc7: {  	v11 =	vld [tilespmem:s15+$0xFFFFFFE0]  }
0xc8: {  	v4 =	vld [tilespmem:s15+$0x20]  }
0xc9: {  	v5 =	vld [tilespmem:s15+$0xFFFFFFD0]  }
0xca: {  	v2 =	vld [tilespmem:s15+$0xFFFFFFF0]  }
0xcb: {  	v10 =	vmul.f32 v6, v3;
	v6 =	vld [tilespmem:s15+$0x0]  }
0xcc: {  	v8 =	vmul.f32 v7, v3  }
0xcd: {  	s0 =	simm.s32 $0x1;
	s2 =	simm.s32 $0x740;
	v7 =	vmul.f32 v11, v3;
	v9 =	vmul.f32 v9, v3  }
.LBB2_7:
0xce: {  	p0 =	sne.s32 s0, $0x4F  }
0xcf: {  	v5 =	vmul.f32 v5, v3;
	v4 =	vmul.f32 v4, v3;
	[tilespmem:s15+$0x30] =	vst v10;
	s2 =	sadd.s32 $0x80, s2;
	s5 =	smov.u32 s0;
	s0 =	sadd.s32 $0x1, s0  }
0xd0: {  	[tilespmem:s15+$0xFFFFFFC0] =	vst v8;
	v8 =	vmul.f32 v2, v3;
	v3 =	vmul.f32 v6, v3  }
0xd1: {  	[tilespmem:s15+$0x10] =	vst v9  }
0xd2: {  	v6 =	vmov s5;
	[tilespmem:s15+$0xFFFFFFE0] =	vst v7  }
0xd3: {  	v2 =	vld [tilespmem:s2+$0xFFFFFFF0];
	[tilespmem:s15+$0xFFFFFFF0] =	vst v8  }
0xd4: {  	v7 =	vld [tilespmem:s2+$0x30];
	[tilespmem:s15+$0x0] =	vst v3  }
0xd5: {  	v9 =	vld [tilespmem:s2+$0x10];
	[tilespmem:s15+$0x20] =	vst v4  }
0xd6: {  	v8 =	vld [tilespmem:s2+$0xFFFFFFC0];
	[tilespmem:s15+$0xFFFFFFD0] =	vst v5;
	s15 =	smov.u32 s2  }
0xd7: {  	v3 =	vld.idx.msk [tilespmem:v6+s14+$0x0], $0xffff  }
0xd8: {  	v11 =	vld [tilespmem:s2+$0xFFFFFFE0]  }
0xd9: {  	v4 =	vld [tilespmem:s2+$0x20]  }
.Ltmp2:
0xda: {  	v5 =	vld [tilespmem:s2+$0xFFFFFFD0];
	(pc) =	sbr.rel @p0 .LBB2_7-.Ltmp2, $3  }
0xdb: {  	v6 =	vld [tilespmem:s2+$0x0];
	_ =	sdelay $0x1  }
0xdc: {  	v8 =	vmul.f32 v8, v3;
	v10 =	vmul.f32 v7, v3  }
0xdd: {  	v9 =	vmul.f32 v9, v3;
	v7 =	vmul.f32 v11, v3  }
0xde: {  	[tilespmem:s15+$0x30] =	vst v10  }
0xdf: {  	[tilespmem:s15+$0xFFFFFFC0] =	vst v8  }
0xe0: {  	v2 =	vmul.f32 v2, v3;
	[tilespmem:s15+$0x10] =	vst v9  }
0xe1: {  	v4 =	vmul.f32 v4, v3;
	[tilespmem:s15+$0xFFFFFFE0] =	vst v7  }
0xe2: {  	v6 =	vmul.f32 v6, v3;
	[tilespmem:s15+$0xFFFFFFF0] =	vst v2  }
0xe3: {  	v2 =	vmul.f32 v5, v3;
	[tilespmem:s15+$0x20] =	vst v4  }
0xe4: {  	[tilespmem:s15+$0x0] =	vst v6  }
0xe5: {  	s0 =	simm.s32 $0x0;
	p0 =	sge.u32 s22, s25;
	[tilespmem:s15+$0xFFFFFFD0] =	vst v2  }
0xe6: {  	[spmem:s3] =	stream.indirect.scatter.add.f32 [tilespmem:s26], [sflag:$0x7], $0x80, s0, s30, $0xb8;
	[tilespmem:$0x1BF80] =	vst v63  }
0xe7: {  	s0 =	sadd.s32 @!p0 s10, s31  }
0xe8: {  	s0 =	sshll.u32 @!p0 s0, $0x6  }
0xe9: {  	s2 =	rddreg [dreg:$0x2];
	s0 =	sand.u32 @!p0 $0x1FFFFFC0, s0  }
0xea: {  	s0 =	sadd.s32 @!p0 s2, s0  }
0xeb: {  	s2 =	simm.s32 @!p0 $0x0;
	s0 =	sadd.s32 @!p0 $0x40, s0  }
0xec: {  	[tilespmem:s2], [sflag:$0x9] =	stream.linear.gather @!p0 [hbm4b:s0+s2], $0x180, $0x38;
	[tilespmem:$0x1BF80] =	vst v63  }
0xed: {  	s0 =	simm.s32 @!p0 $0x9  }
0xee: {  	_ =	swait.ge @!p0 [sflag:s0], $0x180  }
0xef: {  	[sflag:s0] =	ssyncset.done @!p0 $0x0  }
0xf0: {  	[sflag:s0] =	ssyncadd.s32 @!p0 $0xFFFFFE80;
	s0 =	simm.s32 @!p0 $0x7  }
0xf1: {  	_ =	swait.ge @!p0 [sflag:s0], $0x2800  }
0xf2: {  	[sflag:s0] =	ssyncset.done @!p0 $0x0  }
0xf3: {  	s5 =	simm.s32 @!p0 $0x400;
	[sflag:s0] =	ssyncadd.s32 @!p0 $0xFFFFD800;
	s0 =	simm.s32 @!p0 $0x50  }
0xf4: {  	[tilespmem:s5], [sflag:$0x1] =	stream.indirect.gather @!p0 [hbm4b:s7+s0], $0x1, s2, s0, $0xb8;
	[tilespmem:$0x1BF80] =	vst v63  }
0xf5: {  	s2 =	simm.s32 @!p0 $0x80;
	s5 =	simm.s32 @!p0 $0x500  }
0xf6: {  	[tilespmem:s5], [sflag:$0x3] =	stream.indirect.gather @!p0 [hbm4b:s1+s0], $0x1, s2, s0, $0xb8;
	[tilespmem:$0x1BF80] =	vst v63  }
0xf7: {  	s2 =	simm.s32 @!p0 $0x100;
	s5 =	simm.s32 @!p0 $0x700  }
0xf8: {  	[tilespmem:s5], [sflag:$0x5] =	stream.indirect.gather @!p0 [hbm4b:s6+s0], $0x80, s2, s0, $0xb8;
	[tilespmem:$0x1BF80] =	vst v63  }
0xf9: {  	_ =	swait.ge [sflag:s16], $0x50  }
0xfa: {  	[sflag:s16] =	ssyncset.done $0x0  }
0xfb: {  	[sflag:s16] =	ssyncadd.s32 $0xFFFFFFB0  }
0xfc: {  	_ =	swait.ge [sflag:s17], $0x50  }
0xfd: {  	[sflag:s17] =	ssyncset.done $0x0  }
0xfe: {  	[sflag:s17] =	ssyncadd.s32 $0xFFFFFFB0  }
0xff: {  	v2 =	vld [tilespmem:$0x480]  }
0x100: {  	v3 =	vld [tilespmem:$0x580];
	_ =	sdelay $0x4  }
0x101: {  	v2 =	vadd.f32 v3, v2;
	_ =	sdelay $0x1  }
0x102: {  	v3 =	vmul.f32 $2.000000030e-01, v2  }
0x103: {  	vm0 =	vge.f32 v2, $0.0e+00  }
0x104: {  	v2 =	vsel vm0, v2, v3  }
0x105: {  	v2 =	vsub.f32 v2, v1;
	_ =	sdelay $0x1  }
0x106: {  	v2 =	vmul.f32 $1.442695020e+00, v2;
	_ =	sdelay $0x1  }
0x107: {  	(erf) = vpow2.f32 v2;
	_ =	sdelay $0x2  }
0x108: {  	v2 =	vld [tilespmem:$0x200];
	_ =	sdelay $0x5  }
0x109: {  	v3 =	vpop (erf)  }
0x10a: {  	[tilespmem:$0x680] =	vst v3  }
0x10b: {  	[tilespmem:v2+s9+$0x0] =	vst.idx.add.f32.msk $0xffff, v3  }
0x10c: {  	v2 =	vld [tilespmem:$0x490]  }
0x10d: {  	v3 =	vld [tilespmem:$0x590];
	_ =	sdelay $0x4  }
0x10e: {  	v2 =	vadd.f32 v3, v2;
	_ =	sdelay $0x1  }
0x10f: {  	v3 =	vmul.f32 $2.000000030e-01, v2  }
0x110: {  	vm12 =	vge.f32 v2, $0.0e+00  }
0x111: {  	v2 =	vsel vm12, v2, v3  }
0x112: {  	v2 =	vsub.f32 v2, v1;
	_ =	sdelay $0x1  }
0x113: {  	v2 =	vmul.f32 $1.442695020e+00, v2;
	_ =	sdelay $0x1  }
0x114: {  	(erf) = vpow2.f32 v2;
	_ =	sdelay $0x2  }
0x115: {  	v2 =	vld [tilespmem:$0x210];
	_ =	sdelay $0x5  }
0x116: {  	v3 =	vpop (erf)  }
0x117: {  	[tilespmem:$0x690] =	vst v3  }
0x118: {  	[tilespmem:v2+s9+$0x0] =	vst.idx.add.f32.msk $0xffff, v3  }
0x119: {  	v2 =	vld [tilespmem:$0x4A0]  }
0x11a: {  	v3 =	vld [tilespmem:$0x5A0];
	_ =	sdelay $0x4  }
0x11b: {  	v2 =	vadd.f32 v3, v2;
	_ =	sdelay $0x1  }
0x11c: {  	v3 =	vmul.f32 $2.000000030e-01, v2  }
0x11d: {  	vm13 =	vge.f32 v2, $0.0e+00  }
0x11e: {  	v2 =	vsel vm13, v2, v3  }
0x11f: {  	v2 =	vsub.f32 v2, v1;
	_ =	sdelay $0x1  }
0x120: {  	v2 =	vmul.f32 $1.442695020e+00, v2;
	_ =	sdelay $0x1  }
0x121: {  	(erf) = vpow2.f32 v2;
	_ =	sdelay $0x2  }
0x122: {  	v2 =	vld [tilespmem:$0x220];
	_ =	sdelay $0x5  }
0x123: {  	v3 =	vpop (erf)  }
0x124: {  	[tilespmem:$0x6A0] =	vst v3  }
0x125: {  	[tilespmem:v2+s9+$0x0] =	vst.idx.add.f32.msk $0xffff, v3  }
0x126: {  	v2 =	vld [tilespmem:$0x4B0]  }
0x127: {  	v3 =	vld [tilespmem:$0x5B0];
	_ =	sdelay $0x4  }
0x128: {  	v2 =	vadd.f32 v3, v2;
	_ =	sdelay $0x1  }
0x129: {  	v3 =	vmul.f32 $2.000000030e-01, v2  }
0x12a: {  	vm14 =	vge.f32 v2, $0.0e+00  }
0x12b: {  	v2 =	vsel vm14, v2, v3  }
0x12c: {  	v2 =	vsub.f32 v2, v1;
	_ =	sdelay $0x1  }
0x12d: {  	v2 =	vmul.f32 $1.442695020e+00, v2;
	_ =	sdelay $0x1  }
0x12e: {  	(erf) = vpow2.f32 v2;
	_ =	sdelay $0x2  }
0x12f: {  	v2 =	vld [tilespmem:$0x230];
	_ =	sdelay $0x5  }
0x130: {  	v3 =	vpop (erf)  }
0x131: {  	[tilespmem:$0x6B0] =	vst v3  }
0x132: {  	[tilespmem:v2+s9+$0x0] =	vst.idx.add.f32.msk $0xffff, v3  }
0x133: {  	v2 =	vld [tilespmem:$0x4C0]  }
0x134: {  	v3 =	vld [tilespmem:$0x5C0];
	_ =	sdelay $0x4  }
0x135: {  	v2 =	vadd.f32 v3, v2;
	_ =	sdelay $0x1  }
0x136: {  	v3 =	vmul.f32 $2.000000030e-01, v2  }
0x137: {  	vm15 =	vge.f32 v2, $0.0e+00  }
0x138: {  	v2 =	vsel vm15, v2, v3  }
0x139: {  	v2 =	vsub.f32 v2, v1;
	_ =	sdelay $0x1  }
0x13a: {  	v2 =	vmul.f32 $1.442695020e+00, v2;
	_ =	sdelay $0x1  }
0x13b: {  	(erf) = vpow2.f32 v2;
	_ =	sdelay $0x2  }
0x13c: {  	v2 =	vld [tilespmem:$0x240];
	_ =	sdelay $0x5  }
0x13d: {  	v3 =	vpop (erf)  }
0x13e: {  	[tilespmem:$0x6C0] =	vst v3  }
0x13f: {  	[tilespmem:v2+s9+$0x0] =	vst.idx.add.f32.msk $0xffff, v3  }
0x140: {  	s31 =	simm.s32 $0x0;
	_ =	swait.ge [sflag:s18], $0x2800  }
0x141: {  	v2 =	vmov s31;
	[sflag:s18] =	ssyncset.done $0x0  }
0x142: {  	s15 =	simm.s32 $0x2F40;
	[sflag:s18] =	ssyncadd.s32 $0xFFFFD800  }
0x143: {  	v6 =	vld [tilespmem:s15+$0x30]  }
0x144: {  	v9 =	vld [tilespmem:s15+$0x10]  }
0x145: {  	v7 =	vld [tilespmem:s15+$0xFFFFFFC0]  }
0x146: {  	v3 =	vld.idx.msk [tilespmem:v2+s19+$0x0], $0xffff  }
0x147: {  	v11 =	vld [tilespmem:s15+$0xFFFFFFE0]  }
0x148: {  	v4 =	vld [tilespmem:s15+$0x20]  }
0x149: {  	v5 =	vld [tilespmem:s15+$0xFFFFFFD0]  }
0x14a: {  	v2 =	vld [tilespmem:s15+$0xFFFFFFF0]  }
0x14b: {  	v10 =	vmul.f32 v6, v3;
	v6 =	vld [tilespmem:s15+$0x0]  }
0x14c: {  	v8 =	vmul.f32 v7, v3  }
0x14d: {  	s0 =	simm.s32 $0x1;
	s2 =	simm.s32 $0x2F40;
	v7 =	vmul.f32 v11, v3;
	v9 =	vmul.f32 v9, v3  }
.LBB2_9:
0x14e: {  	p0 =	sne.s32 s0, $0x4F  }
0x14f: {  	v5 =	vmul.f32 v5, v3;
	v4 =	vmul.f32 v4, v3;
	[tilespmem:s15+$0x30] =	vst v10;
	s2 =	sadd.s32 $0x80, s2;
	s5 =	smov.u32 s0;
	s0 =	sadd.s32 $0x1, s0  }
0x150: {  	[tilespmem:s15+$0xFFFFFFC0] =	vst v8;
	v8 =	vmul.f32 v2, v3;
	v3 =	vmul.f32 v6, v3  }
0x151: {  	[tilespmem:s15+$0x10] =	vst v9  }
0x152: {  	v6 =	vmov s5;
	[tilespmem:s15+$0xFFFFFFE0] =	vst v7  }
0x153: {  	v2 =	vld [tilespmem:s2+$0xFFFFFFF0];
	[tilespmem:s15+$0xFFFFFFF0] =	vst v8  }
0x154: {  	v7 =	vld [tilespmem:s2+$0x30];
	[tilespmem:s15+$0x0] =	vst v3  }
0x155: {  	v9 =	vld [tilespmem:s2+$0x10];
	[tilespmem:s15+$0x20] =	vst v4  }
0x156: {  	v8 =	vld [tilespmem:s2+$0xFFFFFFC0];
	[tilespmem:s15+$0xFFFFFFD0] =	vst v5;
	s15 =	smov.u32 s2  }
0x157: {  	v3 =	vld.idx.msk [tilespmem:v6+s19+$0x0], $0xffff  }
0x158: {  	v11 =	vld [tilespmem:s2+$0xFFFFFFE0]  }
0x159: {  	v4 =	vld [tilespmem:s2+$0x20]  }
.Ltmp3:
0x15a: {  	v5 =	vld [tilespmem:s2+$0xFFFFFFD0];
	(pc) =	sbr.rel @p0 .LBB2_9-.Ltmp3, $3  }
0x15b: {  	v6 =	vld [tilespmem:s2+$0x0];
	_ =	sdelay $0x1  }
0x15c: {  	v8 =	vmul.f32 v8, v3;
	v10 =	vmul.f32 v7, v3  }
0x15d: {  	v9 =	vmul.f32 v9, v3;
	v7 =	vmul.f32 v11, v3  }
0x15e: {  	[tilespmem:s15+$0x30] =	vst v10  }
0x15f: {  	[tilespmem:s15+$0xFFFFFFC0] =	vst v8  }
0x160: {  	v2 =	vmul.f32 v2, v3;
	s24 =	sadd.s32 $0x1, s24;
	[tilespmem:s15+$0x10] =	vst v9  }
0x161: {  	v4 =	vmul.f32 v4, v3;
	[tilespmem:s15+$0xFFFFFFE0] =	vst v7;
	p0 =	sne.s32 s24, s12  }
.Ltmp4:
0x162: {  	v6 =	vmul.f32 v6, v3;
	[tilespmem:s15+$0xFFFFFFF0] =	vst v2;
	(pc) =	sbr.rel @p0 .LBB2_6-.Ltmp4, $4  }
0x163: {  	v2 =	vmul.f32 v5, v3;
	[tilespmem:s15+$0x20] =	vst v4  }
0x164: {  	[tilespmem:s15+$0x0] =	vst v6  }
0x165: {  	[tilespmem:s15+$0xFFFFFFD0] =	vst v2  }
0x166: {  	[spmem:s3] =	stream.indirect.scatter.add.f32 [tilespmem:s21], [sflag:$0x8], $0x80, s20, s30, $0xb8;
	[tilespmem:$0x1BF80] =	vst v63  }
0x167: {  	s0 =	simm.s32 $0x7  }
0x168: {  	_ =	swait.ge [sflag:s0], $0x2800  }
0x169: {  	[sflag:s0] =	ssyncset.done $0x0  }
0x16a: {  	s24 =	simm.s32 $0x8;
	[sflag:s0] =	ssyncadd.s32 $0xFFFFD800  }
0x16b: {  	_ =	swait.ge [sflag:s24], $0x2800  }
0x16c: {  	[sflag:s24] =	ssyncset.done $0x0  }
0x16d: {  	[sflag:s24] =	ssyncadd.s32 $0xFFFFD800  }
0x16e: {  	s31 =	stileid.u32;
	[bflag:$0x0] =	sbarrier.arrive $0xFFFF  }
0x16f: {  	s0 =	sshll.u32 s31, $0x6;
	s15 =	rddreg [dreg:$0x9]  }
0x170: {  	s0 =	sor.u32 $0x1C09, s0;
	s5 =	rddreg [dreg:$0x8];
	s2 =	sshrl.u32 s15, $0x3  }
0x171: {  	[hbm:s5], [sflag:s0] =	dma.local [spmem:s2], $0x2800  }
0x172: {  	_ =	swait.ge [sflag:s28], $0x2800  }
0x173: {  	s22 =	simm.s32 $0x80;
	[sflag:s28] =	ssyncset.done $0x0  }
0x174: {  	s5 =	simm.s32 $0x400;
	s2 =	rddreg [dreg:$0xa];
	[sflag:s28] =	ssyncadd.s32 $0xFFFFD800  }
0x175: {  	[hbm4b:s2+s22] =	stream.strided.scatter [tilespmem:s9], [sflag:$0x9], $0x2800, s5, s22, $0x38;
	[tilespmem:$0x1BF80] =	vst v63  }
0x176: {  	_ =	swait.ge [sflag:s28], $0x2800  }
0x177: {  	s24 =	rddreg [dreg:$0x13]  }
0x178: {  	s31 =	rddreg [dreg:$0xb];
	s2 =	sadd.s32 $0x1, s24  }
0x179: {  	p0 =	sne.s32 s2, s31  }
.Ltmp5:
0x17a: {  	_ = 	snop;
	(pc) =	sbr.rel @p0 .LBB2_1-.Ltmp5, $3  }
0x17b: {  	_ =	sdelay $0x1  }
0x17c: {  	[sflag:s28] =	ssyncset.done $0x0  }
0x17d: {  	[sflag:s28] =	ssyncadd.s32 $0xFFFFD800  }
0x17e: {  	_ =	sfence.sel $0x180000  }
0x17f: {  	[bflag:$0x0] =	sbarrier.arrive $0xFFFF  }
0x180: {  	_ =	strace $0x90000047  }
0x181: {  	s0 =	stileid.u32;
	[bflag:$0x2] =	sbarrier.arrive $0xFFFF  }
0x182: {  	p0 =	sne.s32 s0, $0x0;
	s0 =	rddreg [dreg:$0x5]  }
0x183: {  	s0 =	sadd.s32 @!p0 $0x100000, s0  }
0x184: {  	[sflag:s0] =	ssyncadd.tile.s32 @!p0 $0x1;
	_ =	shalt  }
.Lfunc_end2:
_tile_overlayer_lowered:
.L_overlay_start_2:
0x185: {  	(tag) =	ssettag $0x2  }
0x186: {  	s0 =	rddreg [dreg:$0x0];
	s2 =	stileid.u32  }
0x187: {  	s1 =	rddreg [dreg:$0x1];
	p0 =	sne.s32 s2, $0x0  }
0x188: {  	s3 =	rddreg [dreg:$0x2];
	[bflag:$0x3] =	sbarrier.arrive $0xFFFF;
	s2 =	simm.s32 @!p0 $0x1C09  }
0x189: {  	[timem:s3], [sflag:s2] =	dma.local @!p0 [hbm:s0], s1  }
0x18a: {  	s0 =	simm.s32 @!p0 $0x9  }
0x18b: {  	_ =	swait.ge @!p0 [sflag:s0], s1  }
0x18c: {  	s1 =	ssub.s32 @!p0 $0x0, s1;
	[sflag:s0] =	ssyncset.done @!p0 $0x0  }
0x18d: {  	[sflag:s0] =	ssyncadd.s32 @!p0 s1  }
0x18e: {  	[bflag:$0x3] =	sbarrier.arrive $0xFFFF  }
0x18f: {  	_ =	shalt  }

// kernel: kernel.13.cloned.1.call-start
scs
__scs_entry_jumppad:
0x0: {  	(pc) =	sbr.rel $0x88, $3  }
0x1: {  	(tag) =	ssettag $0x0;
	lr =	simm.s32 $0x1  }
0x2: {  	[smem:$0x3F90] =	sst lr;
	_ =	strace $0xD0000000  }
0x3: {  	_ = 	snop  }
0x4: {  	_ = 	snop  }
0x5: {  	_ = 	snop  }
0x6: {  	_ = 	snop  }
0x7: {  	_ = 	snop  }
__scs_overlays_trampoline_lowered:
0x8: {  	[smem:$0x3F9F] =	sst s0  }
0x9: {  	[smem:$0x3FA0] =	sst s1  }
0xa: {  	[smem:$0x3FA1] =	sst s2  }
0xb: {  	[smem:$0x3FA2] =	sst s3  }
0xc: {  	[smem:$0x3FA3] =	sst s4  }
0xd: {  	[smem:$0x3FA4] =	sst s5  }
0xe: {  	[smem:$0x3FA5] =	sst s6  }
0xf: {  	[smem:$0x3FA6] =	sst s7  }
0x10: {  	[smem:$0x3FA7] =	sst s8  }
0x11: {  	[smem:$0x3FA8] =	sst s9;
	s0 =	simm.s32 @!p0 $0x0  }
0x12: {  	s1 =	sld [smem:$0x3F8E];
	s0 =	simm.s32 @p0 $0x1  }
0x13: {  	[smem:$0x3FA9] =	sst s0;
	s0 =	simm.s32 @!p1 $0x0  }
0x14: {  	s2 =	sld [smem:$0x3F8D];
	s0 =	simm.s32 @p1 $0x1  }
0x15: {  	[smem:$0x3FAA] =	sst s0;
	s0 =	simm.s32 @!p2 $0x0  }
0x16: {  	s3 =	sld [smem:$0x3FDB];
	s0 =	simm.s32 @p2 $0x1  }
0x17: {  	s4 =	simm.s32 $0x1BF5;
	[smem:$0x3FAC] =	sst s0  }
0x18: {  	s0 =	sld [smem:$0x3F8F];
	_ =	swait.ge [sflag:s4], $0x0  }
0x19: {  	s7 =	sld [smem:$0x3F90]  }
0x1a: {  	s8 =	sadd.s32 $0xFFFFE003, lr  }
0x1b: {  	s9 =	sadd.s32 $0xFFFFFEF7, lr;
	s5 =	simm.s32 $0xFFFFFFFF;
	p2 =	slt.u32 s8, $0xFFFFF086  }
0x1c: {  	p1 =	slt.u32 s9, $0xF7A;
	s5 =	simm.s32 @!p2 $0x0  }
0x1d: {  	s5 =	simm.s32 @p1 $0x1;
	p0 =	seq.s32 s7, s2  }
0x1e: {  	s7 =	smul.u32 @!p0 $0xF7A, s2;
	p2 =	seq.s32 @!p0 s5, $0x0  }
0x1f: {  	s9 =	smul.u32 $0xF7A, s1;
	s8 =	simm.s32 @!p0 $0x1BF5;
	p2 =	por !p2, p0  }
0x20: {  	[sflag:s8] =	ssyncset.s32 @!p0 $0xFFFFF086;
	s6 =	sadd.s32 @!p0 s3, s7;
	s7 =	simm.s32 @!p0 $0x108  }
0x21: {  	s3 =	sadd.s32 s3, s9;
	s6 =	sadd.s32 @!p0 $0x88, s6;
	s7 =	simm.s32 @p2 $0x1082  }
0x22: {  	[simem:s7], [sflag:s8] =	dma.local @!p0 [hbm:s6], $0xF7A  }
0x23: {  	s9 =	sor.u32 $0xD0000000, s2;
	s6 =	simm.s32 $0x108;
	_ =	swait.ge @!p0 [sflag:s8], $0x0  }
0x24: {  	s3 =	sadd.s32 $0x88, s3;
	s6 =	simm.s32 @!p1 $0x1082;
	[sflag:s4] =	ssyncset.s32 $0xFFFFF086  }
0x25: {  	[simem:s6], [sflag:s4] =	dma.local [hbm:s3], $0xF7A  }
0x26: {  	[smem:$0x3F90] =	sst s1;
	(tag) =	ssettag s2;
	_ =	strace s9  }
0x27: {  	s1 =	sld [smem:$0x3FA0]  }
0x28: {  	s2 =	sld [smem:$0x3FA1]  }
0x29: {  	s4 =	sld [smem:$0x3FA3]  }
0x2a: {  	p0 =	seq.s32 s5, $0x0;
	s5 =	sld [smem:$0x3FA4]  }
0x2b: {  	s6 =	sld [smem:$0x3FA5]  }
0x2c: {  	s7 =	sld [smem:$0x3FA6]  }
0x2d: {  	s3 =	simm.s32 $0x108;
	s8 =	sld [smem:$0x3FA7]  }
0x2e: {  	s3 =	simm.s32 @!p0 $0x1082;
	s9 =	sld [smem:$0x3FA8]  }
0x2f: {  	lr =	sadd.s32 s0, s3;
	s0 =	sld [smem:$0x3F9F]  }
0x30: {  	s3 =	sld [smem:$0x3FA2]  }
0x31: {  	[smem:$0x3FAB] =	sst s10  }
0x32: {  	s10 =	sld [smem:$0x3FA9];
	_ =	sdelay $0x3  }
0x33: {  	p0 =	seq.s32 s10, $0x1;
	s10 =	sld [smem:$0x3FAB];
	_ =	sdelay $0x3  }
0x34: {  	[smem:$0x3FAB] =	sst s10  }
0x35: {  	s10 =	sld [smem:$0x3FAA];
	_ =	sdelay $0x3  }
0x36: {  	p1 =	seq.s32 s10, $0x1;
	s10 =	sld [smem:$0x3FAB];
	_ =	sdelay $0x3  }
0x37: {  	[smem:$0x3FAB] =	sst s10  }
0x38: {  	s10 =	sld [smem:$0x3FAC]  }
0x39: {  	_ = 	snop;
	(pc) =	sbr.ind lr, $3  }
0x3a: {  	_ = 	snop  }
0x3b: {  	_ = 	snop  }
0x3c: {  	p2 =	seq.s32 s10, $0x1;
	s10 =	sld [smem:$0x3FAB]  }
0x3d: {  	_ =	shalt  }
0x3e: {  	_ =	shalt  }
0x3f: {  	_ =	shalt  }
0x40: {  	_ =	shalt  }
0x41: {  	_ =	shalt  }
0x42: {  	_ =	shalt  }
0x43: {  	_ =	shalt  }
0x44: {  	_ =	shalt  }
0x45: {  	_ =	shalt  }
0x46: {  	_ =	shalt  }
0x47: {  	_ =	shalt  }
0x48: {  	_ =	shalt  }
0x49: {  	_ =	shalt  }
0x4a: {  	_ =	shalt  }
0x4b: {  	_ =	shalt  }
0x4c: {  	_ =	shalt  }
0x4d: {  	_ =	shalt  }
0x4e: {  	_ =	shalt  }
0x4f: {  	_ =	shalt  }
0x50: {  	_ =	shalt  }
0x51: {  	_ =	shalt  }
0x52: {  	_ =	shalt  }
0x53: {  	_ =	shalt  }
0x54: {  	_ =	shalt  }
0x55: {  	_ =	shalt  }
0x56: {  	_ =	shalt  }
0x57: {  	_ =	shalt  }
0x58: {  	_ =	shalt  }
0x59: {  	_ =	shalt  }
0x5a: {  	_ =	shalt  }
0x5b: {  	_ =	shalt  }
0x5c: {  	_ =	shalt  }
0x5d: {  	_ =	shalt  }
0x5e: {  	_ =	shalt  }
0x5f: {  	_ =	shalt  }
0x60: {  	_ =	shalt  }
0x61: {  	_ =	shalt  }
0x62: {  	_ =	shalt  }
0x63: {  	_ =	shalt  }
0x64: {  	_ =	shalt  }
0x65: {  	_ =	shalt  }
0x66: {  	_ =	shalt  }
0x67: {  	_ =	shalt  }
0x68: {  	_ =	shalt  }
0x69: {  	_ =	shalt  }
0x6a: {  	_ =	shalt  }
0x6b: {  	_ =	shalt  }
0x6c: {  	_ =	shalt  }
0x6d: {  	_ =	shalt  }
0x6e: {  	_ =	shalt  }
0x6f: {  	_ =	shalt  }
0x70: {  	_ =	shalt  }
0x71: {  	_ =	shalt  }
0x72: {  	_ =	shalt  }
0x73: {  	_ =	shalt  }
0x74: {  	_ =	shalt  }
0x75: {  	_ =	shalt  }
0x76: {  	_ =	shalt  }
0x77: {  	_ =	shalt  }
0x78: {  	_ =	shalt  }
0x79: {  	_ =	shalt  }
0x7a: {  	_ =	shalt  }
0x7b: {  	_ =	shalt  }
0x7c: {  	_ =	shalt  }
0x7d: {  	_ =	shalt  }
0x7e: {  	_ =	shalt  }
0x7f: {  	_ =	shalt  }
0x80: {  	_ =	shalt  }
0x81: {  	_ =	shalt  }
0x82: {  	_ =	shalt  }
0x83: {  	_ =	shalt  }
0x84: {  	_ =	shalt  }
0x85: {  	_ =	shalt  }
0x86: {  	_ =	shalt  }
0x87: {  	_ =	shalt  }
.Lfunc_end0:
.L_simem_size_0:
called_computation.1_lowered:
.L_overlay_start_0:
0x88: {  	s2 =	sld [smem:$0x3FD9]  }
0x89: {  	s3 =	sld [smem:$0x3FFE];
	_ =	sdelay $0x1  }
0x8a: {  	s1 =	srdreg.scid  }
0x8b: {  	s0 =	sand.u32 $0x1, s1  }
0x8c: {  	s14 =	sshll.u32 s0, $0xA;
	s2 =	sadd.s32 s3, s2  }
0x8d: {  	s2 =	sadd.s32 s2, s14  }
0x8e: {  	[smem:$0x3FB7] =	sst s2  }
0x8f: {  	_ = 	snop  }
0x90: {  	s2 =	sld [smem:$0x3FD0];
	_ =	sdelay $0x2  }
0x91: {  	s15 =	simm.s32 $0xA;
	s4 =	simm.s32 $0x10  }
0x92: {  	[smem:s4], [sflag:s15] =	dma.local [hbm:s2], $0x1  }
0x93: {  	_ =	swait.eq [sflag:s15], $0x1  }
0x94: {  	[sflag:s15] =	ssyncset.done $0x0  }
0x95: {  	s16 =	sld [smem:$0x10];
	[sflag:s15] =	ssyncadd.s32 $0xFFFFFFFF  }
0x96: {  	s17 =	sld [smem:$0x12];
	(tm) =	ssettm $0x1  }
0x97: {  	s18 =	sld [smem:$0x3FFB];
	_ =	sdelay $0x3  }
0x98: {  	_ =	strace s18  }
0x99: {  	s4 =	sld [smem:$0x3FFC];
	_ =	sdelay $0x3  }
0x9a: {  	_ =	strace s4  }
0x9b: {  	s4 =	sld [smem:$0x3FFD];
	_ =	sdelay $0x3  }
0x9c: {  	_ =	strace s4  }
0x9d: {  	_ =	strace $0x8FFFFFFF  }
0x9e: {  	s19 =	sld [smem:$0x3FDB];
	_ =	sdelay $0x1  }
0x9f: {  	s5 =	simm.s32 $_scs_section_size  }
0xa0: {  	s6 =	simm.s32 $_size__tile_overlayer_lowered;
	s7 =	simm.s32 $_tile_overlayer_lowered  }
0xa1: {  	s22 =	simm.s32 $0x1BFF;
	s21 =	sshll.u32 s7, $0x1;
	s4 =	sadd.s32 s5, s19  }
0xa2: {  	s8 =	simm.s32 $0x0;
	s20 =	sshll.u32 s6, $0x1;
	s6 =	sadd.s32 s21, s4  }
0xa3: {  	[timem:s8], [sflag:s22] =	dma.local [hbm:s6], s20  }
0xa4: {  	_ =	swait.ge [sflag:s22], s20  }
0xa5: {  	s5 =	ssub.s32 $0x0, s20;
	[sflag:s22] =	ssyncset.done $0x0  }
0xa6: {  	[sflag:s22] =	ssyncadd.s32 s5;
	_ =	sdelay $0x1  }
0xa7: {  	s23 =	simm.s32 $0x1B8B  }
0xa8: {  	_ =	swait.ge [sflag:s23], $0x1  }
0xa9: {  	[sflag:s23] =	ssyncset.done $0x0  }
0xaa: {  	s25 =	simm.s32 $0x1B8E;
	s24 =	sld [smem:$0x3FFE];
	[sflag:s23] =	ssyncadd.s32 $0xFFFFFFFF  }
0xab: {  	s26 =	simm.s32 $execute0_lowered;
	[smem:$0x3FD2] =	sst s25  }
0xac: {  	s6 =	sshll.u32 s26, $0x1;
	_ =	strace $0x80000049;
	[dreg:$0x1] =	wrdreg $0xFFFFFFFF  }
0xad: {  	s28 =	simm.s32 $_size_execute0_lowered;
	s4 =	sadd.s32 s4, s6;
	[dreg:$0x0] =	wrdreg $0x0  }
0xae: {  	s6 =	sshll.u32 s28, $0x1;
	[dreg:$0x2] =	wrdreg s4  }
0xaf: {  	[dreg:$0x3] =	wrdreg s6  }
0xb0: {  	[dreg:$0x4] =	wrdreg $0xC0  }
0xb1: {  	_ =	task [dreg:s8], $0x5FFFF  }
0xb2: {  	[dreg:$0x1] =	wrdreg $0xFFFFFFFF  }
0xb3: {  	[dreg:$0x0] =	wrdreg $0x60  }
0xb4: {  	[dreg:$0x2] =	wrdreg s24  }
0xb5: {  	[dreg:$0x3] =	wrdreg s17  }
0xb6: {  	[dreg:$0x4] =	wrdreg s16  }
0xb7: {  	[dreg:$0x5] =	wrdreg $0x7F800  }
0xb8: {  	[dreg:$0x6] =	wrdreg $0x9  }
0xb9: {  	_ =	task.clear_ibuf [dreg:s8], $0x7FFFF;
	_ =	strace $0x90000049  }
0xba: {  	s29 =	simm.s32 $0x9;
	_ =	strace $0x8000004B  }
0xbb: {  	_ =	swait.ge [sflag:s29], $0x1  }
0xbc: {  	[sflag:s29] =	ssyncadd.s32 $0xFFFFFFFF  }
0xbd: {  	_ =	strace $0x9000004B  }
0xbe: {  	_ =	sfence  }
0xbf: {  	s30 =	sld [smem:$0x0];
	_ =	sdelay $0x2  }
0xc0: {  	s31 =	sshll.u32 s1, $0xD;
	s1 =	sshrl.u32 s1, $0x2  }
0xc1: {  	s3 =	sand.u32 $0x4000, s31;
	s1 =	sadd.s32 s1, s30  }
0xc2: {  	s0 =	sor.u32 s3, s0;
	s1 =	sshll.u32 s1, $0x11  }
0xc3: {  	s0 =	sor.u32 s1, s0  }
0xc4: {  	s0 =	sadd.s32 $0x8F2B, s0  }
0xc5: {  	[sflag:s0] =	ssyncadd.remote.s32 $0x1  }
0xc6: {  	_ =	sfence.sel $0xFFFF  }
0xc7: {  	[dreg:$0x0] =	wrdreg $0xFFFFFFFF;
	(pc) =	sbr.abs _section_cstart, $3  }
0xc8: {  	[dreg:$0x1] =	wrdreg $0xFFFFFFFF  }
0xc9: {  	_ =	task.clear_ibuf [dreg:s8], $0x2FFFF;
	_ =	strace $0x9FFFFFFF  }
0xca: {  	(tm) =	ssettm $0x7FFFFFFF  }
0xcb: {  	_ =	shalt  }
tec
execute0_lowered:
.L_overlay_start_1:
0x0: {  	(tag) =	ssettag $0x1  }
0x1: {  	s0 =	rddreg [dreg:$0x0]  }
0x2: {  	s3 =	rddreg [dreg:$0x1]  }
0x3: {  	s1 =	rddreg [dreg:$0x2]  }
0x4: {  	s2 =	rddreg [dreg:$0x3];
	s5 =	simm.s32 $0x0  }
0x5: {  	s4 =	srdreg.scid;
	s15 =	stileid.u32;
	s8 =	simm.s32 $0x68  }
0x6: {  	s28 =	simm.s32 $0x9;
	s30 =	simm.s32 $0x50;
	s29 =	simm.s32 $0x1  }
0x7: {  	[smem:$0x7FF] =	sst s5;
	s4 =	sand.u32 $0x1, s4;
	s5 =	sadd.s32 $0x6000, s0  }
0x8: {  	s6 =	sadd.s32 $0x3200, s0;
	s10 =	smul.u32 $0x14000, s15;
	s7 =	sadd.s32 $0x3800, s0  }
0x9: {  	s11 =	sadd.s32 $0x146000, s0;
	s26 =	sshrl.u32 s15, $0x2;
	s17 =	smul.u32 $0x50000, s15  }
0xa: {  	s31 =	sshll.u32 s15, $0x8;
	_ =	strace $0x8000004A;
	s9 =	smul.u32 $0x140000, s4  }
0xb: {  	p0 =	seq.s32 s4, $0x0;
	[dreg:$0x5] =	wrdreg s11;
	s22 =	ssub.s32 $0x0, s4  }
0xc: {  	s23 =	ssub.s32 $0x2, s4;
	s14 =	smul.u32 $0x14000, s26;
	s4 =	sshll.u32 s4, $0x7  }
0xd: {  	s16 =	sand.u32 $0x300, s31;
	s8 =	simm.s32 @!p0 $0x18;
	s13 =	sshrl.u32 s23, $0x1  }
0xe: {  	s4 =	sor.u32 s4, s16;
	s18 =	sshrl.u32 s17, $0x2;
	s16 =	simm.s32 $0x2  }
0xf: {  	s17 =	simm.s32 $0x4;
	s9 =	sadd.s32 s10, s9;
	s12 =	smul.u32 s15, s8  }
0x10: {  	s10 =	sand.u32 $0x680, s22;
	s24 =	ssub.s32 s23, s13;
	s13 =	sadd.s32 $0x40, s3  }
0x11: {  	s4 =	sor.u32 s14, s4;
	s15 =	sadd.s32 s18, s2;
	s14 =	simm.s32 $0x600  }
0x12: {  	s18 =	simm.s32 $0x6;
	s20 =	smax.u32 s24, $0x1;
	[dreg:$0x8] =	wrdreg s15  }
0x13: {  	s9 =	sshrl.u32 s9, $0x3;
	s21 =	sadd.s32 $0x2800, s15;
	[dreg:$0xa] =	wrdreg s20  }
0x14: {  	s4 =	sshrl.u32 s4, $0x3;
	s22 =	sadd.s32 $0x5000, s15;
	[dreg:$0xb] =	wrdreg s21  }
0x15: {  	s23 =	sadd.s32 $0x7800, s15;
	s24 =	sadd.s32 $0xA000, s15;
	[dreg:$0xc] =	wrdreg s22  }
0x16: {  	s26 =	sadd.s32 $0xF000, s15;
	s31 =	sadd.s32 $0x11800, s15;
	[dreg:$0xd] =	wrdreg s23  }
0x17: {  	s0 =	sadd.s32 s9, s0;
	s10 =	sadd.s32 s10, s12;
	[dreg:$0xe] =	wrdreg s24  }
0x18: {  	s12 =	sshrl.u32 s8, $0x1;
	s19 =	sadd.s32 s1, s4;
	[dreg:$0x10] =	wrdreg s26  }
0x19: {  	[dreg:$0x11] =	wrdreg s31;
	s26 =	simm.s32 $0x700;
	s22 =	simm.s32 $0x80  }
0x1a: {  	s4 =	simm.s32 $0x3;
	s9 =	simm.s32 $0x5780;
	s20 =	simm.s32 $0x200  }
0x1b: {  	s21 =	simm.s32 $0x2F00;
	s1 =	simm.s32 $0x0;
	s23 =	simm.s32 $0x0  }
0x1c: {  	s25 =	sshll.u32 s10, $0x6;
	s0 =	sadd.s32 $0x146200, s0;
	[dreg:$0x9] =	wrdreg s19  }
0x1d: {  	s19 =	simm.s32 $0x680;
	s11 =	sadd.s32 s3, s25;
	[dreg:$0x7] =	wrdreg s0  }
0x1e: {  	s25 =	sadd.s32 $0xC800, s15;
	s3 =	simm.s32 $0x400;
	[dreg:$0x6] =	wrdreg s11  }
0x1f: {  	v0 =	vimm.f32 $0.0e+00;
	[dreg:$0xf] =	wrdreg s25;
	s25 =	sadd.s32 $0xFFFFFFFE, s8;
	s11 =	simm.s32 $0x5  }
.LBB2_1:
0x20: {  	[dreg:$0x12] =	wrdreg s1;
	s0 =	simm.s32 $0x0;
	s1 =	simm.s32 $0x200  }
.LBB2_2:
0x21: {  	p0 =	sne.s32 s1, $0x9E00;
	[tilespmem:s0+$0x770] =	vst v0  }
0x22: {  	[tilespmem:s0+$0x700] =	vst v0  }
0x23: {  	[tilespmem:s0+$0x710] =	vst v0  }
.Ltmp0:
0x24: {  	[tilespmem:s0+$0x720] =	vst v0;
	(pc) =	sbr.rel @p0 .LBB2_2-.Ltmp0, $4  }
0x25: {  	[tilespmem:s0+$0x730] =	vst v0  }
0x26: {  	[tilespmem:s0+$0x740] =	vst v0  }
0x27: {  	[tilespmem:s0+$0x750] =	vst v0  }
0x28: {  	[tilespmem:s0+$0x760] =	vst v0;
	s0 =	sshra.s32 s1, $0x2;
	s1 =	sadd.s32 $0x200, s1  }
0x29: {  	[tilespmem:s0+$0x770] =	vst v0  }
0x2a: {  	[tilespmem:s0+$0x700] =	vst v0  }
0x2b: {  	[tilespmem:s0+$0x710] =	vst v0  }
0x2c: {  	[tilespmem:s0+$0x720] =	vst v0  }
0x2d: {  	[tilespmem:s0+$0x730] =	vst v0  }
0x2e: {  	[tilespmem:s0+$0x740] =	vst v0  }
0x2f: {  	[tilespmem:s0+$0x750] =	vst v0  }
0x30: {  	[tilespmem:s0+$0x760] =	vst v0  }
0x31: {  	[spmem:s15] =	stream.linear.scatter [tilespmem:s26], [sflag:$0x9], $0x2800, $0x38;
	[tilespmem:$0x1BF80] =	vst v63  }
0x32: {  	_ =	swait.ge [sflag:s28], $0x2800  }
0x33: {  	[sflag:s28] =	ssyncset.done $0x0  }
0x34: {  	s15 =	rddreg [dreg:$0xb];
	[sflag:s28] =	ssyncadd.s32 $0xFFFFD800  }
0x35: {  	[spmem:s15] =	stream.linear.scatter [tilespmem:s26], [sflag:$0x9], $0x2800, $0x38;
	[tilespmem:$0x1BF80] =	vst v63  }
0x36: {  	_ =	swait.ge [sflag:s28], $0x2800  }
0x37: {  	[sflag:s28] =	ssyncset.done $0x0  }
0x38: {  	s24 =	rddreg [dreg:$0xc];
	[sflag:s28] =	ssyncadd.s32 $0xFFFFD800  }
0x39: {  	[spmem:s24] =	stream.linear.scatter [tilespmem:s26], [sflag:$0x9], $0x2800, $0x38;
	[tilespmem:$0x1BF80] =	vst v63  }
0x3a: {  	_ =	swait.ge [sflag:s28], $0x2800  }
0x3b: {  	[sflag:s28] =	ssyncset.done $0x0  }
0x3c: {  	s31 =	rddreg [dreg:$0xd];
	[sflag:s28] =	ssyncadd.s32 $0xFFFFD800  }
0x3d: {  	[spmem:s31] =	stream.linear.scatter [tilespmem:s26], [sflag:$0x9], $0x2800, $0x38;
	[tilespmem:$0x1BF80] =	vst v63  }
0x3e: {  	_ =	swait.ge [sflag:s28], $0x2800  }
0x3f: {  	[sflag:s28] =	ssyncset.done $0x0  }
0x40: {  	s1 =	rddreg [dreg:$0xe];
	[sflag:s28] =	ssyncadd.s32 $0xFFFFD800  }
0x41: {  	[spmem:s1] =	stream.linear.scatter [tilespmem:s26], [sflag:$0x9], $0x2800, $0x38;
	[tilespmem:$0x1BF80] =	vst v63  }
0x42: {  	_ =	swait.ge [sflag:s28], $0x2800  }
0x43: {  	[sflag:s28] =	ssyncset.done $0x0  }
0x44: {  	s15 =	rddreg [dreg:$0xf];
	[sflag:s28] =	ssyncadd.s32 $0xFFFFD800  }
0x45: {  	[spmem:s15] =	stream.linear.scatter [tilespmem:s26], [sflag:$0x9], $0x2800, $0x38;
	[tilespmem:$0x1BF80] =	vst v63  }
0x46: {  	_ =	swait.ge [sflag:s28], $0x2800  }
0x47: {  	[sflag:s28] =	ssyncset.done $0x0  }
0x48: {  	s24 =	rddreg [dreg:$0x10];
	[sflag:s28] =	ssyncadd.s32 $0xFFFFD800  }
0x49: {  	[spmem:s24] =	stream.linear.scatter [tilespmem:s26], [sflag:$0x9], $0x2800, $0x38;
	[tilespmem:$0x1BF80] =	vst v63  }
0x4a: {  	_ =	swait.ge [sflag:s28], $0x2800  }
0x4b: {  	[sflag:s28] =	ssyncset.done $0x0  }
0x4c: {  	s31 =	rddreg [dreg:$0x11];
	[sflag:s28] =	ssyncadd.s32 $0xFFFFD800  }
0x4d: {  	[spmem:s31] =	stream.linear.scatter [tilespmem:s26], [sflag:$0x9], $0x2800, $0x38;
	[tilespmem:$0x1BF80] =	vst v63  }
0x4e: {  	_ =	swait.ge [sflag:s28], $0x2800  }
0x4f: {  	[sflag:s28] =	ssyncset.done $0x0  }
0x50: {  	s0 =	simm.s32 $0x40;
	s1 =	simm.s32 $0x0;
	[sflag:s28] =	ssyncadd.s32 $0xFFFFD800  }
.LBB2_4:
0x51: {  	p0 =	sne.s32 s0, $0x9FC0;
	[tilespmem:s1+$0x5780] =	vst v0;
	s1 =	smov.u32 s0;
	s0 =	sadd.s32 $0x40, s0  }
.Ltmp1:
0x52: {  	(pc) =	sbr.rel @p0 .LBB2_4-.Ltmp1, $2  }
0x53: {  	_ =	sdelay $0x2  }
0x54: {  	s1 =	sshra.s32 s1, $0x2  }
0x55: {  	[tilespmem:s1+$0x5780] =	vst v0;
	s0 =	rddreg [dreg:$0x5];
	s31 =	simm.s32 $0x5700  }
0x56: {  	[tilespmem:s31], [sflag:$0x9] =	stream.linear.gather [hbm4b:s0+s23], $0x80, $0x38;
	[tilespmem:$0x1BF80] =	vst v63  }
0x57: {  	_ =	swait.ge [sflag:s28], $0x80  }
0x58: {  	[sflag:s28] =	ssyncset.done $0x0  }
0x59: {  	[sflag:s28] =	ssyncadd.s32 $0xFFFFFF80  }
0x5a: {  	v1 =	vld [tilespmem:$0x5700];
	[bflag:$0x0] =	sbarrier.arrive $0xFFFF  }
0x5b: {  	s15 =	rddreg [dreg:$0x6]  }
0x5c: {  	[tilespmem:s23], [sflag:$0x9] =	stream.linear.gather [hbm4b:s15+s23], $0x180, $0x38;
	[tilespmem:$0x1BF80] =	vst v63  }
0x5d: {  	_ =	swait.ge [sflag:s28], $0x180  }
0x5e: {  	[sflag:s28] =	ssyncset.done $0x0  }
0x5f: {  	[sflag:s28] =	ssyncadd.s32 $0xFFFFFE80  }
0x60: {  	[tilespmem:s3], [sflag:$0x1] =	stream.indirect.gather [hbm4b:s6+s30], $0x1, s23, s30, $0xb8;
	[tilespmem:$0x1BF80] =	vst v63  }
0x61: {  	s24 =	simm.s32 $0x500  }
0x62: {  	[tilespmem:s24], [sflag:$0x3] =	stream.indirect.gather [hbm4b:s7+s30], $0x1, s22, s30, $0xb8;
	[tilespmem:$0x1BF80] =	vst v63  }
0x63: {  	s31 =	simm.s32 $0x100;
	s24 =	simm.s32 $0x0  }
0x64: {  	[tilespmem:s26], [sflag:$0x5] =	stream.indirect.gather [hbm4b:s5+s30], $0x80, s31, s30, $0xb8;
	[tilespmem:$0x1BF80] =	vst v63  }
.LBB2_6:
0x65: {  	s31 =	sshllo.u32 s24, $0x1  }
0x66: {  	s22 =	sshll.u32 s24, $0x1;
	p0 =	sge.u32 s31, s8  }
0x67: {  	s0 =	sadd.s32 @!p0 s10, s22  }
0x68: {  	s0 =	sshll.u32 @!p0 s0, $0x6  }
0x69: {  	s0 =	sand.u32 @!p0 $0x1FFFFF80, s0  }
0x6a: {  	s1 =	simm.s32 @!p0 $0x0;
	s15 =	simm.s32 @!p0 $0x200;
	s0 =	sadd.s32 @!p0 s0, s13  }
0x6b: {  	[tilespmem:s15], [sflag:$0x9] =	stream.linear.gather @!p0 [hbm4b:s0+s1], $0x180, $0x38;
	[tilespmem:$0x1BF80] =	vst v63  }
0x6c: {  	s0 =	simm.s32 @!p0 $0x9  }
0x6d: {  	p1 =	seq.s32 @!p0 s24, $0x0;
	_ =	swait.ge @!p0 [sflag:s0], $0x180  }
0x6e: {  	p1 =	por p1, p0;
	[sflag:s0] =	ssyncset.done @!p0 $0x0  }
0x6f: {  	[sflag:s0] =	ssyncadd.s32 @!p0 $0xFFFFFE80;
	s0 =	simm.s32 @!p1 $0x8  }
0x70: {  	_ =	swait.ge @!p1 [sflag:s0], $0x2800  }
0x71: {  	[sflag:s0] =	ssyncset.done @!p1 $0x0  }
0x72: {  	s1 =	simm.s32 @!p0 $0x480;
	[sflag:s0] =	ssyncadd.s32 @!p1 $0xFFFFD800;
	s0 =	simm.s32 @!p0 $0x50  }
0x73: {  	[tilespmem:s1], [sflag:$0x2] =	stream.indirect.gather @!p0 [hbm4b:s6+s0], $0x1, s15, s0, $0xb8;
	[tilespmem:$0x1BF80] =	vst v63  }
0x74: {  	s1 =	simm.s32 @!p0 $0x280;
	s15 =	simm.s32 @!p0 $0x580  }
0x75: {  	[tilespmem:s15], [sflag:$0x4] =	stream.indirect.gather @!p0 [hbm4b:s7+s0], $0x1, s1, s0, $0xb8;
	[tilespmem:$0x1BF80] =	vst v63  }
0x76: {  	s1 =	simm.s32 @!p0 $0x300;
	s15 =	simm.s32 @!p0 $0x2F00  }
0x77: {  	[tilespmem:s15], [sflag:$0x6] =	stream.indirect.gather @!p0 [hbm4b:s5+s0], $0x80, s1, s0, $0xb8;
	[tilespmem:$0x1BF80] =	vst v63  }
0x78: {  	_ =	swait.ge [sflag:s29], $0x50  }
0x79: {  	[sflag:s29] =	ssyncset.done $0x0  }
0x7a: {  	[sflag:s29] =	ssyncadd.s32 $0xFFFFFFB0  }
0x7b: {  	_ =	swait.ge [sflag:s4], $0x50  }
0x7c: {  	[sflag:s4] =	ssyncset.done $0x0  }
0x7d: {  	[sflag:s4] =	ssyncadd.s32 $0xFFFFFFB0  }
0x7e: {  	v2 =	vld [tilespmem:$0x400]  }
0x7f: {  	v3 =	vld [tilespmem:$0x500];
	_ =	sdelay $0x4  }
0x80: {  	v2 =	vadd.f32 v3, v2;
	_ =	sdelay $0x1  }
0x81: {  	v3 =	vmul.f32 $2.000000030e-01, v2  }
0x82: {  	vm0 =	vge.f32 v2, $0.0e+00  }
0x83: {  	v2 =	vsel vm0, v2, v3  }
0x84: {  	v2 =	vsub.f32 v2, v1;
	_ =	sdelay $0x1  }
0x85: {  	v2 =	vmul.f32 $1.442695020e+00, v2;
	_ =	sdelay $0x1  }
0x86: {  	(erf) = vpow2.f32 v2;
	_ =	sdelay $0x2  }
0x87: {  	v2 =	vld [tilespmem:$0x0];
	_ =	sdelay $0x5  }
0x88: {  	v3 =	vpop (erf)  }
0x89: {  	[tilespmem:$0x600] =	vst v3  }
0x8a: {  	[tilespmem:v2+s9+$0x0] =	vst.idx.add.f32.msk $0xffff, v3  }
0x8b: {  	v2 =	vld [tilespmem:$0x410]  }
0x8c: {  	v3 =	vld [tilespmem:$0x510];
	_ =	sdelay $0x4  }
0x8d: {  	v2 =	vadd.f32 v3, v2;
	_ =	sdelay $0x1  }
0x8e: {  	v3 =	vmul.f32 $2.000000030e-01, v2  }
0x8f: {  	vm12 =	vge.f32 v2, $0.0e+00  }
0x90: {  	v2 =	vsel vm12, v2, v3  }
0x91: {  	v2 =	vsub.f32 v2, v1;
	_ =	sdelay $0x1  }
0x92: {  	v2 =	vmul.f32 $1.442695020e+00, v2;
	_ =	sdelay $0x1  }
0x93: {  	(erf) = vpow2.f32 v2;
	_ =	sdelay $0x2  }
0x94: {  	v2 =	vld [tilespmem:$0x10];
	_ =	sdelay $0x5  }
0x95: {  	v3 =	vpop (erf)  }
0x96: {  	[tilespmem:$0x610] =	vst v3  }
0x97: {  	[tilespmem:v2+s9+$0x0] =	vst.idx.add.f32.msk $0xffff, v3  }
0x98: {  	v2 =	vld [tilespmem:$0x420]  }
0x99: {  	v3 =	vld [tilespmem:$0x520];
	_ =	sdelay $0x4  }
0x9a: {  	v2 =	vadd.f32 v3, v2;
	_ =	sdelay $0x1  }
0x9b: {  	v3 =	vmul.f32 $2.000000030e-01, v2  }
0x9c: {  	vm13 =	vge.f32 v2, $0.0e+00  }
0x9d: {  	v2 =	vsel vm13, v2, v3  }
0x9e: {  	v2 =	vsub.f32 v2, v1;
	_ =	sdelay $0x1  }
0x9f: {  	v2 =	vmul.f32 $1.442695020e+00, v2;
	_ =	sdelay $0x1  }
0xa0: {  	(erf) = vpow2.f32 v2;
	_ =	sdelay $0x2  }
0xa1: {  	v2 =	vld [tilespmem:$0x20];
	_ =	sdelay $0x5  }
0xa2: {  	v3 =	vpop (erf)  }
0xa3: {  	[tilespmem:$0x620] =	vst v3  }
0xa4: {  	[tilespmem:v2+s9+$0x0] =	vst.idx.add.f32.msk $0xffff, v3  }
0xa5: {  	v2 =	vld [tilespmem:$0x430]  }
0xa6: {  	v3 =	vld [tilespmem:$0x530];
	_ =	sdelay $0x4  }
0xa7: {  	v2 =	vadd.f32 v3, v2;
	_ =	sdelay $0x1  }
0xa8: {  	v3 =	vmul.f32 $2.000000030e-01, v2  }
0xa9: {  	vm14 =	vge.f32 v2, $0.0e+00  }
0xaa: {  	v2 =	vsel vm14, v2, v3  }
0xab: {  	v2 =	vsub.f32 v2, v1;
	_ =	sdelay $0x1  }
0xac: {  	v2 =	vmul.f32 $1.442695020e+00, v2;
	_ =	sdelay $0x1  }
0xad: {  	(erf) = vpow2.f32 v2;
	_ =	sdelay $0x2  }
0xae: {  	v2 =	vld [tilespmem:$0x30];
	_ =	sdelay $0x5  }
0xaf: {  	v3 =	vpop (erf)  }
0xb0: {  	[tilespmem:$0x630] =	vst v3  }
0xb1: {  	[tilespmem:v2+s9+$0x0] =	vst.idx.add.f32.msk $0xffff, v3  }
0xb2: {  	v2 =	vld [tilespmem:$0x440]  }
0xb3: {  	v3 =	vld [tilespmem:$0x540];
	_ =	sdelay $0x4  }
0xb4: {  	v2 =	vadd.f32 v3, v2;
	_ =	sdelay $0x1  }
0xb5: {  	v3 =	vmul.f32 $2.000000030e-01, v2  }
0xb6: {  	vm15 =	vge.f32 v2, $0.0e+00  }
0xb7: {  	v2 =	vsel vm15, v2, v3  }
0xb8: {  	v2 =	vsub.f32 v2, v1;
	_ =	sdelay $0x1  }
0xb9: {  	v2 =	vmul.f32 $1.442695020e+00, v2;
	_ =	sdelay $0x1  }
0xba: {  	(erf) = vpow2.f32 v2;
	_ =	sdelay $0x2  }
0xbb: {  	v2 =	vld [tilespmem:$0x40];
	_ =	sdelay $0x5  }
0xbc: {  	v3 =	vpop (erf)  }
0xbd: {  	[tilespmem:$0x640] =	vst v3  }
0xbe: {  	[tilespmem:v2+s9+$0x0] =	vst.idx.add.f32.msk $0xffff, v3  }
0xbf: {  	_ =	swait.ge [sflag:s11], $0x2800  }
0xc0: {  	v2 =	vmov s23;
	[sflag:s11] =	ssyncset.done $0x0  }
0xc1: {  	s15 =	simm.s32 $0x740;
	[sflag:s11] =	ssyncadd.s32 $0xFFFFD800  }
0xc2: {  	v6 =	vld [tilespmem:s15+$0x30]  }
0xc3: {  	v9 =	vld [tilespmem:s15+$0x10]  }
0xc4: {  	v7 =	vld [tilespmem:s15+$0xFFFFFFC0]  }
0xc5: {  	v3 =	vld.idx.msk [tilespmem:v2+s14+$0x0], $0xffff  }
0xc6: {  	v11 =	vld [tilespmem:s15+$0xFFFFFFE0]  }
0xc7: {  	v4 =	vld [tilespmem:s15+$0x20]  }
0xc8: {  	v5 =	vld [tilespmem:s15+$0xFFFFFFD0]  }
0xc9: {  	v2 =	vld [tilespmem:s15+$0xFFFFFFF0]  }
0xca: {  	v10 =	vmul.f32 v6, v3;
	v6 =	vld [tilespmem:s15+$0x0]  }
0xcb: {  	v8 =	vmul.f32 v7, v3  }
0xcc: {  	s0 =	simm.s32 $0x1;
	s1 =	simm.s32 $0x740;
	v7 =	vmul.f32 v11, v3;
	v9 =	vmul.f32 v9, v3  }
.LBB2_7:
0xcd: {  	p0 =	sne.s32 s0, $0x4F  }
0xce: {  	v5 =	vmul.f32 v5, v3;
	v4 =	vmul.f32 v4, v3;
	[tilespmem:s15+$0x30] =	vst v10;
	s1 =	sadd.s32 $0x80, s1;
	s3 =	smov.u32 s0;
	s0 =	sadd.s32 $0x1, s0  }
0xcf: {  	[tilespmem:s15+$0xFFFFFFC0] =	vst v8;
	v8 =	vmul.f32 v2, v3;
	v3 =	vmul.f32 v6, v3  }
0xd0: {  	[tilespmem:s15+$0x10] =	vst v9  }
0xd1: {  	v6 =	vmov s3;
	[tilespmem:s15+$0xFFFFFFE0] =	vst v7  }
0xd2: {  	v2 =	vld [tilespmem:s1+$0xFFFFFFF0];
	[tilespmem:s15+$0xFFFFFFF0] =	vst v8  }
0xd3: {  	v7 =	vld [tilespmem:s1+$0x30];
	[tilespmem:s15+$0x0] =	vst v3  }
0xd4: {  	v9 =	vld [tilespmem:s1+$0x10];
	[tilespmem:s15+$0x20] =	vst v4  }
0xd5: {  	v8 =	vld [tilespmem:s1+$0xFFFFFFC0];
	[tilespmem:s15+$0xFFFFFFD0] =	vst v5;
	s15 =	smov.u32 s1  }
0xd6: {  	v3 =	vld.idx.msk [tilespmem:v6+s14+$0x0], $0xffff  }
0xd7: {  	v11 =	vld [tilespmem:s1+$0xFFFFFFE0]  }
0xd8: {  	v4 =	vld [tilespmem:s1+$0x20]  }
.Ltmp2:
0xd9: {  	v5 =	vld [tilespmem:s1+$0xFFFFFFD0];
	(pc) =	sbr.rel @p0 .LBB2_7-.Ltmp2, $3  }
0xda: {  	v6 =	vld [tilespmem:s1+$0x0];
	_ =	sdelay $0x1  }
0xdb: {  	v8 =	vmul.f32 v8, v3;
	v10 =	vmul.f32 v7, v3  }
0xdc: {  	v9 =	vmul.f32 v9, v3;
	v7 =	vmul.f32 v11, v3  }
0xdd: {  	[tilespmem:s15+$0x30] =	vst v10  }
0xde: {  	[tilespmem:s15+$0xFFFFFFC0] =	vst v8  }
0xdf: {  	v2 =	vmul.f32 v2, v3;
	[tilespmem:s15+$0x10] =	vst v9  }
0xe0: {  	v4 =	vmul.f32 v4, v3;
	[tilespmem:s15+$0xFFFFFFE0] =	vst v7  }
0xe1: {  	v6 =	vmul.f32 v6, v3;
	[tilespmem:s15+$0xFFFFFFF0] =	vst v2  }
0xe2: {  	v2 =	vmul.f32 v5, v3;
	[tilespmem:s15+$0x20] =	vst v4  }
0xe3: {  	[tilespmem:s15+$0x0] =	vst v6  }
0xe4: {  	s0 =	simm.s32 $0x0;
	p0 =	sge.u32 s22, s25;
	[tilespmem:s15+$0xFFFFFFD0] =	vst v2  }
0xe5: {  	[spmem:s2] =	stream.indirect.scatter.add.f32 [tilespmem:s26], [sflag:$0x7], $0x80, s0, s30, $0xb8;
	[tilespmem:$0x1BF80] =	vst v63  }
0xe6: {  	s0 =	sadd.s32 @!p0 s10, s31  }
0xe7: {  	s0 =	sshll.u32 @!p0 s0, $0x6  }
0xe8: {  	s1 =	rddreg [dreg:$0x1];
	s0 =	sand.u32 @!p0 $0x1FFFFFC0, s0  }
0xe9: {  	s0 =	sadd.s32 @!p0 s1, s0  }
0xea: {  	s1 =	simm.s32 @!p0 $0x0;
	s0 =	sadd.s32 @!p0 $0x40, s0  }
0xeb: {  	[tilespmem:s1], [sflag:$0x9] =	stream.linear.gather @!p0 [hbm4b:s0+s1], $0x180, $0x38;
	[tilespmem:$0x1BF80] =	vst v63  }
0xec: {  	s0 =	simm.s32 @!p0 $0x9  }
0xed: {  	_ =	swait.ge @!p0 [sflag:s0], $0x180  }
0xee: {  	[sflag:s0] =	ssyncset.done @!p0 $0x0  }
0xef: {  	[sflag:s0] =	ssyncadd.s32 @!p0 $0xFFFFFE80;
	s0 =	simm.s32 @!p0 $0x7  }
0xf0: {  	_ =	swait.ge @!p0 [sflag:s0], $0x2800  }
0xf1: {  	[sflag:s0] =	ssyncset.done @!p0 $0x0  }
0xf2: {  	s3 =	simm.s32 @!p0 $0x400;
	[sflag:s0] =	ssyncadd.s32 @!p0 $0xFFFFD800;
	s0 =	simm.s32 @!p0 $0x50  }
0xf3: {  	[tilespmem:s3], [sflag:$0x1] =	stream.indirect.gather @!p0 [hbm4b:s6+s0], $0x1, s1, s0, $0xb8;
	[tilespmem:$0x1BF80] =	vst v63  }
0xf4: {  	s1 =	simm.s32 @!p0 $0x80;
	s3 =	simm.s32 @!p0 $0x500  }
0xf5: {  	[tilespmem:s3], [sflag:$0x3] =	stream.indirect.gather @!p0 [hbm4b:s7+s0], $0x1, s1, s0, $0xb8;
	[tilespmem:$0x1BF80] =	vst v63  }
0xf6: {  	s1 =	simm.s32 @!p0 $0x100;
	s3 =	simm.s32 @!p0 $0x700  }
0xf7: {  	[tilespmem:s3], [sflag:$0x5] =	stream.indirect.gather @!p0 [hbm4b:s5+s0], $0x80, s1, s0, $0xb8;
	[tilespmem:$0x1BF80] =	vst v63  }
0xf8: {  	_ =	swait.ge [sflag:s16], $0x50  }
0xf9: {  	[sflag:s16] =	ssyncset.done $0x0  }
0xfa: {  	[sflag:s16] =	ssyncadd.s32 $0xFFFFFFB0  }
0xfb: {  	_ =	swait.ge [sflag:s17], $0x50  }
0xfc: {  	[sflag:s17] =	ssyncset.done $0x0  }
0xfd: {  	[sflag:s17] =	ssyncadd.s32 $0xFFFFFFB0  }
0xfe: {  	v2 =	vld [tilespmem:$0x480]  }
0xff: {  	v3 =	vld [tilespmem:$0x580];
	_ =	sdelay $0x4  }
0x100: {  	v2 =	vadd.f32 v3, v2;
	_ =	sdelay $0x1  }
0x101: {  	v3 =	vmul.f32 $2.000000030e-01, v2  }
0x102: {  	vm0 =	vge.f32 v2, $0.0e+00  }
0x103: {  	v2 =	vsel vm0, v2, v3  }
0x104: {  	v2 =	vsub.f32 v2, v1;
	_ =	sdelay $0x1  }
0x105: {  	v2 =	vmul.f32 $1.442695020e+00, v2;
	_ =	sdelay $0x1  }
0x106: {  	(erf) = vpow2.f32 v2;
	_ =	sdelay $0x2  }
0x107: {  	v2 =	vld [tilespmem:$0x200];
	_ =	sdelay $0x5  }
0x108: {  	v3 =	vpop (erf)  }
0x109: {  	[tilespmem:$0x680] =	vst v3  }
0x10a: {  	[tilespmem:v2+s9+$0x0] =	vst.idx.add.f32.msk $0xffff, v3  }
0x10b: {  	v2 =	vld [tilespmem:$0x490]  }
0x10c: {  	v3 =	vld [tilespmem:$0x590];
	_ =	sdelay $0x4  }
0x10d: {  	v2 =	vadd.f32 v3, v2;
	_ =	sdelay $0x1  }
0x10e: {  	v3 =	vmul.f32 $2.000000030e-01, v2  }
0x10f: {  	vm12 =	vge.f32 v2, $0.0e+00  }
0x110: {  	v2 =	vsel vm12, v2, v3  }
0x111: {  	v2 =	vsub.f32 v2, v1;
	_ =	sdelay $0x1  }
0x112: {  	v2 =	vmul.f32 $1.442695020e+00, v2;
	_ =	sdelay $0x1  }
0x113: {  	(erf) = vpow2.f32 v2;
	_ =	sdelay $0x2  }
0x114: {  	v2 =	vld [tilespmem:$0x210];
	_ =	sdelay $0x5  }
0x115: {  	v3 =	vpop (erf)  }
0x116: {  	[tilespmem:$0x690] =	vst v3  }
0x117: {  	[tilespmem:v2+s9+$0x0] =	vst.idx.add.f32.msk $0xffff, v3  }
0x118: {  	v2 =	vld [tilespmem:$0x4A0]  }
0x119: {  	v3 =	vld [tilespmem:$0x5A0];
	_ =	sdelay $0x4  }
0x11a: {  	v2 =	vadd.f32 v3, v2;
	_ =	sdelay $0x1  }
0x11b: {  	v3 =	vmul.f32 $2.000000030e-01, v2  }
0x11c: {  	vm13 =	vge.f32 v2, $0.0e+00  }
0x11d: {  	v2 =	vsel vm13, v2, v3  }
0x11e: {  	v2 =	vsub.f32 v2, v1;
	_ =	sdelay $0x1  }
0x11f: {  	v2 =	vmul.f32 $1.442695020e+00, v2;
	_ =	sdelay $0x1  }
0x120: {  	(erf) = vpow2.f32 v2;
	_ =	sdelay $0x2  }
0x121: {  	v2 =	vld [tilespmem:$0x220];
	_ =	sdelay $0x5  }
0x122: {  	v3 =	vpop (erf)  }
0x123: {  	[tilespmem:$0x6A0] =	vst v3  }
0x124: {  	[tilespmem:v2+s9+$0x0] =	vst.idx.add.f32.msk $0xffff, v3  }
0x125: {  	v2 =	vld [tilespmem:$0x4B0]  }
0x126: {  	v3 =	vld [tilespmem:$0x5B0];
	_ =	sdelay $0x4  }
0x127: {  	v2 =	vadd.f32 v3, v2;
	_ =	sdelay $0x1  }
0x128: {  	v3 =	vmul.f32 $2.000000030e-01, v2  }
0x129: {  	vm14 =	vge.f32 v2, $0.0e+00  }
0x12a: {  	v2 =	vsel vm14, v2, v3  }
0x12b: {  	v2 =	vsub.f32 v2, v1;
	_ =	sdelay $0x1  }
0x12c: {  	v2 =	vmul.f32 $1.442695020e+00, v2;
	_ =	sdelay $0x1  }
0x12d: {  	(erf) = vpow2.f32 v2;
	_ =	sdelay $0x2  }
0x12e: {  	v2 =	vld [tilespmem:$0x230];
	_ =	sdelay $0x5  }
0x12f: {  	v3 =	vpop (erf)  }
0x130: {  	[tilespmem:$0x6B0] =	vst v3  }
0x131: {  	[tilespmem:v2+s9+$0x0] =	vst.idx.add.f32.msk $0xffff, v3  }
0x132: {  	v2 =	vld [tilespmem:$0x4C0]  }
0x133: {  	v3 =	vld [tilespmem:$0x5C0];
	_ =	sdelay $0x4  }
0x134: {  	v2 =	vadd.f32 v3, v2;
	_ =	sdelay $0x1  }
0x135: {  	v3 =	vmul.f32 $2.000000030e-01, v2  }
0x136: {  	vm15 =	vge.f32 v2, $0.0e+00  }
0x137: {  	v2 =	vsel vm15, v2, v3  }
0x138: {  	v2 =	vsub.f32 v2, v1;
	_ =	sdelay $0x1  }
0x139: {  	v2 =	vmul.f32 $1.442695020e+00, v2;
	_ =	sdelay $0x1  }
0x13a: {  	(erf) = vpow2.f32 v2;
	_ =	sdelay $0x2  }
0x13b: {  	v2 =	vld [tilespmem:$0x240];
	_ =	sdelay $0x5  }
0x13c: {  	v3 =	vpop (erf)  }
0x13d: {  	[tilespmem:$0x6C0] =	vst v3  }
0x13e: {  	[tilespmem:v2+s9+$0x0] =	vst.idx.add.f32.msk $0xffff, v3  }
0x13f: {  	s31 =	simm.s32 $0x0;
	_ =	swait.ge [sflag:s18], $0x2800  }
0x140: {  	v2 =	vmov s31;
	[sflag:s18] =	ssyncset.done $0x0  }
0x141: {  	s15 =	simm.s32 $0x2F40;
	[sflag:s18] =	ssyncadd.s32 $0xFFFFD800  }
0x142: {  	v6 =	vld [tilespmem:s15+$0x30]  }
0x143: {  	v9 =	vld [tilespmem:s15+$0x10]  }
0x144: {  	v7 =	vld [tilespmem:s15+$0xFFFFFFC0]  }
0x145: {  	v3 =	vld.idx.msk [tilespmem:v2+s19+$0x0], $0xffff  }
0x146: {  	v11 =	vld [tilespmem:s15+$0xFFFFFFE0]  }
0x147: {  	v4 =	vld [tilespmem:s15+$0x20]  }
0x148: {  	v5 =	vld [tilespmem:s15+$0xFFFFFFD0]  }
0x149: {  	v2 =	vld [tilespmem:s15+$0xFFFFFFF0]  }
0x14a: {  	v10 =	vmul.f32 v6, v3;
	v6 =	vld [tilespmem:s15+$0x0]  }
0x14b: {  	v8 =	vmul.f32 v7, v3  }
0x14c: {  	s0 =	simm.s32 $0x1;
	s1 =	simm.s32 $0x2F40;
	v7 =	vmul.f32 v11, v3;
	v9 =	vmul.f32 v9, v3  }
.LBB2_9:
0x14d: {  	p0 =	sne.s32 s0, $0x4F  }
0x14e: {  	v5 =	vmul.f32 v5, v3;
	v4 =	vmul.f32 v4, v3;
	[tilespmem:s15+$0x30] =	vst v10;
	s1 =	sadd.s32 $0x80, s1;
	s3 =	smov.u32 s0;
	s0 =	sadd.s32 $0x1, s0  }
0x14f: {  	[tilespmem:s15+$0xFFFFFFC0] =	vst v8;
	v8 =	vmul.f32 v2, v3;
	v3 =	vmul.f32 v6, v3  }
0x150: {  	[tilespmem:s15+$0x10] =	vst v9  }
0x151: {  	v6 =	vmov s3;
	[tilespmem:s15+$0xFFFFFFE0] =	vst v7  }
0x152: {  	v2 =	vld [tilespmem:s1+$0xFFFFFFF0];
	[tilespmem:s15+$0xFFFFFFF0] =	vst v8  }
0x153: {  	v7 =	vld [tilespmem:s1+$0x30];
	[tilespmem:s15+$0x0] =	vst v3  }
0x154: {  	v9 =	vld [tilespmem:s1+$0x10];
	[tilespmem:s15+$0x20] =	vst v4  }
0x155: {  	v8 =	vld [tilespmem:s1+$0xFFFFFFC0];
	[tilespmem:s15+$0xFFFFFFD0] =	vst v5;
	s15 =	smov.u32 s1  }
0x156: {  	v3 =	vld.idx.msk [tilespmem:v6+s19+$0x0], $0xffff  }
0x157: {  	v11 =	vld [tilespmem:s1+$0xFFFFFFE0]  }
0x158: {  	v4 =	vld [tilespmem:s1+$0x20]  }
.Ltmp3:
0x159: {  	v5 =	vld [tilespmem:s1+$0xFFFFFFD0];
	(pc) =	sbr.rel @p0 .LBB2_9-.Ltmp3, $3  }
0x15a: {  	v6 =	vld [tilespmem:s1+$0x0];
	_ =	sdelay $0x1  }
0x15b: {  	v8 =	vmul.f32 v8, v3;
	v10 =	vmul.f32 v7, v3  }
0x15c: {  	v9 =	vmul.f32 v9, v3;
	v7 =	vmul.f32 v11, v3  }
0x15d: {  	[tilespmem:s15+$0x30] =	vst v10  }
0x15e: {  	[tilespmem:s15+$0xFFFFFFC0] =	vst v8  }
0x15f: {  	v2 =	vmul.f32 v2, v3;
	s24 =	sadd.s32 $0x1, s24;
	[tilespmem:s15+$0x10] =	vst v9  }
0x160: {  	v4 =	vmul.f32 v4, v3;
	[tilespmem:s15+$0xFFFFFFE0] =	vst v7;
	p0 =	sne.s32 s24, s12  }
.Ltmp4:
0x161: {  	v6 =	vmul.f32 v6, v3;
	[tilespmem:s15+$0xFFFFFFF0] =	vst v2;
	(pc) =	sbr.rel @p0 .LBB2_6-.Ltmp4, $4  }
0x162: {  	v2 =	vmul.f32 v5, v3;
	[tilespmem:s15+$0x20] =	vst v4  }
0x163: {  	[tilespmem:s15+$0x0] =	vst v6  }
0x164: {  	[tilespmem:s15+$0xFFFFFFD0] =	vst v2  }
0x165: {  	[spmem:s2] =	stream.indirect.scatter.add.f32 [tilespmem:s21], [sflag:$0x8], $0x80, s20, s30, $0xb8;
	[tilespmem:$0x1BF80] =	vst v63  }
0x166: {  	s0 =	simm.s32 $0x7  }
0x167: {  	_ =	swait.ge [sflag:s0], $0x2800  }
0x168: {  	[sflag:s0] =	ssyncset.done $0x0  }
0x169: {  	s24 =	simm.s32 $0x8;
	[sflag:s0] =	ssyncadd.s32 $0xFFFFD800  }
0x16a: {  	_ =	swait.ge [sflag:s24], $0x2800  }
0x16b: {  	[sflag:s24] =	ssyncset.done $0x0  }
0x16c: {  	[sflag:s24] =	ssyncadd.s32 $0xFFFFD800  }
0x16d: {  	s31 =	stileid.u32;
	[bflag:$0x0] =	sbarrier.arrive $0xFFFF  }
0x16e: {  	s0 =	sshll.u32 s31, $0x6;
	s15 =	rddreg [dreg:$0x8]  }
0x16f: {  	s0 =	sor.u32 $0x1C09, s0;
	s3 =	rddreg [dreg:$0x7];
	s1 =	sshrl.u32 s15, $0x3  }
0x170: {  	[hbm:s3], [sflag:s0] =	dma.local [spmem:s1], $0x2800  }
0x171: {  	_ =	swait.ge [sflag:s28], $0x2800  }
0x172: {  	s22 =	simm.s32 $0x80;
	[sflag:s28] =	ssyncset.done $0x0  }
0x173: {  	s3 =	simm.s32 $0x400;
	s1 =	rddreg [dreg:$0x9];
	[sflag:s28] =	ssyncadd.s32 $0xFFFFD800  }
0x174: {  	[hbm4b:s1+s22] =	stream.strided.scatter [tilespmem:s9], [sflag:$0x9], $0x2800, s3, s22, $0x38;
	[tilespmem:$0x1BF80] =	vst v63  }
0x175: {  	_ =	swait.ge [sflag:s28], $0x2800  }
0x176: {  	s24 =	rddreg [dreg:$0x12]  }
0x177: {  	s31 =	rddreg [dreg:$0xa];
	s1 =	sadd.s32 $0x1, s24  }
0x178: {  	p0 =	sne.s32 s1, s31  }
.Ltmp5:
0x179: {  	_ = 	snop;
	(pc) =	sbr.rel @p0 .LBB2_1-.Ltmp5, $3  }
0x17a: {  	_ =	sdelay $0x1  }
0x17b: {  	[sflag:s28] =	ssyncset.done $0x0  }
0x17c: {  	[sflag:s28] =	ssyncadd.s32 $0xFFFFD800  }
0x17d: {  	_ =	sfence.sel $0x180000  }
0x17e: {  	[bflag:$0x0] =	sbarrier.arrive $0xFFFF  }
0x17f: {  	_ =	strace $0x9000004A  }
0x180: {  	s0 =	stileid.u32;
	[bflag:$0x2] =	sbarrier.arrive $0xFFFF  }
0x181: {  	p0 =	sne.s32 s0, $0x0;
	s0 =	rddreg [dreg:$0x4]  }
0x182: {  	s0 =	sadd.s32 @!p0 $0x100000, s0  }
0x183: {  	[sflag:s0] =	ssyncadd.tile.s32 @!p0 $0x1;
	_ =	shalt  }
.Lfunc_end2:
_tile_overlayer_lowered:
.L_overlay_start_2:
0x184: {  	(tag) =	ssettag $0x2  }
0x185: {  	s0 =	rddreg [dreg:$0x0];
	s2 =	stileid.u32  }
0x186: {  	s1 =	rddreg [dreg:$0x1];
	p0 =	sne.s32 s2, $0x0  }
0x187: {  	s3 =	rddreg [dreg:$0x2];
	[bflag:$0x3] =	sbarrier.arrive $0xFFFF;
	s2 =	simm.s32 @!p0 $0x1C09  }
0x188: {  	[timem:s3], [sflag:s2] =	dma.local @!p0 [hbm:s0], s1  }
0x189: {  	s0 =	simm.s32 @!p0 $0x9  }
0x18a: {  	_ =	swait.ge @!p0 [sflag:s0], s1  }
0x18b: {  	s1 =	ssub.s32 @!p0 $0x0, s1;
	[sflag:s0] =	ssyncset.done @!p0 $0x0  }
0x18c: {  	[sflag:s0] =	ssyncadd.s32 @!p0 s1  }
0x18d: {  	[bflag:$0x3] =	sbarrier.arrive $0xFFFF  }
0x18e: {  	_ =	shalt  }

</sc_bundles>
